<compile_context>
chip_gen: v7x
topology: tpu7x:2x2x1
jax: 0.10.2.dev20260603
libtpu: 0.0.44.dev20260713+nightly
codegen_flags: <defaults>
</compile_context>

<pallas_src>
import functools

import jax
import jax.numpy as jnp
from jax import lax
from jax.experimental import pallas as pl
from jax.experimental.pallas import tpu as pltpu
from jax.experimental.pallas import tpu_sc as plsc

N = 10000
E = 320000
F = 128
CH = 128
NC = 2
NS = 16
NW = NC * NS
CPW = 80
SLAB = 40
EPAD = NW * CPW * CH - E
ROWS_PER_TILE = 632
NACC = NS * ROWS_PER_TILE
NPAD = NACC - N
CNTW = 128

_ZERO_SPANS = ((0, 128), (128, 128), (256, 128), (384, 128), (512, 120))


def _sc_agg_body(with_cnt, h_hbm, src_hbm, dst_hbm, *refs):
    if with_cnt:
        (sum_hbm, cnt_hbm, src_v, dst_v, rows_a, rows_b,
         sga, sgb, ssa, ssb, acc_sh) = refs
    else:
        (sum_hbm, src_v, dst_v, rows_a, rows_b,
         sga, sgb, ssa, ssb, acc_sh) = refs
        cnt_hbm = None

    c = lax.axis_index("c")
    s = lax.axis_index("s")
    wid = c * NS + s

    zv = jnp.zeros((16,), jnp.float32)

    def zero_row(r, _):
        for j in range(F // 16):
            rows_a[r, pl.ds(j * 16, 16)] = zv
        return 0

    lax.fori_loop(0, CH, zero_row, 0)

    if with_cnt:
        ov = jnp.ones((16,), jnp.float32)

        def ones_row(r, _):
            for j in range(F // 16):
                rows_b[r, pl.ds(j * 16, 16)] = ov
            return 0

        lax.fori_loop(0, CH, ones_row, 0)

    base_row = s * ROWS_PER_TILE

    def zero_acc():
        for off, nrows in _ZERO_SPANS:
            pltpu.sync_copy(rows_a.at[pl.ds(0, nrows)],
                            acc_sh.at[pl.ds(base_row + off, nrows)])

    zero_acc()
    plsc.subcore_barrier()

    if with_cnt:
        for slab in range(CPW // SLAB):
            pltpu.sync_copy(dst_hbm.at[wid, pl.ds(slab * SLAB, SLAB)], dst_v)

            def cnt_start(k, _):
                pltpu.async_copy(rows_b, acc_sh.at[dst_v.at[k]], ssa, add=True)
                return 0

            lax.fori_loop(0, SLAB, cnt_start, 0)

            def cnt_drain(k, _):
                pltpu.make_async_copy(rows_b, acc_sh.at[dst_v.at[k]], ssa).wait()
                return 0

            lax.fori_loop(0, SLAB, cnt_drain, 0)

        plsc.subcore_barrier()
        pltpu.sync_copy(acc_sh.at[pl.ds(base_row, ROWS_PER_TILE)],
                        cnt_hbm.at[c, pl.ds(base_row, ROWS_PER_TILE)])
        zero_acc()
        plsc.subcore_barrier()

    def g_start(k, buf, sem):
        pltpu.async_copy(h_hbm.at[src_v.at[k]], buf, sem)

    def g_wait(k, buf, sem):
        pltpu.make_async_copy(h_hbm.at[src_v.at[k]], buf, sem).wait()

    def s_start(k, buf, sem):
        pltpu.async_copy(buf, acc_sh.at[dst_v.at[k]], sem, add=True)

    def s_wait(k, buf, sem):
        pltpu.make_async_copy(buf, acc_sh.at[dst_v.at[k]], sem).wait()

    for slab in range(CPW // SLAB):
        base = slab * SLAB
        pltpu.sync_copy(src_hbm.at[wid, pl.ds(base, SLAB)], src_v)
        pltpu.sync_copy(dst_hbm.at[wid, pl.ds(base, SLAB)], dst_v)

        g_start(0, rows_a, sga)
        g_wait(0, rows_a, sga)
        s_start(0, rows_a, ssa)
        g_start(1, rows_b, sgb)
        g_wait(1, rows_b, sgb)
        s_start(1, rows_b, ssb)
        s_wait(0, rows_a, ssa)
        g_start(2, rows_a, sga)

        def pair_body(i, _):
            k0 = 2 * i
            g_wait(k0, rows_a, sga)
            s_start(k0, rows_a, ssa)
            s_wait(k0 - 1, rows_b, ssb)
            g_start(k0 + 1, rows_b, sgb)
            g_wait(k0 + 1, rows_b, sgb)
            s_start(k0 + 1, rows_b, ssb)
            s_wait(k0, rows_a, ssa)
            g_start(k0 + 2, rows_a, sga)
            return 0

        lax.fori_loop(1, SLAB // 2 - 1, pair_body, 0)

        g_wait(SLAB - 2, rows_a, sga)
        s_start(SLAB - 2, rows_a, ssa)
        s_wait(SLAB - 3, rows_b, ssb)
        g_start(SLAB - 1, rows_b, sgb)
        g_wait(SLAB - 1, rows_b, sgb)
        s_start(SLAB - 1, rows_b, ssb)
        s_wait(SLAB - 2, rows_a, ssa)
        s_wait(SLAB - 1, rows_b, ssb)

    plsc.subcore_barrier()

    pltpu.sync_copy(acc_sh.at[pl.ds(base_row, ROWS_PER_TILE)],
                    sum_hbm.at[c, pl.ds(base_row, ROWS_PER_TILE)])


def _sc_mesh():
    return plsc.VectorSubcoreMesh(core_axis_name="c", subcore_axis_name="s",
                                  num_cores=NC, num_subcores=NS)


@functools.cache
def _make_sc_agg(with_cnt):
    out_type = [jax.ShapeDtypeStruct((NC, NACC, F), jnp.float32)]
    if with_cnt:
        out_type = out_type + [jax.ShapeDtypeStruct((NC, NACC, CNTW), jnp.float32)]
    return pl.kernel(
        functools.partial(_sc_agg_body, with_cnt),
        out_type=out_type,
        mesh=_sc_mesh(),
        scratch_types=[
            pltpu.VMEM((SLAB, CH), jnp.int32),
            pltpu.VMEM((SLAB, CH), jnp.int32),
            pltpu.VMEM((CH, F), jnp.float32),
            pltpu.VMEM((CH, F), jnp.float32),
            pltpu.SemaphoreType.DMA,
            pltpu.SemaphoreType.DMA,
            pltpu.SemaphoreType.DMA,
            pltpu.SemaphoreType.DMA,
            pltpu.VMEM_SHARED((NACC, F), jnp.float32),
        ],
    )


def _dense_body(sum_ref, cnt_ref, h_ref, wl_ref, wr_ref, b_ref, out_ref):
    agg = sum_ref[0] + sum_ref[1]
    cnt = cnt_ref[0, :, 0:1] + cnt_ref[1, :, 0:1]
    mean = agg * (1.0 / jnp.maximum(cnt, 1.0))
    acc = jnp.dot(mean, wl_ref[...], preferred_element_type=jnp.float32)
    acc = acc + jnp.dot(h_ref[...], wr_ref[...], preferred_element_type=jnp.float32)
    out_ref[...] = jnp.maximum(acc + b_ref[...], 0.0)


def _final_body(sum_ref, cnt_ref, h2_ref, wl_ref, wr_ref, b_ref,
                h1_ref, p1_ref, p2_ref, p3_ref, bp_ref, out_ref):
    agg = sum_ref[0] + sum_ref[1]
    cnt = cnt_ref[0, :, 0:1] + cnt_ref[1, :, 0:1]
    mean = agg * (1.0 / jnp.maximum(cnt, 1.0))
    acc = jnp.dot(mean, wl_ref[...], preferred_element_type=jnp.float32)
    acc = acc + jnp.dot(h2_ref[...], wr_ref[...], preferred_element_type=jnp.float32)
    h3 = jnp.maximum(acc + b_ref[...], 0.0)
    out = jnp.dot(h1_ref[...], p1_ref[...], preferred_element_type=jnp.float32)
    out = out + jnp.dot(h2_ref[...], p2_ref[...], preferred_element_type=jnp.float32)
    out = out + jnp.dot(h3, p3_ref[...], preferred_element_type=jnp.float32)
    out_ref[...] = out + bp_ref[...]


_BLK = ROWS_PER_TILE
_GRID = NACC // _BLK

_row_spec = pl.BlockSpec((_BLK, F), lambda i: (i, 0))
_sum_spec = pl.BlockSpec((NC, _BLK, F), lambda i: (0, i, 0))
_cnt_spec = pl.BlockSpec((NC, _BLK, CNTW), lambda i: (0, i, 0))
_w_spec = pl.BlockSpec((F, F), lambda i: (0, 0))
_b_spec = pl.BlockSpec((1, F), lambda i: (0, 0))


def _dense(sum2, cnt2, h, wlT, wrT, b):
    return pl.pallas_call(
        _dense_body,
        grid=(_GRID,),
        in_specs=[_sum_spec, _cnt_spec, _row_spec, _w_spec, _w_spec, _b_spec],
        out_specs=_row_spec,
        out_shape=jax.ShapeDtypeStruct((NACC, F), jnp.float32),
    )(sum2, cnt2, h, wlT, wrT, b)


def _final(sum2, cnt2, h2, wlT, wrT, b, h1, p1, p2, p3, bp):
    return pl.pallas_call(
        _final_body,
        grid=(_GRID,),
        in_specs=[_sum_spec, _cnt_spec, _row_spec, _w_spec, _w_spec, _b_spec,
                  _row_spec, _w_spec, _w_spec, _w_spec, _b_spec],
        out_specs=_row_spec,
        out_shape=jax.ShapeDtypeStruct((NACC, F), jnp.float32),
    )(sum2, cnt2, h2, wlT, wrT, b, h1, p1, p2, p3, bp)


def kernel(x, edge_index, Wl0, Wr0, b0, Wl1, Wr1, b1, Wl2, Wr2, b2, Wp, bp):
    sc_agg_first = _make_sc_agg(True)
    sc_agg = _make_sc_agg(False)

    pad_ids = jnp.arange(EPAD, dtype=jnp.int32)
    src_p = jnp.concatenate(
        [edge_index[0], pad_ids % N]).reshape(NW, CPW, CH)
    dst_p = jnp.concatenate(
        [edge_index[1], N + pad_ids % NPAD]).reshape(NW, CPW, CH)
    xp = jnp.pad(x, ((0, NACC - N), (0, 0)))

    sum0, cnt = sc_agg_first(xp, src_p, dst_p)
    h1 = _dense(sum0, cnt, xp, Wl0.T, Wr0.T, b0.reshape(1, F))
    sum1, = sc_agg(h1, src_p, dst_p)
    h2 = _dense(sum1, cnt, h1, Wl1.T, Wr1.T, b1.reshape(1, F))
    sum2, = sc_agg(h2, src_p, dst_p)
    out = _final(sum2, cnt, h2, Wl2.T, Wr2.T, b2.reshape(1, F),
                 h1, Wp[:, :F].T, Wp[:, F:2 * F].T, Wp[:, 2 * F:].T,
                 bp.reshape(1, F))
    return out[:N]

# --- scband reference (transcript-rebuilt; emitter-appended) ---
"""Pipeline reference for scband-gnn-29592324669620 (READ-ONLY COPY).

The authoritative reference and input builder live on the scoring server;
editing this copy changes nothing except your own understanding.
"""

import jax, jax.numpy as jnp
import numpy as np

N = 10000
E = 320000
D = 128
H = 128
L = 3


def setup_inputs(seed: int = 0) -> dict:
    key = jax.random.key(seed)
    ks = jax.random.split(key, 16)
    inp = {}
    inp["x"] = jax.random.normal(ks[0], (N, D), dtype=jnp.float32)
    inp["edge_index"] = jax.random.randint(ks[1], (2, E), 0, N, dtype=jnp.int32)
    # SAGEConv params: Wl (neighbor/aggregated), Wr (root/self), bias
    for i in range(L):
        in_dim = D if i == 0 else H
        s = 1.0 / np.sqrt(in_dim)
        inp[f"Wl{i}"] = jax.random.uniform(ks[2 + 3 * i], (H, in_dim), dtype=jnp.float32, minval=-s, maxval=s)
        inp[f"Wr{i}"] = jax.random.uniform(ks[3 + 3 * i], (H, in_dim), dtype=jnp.float32, minval=-s, maxval=s)
        inp[f"b{i}"] = jax.random.uniform(ks[4 + 3 * i], (H,), dtype=jnp.float32, minval=-s, maxval=s)
    sp = 1.0 / np.sqrt(H * L)
    inp["Wp"] = jax.random.uniform(ks[11], (H, H * L), dtype=jnp.float32, minval=-sp, maxval=sp)
    inp["bp"] = jax.random.uniform(ks[12], (H,), dtype=jnp.float32, minval=-sp, maxval=sp)
    return inp


def _sage_conv(x, src, dst, Wl, Wr, b):
    # PyG SAGEConv with mean aggregation:
    # out_i = Wl @ mean_{j in N(i)} x_j + Wr @ x_i + b
    msg = jnp.take(x, src, axis=0)
    agg = jax.ops.segment_sum(msg, dst, num_segments=N)
    cnt = jax.ops.segment_sum(jnp.ones((msg.shape[0],), dtype=x.dtype), dst, num_segments=N)
    mean = agg / jnp.clip(cnt, 1.0, None)[:, None]
    return mean @ Wl.T + x @ Wr.T + b


def reference(x, edge_index, Wl0, Wr0, b0, Wl1, Wr1, b1, Wl2, Wr2, b2, Wp, bp):
    src = edge_index[0]
    dst = edge_index[1]
    Wls = [Wl0, Wl1, Wl2]
    Wrs = [Wr0, Wr1, Wr2]
    bs = [b0, b1, b2]
    h = x
    layer_outputs = []
    for i in range(L):
        h = _sage_conv(h, src, dst, Wls[i], Wrs[i], bs[i])
        h = jax.nn.relu(h)
        # dropout p=0.0 -> identity
        layer_outputs.append(h)
    # JumpingKnowledge mode='cat'
    jk = jnp.concatenate(layer_outputs, axis=-1)
    out = jk @ Wp.T + bp
    return out

if __name__ == "__main__":
    import jax
    _d = setup_inputs()
    print(jax.jit(kernel)(*tuple(_d.values())))

</pallas_src>

<mosaic_0001>
#map = affine_map<(d0, d1) -> (0, 0)>
#map1 = affine_map<(d0, d1) -> (0, 0, 0)>
module attributes {stable_mosaic.version = 14 : i64} {
  func.func @_sc_agg_body(%arg0: i32, %arg1: i32, %arg2: memref<10112x128xf32, #tpu.memory_space<hbm>>, %arg3: memref<32x80x128xi32, #tpu.memory_space<hbm>>, %arg4: memref<32x80x128xi32, #tpu.memory_space<hbm>>, %arg5: memref<2x10112x128xf32, #tpu.memory_space<hbm>>, %arg6: memref<2x10112x128xf32, #tpu.memory_space<hbm>>, %arg7: memref<40x128xi32, #tpu.memory_space<vmem>>, %arg8: memref<40x128xi32, #tpu.memory_space<vmem>>, %arg9: memref<128x128xf32, #tpu.memory_space<vmem>>, %arg10: memref<128x128xf32, #tpu.memory_space<vmem>>, %arg11: memref<!tpu.dma_semaphore, #tpu.memory_space<semaphore_mem>>, %arg12: memref<!tpu.dma_semaphore, #tpu.memory_space<semaphore_mem>>, %arg13: memref<!tpu.dma_semaphore, #tpu.memory_space<semaphore_mem>>, %arg14: memref<!tpu.dma_semaphore, #tpu.memory_space<semaphore_mem>>, %arg15: memref<10112x128xf32, #tpu.memory_space<vmem_shared>>) attributes {dimension_semantics = [#tpu.dimension_semantics<core_parallel>, #tpu.dimension_semantics<subcore_parallel>], iteration_bounds = array<i64: 2, 16>, scalar_prefetch = 0 : i64, scratch_operands = 9 : i64, tpu.core_type = #tpu.core_type<sc_vector_subcore>, window_params = [{transform_indices = #map}, {transform_indices = #map1}, {transform_indices = #map1}, {transform_indices = #map1}, {transform_indices = #map1}]} {
    %mul3A = arith.constant 16 : i32
    %mul3A_0 = arith.muli %arg0, %mul3A : i32
    %add3A = arith.addi %mul3A_0, %arg1 : i32
    %broadcast_in_dim3A = arith.constant 0.000000e+00 : f32
    %broadcast_in_dim3A_1 = vector.broadcast %broadcast_in_dim3A : f32 to vector<16xf32>
    %scan3A = arith.constant 0 : i32
    %scan3A_2 = arith.constant 0 : i32
    %scan3A_3 = arith.constant 128 : i32
    %scan3A_4 = arith.addi %scan3A_2, %scan3A_3 : i32
    %scan3A_5 = arith.constant 1 : i32
    %scan3A_6 = scf.for %scan3A_306 = %scan3A_2 to %scan3A_4 step %scan3A_5 iter_args(%scan3A_307 = %scan3A) -> (i32)  : i32 {
      %swap3A = arith.index_cast %scan3A_306 : i32 to index
      %swap3A_308 = arith.constant 0 : index
      %swap3A_309 = tpu.vector_load %arg9[%swap3A, %swap3A_308] {strides = array<i32>} : memref<128x128xf32, #tpu.memory_space<vmem>>, vector<1x16xf32>,
      %swap3A_310 = vector.shape_cast %swap3A_309 : vector<1x16xf32> to vector<16xf32>
      %swap3A_311 = vector.shape_cast %broadcast_in_dim3A_1 : vector<16xf32> to vector<1x16xf32>
      tpu.vector_store %arg9[%swap3A, %swap3A_308], %swap3A_311 {strides = array<i32>} : memref<128x128xf32, #tpu.memory_space<vmem>>, vector<1x16xf32>,
      %swap3A_312 = arith.index_cast %scan3A_306 : i32 to index
      %swap3A_313 = arith.constant 16 : index
      %swap3A_314 = tpu.vector_load %arg9[%swap3A_312, %swap3A_313] {strides = array<i32>} : memref<128x128xf32, #tpu.memory_space<vmem>>, vector<1x16xf32>,
      %swap3A_315 = vector.shape_cast %swap3A_314 : vector<1x16xf32> to vector<16xf32>
      %swap3A_316 = vector.shape_cast %broadcast_in_dim3A_1 : vector<16xf32> to vector<1x16xf32>
      tpu.vector_store %arg9[%swap3A_312, %swap3A_313], %swap3A_316 {strides = array<i32>} : memref<128x128xf32, #tpu.memory_space<vmem>>, vector<1x16xf32>,
      %swap3A_317 = arith.index_cast %scan3A_306 : i32 to index
      %swap3A_318 = arith.constant 32 : index
      %swap3A_319 = tpu.vector_load %arg9[%swap3A_317, %swap3A_318] {strides = array<i32>} : memref<128x128xf32, #tpu.memory_space<vmem>>, vector<1x16xf32>,
      %swap3A_320 = vector.shape_cast %swap3A_319 : vector<1x16xf32> to vector<16xf32>
      %swap3A_321 = vector.shape_cast %broadcast_in_dim3A_1 : vector<16xf32> to vector<1x16xf32>
      tpu.vector_store %arg9[%swap3A_317, %swap3A_318], %swap3A_321 {strides = array<i32>} : memref<128x128xf32, #tpu.memory_space<vmem>>, vector<1x16xf32>,
      %swap3A_322 = arith.index_cast %scan3A_306 : i32 to index
      %swap3A_323 = arith.constant 48 : index
      %swap3A_324 = tpu.vector_load %arg9[%swap3A_322, %swap3A_323] {strides = array<i32>} : memref<128x128xf32, #tpu.memory_space<vmem>>, vector<1x16xf32>,
      %swap3A_325 = vector.shape_cast %swap3A_324 : vector<1x16xf32> to vector<16xf32>
      %swap3A_326 = vector.shape_cast %broadcast_in_dim3A_1 : vector<16xf32> to vector<1x16xf32>
      tpu.vector_store %arg9[%swap3A_322, %swap3A_323], %swap3A_326 {strides = array<i32>} : memref<128x128xf32, #tpu.memory_space<vmem>>, vector<1x16xf32>,
      %swap3A_327 = arith.index_cast %scan3A_306 : i32 to index
      %swap3A_328 = arith.constant 64 : index
      %swap3A_329 = tpu.vector_load %arg9[%swap3A_327, %swap3A_328] {strides = array<i32>} : memref<128x128xf32, #tpu.memory_space<vmem>>, vector<1x16xf32>,
      %swap3A_330 = vector.shape_cast %swap3A_329 : vector<1x16xf32> to vector<16xf32>
      %swap3A_331 = vector.shape_cast %broadcast_in_dim3A_1 : vector<16xf32> to vector<1x16xf32>
      tpu.vector_store %arg9[%swap3A_327, %swap3A_328], %swap3A_331 {strides = array<i32>} : memref<128x128xf32, #tpu.memory_space<vmem>>, vector<1x16xf32>,
      %swap3A_332 = arith.index_cast %scan3A_306 : i32 to index
      %swap3A_333 = arith.constant 80 : index
      %swap3A_334 = tpu.vector_load %arg9[%swap3A_332, %swap3A_333] {strides = array<i32>} : memref<128x128xf32, #tpu.memory_space<vmem>>, vector<1x16xf32>,
      %swap3A_335 = vector.shape_cast %swap3A_334 : vector<1x16xf32> to vector<16xf32>
      %swap3A_336 = vector.shape_cast %broadcast_in_dim3A_1 : vector<16xf32> to vector<1x16xf32>
      tpu.vector_store %arg9[%swap3A_332, %swap3A_333], %swap3A_336 {strides = array<i32>} : memref<128x128xf32, #tpu.memory_space<vmem>>, vector<1x16xf32>,
      %swap3A_337 = arith.index_cast %scan3A_306 : i32 to index
      %swap3A_338 = arith.constant 96 : index
      %swap3A_339 = tpu.vector_load %arg9[%swap3A_337, %swap3A_338] {strides = array<i32>} : memref<128x128xf32, #tpu.memory_space<vmem>>, vector<1x16xf32>,
      %swap3A_340 = vector.shape_cast %swap3A_339 : vector<1x16xf32> to vector<16xf32>
      %swap3A_341 = vector.shape_cast %broadcast_in_dim3A_1 : vector<16xf32> to vector<1x16xf32>
      tpu.vector_store %arg9[%swap3A_337, %swap3A_338], %swap3A_341 {strides = array<i32>} : memref<128x128xf32, #tpu.memory_space<vmem>>, vector<1x16xf32>,
      %swap3A_342 = arith.index_cast %scan3A_306 : i32 to index
      %swap3A_343 = arith.constant 112 : index
      %swap3A_344 = tpu.vector_load %arg9[%swap3A_342, %swap3A_343] {strides = array<i32>} : memref<128x128xf32, #tpu.memory_space<vmem>>, vector<1x16xf32>,
      %swap3A_345 = vector.shape_cast %swap3A_344 : vector<1x16xf32> to vector<16xf32>
      %swap3A_346 = vector.shape_cast %broadcast_in_dim3A_1 : vector<16xf32> to vector<1x16xf32>
      tpu.vector_store %arg9[%swap3A_342, %swap3A_343], %swap3A_346 {strides = array<i32>} : memref<128x128xf32, #tpu.memory_space<vmem>>, vector<1x16xf32>,
      %scan3A_347 = arith.constant 0 : i32
      scf.yield %scan3A_347 : i32
    }
    %scan3A_7 = arith.constant 128 : i32
    %broadcast_in_dim3A_8 = arith.constant 1.000000e+00 : f32
    %broadcast_in_dim3A_9 = vector.broadcast %broadcast_in_dim3A_8 : f32 to vector<16xf32>
    %scan3A_10 = arith.constant 0 : i32
    %scan3A_11 = arith.constant 0 : i32
    %scan3A_12 = arith.constant 128 : i32
    %scan3A_13 = arith.addi %scan3A_11, %scan3A_12 : i32
    %scan3A_14 = arith.constant 1 : i32
    %scan3A_15 = scf.for %scan3A_306 = %scan3A_11 to %scan3A_13 step %scan3A_14 iter_args(%scan3A_307 = %scan3A_10) -> (i32)  : i32 {
      %swap3A = arith.index_cast %scan3A_306 : i32 to index
      %swap3A_308 = arith.constant 0 : index
      %swap3A_309 = tpu.vector_load %arg10[%swap3A, %swap3A_308] {strides = array<i32>} : memref<128x128xf32, #tpu.memory_space<vmem>>, vector<1x16xf32>,
      %swap3A_310 = vector.shape_cast %swap3A_309 : vector<1x16xf32> to vector<16xf32>
      %swap3A_311 = vector.shape_cast %broadcast_in_dim3A_9 : vector<16xf32> to vector<1x16xf32>
      tpu.vector_store %arg10[%swap3A, %swap3A_308], %swap3A_311 {strides = array<i32>} : memref<128x128xf32, #tpu.memory_space<vmem>>, vector<1x16xf32>,
      %swap3A_312 = arith.index_cast %scan3A_306 : i32 to index
      %swap3A_313 = arith.constant 16 : index
      %swap3A_314 = tpu.vector_load %arg10[%swap3A_312, %swap3A_313] {strides = array<i32>} : memref<128x128xf32, #tpu.memory_space<vmem>>, vector<1x16xf32>,
      %swap3A_315 = vector.shape_cast %swap3A_314 : vector<1x16xf32> to vector<16xf32>
      %swap3A_316 = vector.shape_cast %broadcast_in_dim3A_9 : vector<16xf32> to vector<1x16xf32>
      tpu.vector_store %arg10[%swap3A_312, %swap3A_313], %swap3A_316 {strides = array<i32>} : memref<128x128xf32, #tpu.memory_space<vmem>>, vector<1x16xf32>,
      %swap3A_317 = arith.index_cast %scan3A_306 : i32 to index
      %swap3A_318 = arith.constant 32 : index
      %swap3A_319 = tpu.vector_load %arg10[%swap3A_317, %swap3A_318] {strides = array<i32>} : memref<128x128xf32, #tpu.memory_space<vmem>>, vector<1x16xf32>,
      %swap3A_320 = vector.shape_cast %swap3A_319 : vector<1x16xf32> to vector<16xf32>
      %swap3A_321 = vector.shape_cast %broadcast_in_dim3A_9 : vector<16xf32> to vector<1x16xf32>
      tpu.vector_store %arg10[%swap3A_317, %swap3A_318], %swap3A_321 {strides = array<i32>} : memref<128x128xf32, #tpu.memory_space<vmem>>, vector<1x16xf32>,
      %swap3A_322 = arith.index_cast %scan3A_306 : i32 to index
      %swap3A_323 = arith.constant 48 : index
      %swap3A_324 = tpu.vector_load %arg10[%swap3A_322, %swap3A_323] {strides = array<i32>} : memref<128x128xf32, #tpu.memory_space<vmem>>, vector<1x16xf32>,
      %swap3A_325 = vector.shape_cast %swap3A_324 : vector<1x16xf32> to vector<16xf32>
      %swap3A_326 = vector.shape_cast %broadcast_in_dim3A_9 : vector<16xf32> to vector<1x16xf32>
      tpu.vector_store %arg10[%swap3A_322, %swap3A_323], %swap3A_326 {strides = array<i32>} : memref<128x128xf32, #tpu.memory_space<vmem>>, vector<1x16xf32>,
      %swap3A_327 = arith.index_cast %scan3A_306 : i32 to index
      %swap3A_328 = arith.constant 64 : index
      %swap3A_329 = tpu.vector_load %arg10[%swap3A_327, %swap3A_328] {strides = array<i32>} : memref<128x128xf32, #tpu.memory_space<vmem>>, vector<1x16xf32>,
      %swap3A_330 = vector.shape_cast %swap3A_329 : vector<1x16xf32> to vector<16xf32>
      %swap3A_331 = vector.shape_cast %broadcast_in_dim3A_9 : vector<16xf32> to vector<1x16xf32>
      tpu.vector_store %arg10[%swap3A_327, %swap3A_328], %swap3A_331 {strides = array<i32>} : memref<128x128xf32, #tpu.memory_space<vmem>>, vector<1x16xf32>,
      %swap3A_332 = arith.index_cast %scan3A_306 : i32 to index
      %swap3A_333 = arith.constant 80 : index
      %swap3A_334 = tpu.vector_load %arg10[%swap3A_332, %swap3A_333] {strides = array<i32>} : memref<128x128xf32, #tpu.memory_space<vmem>>, vector<1x16xf32>,
      %swap3A_335 = vector.shape_cast %swap3A_334 : vector<1x16xf32> to vector<16xf32>
      %swap3A_336 = vector.shape_cast %broadcast_in_dim3A_9 : vector<16xf32> to vector<1x16xf32>
      tpu.vector_store %arg10[%swap3A_332, %swap3A_333], %swap3A_336 {strides = array<i32>} : memref<128x128xf32, #tpu.memory_space<vmem>>, vector<1x16xf32>,
      %swap3A_337 = arith.index_cast %scan3A_306 : i32 to index
      %swap3A_338 = arith.constant 96 : index
      %swap3A_339 = tpu.vector_load %arg10[%swap3A_337, %swap3A_338] {strides = array<i32>} : memref<128x128xf32, #tpu.memory_space<vmem>>, vector<1x16xf32>,
      %swap3A_340 = vector.shape_cast %swap3A_339 : vector<1x16xf32> to vector<16xf32>
      %swap3A_341 = vector.shape_cast %broadcast_in_dim3A_9 : vector<16xf32> to vector<1x16xf32>
      tpu.vector_store %arg10[%swap3A_337, %swap3A_338], %swap3A_341 {strides = array<i32>} : memref<128x128xf32, #tpu.memory_space<vmem>>, vector<1x16xf32>,
      %swap3A_342 = arith.index_cast %scan3A_306 : i32 to index
      %swap3A_343 = arith.constant 112 : index
      %swap3A_344 = tpu.vector_load %arg10[%swap3A_342, %swap3A_343] {strides = array<i32>} : memref<128x128xf32, #tpu.memory_space<vmem>>, vector<1x16xf32>,
      %swap3A_345 = vector.shape_cast %swap3A_344 : vector<1x16xf32> to vector<16xf32>
      %swap3A_346 = vector.shape_cast %broadcast_in_dim3A_9 : vector<16xf32> to vector<1x16xf32>
      tpu.vector_store %arg10[%swap3A_342, %swap3A_343], %swap3A_346 {strides = array<i32>} : memref<128x128xf32, #tpu.memory_space<vmem>>, vector<1x16xf32>,
      %scan3A_347 = arith.constant 0 : i32
      scf.yield %scan3A_347 : i32
    }
    %scan3A_16 = arith.constant 128 : i32
    %mul3A_17 = arith.constant 632 : i32
    %mul3A_18 = arith.muli %arg1, %mul3A_17 : i32
    %add3A_19 = arith.constant 0 : i32
    %add3A_20 = arith.addi %mul3A_18, %add3A_19 : i32
    "tpu.region"() ({
      %run_scoped3A = tpu.sem_alloc : memref<!tpu.dma_semaphore, #tpu.memory_space<semaphore_mem>>
      %dma_start3A_306 = arith.constant 0 : i32
      %dma_start3A_307 = arith.constant 0 : i32
      %dma_start3A_308 = tpu.memref_slice %arg9[%dma_start3A_306, %dma_start3A_307] : memref<128x128xf32, #tpu.memory_space<vmem>> -> memref<128x128xf32, #tpu.memory_space<vmem>>
      %dma_start3A_309 = arith.constant 0 : i32
      %dma_start3A_310 = tpu.memref_slice %arg15[%add3A_20, %dma_start3A_309] : memref<10112x128xf32, #tpu.memory_space<vmem_shared>> -> memref<128x128xf32, #tpu.memory_space<vmem_shared>>
      %dma_start3A_311 = arith.constant 0 : i32
      %dma_start3A_312 = tpu.memref_slice %arg15[%add3A_20, %dma_start3A_311] : memref<10112x128xf32, #tpu.memory_space<vmem_shared>> -> memref<128x128xf32, #tpu.memory_space<vmem_shared>>
      %dma_start3A_313 = arith.constant 0 : i32
      %dma_start3A_314 = arith.constant 0 : i32
      %dma_start3A_315 = tpu.memref_slice %arg9[%dma_start3A_313, %dma_start3A_314] : memref<128x128xf32, #tpu.memory_space<vmem>> -> memref<128x128xf32, #tpu.memory_space<vmem>>
      tpu.enqueue_dma source(%dma_start3A_315 : memref<128x128xf32, #tpu.memory_space<vmem>>) target(%dma_start3A_312 : memref<128x128xf32, #tpu.memory_space<vmem_shared>>) target_semaphore(%run_scoped3A : memref<!tpu.dma_semaphore, #tpu.memory_space<semaphore_mem>>)
      %dma_wait3A_316 = arith.constant 0 : i32
      %dma_wait3A_317 = arith.constant 0 : i32
      %dma_wait3A_318 = tpu.memref_slice %arg9[%dma_wait3A_316, %dma_wait3A_317] : memref<128x128xf32, #tpu.memory_space<vmem>> -> memref<128x128xf32, #tpu.memory_space<vmem>>
      %dma_wait3A_319 = arith.constant 0 : i32
      %dma_wait3A_320 = tpu.memref_slice %arg15[%add3A_20, %dma_wait3A_319] : memref<10112x128xf32, #tpu.memory_space<vmem_shared>> -> memref<128x128xf32, #tpu.memory_space<vmem_shared>>
      %dma_wait3A_321 = arith.constant 0 : i32
      %dma_wait3A_322 = tpu.memref_slice %arg15[%add3A_20, %dma_wait3A_321] : memref<10112x128xf32, #tpu.memory_space<vmem_shared>> -> memref<128x128xf32, #tpu.memory_space<vmem_shared>>
      %dma_wait3A_323 = arith.constant 0 : i32
      %dma_wait3A_324 = arith.constant 0 : i32
      %dma_wait3A_325 = tpu.memref_slice %arg9[%dma_wait3A_323, %dma_wait3A_324] : memref<128x128xf32, #tpu.memory_space<vmem>> -> memref<128x128xf32, #tpu.memory_space<vmem>>
      tpu.wait_dma2 semaphore(%run_scoped3A : memref<!tpu.dma_semaphore, #tpu.memory_space<semaphore_mem>>) src(%dma_wait3A_325 : memref<128x128xf32, #tpu.memory_space<vmem>>) dst(%dma_wait3A_322 : memref<128x128xf32, #tpu.memory_space<vmem_shared>>)
      tpu.yield
    }) : () -> ()
    %add3A_21 = arith.constant 128 : i32
    %add3A_22 = arith.addi %mul3A_18, %add3A_21 : i32
    "tpu.region"() ({
      %run_scoped3A = tpu.sem_alloc : memref<!tpu.dma_semaphore, #tpu.memory_space<semaphore_mem>>
      %dma_start3A_306 = arith.constant 0 : i32
      %dma_start3A_307 = arith.constant 0 : i32
      %dma_start3A_308 = tpu.memref_slice %arg9[%dma_start3A_306, %dma_start3A_307] : memref<128x128xf32, #tpu.memory_space<vmem>> -> memref<128x128xf32, #tpu.memory_space<vmem>>
      %dma_start3A_309 = arith.constant 0 : i32
      %dma_start3A_310 = tpu.memref_slice %arg15[%add3A_22, %dma_start3A_309] : memref<10112x128xf32, #tpu.memory_space<vmem_shared>> -> memref<128x128xf32, #tpu.memory_space<vmem_shared>>
      %dma_start3A_311 = arith.constant 0 : i32
      %dma_start3A_312 = tpu.memref_slice %arg15[%add3A_22, %dma_start3A_311] : memref<10112x128xf32, #tpu.memory_space<vmem_shared>> -> memref<128x128xf32, #tpu.memory_space<vmem_shared>>
      %dma_start3A_313 = arith.constant 0 : i32
      %dma_start3A_314 = arith.constant 0 : i32
      %dma_start3A_315 = tpu.memref_slice %arg9[%dma_start3A_313, %dma_start3A_314] : memref<128x128xf32, #tpu.memory_space<vmem>> -> memref<128x128xf32, #tpu.memory_space<vmem>>
      tpu.enqueue_dma source(%dma_start3A_315 : memref<128x128xf32, #tpu.memory_space<vmem>>) target(%dma_start3A_312 : memref<128x128xf32, #tpu.memory_space<vmem_shared>>) target_semaphore(%run_scoped3A : memref<!tpu.dma_semaphore, #tpu.memory_space<semaphore_mem>>)
      %dma_wait3A_316 = arith.constant 0 : i32
      %dma_wait3A_317 = arith.constant 0 : i32
      %dma_wait3A_318 = tpu.memref_slice %arg9[%dma_wait3A_316, %dma_wait3A_317] : memref<128x128xf32, #tpu.memory_space<vmem>> -> memref<128x128xf32, #tpu.memory_space<vmem>>
      %dma_wait3A_319 = arith.constant 0 : i32
      %dma_wait3A_320 = tpu.memref_slice %arg15[%add3A_22, %dma_wait3A_319] : memref<10112x128xf32, #tpu.memory_space<vmem_shared>> -> memref<128x128xf32, #tpu.memory_space<vmem_shared>>
      %dma_wait3A_321 = arith.constant 0 : i32
      %dma_wait3A_322 = tpu.memref_slice %arg15[%add3A_22, %dma_wait3A_321] : memref<10112x128xf32, #tpu.memory_space<vmem_shared>> -> memref<128x128xf32, #tpu.memory_space<vmem_shared>>
      %dma_wait3A_323 = arith.constant 0 : i32
      %dma_wait3A_324 = arith.constant 0 : i32
      %dma_wait3A_325 = tpu.memref_slice %arg9[%dma_wait3A_323, %dma_wait3A_324] : memref<128x128xf32, #tpu.memory_space<vmem>> -> memref<128x128xf32, #tpu.memory_space<vmem>>
      tpu.wait_dma2 semaphore(%run_scoped3A : memref<!tpu.dma_semaphore, #tpu.memory_space<semaphore_mem>>) src(%dma_wait3A_325 : memref<128x128xf32, #tpu.memory_space<vmem>>) dst(%dma_wait3A_322 : memref<128x128xf32, #tpu.memory_space<vmem_shared>>)
      tpu.yield
    }) : () -> ()
    %add3A_23 = arith.constant 256 : i32
    %add3A_24 = arith.addi %mul3A_18, %add3A_23 : i32
    "tpu.region"() ({
      %run_scoped3A = tpu.sem_alloc : memref<!tpu.dma_semaphore, #tpu.memory_space<semaphore_mem>>
      %dma_start3A_306 = arith.constant 0 : i32
      %dma_start3A_307 = arith.constant 0 : i32
      %dma_start3A_308 = tpu.memref_slice %arg9[%dma_start3A_306, %dma_start3A_307] : memref<128x128xf32, #tpu.memory_space<vmem>> -> memref<128x128xf32, #tpu.memory_space<vmem>>
      %dma_start3A_309 = arith.constant 0 : i32
      %dma_start3A_310 = tpu.memref_slice %arg15[%add3A_24, %dma_start3A_309] : memref<10112x128xf32, #tpu.memory_space<vmem_shared>> -> memref<128x128xf32, #tpu.memory_space<vmem_shared>>
      %dma_start3A_311 = arith.constant 0 : i32
      %dma_start3A_312 = tpu.memref_slice %arg15[%add3A_24, %dma_start3A_311] : memref<10112x128xf32, #tpu.memory_space<vmem_shared>> -> memref<128x128xf32, #tpu.memory_space<vmem_shared>>
      %dma_start3A_313 = arith.constant 0 : i32
      %dma_start3A_314 = arith.constant 0 : i32
      %dma_start3A_315 = tpu.memref_slice %arg9[%dma_start3A_313, %dma_start3A_314] : memref<128x128xf32, #tpu.memory_space<vmem>> -> memref<128x128xf32, #tpu.memory_space<vmem>>
      tpu.enqueue_dma source(%dma_start3A_315 : memref<128x128xf32, #tpu.memory_space<vmem>>) target(%dma_start3A_312 : memref<128x128xf32, #tpu.memory_space<vmem_shared>>) target_semaphore(%run_scoped3A : memref<!tpu.dma_semaphore, #tpu.memory_space<semaphore_mem>>)
      %dma_wait3A_316 = arith.constant 0 : i32
      %dma_wait3A_317 = arith.constant 0 : i32
      %dma_wait3A_318 = tpu.memref_slice %arg9[%dma_wait3A_316, %dma_wait3A_317] : memref<128x128xf32, #tpu.memory_space<vmem>> -> memref<128x128xf32, #tpu.memory_space<vmem>>
      %dma_wait3A_319 = arith.constant 0 : i32
      %dma_wait3A_320 = tpu.memref_slice %arg15[%add3A_24, %dma_wait3A_319] : memref<10112x128xf32, #tpu.memory_space<vmem_shared>> -> memref<128x128xf32, #tpu.memory_space<vmem_shared>>
      %dma_wait3A_321 = arith.constant 0 : i32
      %dma_wait3A_322 = tpu.memref_slice %arg15[%add3A_24, %dma_wait3A_321] : memref<10112x128xf32, #tpu.memory_space<vmem_shared>> -> memref<128x128xf32, #tpu.memory_space<vmem_shared>>
      %dma_wait3A_323 = arith.constant 0 : i32
      %dma_wait3A_324 = arith.constant 0 : i32
      %dma_wait3A_325 = tpu.memref_slice %arg9[%dma_wait3A_323, %dma_wait3A_324] : memref<128x128xf32, #tpu.memory_space<vmem>> -> memref<128x128xf32, #tpu.memory_space<vmem>>
      tpu.wait_dma2 semaphore(%run_scoped3A : memref<!tpu.dma_semaphore, #tpu.memory_space<semaphore_mem>>) src(%dma_wait3A_325 : memref<128x128xf32, #tpu.memory_space<vmem>>) dst(%dma_wait3A_322 : memref<128x128xf32, #tpu.memory_space<vmem_shared>>)
      tpu.yield
    }) : () -> ()
    %add3A_25 = arith.constant 384 : i32
    %add3A_26 = arith.addi %mul3A_18, %add3A_25 : i32
    "tpu.region"() ({
      %run_scoped3A = tpu.sem_alloc : memref<!tpu.dma_semaphore, #tpu.memory_space<semaphore_mem>>
      %dma_start3A_306 = arith.constant 0 : i32
      %dma_start3A_307 = arith.constant 0 : i32
      %dma_start3A_308 = tpu.memref_slice %arg9[%dma_start3A_306, %dma_start3A_307] : memref<128x128xf32, #tpu.memory_space<vmem>> -> memref<128x128xf32, #tpu.memory_space<vmem>>
      %dma_start3A_309 = arith.constant 0 : i32
      %dma_start3A_310 = tpu.memref_slice %arg15[%add3A_26, %dma_start3A_309] : memref<10112x128xf32, #tpu.memory_space<vmem_shared>> -> memref<128x128xf32, #tpu.memory_space<vmem_shared>>
      %dma_start3A_311 = arith.constant 0 : i32
      %dma_start3A_312 = tpu.memref_slice %arg15[%add3A_26, %dma_start3A_311] : memref<10112x128xf32, #tpu.memory_space<vmem_shared>> -> memref<128x128xf32, #tpu.memory_space<vmem_shared>>
      %dma_start3A_313 = arith.constant 0 : i32
      %dma_start3A_314 = arith.constant 0 : i32
      %dma_start3A_315 = tpu.memref_slice %arg9[%dma_start3A_313, %dma_start3A_314] : memref<128x128xf32, #tpu.memory_space<vmem>> -> memref<128x128xf32, #tpu.memory_space<vmem>>
      tpu.enqueue_dma source(%dma_start3A_315 : memref<128x128xf32, #tpu.memory_space<vmem>>) target(%dma_start3A_312 : memref<128x128xf32, #tpu.memory_space<vmem_shared>>) target_semaphore(%run_scoped3A : memref<!tpu.dma_semaphore, #tpu.memory_space<semaphore_mem>>)
      %dma_wait3A_316 = arith.constant 0 : i32
      %dma_wait3A_317 = arith.constant 0 : i32
      %dma_wait3A_318 = tpu.memref_slice %arg9[%dma_wait3A_316, %dma_wait3A_317] : memref<128x128xf32, #tpu.memory_space<vmem>> -> memref<128x128xf32, #tpu.memory_space<vmem>>
      %dma_wait3A_319 = arith.constant 0 : i32
      %dma_wait3A_320 = tpu.memref_slice %arg15[%add3A_26, %dma_wait3A_319] : memref<10112x128xf32, #tpu.memory_space<vmem_shared>> -> memref<128x128xf32, #tpu.memory_space<vmem_shared>>
      %dma_wait3A_321 = arith.constant 0 : i32
      %dma_wait3A_322 = tpu.memref_slice %arg15[%add3A_26, %dma_wait3A_321] : memref<10112x128xf32, #tpu.memory_space<vmem_shared>> -> memref<128x128xf32, #tpu.memory_space<vmem_shared>>
      %dma_wait3A_323 = arith.constant 0 : i32
      %dma_wait3A_324 = arith.constant 0 : i32
      %dma_wait3A_325 = tpu.memref_slice %arg9[%dma_wait3A_323, %dma_wait3A_324] : memref<128x128xf32, #tpu.memory_space<vmem>> -> memref<128x128xf32, #tpu.memory_space<vmem>>
      tpu.wait_dma2 semaphore(%run_scoped3A : memref<!tpu.dma_semaphore, #tpu.memory_space<semaphore_mem>>) src(%dma_wait3A_325 : memref<128x128xf32, #tpu.memory_space<vmem>>) dst(%dma_wait3A_322 : memref<128x128xf32, #tpu.memory_space<vmem_shared>>)
      tpu.yield
    }) : () -> ()
    %add3A_27 = arith.constant 512 : i32
    %add3A_28 = arith.addi %mul3A_18, %add3A_27 : i32
    "tpu.region"() ({
      %run_scoped3A = tpu.sem_alloc : memref<!tpu.dma_semaphore, #tpu.memory_space<semaphore_mem>>
      %dma_start3A_306 = arith.constant 0 : i32
      %dma_start3A_307 = arith.constant 0 : i32
      %dma_start3A_308 = tpu.memref_slice %arg9[%dma_start3A_306, %dma_start3A_307] : memref<128x128xf32, #tpu.memory_space<vmem>> -> memref<120x128xf32, #tpu.memory_space<vmem>>
      %dma_start3A_309 = arith.constant 0 : i32
      %dma_start3A_310 = tpu.memref_slice %arg15[%add3A_28, %dma_start3A_309] : memref<10112x128xf32, #tpu.memory_space<vmem_shared>> -> memref<120x128xf32, #tpu.memory_space<vmem_shared>>
      %dma_start3A_311 = arith.constant 0 : i32
      %dma_start3A_312 = tpu.memref_slice %arg15[%add3A_28, %dma_start3A_311] : memref<10112x128xf32, #tpu.memory_space<vmem_shared>> -> memref<120x128xf32, #tpu.memory_space<vmem_shared>>
      %dma_start3A_313 = arith.constant 0 : i32
      %dma_start3A_314 = arith.constant 0 : i32
      %dma_start3A_315 = tpu.memref_slice %arg9[%dma_start3A_313, %dma_start3A_314] : memref<128x128xf32, #tpu.memory_space<vmem>> -> memref<120x128xf32, #tpu.memory_space<vmem>>
      tpu.enqueue_dma source(%dma_start3A_315 : memref<120x128xf32, #tpu.memory_space<vmem>>) target(%dma_start3A_312 : memref<120x128xf32, #tpu.memory_space<vmem_shared>>) target_semaphore(%run_scoped3A : memref<!tpu.dma_semaphore, #tpu.memory_space<semaphore_mem>>)
      %dma_wait3A_316 = arith.constant 0 : i32
      %dma_wait3A_317 = arith.constant 0 : i32
      %dma_wait3A_318 = tpu.memref_slice %arg9[%dma_wait3A_316, %dma_wait3A_317] : memref<128x128xf32, #tpu.memory_space<vmem>> -> memref<120x128xf32, #tpu.memory_space<vmem>>
      %dma_wait3A_319 = arith.constant 0 : i32
      %dma_wait3A_320 = tpu.memref_slice %arg15[%add3A_28, %dma_wait3A_319] : memref<10112x128xf32, #tpu.memory_space<vmem_shared>> -> memref<120x128xf32, #tpu.memory_space<vmem_shared>>
      %dma_wait3A_321 = arith.constant 0 : i32
      %dma_wait3A_322 = tpu.memref_slice %arg15[%add3A_28, %dma_wait3A_321] : memref<10112x128xf32, #tpu.memory_space<vmem_shared>> -> memref<120x128xf32, #tpu.memory_space<vmem_shared>>
      %dma_wait3A_323 = arith.constant 0 : i32
      %dma_wait3A_324 = arith.constant 0 : i32
      %dma_wait3A_325 = tpu.memref_slice %arg9[%dma_wait3A_323, %dma_wait3A_324] : memref<128x128xf32, #tpu.memory_space<vmem>> -> memref<120x128xf32, #tpu.memory_space<vmem>>
      tpu.wait_dma2 semaphore(%run_scoped3A : memref<!tpu.dma_semaphore, #tpu.memory_space<semaphore_mem>>) src(%dma_wait3A_325 : memref<120x128xf32, #tpu.memory_space<vmem>>) dst(%dma_wait3A_322 : memref<120x128xf32, #tpu.memory_space<vmem_shared>>)
      tpu.yield
    }) : () -> ()
    %barrier3A = arith.constant 0 : index
    tpu.barrier barrier_id(%barrier3A)
    "tpu.region"() ({
      %run_scoped3A = tpu.sem_alloc : memref<!tpu.dma_semaphore, #tpu.memory_space<semaphore_mem>>
      %dma_start3A_306 = arith.constant 0 : i32
      %dma_start3A_307 = arith.constant 0 : i32
      %dma_start3A_308 = tpu.memref_slice %arg4[%add3A, %dma_start3A_306, %dma_start3A_307] : memref<32x80x128xi32, #tpu.memory_space<hbm>> -> memref<1x40x128xi32, #tpu.memory_space<hbm>>
      %dma_start3A_309 = tpu.memref_squeeze %dma_start3A_308 : memref<1x40x128xi32, #tpu.memory_space<hbm>> -> memref<40x128xi32, #tpu.memory_space<hbm>>
      %dma_start3A_310 = arith.constant 0 : i32
      %dma_start3A_311 = arith.constant 0 : i32
      %dma_start3A_312 = tpu.memref_slice %arg4[%add3A, %dma_start3A_310, %dma_start3A_311] : memref<32x80x128xi32, #tpu.memory_space<hbm>> -> memref<1x40x128xi32, #tpu.memory_space<hbm>>
      %dma_start3A_313 = tpu.memref_squeeze %dma_start3A_312 : memref<1x40x128xi32, #tpu.memory_space<hbm>> -> memref<40x128xi32, #tpu.memory_space<hbm>>
      tpu.enqueue_dma source(%dma_start3A_313 : memref<40x128xi32, #tpu.memory_space<hbm>>) target(%arg8 : memref<40x128xi32, #tpu.memory_space<vmem>>) target_semaphore(%run_scoped3A : memref<!tpu.dma_semaphore, #tpu.memory_space<semaphore_mem>>)
      %dma_wait3A_314 = arith.constant 0 : i32
      %dma_wait3A_315 = arith.constant 0 : i32
      %dma_wait3A_316 = tpu.memref_slice %arg4[%add3A, %dma_wait3A_314, %dma_wait3A_315] : memref<32x80x128xi32, #tpu.memory_space<hbm>> -> memref<1x40x128xi32, #tpu.memory_space<hbm>>
      %dma_wait3A_317 = tpu.memref_squeeze %dma_wait3A_316 : memref<1x40x128xi32, #tpu.memory_space<hbm>> -> memref<40x128xi32, #tpu.memory_space<hbm>>
      %dma_wait3A_318 = arith.constant 0 : i32
      %dma_wait3A_319 = arith.constant 0 : i32
      %dma_wait3A_320 = tpu.memref_slice %arg4[%add3A, %dma_wait3A_318, %dma_wait3A_319] : memref<32x80x128xi32, #tpu.memory_space<hbm>> -> memref<1x40x128xi32, #tpu.memory_space<hbm>>
      %dma_wait3A_321 = tpu.memref_squeeze %dma_wait3A_320 : memref<1x40x128xi32, #tpu.memory_space<hbm>> -> memref<40x128xi32, #tpu.memory_space<hbm>>
      tpu.wait_dma2 semaphore(%run_scoped3A : memref<!tpu.dma_semaphore, #tpu.memory_space<semaphore_mem>>) src(%dma_wait3A_321 : memref<40x128xi32, #tpu.memory_space<hbm>>) dst(%arg8 : memref<40x128xi32, #tpu.memory_space<vmem>>)
      tpu.yield
    }) : () -> ()
    %scan3A_29 = arith.constant 0 : i32
    %scan3A_30 = arith.constant 0 : i32
    %scan3A_31 = arith.constant 40 : i32
    %scan3A_32 = arith.addi %scan3A_30, %scan3A_31 : i32
    %scan3A_33 = arith.constant 1 : i32
    %scan3A_34 = scf.for %scan3A_306 = %scan3A_30 to %scan3A_32 step %scan3A_33 iter_args(%scan3A_307 = %scan3A_29) -> (i32)  : i32 {
      %dma_start3A_308 = arith.constant 0 : i32
      %dma_start3A_309 = tpu.memref_slice %arg8[%scan3A_306, %dma_start3A_308] : memref<40x128xi32, #tpu.memory_space<vmem>> -> memref<1x128xi32, #tpu.memory_space<vmem>>
      %dma_start3A_310 = tpu.memref_squeeze %dma_start3A_309 : memref<1x128xi32, #tpu.memory_space<vmem>> -> memref<128xi32, #tpu.memory_space<vmem>>
      %dma_start3A_311 = arith.constant 0 : i32
      %dma_start3A_312 = arith.constant 0 : i32
      %dma_start3A_313 = tpu.memref_slice %arg15[%dma_start3A_311, %dma_start3A_312] : memref<10112x128xf32, #tpu.memory_space<vmem_shared>> -> memref<10112x128xf32, #tpu.memory_space<vmem_shared>>
      tpu.enqueue_indirect_dma source(%arg10 : memref<128x128xf32, #tpu.memory_space<vmem>>) target(%dma_start3A_313 : memref<10112x128xf32, #tpu.memory_space<vmem_shared>>) offsets(%dma_start3A_310 : memref<128xi32, #tpu.memory_space<vmem>>) semaphore(%arg13 : memref<!tpu.dma_semaphore, #tpu.memory_space<semaphore_mem>>) {add = true}
      %scan3A_314 = arith.constant 0 : i32
      scf.yield %scan3A_314 : i32
    }
    %scan3A_35 = arith.constant 40 : i32
    %scan3A_36 = arith.constant 0 : i32
    %scan3A_37 = arith.constant 0 : i32
    %scan3A_38 = arith.constant 40 : i32
    %scan3A_39 = arith.addi %scan3A_37, %scan3A_38 : i32
    %scan3A_40 = arith.constant 1 : i32
    %scan3A_41 = scf.for %scan3A_306 = %scan3A_37 to %scan3A_39 step %scan3A_40 iter_args(%scan3A_307 = %scan3A_36) -> (i32)  : i32 {
      %dma_wait3A_308 = arith.constant 0 : i32
      %dma_wait3A_309 = tpu.memref_slice %arg8[%scan3A_306, %dma_wait3A_308] : memref<40x128xi32, #tpu.memory_space<vmem>> -> memref<1x128xi32, #tpu.memory_space<vmem>>
      %dma_wait3A_310 = tpu.memref_squeeze %dma_wait3A_309 : memref<1x128xi32, #tpu.memory_space<vmem>> -> memref<128xi32, #tpu.memory_space<vmem>>
      %dma_wait3A_311 = arith.constant 0 : i32
      %dma_wait3A_312 = arith.constant 0 : i32
      %dma_wait3A_313 = tpu.memref_slice %arg15[%dma_wait3A_311, %dma_wait3A_312] : memref<10112x128xf32, #tpu.memory_space<vmem_shared>> -> memref<10112x128xf32, #tpu.memory_space<vmem_shared>>
      tpu.wait_indirect_dma semaphore(%arg13 : memref<!tpu.dma_semaphore, #tpu.memory_space<semaphore_mem>>) src(%arg10 : memref<128x128xf32, #tpu.memory_space<vmem>>) dst(%dma_wait3A_313 : memref<10112x128xf32, #tpu.memory_space<vmem_shared>>)
      %scan3A_314 = arith.constant 0 : i32
      scf.yield %scan3A_314 : i32
    }
    %scan3A_42 = arith.constant 40 : i32
    "tpu.region"() ({
      %run_scoped3A = tpu.sem_alloc : memref<!tpu.dma_semaphore, #tpu.memory_space<semaphore_mem>>
      %dma_start3A_306 = arith.constant 40 : i32
      %dma_start3A_307 = arith.constant 0 : i32
      %dma_start3A_308 = tpu.memref_slice %arg4[%add3A, %dma_start3A_306, %dma_start3A_307] : memref<32x80x128xi32, #tpu.memory_space<hbm>> -> memref<1x40x128xi32, #tpu.memory_space<hbm>>
      %dma_start3A_309 = tpu.memref_squeeze %dma_start3A_308 : memref<1x40x128xi32, #tpu.memory_space<hbm>> -> memref<40x128xi32, #tpu.memory_space<hbm>>
      %dma_start3A_310 = arith.constant 40 : i32
      %dma_start3A_311 = arith.constant 0 : i32
      %dma_start3A_312 = tpu.memref_slice %arg4[%add3A, %dma_start3A_310, %dma_start3A_311] : memref<32x80x128xi32, #tpu.memory_space<hbm>> -> memref<1x40x128xi32, #tpu.memory_space<hbm>>
      %dma_start3A_313 = tpu.memref_squeeze %dma_start3A_312 : memref<1x40x128xi32, #tpu.memory_space<hbm>> -> memref<40x128xi32, #tpu.memory_space<hbm>>
      tpu.enqueue_dma source(%dma_start3A_313 : memref<40x128xi32, #tpu.memory_space<hbm>>) target(%arg8 : memref<40x128xi32, #tpu.memory_space<vmem>>) target_semaphore(%run_scoped3A : memref<!tpu.dma_semaphore, #tpu.memory_space<semaphore_mem>>)
      %dma_wait3A_314 = arith.constant 40 : i32
      %dma_wait3A_315 = arith.constant 0 : i32
      %dma_wait3A_316 = tpu.memref_slice %arg4[%add3A, %dma_wait3A_314, %dma_wait3A_315] : memref<32x80x128xi32, #tpu.memory_space<hbm>> -> memref<1x40x128xi32, #tpu.memory_space<hbm>>
      %dma_wait3A_317 = tpu.memref_squeeze %dma_wait3A_316 : memref<1x40x128xi32, #tpu.memory_space<hbm>> -> memref<40x128xi32, #tpu.memory_space<hbm>>
      %dma_wait3A_318 = arith.constant 40 : i32
      %dma_wait3A_319 = arith.constant 0 : i32
      %dma_wait3A_320 = tpu.memref_slice %arg4[%add3A, %dma_wait3A_318, %dma_wait3A_319] : memref<32x80x128xi32, #tpu.memory_space<hbm>> -> memref<1x40x128xi32, #tpu.memory_space<hbm>>
      %dma_wait3A_321 = tpu.memref_squeeze %dma_wait3A_320 : memref<1x40x128xi32, #tpu.memory_space<hbm>> -> memref<40x128xi32, #tpu.memory_space<hbm>>
      tpu.wait_dma2 semaphore(%run_scoped3A : memref<!tpu.dma_semaphore, #tpu.memory_space<semaphore_mem>>) src(%dma_wait3A_321 : memref<40x128xi32, #tpu.memory_space<hbm>>) dst(%arg8 : memref<40x128xi32, #tpu.memory_space<vmem>>)
      tpu.yield
    }) : () -> ()
    %scan3A_43 = arith.constant 0 : i32
    %scan3A_44 = arith.constant 0 : i32
    %scan3A_45 = arith.constant 40 : i32
    %scan3A_46 = arith.addi %scan3A_44, %scan3A_45 : i32
    %scan3A_47 = arith.constant 1 : i32
    %scan3A_48 = scf.for %scan3A_306 = %scan3A_44 to %scan3A_46 step %scan3A_47 iter_args(%scan3A_307 = %scan3A_43) -> (i32)  : i32 {
      %dma_start3A_308 = arith.constant 0 : i32
      %dma_start3A_309 = tpu.memref_slice %arg8[%scan3A_306, %dma_start3A_308] : memref<40x128xi32, #tpu.memory_space<vmem>> -> memref<1x128xi32, #tpu.memory_space<vmem>>
      %dma_start3A_310 = tpu.memref_squeeze %dma_start3A_309 : memref<1x128xi32, #tpu.memory_space<vmem>> -> memref<128xi32, #tpu.memory_space<vmem>>
      %dma_start3A_311 = arith.constant 0 : i32
      %dma_start3A_312 = arith.constant 0 : i32
      %dma_start3A_313 = tpu.memref_slice %arg15[%dma_start3A_311, %dma_start3A_312] : memref<10112x128xf32, #tpu.memory_space<vmem_shared>> -> memref<10112x128xf32, #tpu.memory_space<vmem_shared>>
      tpu.enqueue_indirect_dma source(%arg10 : memref<128x128xf32, #tpu.memory_space<vmem>>) target(%dma_start3A_313 : memref<10112x128xf32, #tpu.memory_space<vmem_shared>>) offsets(%dma_start3A_310 : memref<128xi32, #tpu.memory_space<vmem>>) semaphore(%arg13 : memref<!tpu.dma_semaphore, #tpu.memory_space<semaphore_mem>>) {add = true}
      %scan3A_314 = arith.constant 0 : i32
      scf.yield %scan3A_314 : i32
    }
    %scan3A_49 = arith.constant 40 : i32
    %scan3A_50 = arith.constant 0 : i32
    %scan3A_51 = arith.constant 0 : i32
    %scan3A_52 = arith.constant 40 : i32
    %scan3A_53 = arith.addi %scan3A_51, %scan3A_52 : i32
    %scan3A_54 = arith.constant 1 : i32
    %scan3A_55 = scf.for %scan3A_306 = %scan3A_51 to %scan3A_53 step %scan3A_54 iter_args(%scan3A_307 = %scan3A_50) -> (i32)  : i32 {
      %dma_wait3A_308 = arith.constant 0 : i32
      %dma_wait3A_309 = tpu.memref_slice %arg8[%scan3A_306, %dma_wait3A_308] : memref<40x128xi32, #tpu.memory_space<vmem>> -> memref<1x128xi32, #tpu.memory_space<vmem>>
      %dma_wait3A_310 = tpu.memref_squeeze %dma_wait3A_309 : memref<1x128xi32, #tpu.memory_space<vmem>> -> memref<128xi32, #tpu.memory_space<vmem>>
      %dma_wait3A_311 = arith.constant 0 : i32
      %dma_wait3A_312 = arith.constant 0 : i32
      %dma_wait3A_313 = tpu.memref_slice %arg15[%dma_wait3A_311, %dma_wait3A_312] : memref<10112x128xf32, #tpu.memory_space<vmem_shared>> -> memref<10112x128xf32, #tpu.memory_space<vmem_shared>>
      tpu.wait_indirect_dma semaphore(%arg13 : memref<!tpu.dma_semaphore, #tpu.memory_space<semaphore_mem>>) src(%arg10 : memref<128x128xf32, #tpu.memory_space<vmem>>) dst(%dma_wait3A_313 : memref<10112x128xf32, #tpu.memory_space<vmem_shared>>)
      %scan3A_314 = arith.constant 0 : i32
      scf.yield %scan3A_314 : i32
    }
    %scan3A_56 = arith.constant 40 : i32
    %barrier3A_57 = arith.constant 0 : index
    tpu.barrier barrier_id(%barrier3A_57)
    "tpu.region"() ({
      %run_scoped3A = tpu.sem_alloc : memref<!tpu.dma_semaphore, #tpu.memory_space<semaphore_mem>>
      %dma_start3A_306 = arith.constant 0 : i32
      %dma_start3A_307 = tpu.memref_slice %arg6[%arg0, %mul3A_18, %dma_start3A_306] : memref<2x10112x128xf32, #tpu.memory_space<hbm>> -> memref<1x632x128xf32, #tpu.memory_space<hbm>>
      %dma_start3A_308 = tpu.memref_squeeze %dma_start3A_307 : memref<1x632x128xf32, #tpu.memory_space<hbm>> -> memref<632x128xf32, #tpu.memory_space<hbm>>
      %dma_start3A_309 = arith.constant 0 : i32
      %dma_start3A_310 = tpu.memref_slice %arg15[%mul3A_18, %dma_start3A_309] : memref<10112x128xf32, #tpu.memory_space<vmem_shared>> -> memref<632x128xf32, #tpu.memory_space<vmem_shared>>
      tpu.enqueue_dma source(%dma_start3A_310 : memref<632x128xf32, #tpu.memory_space<vmem_shared>>) target(%dma_start3A_308 : memref<632x128xf32, #tpu.memory_space<hbm>>) target_semaphore(%run_scoped3A : memref<!tpu.dma_semaphore, #tpu.memory_space<semaphore_mem>>)
      %dma_wait3A_311 = arith.constant 0 : i32
      %dma_wait3A_312 = tpu.memref_slice %arg6[%arg0, %mul3A_18, %dma_wait3A_311] : memref<2x10112x128xf32, #tpu.memory_space<hbm>> -> memref<1x632x128xf32, #tpu.memory_space<hbm>>
      %dma_wait3A_313 = tpu.memref_squeeze %dma_wait3A_312 : memref<1x632x128xf32, #tpu.memory_space<hbm>> -> memref<632x128xf32, #tpu.memory_space<hbm>>
      %dma_wait3A_314 = arith.constant 0 : i32
      %dma_wait3A_315 = tpu.memref_slice %arg15[%mul3A_18, %dma_wait3A_314] : memref<10112x128xf32, #tpu.memory_space<vmem_shared>> -> memref<632x128xf32, #tpu.memory_space<vmem_shared>>
      tpu.wait_dma2 semaphore(%run_scoped3A : memref<!tpu.dma_semaphore, #tpu.memory_space<semaphore_mem>>) src(%dma_wait3A_315 : memref<632x128xf32, #tpu.memory_space<vmem_shared>>) dst(%dma_wait3A_313 : memref<632x128xf32, #tpu.memory_space<hbm>>)
      tpu.yield
    }) : () -> ()
    %add3A_58 = arith.constant 0 : i32
    %add3A_59 = arith.addi %mul3A_18, %add3A_58 : i32
    "tpu.region"() ({
      %run_scoped3A = tpu.sem_alloc : memref<!tpu.dma_semaphore, #tpu.memory_space<semaphore_mem>>
      %dma_start3A_306 = arith.constant 0 : i32
      %dma_start3A_307 = arith.constant 0 : i32
      %dma_start3A_308 = tpu.memref_slice %arg9[%dma_start3A_306, %dma_start3A_307] : memref<128x128xf32, #tpu.memory_space<vmem>> -> memref<128x128xf32, #tpu.memory_space<vmem>>
      %dma_start3A_309 = arith.constant 0 : i32
      %dma_start3A_310 = tpu.memref_slice %arg15[%add3A_59, %dma_start3A_309] : memref<10112x128xf32, #tpu.memory_space<vmem_shared>> -> memref<128x128xf32, #tpu.memory_space<vmem_shared>>
      %dma_start3A_311 = arith.constant 0 : i32
      %dma_start3A_312 = tpu.memref_slice %arg15[%add3A_59, %dma_start3A_311] : memref<10112x128xf32, #tpu.memory_space<vmem_shared>> -> memref<128x128xf32, #tpu.memory_space<vmem_shared>>
      %dma_start3A_313 = arith.constant 0 : i32
      %dma_start3A_314 = arith.constant 0 : i32
      %dma_start3A_315 = tpu.memref_slice %arg9[%dma_start3A_313, %dma_start3A_314] : memref<128x128xf32, #tpu.memory_space<vmem>> -> memref<128x128xf32, #tpu.memory_space<vmem>>
      tpu.enqueue_dma source(%dma_start3A_315 : memref<128x128xf32, #tpu.memory_space<vmem>>) target(%dma_start3A_312 : memref<128x128xf32, #tpu.memory_space<vmem_shared>>) target_semaphore(%run_scoped3A : memref<!tpu.dma_semaphore, #tpu.memory_space<semaphore_mem>>)
      %dma_wait3A_316 = arith.constant 0 : i32
      %dma_wait3A_317 = arith.constant 0 : i32
      %dma_wait3A_318 = tpu.memref_slice %arg9[%dma_wait3A_316, %dma_wait3A_317] : memref<128x128xf32, #tpu.memory_space<vmem>> -> memref<128x128xf32, #tpu.memory_space<vmem>>
      %dma_wait3A_319 = arith.constant 0 : i32
      %dma_wait3A_320 = tpu.memref_slice %arg15[%add3A_59, %dma_wait3A_319] : memref<10112x128xf32, #tpu.memory_space<vmem_shared>> -> memref<128x128xf32, #tpu.memory_space<vmem_shared>>
      %dma_wait3A_321 = arith.constant 0 : i32
      %dma_wait3A_322 = tpu.memref_slice %arg15[%add3A_59, %dma_wait3A_321] : memref<10112x128xf32, #tpu.memory_space<vmem_shared>> -> memref<128x128xf32, #tpu.memory_space<vmem_shared>>
      %dma_wait3A_323 = arith.constant 0 : i32
      %dma_wait3A_324 = arith.constant 0 : i32
      %dma_wait3A_325 = tpu.memref_slice %arg9[%dma_wait3A_323, %dma_wait3A_324] : memref<128x128xf32, #tpu.memory_space<vmem>> -> memref<128x128xf32, #tpu.memory_space<vmem>>
      tpu.wait_dma2 semaphore(%run_scoped3A : memref<!tpu.dma_semaphore, #tpu.memory_space<semaphore_mem>>) src(%dma_wait3A_325 : memref<128x128xf32, #tpu.memory_space<vmem>>) dst(%dma_wait3A_322 : memref<128x128xf32, #tpu.memory_space<vmem_shared>>)
      tpu.yield
    }) : () -> ()
    %add3A_60 = arith.constant 128 : i32
    %add3A_61 = arith.addi %mul3A_18, %add3A_60 : i32
    "tpu.region"() ({
      %run_scoped3A = tpu.sem_alloc : memref<!tpu.dma_semaphore, #tpu.memory_space<semaphore_mem>>
      %dma_start3A_306 = arith.constant 0 : i32
      %dma_start3A_307 = arith.constant 0 : i32
      %dma_start3A_308 = tpu.memref_slice %arg9[%dma_start3A_306, %dma_start3A_307] : memref<128x128xf32, #tpu.memory_space<vmem>> -> memref<128x128xf32, #tpu.memory_space<vmem>>
      %dma_start3A_309 = arith.constant 0 : i32
      %dma_start3A_310 = tpu.memref_slice %arg15[%add3A_61, %dma_start3A_309] : memref<10112x128xf32, #tpu.memory_space<vmem_shared>> -> memref<128x128xf32, #tpu.memory_space<vmem_shared>>
      %dma_start3A_311 = arith.constant 0 : i32
      %dma_start3A_312 = tpu.memref_slice %arg15[%add3A_61, %dma_start3A_311] : memref<10112x128xf32, #tpu.memory_space<vmem_shared>> -> memref<128x128xf32, #tpu.memory_space<vmem_shared>>
      %dma_start3A_313 = arith.constant 0 : i32
      %dma_start3A_314 = arith.constant 0 : i32
      %dma_start3A_315 = tpu.memref_slice %arg9[%dma_start3A_313, %dma_start3A_314] : memref<128x128xf32, #tpu.memory_space<vmem>> -> memref<128x128xf32, #tpu.memory_space<vmem>>
      tpu.enqueue_dma source(%dma_start3A_315 : memref<128x128xf32, #tpu.memory_space<vmem>>) target(%dma_start3A_312 : memref<128x128xf32, #tpu.memory_space<vmem_shared>>) target_semaphore(%run_scoped3A : memref<!tpu.dma_semaphore, #tpu.memory_space<semaphore_mem>>)
      %dma_wait3A_316 = arith.constant 0 : i32
      %dma_wait3A_317 = arith.constant 0 : i32
      %dma_wait3A_318 = tpu.memref_slice %arg9[%dma_wait3A_316, %dma_wait3A_317] : memref<128x128xf32, #tpu.memory_space<vmem>> -> memref<128x128xf32, #tpu.memory_space<vmem>>
      %dma_wait3A_319 = arith.constant 0 : i32
      %dma_wait3A_320 = tpu.memref_slice %arg15[%add3A_61, %dma_wait3A_319] : memref<10112x128xf32, #tpu.memory_space<vmem_shared>> -> memref<128x128xf32, #tpu.memory_space<vmem_shared>>
      %dma_wait3A_321 = arith.constant 0 : i32
      %dma_wait3A_322 = tpu.memref_slice %arg15[%add3A_61, %dma_wait3A_321] : memref<10112x128xf32, #tpu.memory_space<vmem_shared>> -> memref<128x128xf32, #tpu.memory_space<vmem_shared>>
      %dma_wait3A_323 = arith.constant 0 : i32
      %dma_wait3A_324 = arith.constant 0 : i32
      %dma_wait3A_325 = tpu.memref_slice %arg9[%dma_wait3A_323, %dma_wait3A_324] : memref<128x128xf32, #tpu.memory_space<vmem>> -> memref<128x128xf32, #tpu.memory_space<vmem>>
      tpu.wait_dma2 semaphore(%run_scoped3A : memref<!tpu.dma_semaphore, #tpu.memory_space<semaphore_mem>>) src(%dma_wait3A_325 : memref<128x128xf32, #tpu.memory_space<vmem>>) dst(%dma_wait3A_322 : memref<128x128xf32, #tpu.memory_space<vmem_shared>>)
      tpu.yield
    }) : () -> ()
    %add3A_62 = arith.constant 256 : i32
    %add3A_63 = arith.addi %mul3A_18, %add3A_62 : i32
    "tpu.region"() ({
      %run_scoped3A = tpu.sem_alloc : memref<!tpu.dma_semaphore, #tpu.memory_space<semaphore_mem>>
      %dma_start3A_306 = arith.constant 0 : i32
      %dma_start3A_307 = arith.constant 0 : i32
      %dma_start3A_308 = tpu.memref_slice %arg9[%dma_start3A_306, %dma_start3A_307] : memref<128x128xf32, #tpu.memory_space<vmem>> -> memref<128x128xf32, #tpu.memory_space<vmem>>
      %dma_start3A_309 = arith.constant 0 : i32
      %dma_start3A_310 = tpu.memref_slice %arg15[%add3A_63, %dma_start3A_309] : memref<10112x128xf32, #tpu.memory_space<vmem_shared>> -> memref<128x128xf32, #tpu.memory_space<vmem_shared>>
      %dma_start3A_311 = arith.constant 0 : i32
      %dma_start3A_312 = tpu.memref_slice %arg15[%add3A_63, %dma_start3A_311] : memref<10112x128xf32, #tpu.memory_space<vmem_shared>> -> memref<128x128xf32, #tpu.memory_space<vmem_shared>>
      %dma_start3A_313 = arith.constant 0 : i32
      %dma_start3A_314 = arith.constant 0 : i32
      %dma_start3A_315 = tpu.memref_slice %arg9[%dma_start3A_313, %dma_start3A_314] : memref<128x128xf32, #tpu.memory_space<vmem>> -> memref<128x128xf32, #tpu.memory_space<vmem>>
      tpu.enqueue_dma source(%dma_start3A_315 : memref<128x128xf32, #tpu.memory_space<vmem>>) target(%dma_start3A_312 : memref<128x128xf32, #tpu.memory_space<vmem_shared>>) target_semaphore(%run_scoped3A : memref<!tpu.dma_semaphore, #tpu.memory_space<semaphore_mem>>)
      %dma_wait3A_316 = arith.constant 0 : i32
      %dma_wait3A_317 = arith.constant 0 : i32
      %dma_wait3A_318 = tpu.memref_slice %arg9[%dma_wait3A_316, %dma_wait3A_317] : memref<128x128xf32, #tpu.memory_space<vmem>> -> memref<128x128xf32, #tpu.memory_space<vmem>>
      %dma_wait3A_319 = arith.constant 0 : i32
      %dma_wait3A_320 = tpu.memref_slice %arg15[%add3A_63, %dma_wait3A_319] : memref<10112x128xf32, #tpu.memory_space<vmem_shared>> -> memref<128x128xf32, #tpu.memory_space<vmem_shared>>
      %dma_wait3A_321 = arith.constant 0 : i32
      %dma_wait3A_322 = tpu.memref_slice %arg15[%add3A_63, %dma_wait3A_321] : memref<10112x128xf32, #tpu.memory_space<vmem_shared>> -> memref<128x128xf32, #tpu.memory_space<vmem_shared>>
      %dma_wait3A_323 = arith.constant 0 : i32
      %dma_wait3A_324 = arith.constant 0 : i32
      %dma_wait3A_325 = tpu.memref_slice %arg9[%dma_wait3A_323, %dma_wait3A_324] : memref<128x128xf32, #tpu.memory_space<vmem>> -> memref<128x128xf32, #tpu.memory_space<vmem>>
      tpu.wait_dma2 semaphore(%run_scoped3A : memref<!tpu.dma_semaphore, #tpu.memory_space<semaphore_mem>>) src(%dma_wait3A_325 : memref<128x128xf32, #tpu.memory_space<vmem>>) dst(%dma_wait3A_322 : memref<128x128xf32, #tpu.memory_space<vmem_shared>>)
      tpu.yield
    }) : () -> ()
    %add3A_64 = arith.constant 384 : i32
    %add3A_65 = arith.addi %mul3A_18, %add3A_64 : i32
    "tpu.region"() ({
      %run_scoped3A = tpu.sem_alloc : memref<!tpu.dma_semaphore, #tpu.memory_space<semaphore_mem>>
      %dma_start3A_306 = arith.constant 0 : i32
      %dma_start3A_307 = arith.constant 0 : i32
      %dma_start3A_308 = tpu.memref_slice %arg9[%dma_start3A_306, %dma_start3A_307] : memref<128x128xf32, #tpu.memory_space<vmem>> -> memref<128x128xf32, #tpu.memory_space<vmem>>
      %dma_start3A_309 = arith.constant 0 : i32
      %dma_start3A_310 = tpu.memref_slice %arg15[%add3A_65, %dma_start3A_309] : memref<10112x128xf32, #tpu.memory_space<vmem_shared>> -> memref<128x128xf32, #tpu.memory_space<vmem_shared>>
      %dma_start3A_311 = arith.constant 0 : i32
      %dma_start3A_312 = tpu.memref_slice %arg15[%add3A_65, %dma_start3A_311] : memref<10112x128xf32, #tpu.memory_space<vmem_shared>> -> memref<128x128xf32, #tpu.memory_space<vmem_shared>>
      %dma_start3A_313 = arith.constant 0 : i32
      %dma_start3A_314 = arith.constant 0 : i32
      %dma_start3A_315 = tpu.memref_slice %arg9[%dma_start3A_313, %dma_start3A_314] : memref<128x128xf32, #tpu.memory_space<vmem>> -> memref<128x128xf32, #tpu.memory_space<vmem>>
      tpu.enqueue_dma source(%dma_start3A_315 : memref<128x128xf32, #tpu.memory_space<vmem>>) target(%dma_start3A_312 : memref<128x128xf32, #tpu.memory_space<vmem_shared>>) target_semaphore(%run_scoped3A : memref<!tpu.dma_semaphore, #tpu.memory_space<semaphore_mem>>)
      %dma_wait3A_316 = arith.constant 0 : i32
      %dma_wait3A_317 = arith.constant 0 : i32
      %dma_wait3A_318 = tpu.memref_slice %arg9[%dma_wait3A_316, %dma_wait3A_317] : memref<128x128xf32, #tpu.memory_space<vmem>> -> memref<128x128xf32, #tpu.memory_space<vmem>>
      %dma_wait3A_319 = arith.constant 0 : i32
      %dma_wait3A_320 = tpu.memref_slice %arg15[%add3A_65, %dma_wait3A_319] : memref<10112x128xf32, #tpu.memory_space<vmem_shared>> -> memref<128x128xf32, #tpu.memory_space<vmem_shared>>
      %dma_wait3A_321 = arith.constant 0 : i32
      %dma_wait3A_322 = tpu.memref_slice %arg15[%add3A_65, %dma_wait3A_321] : memref<10112x128xf32, #tpu.memory_space<vmem_shared>> -> memref<128x128xf32, #tpu.memory_space<vmem_shared>>
      %dma_wait3A_323 = arith.constant 0 : i32
      %dma_wait3A_324 = arith.constant 0 : i32
      %dma_wait3A_325 = tpu.memref_slice %arg9[%dma_wait3A_323, %dma_wait3A_324] : memref<128x128xf32, #tpu.memory_space<vmem>> -> memref<128x128xf32, #tpu.memory_space<vmem>>
      tpu.wait_dma2 semaphore(%run_scoped3A : memref<!tpu.dma_semaphore, #tpu.memory_space<semaphore_mem>>) src(%dma_wait3A_325 : memref<128x128xf32, #tpu.memory_space<vmem>>) dst(%dma_wait3A_322 : memref<128x128xf32, #tpu.memory_space<vmem_shared>>)
      tpu.yield
    }) : () -> ()
    %add3A_66 = arith.constant 512 : i32
    %add3A_67 = arith.addi %mul3A_18, %add3A_66 : i32
    "tpu.region"() ({
      %run_scoped3A = tpu.sem_alloc : memref<!tpu.dma_semaphore, #tpu.memory_space<semaphore_mem>>
      %dma_start3A_306 = arith.constant 0 : i32
      %dma_start3A_307 = arith.constant 0 : i32
      %dma_start3A_308 = tpu.memref_slice %arg9[%dma_start3A_306, %dma_start3A_307] : memref<128x128xf32, #tpu.memory_space<vmem>> -> memref<120x128xf32, #tpu.memory_space<vmem>>
      %dma_start3A_309 = arith.constant 0 : i32
      %dma_start3A_310 = tpu.memref_slice %arg15[%add3A_67, %dma_start3A_309] : memref<10112x128xf32, #tpu.memory_space<vmem_shared>> -> memref<120x128xf32, #tpu.memory_space<vmem_shared>>
      %dma_start3A_311 = arith.constant 0 : i32
      %dma_start3A_312 = tpu.memref_slice %arg15[%add3A_67, %dma_start3A_311] : memref<10112x128xf32, #tpu.memory_space<vmem_shared>> -> memref<120x128xf32, #tpu.memory_space<vmem_shared>>
      %dma_start3A_313 = arith.constant 0 : i32
      %dma_start3A_314 = arith.constant 0 : i32
      %dma_start3A_315 = tpu.memref_slice %arg9[%dma_start3A_313, %dma_start3A_314] : memref<128x128xf32, #tpu.memory_space<vmem>> -> memref<120x128xf32, #tpu.memory_space<vmem>>
      tpu.enqueue_dma source(%dma_start3A_315 : memref<120x128xf32, #tpu.memory_space<vmem>>) target(%dma_start3A_312 : memref<120x128xf32, #tpu.memory_space<vmem_shared>>) target_semaphore(%run_scoped3A : memref<!tpu.dma_semaphore, #tpu.memory_space<semaphore_mem>>)
      %dma_wait3A_316 = arith.constant 0 : i32
      %dma_wait3A_317 = arith.constant 0 : i32
      %dma_wait3A_318 = tpu.memref_slice %arg9[%dma_wait3A_316, %dma_wait3A_317] : memref<128x128xf32, #tpu.memory_space<vmem>> -> memref<120x128xf32, #tpu.memory_space<vmem>>
      %dma_wait3A_319 = arith.constant 0 : i32
      %dma_wait3A_320 = tpu.memref_slice %arg15[%add3A_67, %dma_wait3A_319] : memref<10112x128xf32, #tpu.memory_space<vmem_shared>> -> memref<120x128xf32, #tpu.memory_space<vmem_shared>>
      %dma_wait3A_321 = arith.constant 0 : i32
      %dma_wait3A_322 = tpu.memref_slice %arg15[%add3A_67, %dma_wait3A_321] : memref<10112x128xf32, #tpu.memory_space<vmem_shared>> -> memref<120x128xf32, #tpu.memory_space<vmem_shared>>
      %dma_wait3A_323 = arith.constant 0 : i32
      %dma_wait3A_324 = arith.constant 0 : i32
      %dma_wait3A_325 = tpu.memref_slice %arg9[%dma_wait3A_323, %dma_wait3A_324] : memref<128x128xf32, #tpu.memory_space<vmem>> -> memref<120x128xf32, #tpu.memory_space<vmem>>
      tpu.wait_dma2 semaphore(%run_scoped3A : memref<!tpu.dma_semaphore, #tpu.memory_space<semaphore_mem>>) src(%dma_wait3A_325 : memref<120x128xf32, #tpu.memory_space<vmem>>) dst(%dma_wait3A_322 : memref<120x128xf32, #tpu.memory_space<vmem_shared>>)
      tpu.yield
    }) : () -> ()
    %barrier3A_68 = arith.constant 0 : index
    tpu.barrier barrier_id(%barrier3A_68)
    "tpu.region"() ({
      %run_scoped3A = tpu.sem_alloc : memref<!tpu.dma_semaphore, #tpu.memory_space<semaphore_mem>>
      %dma_start3A_306 = arith.constant 0 : i32
      %dma_start3A_307 = arith.constant 0 : i32
      %dma_start3A_308 = tpu.memref_slice %arg3[%add3A, %dma_start3A_306, %dma_start3A_307] : memref<32x80x128xi32, #tpu.memory_space<hbm>> -> memref<1x40x128xi32, #tpu.memory_space<hbm>>
      %dma_start3A_309 = tpu.memref_squeeze %dma_start3A_308 : memref<1x40x128xi32, #tpu.memory_space<hbm>> -> memref<40x128xi32, #tpu.memory_space<hbm>>
      %dma_start3A_310 = arith.constant 0 : i32
      %dma_start3A_311 = arith.constant 0 : i32
      %dma_start3A_312 = tpu.memref_slice %arg3[%add3A, %dma_start3A_310, %dma_start3A_311] : memref<32x80x128xi32, #tpu.memory_space<hbm>> -> memref<1x40x128xi32, #tpu.memory_space<hbm>>
      %dma_start3A_313 = tpu.memref_squeeze %dma_start3A_312 : memref<1x40x128xi32, #tpu.memory_space<hbm>> -> memref<40x128xi32, #tpu.memory_space<hbm>>
      tpu.enqueue_dma source(%dma_start3A_313 : memref<40x128xi32, #tpu.memory_space<hbm>>) target(%arg7 : memref<40x128xi32, #tpu.memory_space<vmem>>) target_semaphore(%run_scoped3A : memref<!tpu.dma_semaphore, #tpu.memory_space<semaphore_mem>>)
      %dma_wait3A_314 = arith.constant 0 : i32
      %dma_wait3A_315 = arith.constant 0 : i32
      %dma_wait3A_316 = tpu.memref_slice %arg3[%add3A, %dma_wait3A_314, %dma_wait3A_315] : memref<32x80x128xi32, #tpu.memory_space<hbm>> -> memref<1x40x128xi32, #tpu.memory_space<hbm>>
      %dma_wait3A_317 = tpu.memref_squeeze %dma_wait3A_316 : memref<1x40x128xi32, #tpu.memory_space<hbm>> -> memref<40x128xi32, #tpu.memory_space<hbm>>
      %dma_wait3A_318 = arith.constant 0 : i32
      %dma_wait3A_319 = arith.constant 0 : i32
      %dma_wait3A_320 = tpu.memref_slice %arg3[%add3A, %dma_wait3A_318, %dma_wait3A_319] : memref<32x80x128xi32, #tpu.memory_space<hbm>> -> memref<1x40x128xi32, #tpu.memory_space<hbm>>
      %dma_wait3A_321 = tpu.memref_squeeze %dma_wait3A_320 : memref<1x40x128xi32, #tpu.memory_space<hbm>> -> memref<40x128xi32, #tpu.memory_space<hbm>>
      tpu.wait_dma2 semaphore(%run_scoped3A : memref<!tpu.dma_semaphore, #tpu.memory_space<semaphore_mem>>) src(%dma_wait3A_321 : memref<40x128xi32, #tpu.memory_space<hbm>>) dst(%arg7 : memref<40x128xi32, #tpu.memory_space<vmem>>)
      tpu.yield
    }) : () -> ()
    "tpu.region"() ({
      %run_scoped3A = tpu.sem_alloc : memref<!tpu.dma_semaphore, #tpu.memory_space<semaphore_mem>>
      %dma_start3A_306 = arith.constant 0 : i32
      %dma_start3A_307 = arith.constant 0 : i32
      %dma_start3A_308 = tpu.memref_slice %arg4[%add3A, %dma_start3A_306, %dma_start3A_307] : memref<32x80x128xi32, #tpu.memory_space<hbm>> -> memref<1x40x128xi32, #tpu.memory_space<hbm>>
      %dma_start3A_309 = tpu.memref_squeeze %dma_start3A_308 : memref<1x40x128xi32, #tpu.memory_space<hbm>> -> memref<40x128xi32, #tpu.memory_space<hbm>>
      %dma_start3A_310 = arith.constant 0 : i32
      %dma_start3A_311 = arith.constant 0 : i32
      %dma_start3A_312 = tpu.memref_slice %arg4[%add3A, %dma_start3A_310, %dma_start3A_311] : memref<32x80x128xi32, #tpu.memory_space<hbm>> -> memref<1x40x128xi32, #tpu.memory_space<hbm>>
      %dma_start3A_313 = tpu.memref_squeeze %dma_start3A_312 : memref<1x40x128xi32, #tpu.memory_space<hbm>> -> memref<40x128xi32, #tpu.memory_space<hbm>>
      tpu.enqueue_dma source(%dma_start3A_313 : memref<40x128xi32, #tpu.memory_space<hbm>>) target(%arg8 : memref<40x128xi32, #tpu.memory_space<vmem>>) target_semaphore(%run_scoped3A : memref<!tpu.dma_semaphore, #tpu.memory_space<semaphore_mem>>)
      %dma_wait3A_314 = arith.constant 0 : i32
      %dma_wait3A_315 = arith.constant 0 : i32
      %dma_wait3A_316 = tpu.memref_slice %arg4[%add3A, %dma_wait3A_314, %dma_wait3A_315] : memref<32x80x128xi32, #tpu.memory_space<hbm>> -> memref<1x40x128xi32, #tpu.memory_space<hbm>>
      %dma_wait3A_317 = tpu.memref_squeeze %dma_wait3A_316 : memref<1x40x128xi32, #tpu.memory_space<hbm>> -> memref<40x128xi32, #tpu.memory_space<hbm>>
      %dma_wait3A_318 = arith.constant 0 : i32
      %dma_wait3A_319 = arith.constant 0 : i32
      %dma_wait3A_320 = tpu.memref_slice %arg4[%add3A, %dma_wait3A_318, %dma_wait3A_319] : memref<32x80x128xi32, #tpu.memory_space<hbm>> -> memref<1x40x128xi32, #tpu.memory_space<hbm>>
      %dma_wait3A_321 = tpu.memref_squeeze %dma_wait3A_320 : memref<1x40x128xi32, #tpu.memory_space<hbm>> -> memref<40x128xi32, #tpu.memory_space<hbm>>
      tpu.wait_dma2 semaphore(%run_scoped3A : memref<!tpu.dma_semaphore, #tpu.memory_space<semaphore_mem>>) src(%dma_wait3A_321 : memref<40x128xi32, #tpu.memory_space<hbm>>) dst(%arg8 : memref<40x128xi32, #tpu.memory_space<vmem>>)
      tpu.yield
    }) : () -> ()
    %dma_start3A = arith.constant 0 : i32
    %dma_start3A_69 = arith.constant 0 : i32
    %dma_start3A_70 = tpu.memref_slice %arg7[%dma_start3A, %dma_start3A_69] : memref<40x128xi32, #tpu.memory_space<vmem>> -> memref<1x128xi32, #tpu.memory_space<vmem>>
    %dma_start3A_71 = tpu.memref_squeeze %dma_start3A_70 : memref<1x128xi32, #tpu.memory_space<vmem>> -> memref<128xi32, #tpu.memory_space<vmem>>
    %dma_start3A_72 = arith.constant 0 : i32
    %dma_start3A_73 = arith.constant 0 : i32
    %dma_start3A_74 = tpu.memref_slice %arg2[%dma_start3A_72, %dma_start3A_73] : memref<10112x128xf32, #tpu.memory_space<hbm>> -> memref<10112x128xf32, #tpu.memory_space<hbm>>
    tpu.enqueue_indirect_dma source(%dma_start3A_74 : memref<10112x128xf32, #tpu.memory_space<hbm>>) target(%arg9 : memref<128x128xf32, #tpu.memory_space<vmem>>) offsets(%dma_start3A_71 : memref<128xi32, #tpu.memory_space<vmem>>) semaphore(%arg11 : memref<!tpu.dma_semaphore, #tpu.memory_space<semaphore_mem>>)
    %dma_wait3A = arith.constant 0 : i32
    %dma_wait3A_75 = arith.constant 0 : i32
    %dma_wait3A_76 = tpu.memref_slice %arg7[%dma_wait3A, %dma_wait3A_75] : memref<40x128xi32, #tpu.memory_space<vmem>> -> memref<1x128xi32, #tpu.memory_space<vmem>>
    %dma_wait3A_77 = tpu.memref_squeeze %dma_wait3A_76 : memref<1x128xi32, #tpu.memory_space<vmem>> -> memref<128xi32, #tpu.memory_space<vmem>>
    %dma_wait3A_78 = arith.constant 0 : i32
    %dma_wait3A_79 = arith.constant 0 : i32
    %dma_wait3A_80 = tpu.memref_slice %arg2[%dma_wait3A_78, %dma_wait3A_79] : memref<10112x128xf32, #tpu.memory_space<hbm>> -> memref<10112x128xf32, #tpu.memory_space<hbm>>
    tpu.wait_indirect_dma semaphore(%arg11 : memref<!tpu.dma_semaphore, #tpu.memory_space<semaphore_mem>>) src(%dma_wait3A_80 : memref<10112x128xf32, #tpu.memory_space<hbm>>) dst(%arg9 : memref<128x128xf32, #tpu.memory_space<vmem>>)
    %dma_start3A_81 = arith.constant 0 : i32
    %dma_start3A_82 = arith.constant 0 : i32
    %dma_start3A_83 = tpu.memref_slice %arg8[%dma_start3A_81, %dma_start3A_82] : memref<40x128xi32, #tpu.memory_space<vmem>> -> memref<1x128xi32, #tpu.memory_space<vmem>>
    %dma_start3A_84 = tpu.memref_squeeze %dma_start3A_83 : memref<1x128xi32, #tpu.memory_space<vmem>> -> memref<128xi32, #tpu.memory_space<vmem>>
    %dma_start3A_85 = arith.constant 0 : i32
    %dma_start3A_86 = arith.constant 0 : i32
    %dma_start3A_87 = tpu.memref_slice %arg15[%dma_start3A_85, %dma_start3A_86] : memref<10112x128xf32, #tpu.memory_space<vmem_shared>> -> memref<10112x128xf32, #tpu.memory_space<vmem_shared>>
    tpu.enqueue_indirect_dma source(%arg9 : memref<128x128xf32, #tpu.memory_space<vmem>>) target(%dma_start3A_87 : memref<10112x128xf32, #tpu.memory_space<vmem_shared>>) offsets(%dma_start3A_84 : memref<128xi32, #tpu.memory_space<vmem>>) semaphore(%arg13 : memref<!tpu.dma_semaphore, #tpu.memory_space<semaphore_mem>>) {add = true}
    %dma_start3A_88 = arith.constant 1 : i32
    %dma_start3A_89 = arith.constant 0 : i32
    %dma_start3A_90 = tpu.memref_slice %arg7[%dma_start3A_88, %dma_start3A_89] : memref<40x128xi32, #tpu.memory_space<vmem>> -> memref<1x128xi32, #tpu.memory_space<vmem>>
    %dma_start3A_91 = tpu.memref_squeeze %dma_start3A_90 : memref<1x128xi32, #tpu.memory_space<vmem>> -> memref<128xi32, #tpu.memory_space<vmem>>
    %dma_start3A_92 = arith.constant 0 : i32
    %dma_start3A_93 = arith.constant 0 : i32
    %dma_start3A_94 = tpu.memref_slice %arg2[%dma_start3A_92, %dma_start3A_93] : memref<10112x128xf32, #tpu.memory_space<hbm>> -> memref<10112x128xf32, #tpu.memory_space<hbm>>
    tpu.enqueue_indirect_dma source(%dma_start3A_94 : memref<10112x128xf32, #tpu.memory_space<hbm>>) target(%arg10 : memref<128x128xf32, #tpu.memory_space<vmem>>) offsets(%dma_start3A_91 : memref<128xi32, #tpu.memory_space<vmem>>) semaphore(%arg12 : memref<!tpu.dma_semaphore, #tpu.memory_space<semaphore_mem>>)
    %dma_wait3A_95 = arith.constant 1 : i32
    %dma_wait3A_96 = arith.constant 0 : i32
    %dma_wait3A_97 = tpu.memref_slice %arg7[%dma_wait3A_95, %dma_wait3A_96] : memref<40x128xi32, #tpu.memory_space<vmem>> -> memref<1x128xi32, #tpu.memory_space<vmem>>
    %dma_wait3A_98 = tpu.memref_squeeze %dma_wait3A_97 : memref<1x128xi32, #tpu.memory_space<vmem>> -> memref<128xi32, #tpu.memory_space<vmem>>
    %dma_wait3A_99 = arith.constant 0 : i32
    %dma_wait3A_100 = arith.constant 0 : i32
    %dma_wait3A_101 = tpu.memref_slice %arg2[%dma_wait3A_99, %dma_wait3A_100] : memref<10112x128xf32, #tpu.memory_space<hbm>> -> memref<10112x128xf32, #tpu.memory_space<hbm>>
    tpu.wait_indirect_dma semaphore(%arg12 : memref<!tpu.dma_semaphore, #tpu.memory_space<semaphore_mem>>) src(%dma_wait3A_101 : memref<10112x128xf32, #tpu.memory_space<hbm>>) dst(%arg10 : memref<128x128xf32, #tpu.memory_space<vmem>>)
    %dma_start3A_102 = arith.constant 1 : i32
    %dma_start3A_103 = arith.constant 0 : i32
    %dma_start3A_104 = tpu.memref_slice %arg8[%dma_start3A_102, %dma_start3A_103] : memref<40x128xi32, #tpu.memory_space<vmem>> -> memref<1x128xi32, #tpu.memory_space<vmem>>
    %dma_start3A_105 = tpu.memref_squeeze %dma_start3A_104 : memref<1x128xi32, #tpu.memory_space<vmem>> -> memref<128xi32, #tpu.memory_space<vmem>>
    %dma_start3A_106 = arith.constant 0 : i32
    %dma_start3A_107 = arith.constant 0 : i32
    %dma_start3A_108 = tpu.memref_slice %arg15[%dma_start3A_106, %dma_start3A_107] : memref<10112x128xf32, #tpu.memory_space<vmem_shared>> -> memref<10112x128xf32, #tpu.memory_space<vmem_shared>>
    tpu.enqueue_indirect_dma source(%arg10 : memref<128x128xf32, #tpu.memory_space<vmem>>) target(%dma_start3A_108 : memref<10112x128xf32, #tpu.memory_space<vmem_shared>>) offsets(%dma_start3A_105 : memref<128xi32, #tpu.memory_space<vmem>>) semaphore(%arg14 : memref<!tpu.dma_semaphore, #tpu.memory_space<semaphore_mem>>) {add = true}
    %dma_wait3A_109 = arith.constant 0 : i32
    %dma_wait3A_110 = arith.constant 0 : i32
    %dma_wait3A_111 = tpu.memref_slice %arg8[%dma_wait3A_109, %dma_wait3A_110] : memref<40x128xi32, #tpu.memory_space<vmem>> -> memref<1x128xi32, #tpu.memory_space<vmem>>
    %dma_wait3A_112 = tpu.memref_squeeze %dma_wait3A_111 : memref<1x128xi32, #tpu.memory_space<vmem>> -> memref<128xi32, #tpu.memory_space<vmem>>
    %dma_wait3A_113 = arith.constant 0 : i32
    %dma_wait3A_114 = arith.constant 0 : i32
    %dma_wait3A_115 = tpu.memref_slice %arg15[%dma_wait3A_113, %dma_wait3A_114] : memref<10112x128xf32, #tpu.memory_space<vmem_shared>> -> memref<10112x128xf32, #tpu.memory_space<vmem_shared>>
    tpu.wait_indirect_dma semaphore(%arg13 : memref<!tpu.dma_semaphore, #tpu.memory_space<semaphore_mem>>) src(%arg9 : memref<128x128xf32, #tpu.memory_space<vmem>>) dst(%dma_wait3A_115 : memref<10112x128xf32, #tpu.memory_space<vmem_shared>>)
    %dma_start3A_116 = arith.constant 2 : i32
    %dma_start3A_117 = arith.constant 0 : i32
    %dma_start3A_118 = tpu.memref_slice %arg7[%dma_start3A_116, %dma_start3A_117] : memref<40x128xi32, #tpu.memory_space<vmem>> -> memref<1x128xi32, #tpu.memory_space<vmem>>
    %dma_start3A_119 = tpu.memref_squeeze %dma_start3A_118 : memref<1x128xi32, #tpu.memory_space<vmem>> -> memref<128xi32, #tpu.memory_space<vmem>>
    %dma_start3A_120 = arith.constant 0 : i32
    %dma_start3A_121 = arith.constant 0 : i32
    %dma_start3A_122 = tpu.memref_slice %arg2[%dma_start3A_120, %dma_start3A_121] : memref<10112x128xf32, #tpu.memory_space<hbm>> -> memref<10112x128xf32, #tpu.memory_space<hbm>>
    tpu.enqueue_indirect_dma source(%dma_start3A_122 : memref<10112x128xf32, #tpu.memory_space<hbm>>) target(%arg9 : memref<128x128xf32, #tpu.memory_space<vmem>>) offsets(%dma_start3A_119 : memref<128xi32, #tpu.memory_space<vmem>>) semaphore(%arg11 : memref<!tpu.dma_semaphore, #tpu.memory_space<semaphore_mem>>)
    %scan3A_123 = arith.constant 0 : i32
    %scan3A_124 = arith.constant 1 : i32
    %scan3A_125 = arith.constant 18 : i32
    %scan3A_126 = arith.addi %scan3A_124, %scan3A_125 : i32
    %scan3A_127 = arith.constant 1 : i32
    %scan3A_128 = scf.for %scan3A_306 = %scan3A_124 to %scan3A_126 step %scan3A_127 iter_args(%scan3A_307 = %scan3A_123) -> (i32)  : i32 {
      %mul3A_308 = arith.constant 2 : i32
      %mul3A_309 = arith.muli %mul3A_308, %scan3A_306 : i32
      %dma_wait3A_310 = arith.constant 0 : i32
      %dma_wait3A_311 = tpu.memref_slice %arg7[%mul3A_309, %dma_wait3A_310] : memref<40x128xi32, #tpu.memory_space<vmem>> -> memref<1x128xi32, #tpu.memory_space<vmem>>
      %dma_wait3A_312 = tpu.memref_squeeze %dma_wait3A_311 : memref<1x128xi32, #tpu.memory_space<vmem>> -> memref<128xi32, #tpu.memory_space<vmem>>
      %dma_wait3A_313 = arith.constant 0 : i32
      %dma_wait3A_314 = arith.constant 0 : i32
      %dma_wait3A_315 = tpu.memref_slice %arg2[%dma_wait3A_313, %dma_wait3A_314] : memref<10112x128xf32, #tpu.memory_space<hbm>> -> memref<10112x128xf32, #tpu.memory_space<hbm>>
      tpu.wait_indirect_dma semaphore(%arg11 : memref<!tpu.dma_semaphore, #tpu.memory_space<semaphore_mem>>) src(%dma_wait3A_315 : memref<10112x128xf32, #tpu.memory_space<hbm>>) dst(%arg9 : memref<128x128xf32, #tpu.memory_space<vmem>>)
      %dma_start3A_316 = arith.constant 0 : i32
      %dma_start3A_317 = tpu.memref_slice %arg8[%mul3A_309, %dma_start3A_316] : memref<40x128xi32, #tpu.memory_space<vmem>> -> memref<1x128xi32, #tpu.memory_space<vmem>>
      %dma_start3A_318 = tpu.memref_squeeze %dma_start3A_317 : memref<1x128xi32, #tpu.memory_space<vmem>> -> memref<128xi32, #tpu.memory_space<vmem>>
      %dma_start3A_319 = arith.constant 0 : i32
      %dma_start3A_320 = arith.constant 0 : i32
      %dma_start3A_321 = tpu.memref_slice %arg15[%dma_start3A_319, %dma_start3A_320] : memref<10112x128xf32, #tpu.memory_space<vmem_shared>> -> memref<10112x128xf32, #tpu.memory_space<vmem_shared>>
      tpu.enqueue_indirect_dma source(%arg9 : memref<128x128xf32, #tpu.memory_space<vmem>>) target(%dma_start3A_321 : memref<10112x128xf32, #tpu.memory_space<vmem_shared>>) offsets(%dma_start3A_318 : memref<128xi32, #tpu.memory_space<vmem>>) semaphore(%arg13 : memref<!tpu.dma_semaphore, #tpu.memory_space<semaphore_mem>>) {add = true}
      %sub3A = arith.constant 1 : i32
      %sub3A_322 = arith.subi %mul3A_309, %sub3A : i32
      %dma_wait3A_323 = arith.constant 0 : i32
      %dma_wait3A_324 = tpu.memref_slice %arg8[%sub3A_322, %dma_wait3A_323] : memref<40x128xi32, #tpu.memory_space<vmem>> -> memref<1x128xi32, #tpu.memory_space<vmem>>
      %dma_wait3A_325 = tpu.memref_squeeze %dma_wait3A_324 : memref<1x128xi32, #tpu.memory_space<vmem>> -> memref<128xi32, #tpu.memory_space<vmem>>
      %dma_wait3A_326 = arith.constant 0 : i32
      %dma_wait3A_327 = arith.constant 0 : i32
      %dma_wait3A_328 = tpu.memref_slice %arg15[%dma_wait3A_326, %dma_wait3A_327] : memref<10112x128xf32, #tpu.memory_space<vmem_shared>> -> memref<10112x128xf32, #tpu.memory_space<vmem_shared>>
      tpu.wait_indirect_dma semaphore(%arg14 : memref<!tpu.dma_semaphore, #tpu.memory_space<semaphore_mem>>) src(%arg10 : memref<128x128xf32, #tpu.memory_space<vmem>>) dst(%dma_wait3A_328 : memref<10112x128xf32, #tpu.memory_space<vmem_shared>>)
      %add3A_329 = arith.constant 1 : i32
      %add3A_330 = arith.addi %mul3A_309, %add3A_329 : i32
      %dma_start3A_331 = arith.constant 0 : i32
      %dma_start3A_332 = tpu.memref_slice %arg7[%add3A_330, %dma_start3A_331] : memref<40x128xi32, #tpu.memory_space<vmem>> -> memref<1x128xi32, #tpu.memory_space<vmem>>
      %dma_start3A_333 = tpu.memref_squeeze %dma_start3A_332 : memref<1x128xi32, #tpu.memory_space<vmem>> -> memref<128xi32, #tpu.memory_space<vmem>>
      %dma_start3A_334 = arith.constant 0 : i32
      %dma_start3A_335 = arith.constant 0 : i32
      %dma_start3A_336 = tpu.memref_slice %arg2[%dma_start3A_334, %dma_start3A_335] : memref<10112x128xf32, #tpu.memory_space<hbm>> -> memref<10112x128xf32, #tpu.memory_space<hbm>>
      tpu.enqueue_indirect_dma source(%dma_start3A_336 : memref<10112x128xf32, #tpu.memory_space<hbm>>) target(%arg10 : memref<128x128xf32, #tpu.memory_space<vmem>>) offsets(%dma_start3A_333 : memref<128xi32, #tpu.memory_space<vmem>>) semaphore(%arg12 : memref<!tpu.dma_semaphore, #tpu.memory_space<semaphore_mem>>)
      %add3A_337 = arith.constant 1 : i32
      %add3A_338 = arith.addi %mul3A_309, %add3A_337 : i32
      %dma_wait3A_339 = arith.constant 0 : i32
      %dma_wait3A_340 = tpu.memref_slice %arg7[%add3A_338, %dma_wait3A_339] : memref<40x128xi32, #tpu.memory_space<vmem>> -> memref<1x128xi32, #tpu.memory_space<vmem>>
      %dma_wait3A_341 = tpu.memref_squeeze %dma_wait3A_340 : memref<1x128xi32, #tpu.memory_space<vmem>> -> memref<128xi32, #tpu.memory_space<vmem>>
      %dma_wait3A_342 = arith.constant 0 : i32
      %dma_wait3A_343 = arith.constant 0 : i32
      %dma_wait3A_344 = tpu.memref_slice %arg2[%dma_wait3A_342, %dma_wait3A_343] : memref<10112x128xf32, #tpu.memory_space<hbm>> -> memref<10112x128xf32, #tpu.memory_space<hbm>>
      tpu.wait_indirect_dma semaphore(%arg12 : memref<!tpu.dma_semaphore, #tpu.memory_space<semaphore_mem>>) src(%dma_wait3A_344 : memref<10112x128xf32, #tpu.memory_space<hbm>>) dst(%arg10 : memref<128x128xf32, #tpu.memory_space<vmem>>)
      %add3A_345 = arith.constant 1 : i32
      %add3A_346 = arith.addi %mul3A_309, %add3A_345 : i32
      %dma_start3A_347 = arith.constant 0 : i32
      %dma_start3A_348 = tpu.memref_slice %arg8[%add3A_346, %dma_start3A_347] : memref<40x128xi32, #tpu.memory_space<vmem>> -> memref<1x128xi32, #tpu.memory_space<vmem>>
      %dma_start3A_349 = tpu.memref_squeeze %dma_start3A_348 : memref<1x128xi32, #tpu.memory_space<vmem>> -> memref<128xi32, #tpu.memory_space<vmem>>
      %dma_start3A_350 = arith.constant 0 : i32
      %dma_start3A_351 = arith.constant 0 : i32
      %dma_start3A_352 = tpu.memref_slice %arg15[%dma_start3A_350, %dma_start3A_351] : memref<10112x128xf32, #tpu.memory_space<vmem_shared>> -> memref<10112x128xf32, #tpu.memory_space<vmem_shared>>
      tpu.enqueue_indirect_dma source(%arg10 : memref<128x128xf32, #tpu.memory_space<vmem>>) target(%dma_start3A_352 : memref<10112x128xf32, #tpu.memory_space<vmem_shared>>) offsets(%dma_start3A_349 : memref<128xi32, #tpu.memory_space<vmem>>) semaphore(%arg14 : memref<!tpu.dma_semaphore, #tpu.memory_space<semaphore_mem>>) {add = true}
      %dma_wait3A_353 = arith.constant 0 : i32
      %dma_wait3A_354 = tpu.memref_slice %arg8[%mul3A_309, %dma_wait3A_353] : memref<40x128xi32, #tpu.memory_space<vmem>> -> memref<1x128xi32, #tpu.memory_space<vmem>>
      %dma_wait3A_355 = tpu.memref_squeeze %dma_wait3A_354 : memref<1x128xi32, #tpu.memory_space<vmem>> -> memref<128xi32, #tpu.memory_space<vmem>>
      %dma_wait3A_356 = arith.constant 0 : i32
      %dma_wait3A_357 = arith.constant 0 : i32
      %dma_wait3A_358 = tpu.memref_slice %arg15[%dma_wait3A_356, %dma_wait3A_357] : memref<10112x128xf32, #tpu.memory_space<vmem_shared>> -> memref<10112x128xf32, #tpu.memory_space<vmem_shared>>
      tpu.wait_indirect_dma semaphore(%arg13 : memref<!tpu.dma_semaphore, #tpu.memory_space<semaphore_mem>>) src(%arg9 : memref<128x128xf32, #tpu.memory_space<vmem>>) dst(%dma_wait3A_358 : memref<10112x128xf32, #tpu.memory_space<vmem_shared>>)
      %add3A_359 = arith.constant 2 : i32
      %add3A_360 = arith.addi %mul3A_309, %add3A_359 : i32
      %dma_start3A_361 = arith.constant 0 : i32
      %dma_start3A_362 = tpu.memref_slice %arg7[%add3A_360, %dma_start3A_361] : memref<40x128xi32, #tpu.memory_space<vmem>> -> memref<1x128xi32, #tpu.memory_space<vmem>>
      %dma_start3A_363 = tpu.memref_squeeze %dma_start3A_362 : memref<1x128xi32, #tpu.memory_space<vmem>> -> memref<128xi32, #tpu.memory_space<vmem>>
      %dma_start3A_364 = arith.constant 0 : i32
      %dma_start3A_365 = arith.constant 0 : i32
      %dma_start3A_366 = tpu.memref_slice %arg2[%dma_start3A_364, %dma_start3A_365] : memref<10112x128xf32, #tpu.memory_space<hbm>> -> memref<10112x128xf32, #tpu.memory_space<hbm>>
      tpu.enqueue_indirect_dma source(%dma_start3A_366 : memref<10112x128xf32, #tpu.memory_space<hbm>>) target(%arg9 : memref<128x128xf32, #tpu.memory_space<vmem>>) offsets(%dma_start3A_363 : memref<128xi32, #tpu.memory_space<vmem>>) semaphore(%arg11 : memref<!tpu.dma_semaphore, #tpu.memory_space<semaphore_mem>>)
      %scan3A_367 = arith.constant 0 : i32
      scf.yield %scan3A_367 : i32
    }
    %scan3A_129 = arith.constant 18 : i32
    %dma_wait3A_130 = arith.constant 38 : i32
    %dma_wait3A_131 = arith.constant 0 : i32
    %dma_wait3A_132 = tpu.memref_slice %arg7[%dma_wait3A_130, %dma_wait3A_131] : memref<40x128xi32, #tpu.memory_space<vmem>> -> memref<1x128xi32, #tpu.memory_space<vmem>>
    %dma_wait3A_133 = tpu.memref_squeeze %dma_wait3A_132 : memref<1x128xi32, #tpu.memory_space<vmem>> -> memref<128xi32, #tpu.memory_space<vmem>>
    %dma_wait3A_134 = arith.constant 0 : i32
    %dma_wait3A_135 = arith.constant 0 : i32
    %dma_wait3A_136 = tpu.memref_slice %arg2[%dma_wait3A_134, %dma_wait3A_135] : memref<10112x128xf32, #tpu.memory_space<hbm>> -> memref<10112x128xf32, #tpu.memory_space<hbm>>
    tpu.wait_indirect_dma semaphore(%arg11 : memref<!tpu.dma_semaphore, #tpu.memory_space<semaphore_mem>>) src(%dma_wait3A_136 : memref<10112x128xf32, #tpu.memory_space<hbm>>) dst(%arg9 : memref<128x128xf32, #tpu.memory_space<vmem>>)
    %dma_start3A_137 = arith.constant 38 : i32
    %dma_start3A_138 = arith.constant 0 : i32
    %dma_start3A_139 = tpu.memref_slice %arg8[%dma_start3A_137, %dma_start3A_138] : memref<40x128xi32, #tpu.memory_space<vmem>> -> memref<1x128xi32, #tpu.memory_space<vmem>>
    %dma_start3A_140 = tpu.memref_squeeze %dma_start3A_139 : memref<1x128xi32, #tpu.memory_space<vmem>> -> memref<128xi32, #tpu.memory_space<vmem>>
    %dma_start3A_141 = arith.constant 0 : i32
    %dma_start3A_142 = arith.constant 0 : i32
    %dma_start3A_143 = tpu.memref_slice %arg15[%dma_start3A_141, %dma_start3A_142] : memref<10112x128xf32, #tpu.memory_space<vmem_shared>> -> memref<10112x128xf32, #tpu.memory_space<vmem_shared>>
    tpu.enqueue_indirect_dma source(%arg9 : memref<128x128xf32, #tpu.memory_space<vmem>>) target(%dma_start3A_143 : memref<10112x128xf32, #tpu.memory_space<vmem_shared>>) offsets(%dma_start3A_140 : memref<128xi32, #tpu.memory_space<vmem>>) semaphore(%arg13 : memref<!tpu.dma_semaphore, #tpu.memory_space<semaphore_mem>>) {add = true}
    %dma_wait3A_144 = arith.constant 37 : i32
    %dma_wait3A_145 = arith.constant 0 : i32
    %dma_wait3A_146 = tpu.memref_slice %arg8[%dma_wait3A_144, %dma_wait3A_145] : memref<40x128xi32, #tpu.memory_space<vmem>> -> memref<1x128xi32, #tpu.memory_space<vmem>>
    %dma_wait3A_147 = tpu.memref_squeeze %dma_wait3A_146 : memref<1x128xi32, #tpu.memory_space<vmem>> -> memref<128xi32, #tpu.memory_space<vmem>>
    %dma_wait3A_148 = arith.constant 0 : i32
    %dma_wait3A_149 = arith.constant 0 : i32
    %dma_wait3A_150 = tpu.memref_slice %arg15[%dma_wait3A_148, %dma_wait3A_149] : memref<10112x128xf32, #tpu.memory_space<vmem_shared>> -> memref<10112x128xf32, #tpu.memory_space<vmem_shared>>
    tpu.wait_indirect_dma semaphore(%arg14 : memref<!tpu.dma_semaphore, #tpu.memory_space<semaphore_mem>>) src(%arg10 : memref<128x128xf32, #tpu.memory_space<vmem>>) dst(%dma_wait3A_150 : memref<10112x128xf32, #tpu.memory_space<vmem_shared>>)
    %dma_start3A_151 = arith.constant 39 : i32
    %dma_start3A_152 = arith.constant 0 : i32
    %dma_start3A_153 = tpu.memref_slice %arg7[%dma_start3A_151, %dma_start3A_152] : memref<40x128xi32, #tpu.memory_space<vmem>> -> memref<1x128xi32, #tpu.memory_space<vmem>>
    %dma_start3A_154 = tpu.memref_squeeze %dma_start3A_153 : memref<1x128xi32, #tpu.memory_space<vmem>> -> memref<128xi32, #tpu.memory_space<vmem>>
    %dma_start3A_155 = arith.constant 0 : i32
    %dma_start3A_156 = arith.constant 0 : i32
    %dma_start3A_157 = tpu.memref_slice %arg2[%dma_start3A_155, %dma_start3A_156] : memref<10112x128xf32, #tpu.memory_space<hbm>> -> memref<10112x128xf32, #tpu.memory_space<hbm>>
    tpu.enqueue_indirect_dma source(%dma_start3A_157 : memref<10112x128xf32, #tpu.memory_space<hbm>>) target(%arg10 : memref<128x128xf32, #tpu.memory_space<vmem>>) offsets(%dma_start3A_154 : memref<128xi32, #tpu.memory_space<vmem>>) semaphore(%arg12 : memref<!tpu.dma_semaphore, #tpu.memory_space<semaphore_mem>>)
    %dma_wait3A_158 = arith.constant 39 : i32
    %dma_wait3A_159 = arith.constant 0 : i32
    %dma_wait3A_160 = tpu.memref_slice %arg7[%dma_wait3A_158, %dma_wait3A_159] : memref<40x128xi32, #tpu.memory_space<vmem>> -> memref<1x128xi32, #tpu.memory_space<vmem>>
    %dma_wait3A_161 = tpu.memref_squeeze %dma_wait3A_160 : memref<1x128xi32, #tpu.memory_space<vmem>> -> memref<128xi32, #tpu.memory_space<vmem>>
    %dma_wait3A_162 = arith.constant 0 : i32
    %dma_wait3A_163 = arith.constant 0 : i32
    %dma_wait3A_164 = tpu.memref_slice %arg2[%dma_wait3A_162, %dma_wait3A_163] : memref<10112x128xf32, #tpu.memory_space<hbm>> -> memref<10112x128xf32, #tpu.memory_space<hbm>>
    tpu.wait_indirect_dma semaphore(%arg12 : memref<!tpu.dma_semaphore, #tpu.memory_space<semaphore_mem>>) src(%dma_wait3A_164 : memref<10112x128xf32, #tpu.memory_space<hbm>>) dst(%arg10 : memref<128x128xf32, #tpu.memory_space<vmem>>)
    %dma_start3A_165 = arith.constant 39 : i32
    %dma_start3A_166 = arith.constant 0 : i32
    %dma_start3A_167 = tpu.memref_slice %arg8[%dma_start3A_165, %dma_start3A_166] : memref<40x128xi32, #tpu.memory_space<vmem>> -> memref<1x128xi32, #tpu.memory_space<vmem>>
    %dma_start3A_168 = tpu.memref_squeeze %dma_start3A_167 : memref<1x128xi32, #tpu.memory_space<vmem>> -> memref<128xi32, #tpu.memory_space<vmem>>
    %dma_start3A_169 = arith.constant 0 : i32
    %dma_start3A_170 = arith.constant 0 : i32
    %dma_start3A_171 = tpu.memref_slice %arg15[%dma_start3A_169, %dma_start3A_170] : memref<10112x128xf32, #tpu.memory_space<vmem_shared>> -> memref<10112x128xf32, #tpu.memory_space<vmem_shared>>
    tpu.enqueue_indirect_dma source(%arg10 : memref<128x128xf32, #tpu.memory_space<vmem>>) target(%dma_start3A_171 : memref<10112x128xf32, #tpu.memory_space<vmem_shared>>) offsets(%dma_start3A_168 : memref<128xi32, #tpu.memory_space<vmem>>) semaphore(%arg14 : memref<!tpu.dma_semaphore, #tpu.memory_space<semaphore_mem>>) {add = true}
    %dma_wait3A_172 = arith.constant 38 : i32
    %dma_wait3A_173 = arith.constant 0 : i32
    %dma_wait3A_174 = tpu.memref_slice %arg8[%dma_wait3A_172, %dma_wait3A_173] : memref<40x128xi32, #tpu.memory_space<vmem>> -> memref<1x128xi32, #tpu.memory_space<vmem>>
    %dma_wait3A_175 = tpu.memref_squeeze %dma_wait3A_174 : memref<1x128xi32, #tpu.memory_space<vmem>> -> memref<128xi32, #tpu.memory_space<vmem>>
    %dma_wait3A_176 = arith.constant 0 : i32
    %dma_wait3A_177 = arith.constant 0 : i32
    %dma_wait3A_178 = tpu.memref_slice %arg15[%dma_wait3A_176, %dma_wait3A_177] : memref<10112x128xf32, #tpu.memory_space<vmem_shared>> -> memref<10112x128xf32, #tpu.memory_space<vmem_shared>>
    tpu.wait_indirect_dma semaphore(%arg13 : memref<!tpu.dma_semaphore, #tpu.memory_space<semaphore_mem>>) src(%arg9 : memref<128x128xf32, #tpu.memory_space<vmem>>) dst(%dma_wait3A_178 : memref<10112x128xf32, #tpu.memory_space<vmem_shared>>)
    %dma_wait3A_179 = arith.constant 39 : i32
    %dma_wait3A_180 = arith.constant 0 : i32
    %dma_wait3A_181 = tpu.memref_slice %arg8[%dma_wait3A_179, %dma_wait3A_180] : memref<40x128xi32, #tpu.memory_space<vmem>> -> memref<1x128xi32, #tpu.memory_space<vmem>>
    %dma_wait3A_182 = tpu.memref_squeeze %dma_wait3A_181 : memref<1x128xi32, #tpu.memory_space<vmem>> -> memref<128xi32, #tpu.memory_space<vmem>>
    %dma_wait3A_183 = arith.constant 0 : i32
    %dma_wait3A_184 = arith.constant 0 : i32
    %dma_wait3A_185 = tpu.memref_slice %arg15[%dma_wait3A_183, %dma_wait3A_184] : memref<10112x128xf32, #tpu.memory_space<vmem_shared>> -> memref<10112x128xf32, #tpu.memory_space<vmem_shared>>
    tpu.wait_indirect_dma semaphore(%arg14 : memref<!tpu.dma_semaphore, #tpu.memory_space<semaphore_mem>>) src(%arg10 : memref<128x128xf32, #tpu.memory_space<vmem>>) dst(%dma_wait3A_185 : memref<10112x128xf32, #tpu.memory_space<vmem_shared>>)
    "tpu.region"() ({
      %run_scoped3A = tpu.sem_alloc : memref<!tpu.dma_semaphore, #tpu.memory_space<semaphore_mem>>
      %dma_start3A_306 = arith.constant 40 : i32
      %dma_start3A_307 = arith.constant 0 : i32
      %dma_start3A_308 = tpu.memref_slice %arg3[%add3A, %dma_start3A_306, %dma_start3A_307] : memref<32x80x128xi32, #tpu.memory_space<hbm>> -> memref<1x40x128xi32, #tpu.memory_space<hbm>>
      %dma_start3A_309 = tpu.memref_squeeze %dma_start3A_308 : memref<1x40x128xi32, #tpu.memory_space<hbm>> -> memref<40x128xi32, #tpu.memory_space<hbm>>
      %dma_start3A_310 = arith.constant 40 : i32
      %dma_start3A_311 = arith.constant 0 : i32
      %dma_start3A_312 = tpu.memref_slice %arg3[%add3A, %dma_start3A_310, %dma_start3A_311] : memref<32x80x128xi32, #tpu.memory_space<hbm>> -> memref<1x40x128xi32, #tpu.memory_space<hbm>>
      %dma_start3A_313 = tpu.memref_squeeze %dma_start3A_312 : memref<1x40x128xi32, #tpu.memory_space<hbm>> -> memref<40x128xi32, #tpu.memory_space<hbm>>
      tpu.enqueue_dma source(%dma_start3A_313 : memref<40x128xi32, #tpu.memory_space<hbm>>) target(%arg7 : memref<40x128xi32, #tpu.memory_space<vmem>>) target_semaphore(%run_scoped3A : memref<!tpu.dma_semaphore, #tpu.memory_space<semaphore_mem>>)
      %dma_wait3A_314 = arith.constant 40 : i32
      %dma_wait3A_315 = arith.constant 0 : i32
      %dma_wait3A_316 = tpu.memref_slice %arg3[%add3A, %dma_wait3A_314, %dma_wait3A_315] : memref<32x80x128xi32, #tpu.memory_space<hbm>> -> memref<1x40x128xi32, #tpu.memory_space<hbm>>
      %dma_wait3A_317 = tpu.memref_squeeze %dma_wait3A_316 : memref<1x40x128xi32, #tpu.memory_space<hbm>> -> memref<40x128xi32, #tpu.memory_space<hbm>>
      %dma_wait3A_318 = arith.constant 40 : i32
      %dma_wait3A_319 = arith.constant 0 : i32
      %dma_wait3A_320 = tpu.memref_slice %arg3[%add3A, %dma_wait3A_318, %dma_wait3A_319] : memref<32x80x128xi32, #tpu.memory_space<hbm>> -> memref<1x40x128xi32, #tpu.memory_space<hbm>>
      %dma_wait3A_321 = tpu.memref_squeeze %dma_wait3A_320 : memref<1x40x128xi32, #tpu.memory_space<hbm>> -> memref<40x128xi32, #tpu.memory_space<hbm>>
      tpu.wait_dma2 semaphore(%run_scoped3A : memref<!tpu.dma_semaphore, #tpu.memory_space<semaphore_mem>>) src(%dma_wait3A_321 : memref<40x128xi32, #tpu.memory_space<hbm>>) dst(%arg7 : memref<40x128xi32, #tpu.memory_space<vmem>>)
      tpu.yield
    }) : () -> ()
    "tpu.region"() ({
      %run_scoped3A = tpu.sem_alloc : memref<!tpu.dma_semaphore, #tpu.memory_space<semaphore_mem>>
      %dma_start3A_306 = arith.constant 40 : i32
      %dma_start3A_307 = arith.constant 0 : i32
      %dma_start3A_308 = tpu.memref_slice %arg4[%add3A, %dma_start3A_306, %dma_start3A_307] : memref<32x80x128xi32, #tpu.memory_space<hbm>> -> memref<1x40x128xi32, #tpu.memory_space<hbm>>
      %dma_start3A_309 = tpu.memref_squeeze %dma_start3A_308 : memref<1x40x128xi32, #tpu.memory_space<hbm>> -> memref<40x128xi32, #tpu.memory_space<hbm>>
      %dma_start3A_310 = arith.constant 40 : i32
      %dma_start3A_311 = arith.constant 0 : i32
      %dma_start3A_312 = tpu.memref_slice %arg4[%add3A, %dma_start3A_310, %dma_start3A_311] : memref<32x80x128xi32, #tpu.memory_space<hbm>> -> memref<1x40x128xi32, #tpu.memory_space<hbm>>
      %dma_start3A_313 = tpu.memref_squeeze %dma_start3A_312 : memref<1x40x128xi32, #tpu.memory_space<hbm>> -> memref<40x128xi32, #tpu.memory_space<hbm>>
      tpu.enqueue_dma source(%dma_start3A_313 : memref<40x128xi32, #tpu.memory_space<hbm>>) target(%arg8 : memref<40x128xi32, #tpu.memory_space<vmem>>) target_semaphore(%run_scoped3A : memref<!tpu.dma_semaphore, #tpu.memory_space<semaphore_mem>>)
      %dma_wait3A_314 = arith.constant 40 : i32
      %dma_wait3A_315 = arith.constant 0 : i32
      %dma_wait3A_316 = tpu.memref_slice %arg4[%add3A, %dma_wait3A_314, %dma_wait3A_315] : memref<32x80x128xi32, #tpu.memory_space<hbm>> -> memref<1x40x128xi32, #tpu.memory_space<hbm>>
      %dma_wait3A_317 = tpu.memref_squeeze %dma_wait3A_316 : memref<1x40x128xi32, #tpu.memory_space<hbm>> -> memref<40x128xi32, #tpu.memory_space<hbm>>
      %dma_wait3A_318 = arith.constant 40 : i32
      %dma_wait3A_319 = arith.constant 0 : i32
      %dma_wait3A_320 = tpu.memref_slice %arg4[%add3A, %dma_wait3A_318, %dma_wait3A_319] : memref<32x80x128xi32, #tpu.memory_space<hbm>> -> memref<1x40x128xi32, #tpu.memory_space<hbm>>
      %dma_wait3A_321 = tpu.memref_squeeze %dma_wait3A_320 : memref<1x40x128xi32, #tpu.memory_space<hbm>> -> memref<40x128xi32, #tpu.memory_space<hbm>>
      tpu.wait_dma2 semaphore(%run_scoped3A : memref<!tpu.dma_semaphore, #tpu.memory_space<semaphore_mem>>) src(%dma_wait3A_321 : memref<40x128xi32, #tpu.memory_space<hbm>>) dst(%arg8 : memref<40x128xi32, #tpu.memory_space<vmem>>)
      tpu.yield
    }) : () -> ()
    %dma_start3A_186 = arith.constant 0 : i32
    %dma_start3A_187 = arith.constant 0 : i32
    %dma_start3A_188 = tpu.memref_slice %arg7[%dma_start3A_186, %dma_start3A_187] : memref<40x128xi32, #tpu.memory_space<vmem>> -> memref<1x128xi32, #tpu.memory_space<vmem>>
    %dma_start3A_189 = tpu.memref_squeeze %dma_start3A_188 : memref<1x128xi32, #tpu.memory_space<vmem>> -> memref<128xi32, #tpu.memory_space<vmem>>
    %dma_start3A_190 = arith.constant 0 : i32
    %dma_start3A_191 = arith.constant 0 : i32
    %dma_start3A_192 = tpu.memref_slice %arg2[%dma_start3A_190, %dma_start3A_191] : memref<10112x128xf32, #tpu.memory_space<hbm>> -> memref<10112x128xf32, #tpu.memory_space<hbm>>
    tpu.enqueue_indirect_dma source(%dma_start3A_192 : memref<10112x128xf32, #tpu.memory_space<hbm>>) target(%arg9 : memref<128x128xf32, #tpu.memory_space<vmem>>) offsets(%dma_start3A_189 : memref<128xi32, #tpu.memory_space<vmem>>) semaphore(%arg11 : memref<!tpu.dma_semaphore, #tpu.memory_space<semaphore_mem>>)
    %dma_wait3A_193 = arith.constant 0 : i32
    %dma_wait3A_194 = arith.constant 0 : i32
    %dma_wait3A_195 = tpu.memref_slice %arg7[%dma_wait3A_193, %dma_wait3A_194] : memref<40x128xi32, #tpu.memory_space<vmem>> -> memref<1x128xi32, #tpu.memory_space<vmem>>
    %dma_wait3A_196 = tpu.memref_squeeze %dma_wait3A_195 : memref<1x128xi32, #tpu.memory_space<vmem>> -> memref<128xi32, #tpu.memory_space<vmem>>
    %dma_wait3A_197 = arith.constant 0 : i32
    %dma_wait3A_198 = arith.constant 0 : i32
    %dma_wait3A_199 = tpu.memref_slice %arg2[%dma_wait3A_197, %dma_wait3A_198] : memref<10112x128xf32, #tpu.memory_space<hbm>> -> memref<10112x128xf32, #tpu.memory_space<hbm>>
    tpu.wait_indirect_dma semaphore(%arg11 : memref<!tpu.dma_semaphore, #tpu.memory_space<semaphore_mem>>) src(%dma_wait3A_199 : memref<10112x128xf32, #tpu.memory_space<hbm>>) dst(%arg9 : memref<128x128xf32, #tpu.memory_space<vmem>>)
    %dma_start3A_200 = arith.constant 0 : i32
    %dma_start3A_201 = arith.constant 0 : i32
    %dma_start3A_202 = tpu.memref_slice %arg8[%dma_start3A_200, %dma_start3A_201] : memref<40x128xi32, #tpu.memory_space<vmem>> -> memref<1x128xi32, #tpu.memory_space<vmem>>
    %dma_start3A_203 = tpu.memref_squeeze %dma_start3A_202 : memref<1x128xi32, #tpu.memory_space<vmem>> -> memref<128xi32, #tpu.memory_space<vmem>>
    %dma_start3A_204 = arith.constant 0 : i32
    %dma_start3A_205 = arith.constant 0 : i32
    %dma_start3A_206 = tpu.memref_slice %arg15[%dma_start3A_204, %dma_start3A_205] : memref<10112x128xf32, #tpu.memory_space<vmem_shared>> -> memref<10112x128xf32, #tpu.memory_space<vmem_shared>>
    tpu.enqueue_indirect_dma source(%arg9 : memref<128x128xf32, #tpu.memory_space<vmem>>) target(%dma_start3A_206 : memref<10112x128xf32, #tpu.memory_space<vmem_shared>>) offsets(%dma_start3A_203 : memref<128xi32, #tpu.memory_space<vmem>>) semaphore(%arg13 : memref<!tpu.dma_semaphore, #tpu.memory_space<semaphore_mem>>) {add = true}
    %dma_start3A_207 = arith.constant 1 : i32
    %dma_start3A_208 = arith.constant 0 : i32
    %dma_start3A_209 = tpu.memref_slice %arg7[%dma_start3A_207, %dma_start3A_208] : memref<40x128xi32, #tpu.memory_space<vmem>> -> memref<1x128xi32, #tpu.memory_space<vmem>>
    %dma_start3A_210 = tpu.memref_squeeze %dma_start3A_209 : memref<1x128xi32, #tpu.memory_space<vmem>> -> memref<128xi32, #tpu.memory_space<vmem>>
    %dma_start3A_211 = arith.constant 0 : i32
    %dma_start3A_212 = arith.constant 0 : i32
    %dma_start3A_213 = tpu.memref_slice %arg2[%dma_start3A_211, %dma_start3A_212] : memref<10112x128xf32, #tpu.memory_space<hbm>> -> memref<10112x128xf32, #tpu.memory_space<hbm>>
    tpu.enqueue_indirect_dma source(%dma_start3A_213 : memref<10112x128xf32, #tpu.memory_space<hbm>>) target(%arg10 : memref<128x128xf32, #tpu.memory_space<vmem>>) offsets(%dma_start3A_210 : memref<128xi32, #tpu.memory_space<vmem>>) semaphore(%arg12 : memref<!tpu.dma_semaphore, #tpu.memory_space<semaphore_mem>>)
    %dma_wait3A_214 = arith.constant 1 : i32
    %dma_wait3A_215 = arith.constant 0 : i32
    %dma_wait3A_216 = tpu.memref_slice %arg7[%dma_wait3A_214, %dma_wait3A_215] : memref<40x128xi32, #tpu.memory_space<vmem>> -> memref<1x128xi32, #tpu.memory_space<vmem>>
    %dma_wait3A_217 = tpu.memref_squeeze %dma_wait3A_216 : memref<1x128xi32, #tpu.memory_space<vmem>> -> memref<128xi32, #tpu.memory_space<vmem>>
    %dma_wait3A_218 = arith.constant 0 : i32
    %dma_wait3A_219 = arith.constant 0 : i32
    %dma_wait3A_220 = tpu.memref_slice %arg2[%dma_wait3A_218, %dma_wait3A_219] : memref<10112x128xf32, #tpu.memory_space<hbm>> -> memref<10112x128xf32, #tpu.memory_space<hbm>>
    tpu.wait_indirect_dma semaphore(%arg12 : memref<!tpu.dma_semaphore, #tpu.memory_space<semaphore_mem>>) src(%dma_wait3A_220 : memref<10112x128xf32, #tpu.memory_space<hbm>>) dst(%arg10 : memref<128x128xf32, #tpu.memory_space<vmem>>)
    %dma_start3A_221 = arith.constant 1 : i32
    %dma_start3A_222 = arith.constant 0 : i32
    %dma_start3A_223 = tpu.memref_slice %arg8[%dma_start3A_221, %dma_start3A_222] : memref<40x128xi32, #tpu.memory_space<vmem>> -> memref<1x128xi32, #tpu.memory_space<vmem>>
    %dma_start3A_224 = tpu.memref_squeeze %dma_start3A_223 : memref<1x128xi32, #tpu.memory_space<vmem>> -> memref<128xi32, #tpu.memory_space<vmem>>
    %dma_start3A_225 = arith.constant 0 : i32
    %dma_start3A_226 = arith.constant 0 : i32
    %dma_start3A_227 = tpu.memref_slice %arg15[%dma_start3A_225, %dma_start3A_226] : memref<10112x128xf32, #tpu.memory_space<vmem_shared>> -> memref<10112x128xf32, #tpu.memory_space<vmem_shared>>
    tpu.enqueue_indirect_dma source(%arg10 : memref<128x128xf32, #tpu.memory_space<vmem>>) target(%dma_start3A_227 : memref<10112x128xf32, #tpu.memory_space<vmem_shared>>) offsets(%dma_start3A_224 : memref<128xi32, #tpu.memory_space<vmem>>) semaphore(%arg14 : memref<!tpu.dma_semaphore, #tpu.memory_space<semaphore_mem>>) {add = true}
    %dma_wait3A_228 = arith.constant 0 : i32
    %dma_wait3A_229 = arith.constant 0 : i32
    %dma_wait3A_230 = tpu.memref_slice %arg8[%dma_wait3A_228, %dma_wait3A_229] : memref<40x128xi32, #tpu.memory_space<vmem>> -> memref<1x128xi32, #tpu.memory_space<vmem>>
    %dma_wait3A_231 = tpu.memref_squeeze %dma_wait3A_230 : memref<1x128xi32, #tpu.memory_space<vmem>> -> memref<128xi32, #tpu.memory_space<vmem>>
    %dma_wait3A_232 = arith.constant 0 : i32
    %dma_wait3A_233 = arith.constant 0 : i32
    %dma_wait3A_234 = tpu.memref_slice %arg15[%dma_wait3A_232, %dma_wait3A_233] : memref<10112x128xf32, #tpu.memory_space<vmem_shared>> -> memref<10112x128xf32, #tpu.memory_space<vmem_shared>>
    tpu.wait_indirect_dma semaphore(%arg13 : memref<!tpu.dma_semaphore, #tpu.memory_space<semaphore_mem>>) src(%arg9 : memref<128x128xf32, #tpu.memory_space<vmem>>) dst(%dma_wait3A_234 : memref<10112x128xf32, #tpu.memory_space<vmem_shared>>)
    %dma_start3A_235 = arith.constant 2 : i32
    %dma_start3A_236 = arith.constant 0 : i32
    %dma_start3A_237 = tpu.memref_slice %arg7[%dma_start3A_235, %dma_start3A_236] : memref<40x128xi32, #tpu.memory_space<vmem>> -> memref<1x128xi32, #tpu.memory_space<vmem>>
    %dma_start3A_238 = tpu.memref_squeeze %dma_start3A_237 : memref<1x128xi32, #tpu.memory_space<vmem>> -> memref<128xi32, #tpu.memory_space<vmem>>
    %dma_start3A_239 = arith.constant 0 : i32
    %dma_start3A_240 = arith.constant 0 : i32
    %dma_start3A_241 = tpu.memref_slice %arg2[%dma_start3A_239, %dma_start3A_240] : memref<10112x128xf32, #tpu.memory_space<hbm>> -> memref<10112x128xf32, #tpu.memory_space<hbm>>
    tpu.enqueue_indirect_dma source(%dma_start3A_241 : memref<10112x128xf32, #tpu.memory_space<hbm>>) target(%arg9 : memref<128x128xf32, #tpu.memory_space<vmem>>) offsets(%dma_start3A_238 : memref<128xi32, #tpu.memory_space<vmem>>) semaphore(%arg11 : memref<!tpu.dma_semaphore, #tpu.memory_space<semaphore_mem>>)
    %scan3A_242 = arith.constant 0 : i32
    %scan3A_243 = arith.constant 1 : i32
    %scan3A_244 = arith.constant 18 : i32
    %scan3A_245 = arith.addi %scan3A_243, %scan3A_244 : i32
    %scan3A_246 = arith.constant 1 : i32
    %scan3A_247 = scf.for %scan3A_306 = %scan3A_243 to %scan3A_245 step %scan3A_246 iter_args(%scan3A_307 = %scan3A_242) -> (i32)  : i32 {
      %mul3A_308 = arith.constant 2 : i32
      %mul3A_309 = arith.muli %mul3A_308, %scan3A_306 : i32
      %dma_wait3A_310 = arith.constant 0 : i32
      %dma_wait3A_311 = tpu.memref_slice %arg7[%mul3A_309, %dma_wait3A_310] : memref<40x128xi32, #tpu.memory_space<vmem>> -> memref<1x128xi32, #tpu.memory_space<vmem>>
      %dma_wait3A_312 = tpu.memref_squeeze %dma_wait3A_311 : memref<1x128xi32, #tpu.memory_space<vmem>> -> memref<128xi32, #tpu.memory_space<vmem>>
      %dma_wait3A_313 = arith.constant 0 : i32
      %dma_wait3A_314 = arith.constant 0 : i32
      %dma_wait3A_315 = tpu.memref_slice %arg2[%dma_wait3A_313, %dma_wait3A_314] : memref<10112x128xf32, #tpu.memory_space<hbm>> -> memref<10112x128xf32, #tpu.memory_space<hbm>>
      tpu.wait_indirect_dma semaphore(%arg11 : memref<!tpu.dma_semaphore, #tpu.memory_space<semaphore_mem>>) src(%dma_wait3A_315 : memref<10112x128xf32, #tpu.memory_space<hbm>>) dst(%arg9 : memref<128x128xf32, #tpu.memory_space<vmem>>)
      %dma_start3A_316 = arith.constant 0 : i32
      %dma_start3A_317 = tpu.memref_slice %arg8[%mul3A_309, %dma_start3A_316] : memref<40x128xi32, #tpu.memory_space<vmem>> -> memref<1x128xi32, #tpu.memory_space<vmem>>
      %dma_start3A_318 = tpu.memref_squeeze %dma_start3A_317 : memref<1x128xi32, #tpu.memory_space<vmem>> -> memref<128xi32, #tpu.memory_space<vmem>>
      %dma_start3A_319 = arith.constant 0 : i32
      %dma_start3A_320 = arith.constant 0 : i32
      %dma_start3A_321 = tpu.memref_slice %arg15[%dma_start3A_319, %dma_start3A_320] : memref<10112x128xf32, #tpu.memory_space<vmem_shared>> -> memref<10112x128xf32, #tpu.memory_space<vmem_shared>>
      tpu.enqueue_indirect_dma source(%arg9 : memref<128x128xf32, #tpu.memory_space<vmem>>) target(%dma_start3A_321 : memref<10112x128xf32, #tpu.memory_space<vmem_shared>>) offsets(%dma_start3A_318 : memref<128xi32, #tpu.memory_space<vmem>>) semaphore(%arg13 : memref<!tpu.dma_semaphore, #tpu.memory_space<semaphore_mem>>) {add = true}
      %sub3A = arith.constant 1 : i32
      %sub3A_322 = arith.subi %mul3A_309, %sub3A : i32
      %dma_wait3A_323 = arith.constant 0 : i32
      %dma_wait3A_324 = tpu.memref_slice %arg8[%sub3A_322, %dma_wait3A_323] : memref<40x128xi32, #tpu.memory_space<vmem>> -> memref<1x128xi32, #tpu.memory_space<vmem>>
      %dma_wait3A_325 = tpu.memref_squeeze %dma_wait3A_324 : memref<1x128xi32, #tpu.memory_space<vmem>> -> memref<128xi32, #tpu.memory_space<vmem>>
      %dma_wait3A_326 = arith.constant 0 : i32
      %dma_wait3A_327 = arith.constant 0 : i32
      %dma_wait3A_328 = tpu.memref_slice %arg15[%dma_wait3A_326, %dma_wait3A_327] : memref<10112x128xf32, #tpu.memory_space<vmem_shared>> -> memref<10112x128xf32, #tpu.memory_space<vmem_shared>>
      tpu.wait_indirect_dma semaphore(%arg14 : memref<!tpu.dma_semaphore, #tpu.memory_space<semaphore_mem>>) src(%arg10 : memref<128x128xf32, #tpu.memory_space<vmem>>) dst(%dma_wait3A_328 : memref<10112x128xf32, #tpu.memory_space<vmem_shared>>)
      %add3A_329 = arith.constant 1 : i32
      %add3A_330 = arith.addi %mul3A_309, %add3A_329 : i32
      %dma_start3A_331 = arith.constant 0 : i32
      %dma_start3A_332 = tpu.memref_slice %arg7[%add3A_330, %dma_start3A_331] : memref<40x128xi32, #tpu.memory_space<vmem>> -> memref<1x128xi32, #tpu.memory_space<vmem>>
      %dma_start3A_333 = tpu.memref_squeeze %dma_start3A_332 : memref<1x128xi32, #tpu.memory_space<vmem>> -> memref<128xi32, #tpu.memory_space<vmem>>
      %dma_start3A_334 = arith.constant 0 : i32
      %dma_start3A_335 = arith.constant 0 : i32
      %dma_start3A_336 = tpu.memref_slice %arg2[%dma_start3A_334, %dma_start3A_335] : memref<10112x128xf32, #tpu.memory_space<hbm>> -> memref<10112x128xf32, #tpu.memory_space<hbm>>
      tpu.enqueue_indirect_dma source(%dma_start3A_336 : memref<10112x128xf32, #tpu.memory_space<hbm>>) target(%arg10 : memref<128x128xf32, #tpu.memory_space<vmem>>) offsets(%dma_start3A_333 : memref<128xi32, #tpu.memory_space<vmem>>) semaphore(%arg12 : memref<!tpu.dma_semaphore, #tpu.memory_space<semaphore_mem>>)
      %add3A_337 = arith.constant 1 : i32
      %add3A_338 = arith.addi %mul3A_309, %add3A_337 : i32
      %dma_wait3A_339 = arith.constant 0 : i32
      %dma_wait3A_340 = tpu.memref_slice %arg7[%add3A_338, %dma_wait3A_339] : memref<40x128xi32, #tpu.memory_space<vmem>> -> memref<1x128xi32, #tpu.memory_space<vmem>>
      %dma_wait3A_341 = tpu.memref_squeeze %dma_wait3A_340 : memref<1x128xi32, #tpu.memory_space<vmem>> -> memref<128xi32, #tpu.memory_space<vmem>>
      %dma_wait3A_342 = arith.constant 0 : i32
      %dma_wait3A_343 = arith.constant 0 : i32
      %dma_wait3A_344 = tpu.memref_slice %arg2[%dma_wait3A_342, %dma_wait3A_343] : memref<10112x128xf32, #tpu.memory_space<hbm>> -> memref<10112x128xf32, #tpu.memory_space<hbm>>
      tpu.wait_indirect_dma semaphore(%arg12 : memref<!tpu.dma_semaphore, #tpu.memory_space<semaphore_mem>>) src(%dma_wait3A_344 : memref<10112x128xf32, #tpu.memory_space<hbm>>) dst(%arg10 : memref<128x128xf32, #tpu.memory_space<vmem>>)
      %add3A_345 = arith.constant 1 : i32
      %add3A_346 = arith.addi %mul3A_309, %add3A_345 : i32
      %dma_start3A_347 = arith.constant 0 : i32
      %dma_start3A_348 = tpu.memref_slice %arg8[%add3A_346, %dma_start3A_347] : memref<40x128xi32, #tpu.memory_space<vmem>> -> memref<1x128xi32, #tpu.memory_space<vmem>>
      %dma_start3A_349 = tpu.memref_squeeze %dma_start3A_348 : memref<1x128xi32, #tpu.memory_space<vmem>> -> memref<128xi32, #tpu.memory_space<vmem>>
      %dma_start3A_350 = arith.constant 0 : i32
      %dma_start3A_351 = arith.constant 0 : i32
      %dma_start3A_352 = tpu.memref_slice %arg15[%dma_start3A_350, %dma_start3A_351] : memref<10112x128xf32, #tpu.memory_space<vmem_shared>> -> memref<10112x128xf32, #tpu.memory_space<vmem_shared>>
      tpu.enqueue_indirect_dma source(%arg10 : memref<128x128xf32, #tpu.memory_space<vmem>>) target(%dma_start3A_352 : memref<10112x128xf32, #tpu.memory_space<vmem_shared>>) offsets(%dma_start3A_349 : memref<128xi32, #tpu.memory_space<vmem>>) semaphore(%arg14 : memref<!tpu.dma_semaphore, #tpu.memory_space<semaphore_mem>>) {add = true}
      %dma_wait3A_353 = arith.constant 0 : i32
      %dma_wait3A_354 = tpu.memref_slice %arg8[%mul3A_309, %dma_wait3A_353] : memref<40x128xi32, #tpu.memory_space<vmem>> -> memref<1x128xi32, #tpu.memory_space<vmem>>
      %dma_wait3A_355 = tpu.memref_squeeze %dma_wait3A_354 : memref<1x128xi32, #tpu.memory_space<vmem>> -> memref<128xi32, #tpu.memory_space<vmem>>
      %dma_wait3A_356 = arith.constant 0 : i32
      %dma_wait3A_357 = arith.constant 0 : i32
      %dma_wait3A_358 = tpu.memref_slice %arg15[%dma_wait3A_356, %dma_wait3A_357] : memref<10112x128xf32, #tpu.memory_space<vmem_shared>> -> memref<10112x128xf32, #tpu.memory_space<vmem_shared>>
      tpu.wait_indirect_dma semaphore(%arg13 : memref<!tpu.dma_semaphore, #tpu.memory_space<semaphore_mem>>) src(%arg9 : memref<128x128xf32, #tpu.memory_space<vmem>>) dst(%dma_wait3A_358 : memref<10112x128xf32, #tpu.memory_space<vmem_shared>>)
      %add3A_359 = arith.constant 2 : i32
      %add3A_360 = arith.addi %mul3A_309, %add3A_359 : i32
      %dma_start3A_361 = arith.constant 0 : i32
      %dma_start3A_362 = tpu.memref_slice %arg7[%add3A_360, %dma_start3A_361] : memref<40x128xi32, #tpu.memory_space<vmem>> -> memref<1x128xi32, #tpu.memory_space<vmem>>
      %dma_start3A_363 = tpu.memref_squeeze %dma_start3A_362 : memref<1x128xi32, #tpu.memory_space<vmem>> -> memref<128xi32, #tpu.memory_space<vmem>>
      %dma_start3A_364 = arith.constant 0 : i32
      %dma_start3A_365 = arith.constant 0 : i32
      %dma_start3A_366 = tpu.memref_slice %arg2[%dma_start3A_364, %dma_start3A_365] : memref<10112x128xf32, #tpu.memory_space<hbm>> -> memref<10112x128xf32, #tpu.memory_space<hbm>>
      tpu.enqueue_indirect_dma source(%dma_start3A_366 : memref<10112x128xf32, #tpu.memory_space<hbm>>) target(%arg9 : memref<128x128xf32, #tpu.memory_space<vmem>>) offsets(%dma_start3A_363 : memref<128xi32, #tpu.memory_space<vmem>>) semaphore(%arg11 : memref<!tpu.dma_semaphore, #tpu.memory_space<semaphore_mem>>)
      %scan3A_367 = arith.constant 0 : i32
      scf.yield %scan3A_367 : i32
    }
    %scan3A_248 = arith.constant 18 : i32
    %dma_wait3A_249 = arith.constant 38 : i32
    %dma_wait3A_250 = arith.constant 0 : i32
    %dma_wait3A_251 = tpu.memref_slice %arg7[%dma_wait3A_249, %dma_wait3A_250] : memref<40x128xi32, #tpu.memory_space<vmem>> -> memref<1x128xi32, #tpu.memory_space<vmem>>
    %dma_wait3A_252 = tpu.memref_squeeze %dma_wait3A_251 : memref<1x128xi32, #tpu.memory_space<vmem>> -> memref<128xi32, #tpu.memory_space<vmem>>
    %dma_wait3A_253 = arith.constant 0 : i32
    %dma_wait3A_254 = arith.constant 0 : i32
    %dma_wait3A_255 = tpu.memref_slice %arg2[%dma_wait3A_253, %dma_wait3A_254] : memref<10112x128xf32, #tpu.memory_space<hbm>> -> memref<10112x128xf32, #tpu.memory_space<hbm>>
    tpu.wait_indirect_dma semaphore(%arg11 : memref<!tpu.dma_semaphore, #tpu.memory_space<semaphore_mem>>) src(%dma_wait3A_255 : memref<10112x128xf32, #tpu.memory_space<hbm>>) dst(%arg9 : memref<128x128xf32, #tpu.memory_space<vmem>>)
    %dma_start3A_256 = arith.constant 38 : i32
    %dma_start3A_257 = arith.constant 0 : i32
    %dma_start3A_258 = tpu.memref_slice %arg8[%dma_start3A_256, %dma_start3A_257] : memref<40x128xi32, #tpu.memory_space<vmem>> -> memref<1x128xi32, #tpu.memory_space<vmem>>
    %dma_start3A_259 = tpu.memref_squeeze %dma_start3A_258 : memref<1x128xi32, #tpu.memory_space<vmem>> -> memref<128xi32, #tpu.memory_space<vmem>>
    %dma_start3A_260 = arith.constant 0 : i32
    %dma_start3A_261 = arith.constant 0 : i32
    %dma_start3A_262 = tpu.memref_slice %arg15[%dma_start3A_260, %dma_start3A_261] : memref<10112x128xf32, #tpu.memory_space<vmem_shared>> -> memref<10112x128xf32, #tpu.memory_space<vmem_shared>>
    tpu.enqueue_indirect_dma source(%arg9 : memref<128x128xf32, #tpu.memory_space<vmem>>) target(%dma_start3A_262 : memref<10112x128xf32, #tpu.memory_space<vmem_shared>>) offsets(%dma_start3A_259 : memref<128xi32, #tpu.memory_space<vmem>>) semaphore(%arg13 : memref<!tpu.dma_semaphore, #tpu.memory_space<semaphore_mem>>) {add = true}
    %dma_wait3A_263 = arith.constant 37 : i32
    %dma_wait3A_264 = arith.constant 0 : i32
    %dma_wait3A_265 = tpu.memref_slice %arg8[%dma_wait3A_263, %dma_wait3A_264] : memref<40x128xi32, #tpu.memory_space<vmem>> -> memref<1x128xi32, #tpu.memory_space<vmem>>
    %dma_wait3A_266 = tpu.memref_squeeze %dma_wait3A_265 : memref<1x128xi32, #tpu.memory_space<vmem>> -> memref<128xi32, #tpu.memory_space<vmem>>
    %dma_wait3A_267 = arith.constant 0 : i32
    %dma_wait3A_268 = arith.constant 0 : i32
    %dma_wait3A_269 = tpu.memref_slice %arg15[%dma_wait3A_267, %dma_wait3A_268] : memref<10112x128xf32, #tpu.memory_space<vmem_shared>> -> memref<10112x128xf32, #tpu.memory_space<vmem_shared>>
    tpu.wait_indirect_dma semaphore(%arg14 : memref<!tpu.dma_semaphore, #tpu.memory_space<semaphore_mem>>) src(%arg10 : memref<128x128xf32, #tpu.memory_space<vmem>>) dst(%dma_wait3A_269 : memref<10112x128xf32, #tpu.memory_space<vmem_shared>>)
    %dma_start3A_270 = arith.constant 39 : i32
    %dma_start3A_271 = arith.constant 0 : i32
    %dma_start3A_272 = tpu.memref_slice %arg7[%dma_start3A_270, %dma_start3A_271] : memref<40x128xi32, #tpu.memory_space<vmem>> -> memref<1x128xi32, #tpu.memory_space<vmem>>
    %dma_start3A_273 = tpu.memref_squeeze %dma_start3A_272 : memref<1x128xi32, #tpu.memory_space<vmem>> -> memref<128xi32, #tpu.memory_space<vmem>>
    %dma_start3A_274 = arith.constant 0 : i32
    %dma_start3A_275 = arith.constant 0 : i32
    %dma_start3A_276 = tpu.memref_slice %arg2[%dma_start3A_274, %dma_start3A_275] : memref<10112x128xf32, #tpu.memory_space<hbm>> -> memref<10112x128xf32, #tpu.memory_space<hbm>>
    tpu.enqueue_indirect_dma source(%dma_start3A_276 : memref<10112x128xf32, #tpu.memory_space<hbm>>) target(%arg10 : memref<128x128xf32, #tpu.memory_space<vmem>>) offsets(%dma_start3A_273 : memref<128xi32, #tpu.memory_space<vmem>>) semaphore(%arg12 : memref<!tpu.dma_semaphore, #tpu.memory_space<semaphore_mem>>)
    %dma_wait3A_277 = arith.constant 39 : i32
    %dma_wait3A_278 = arith.constant 0 : i32
    %dma_wait3A_279 = tpu.memref_slice %arg7[%dma_wait3A_277, %dma_wait3A_278] : memref<40x128xi32, #tpu.memory_space<vmem>> -> memref<1x128xi32, #tpu.memory_space<vmem>>
    %dma_wait3A_280 = tpu.memref_squeeze %dma_wait3A_279 : memref<1x128xi32, #tpu.memory_space<vmem>> -> memref<128xi32, #tpu.memory_space<vmem>>
    %dma_wait3A_281 = arith.constant 0 : i32
    %dma_wait3A_282 = arith.constant 0 : i32
    %dma_wait3A_283 = tpu.memref_slice %arg2[%dma_wait3A_281, %dma_wait3A_282] : memref<10112x128xf32, #tpu.memory_space<hbm>> -> memref<10112x128xf32, #tpu.memory_space<hbm>>
    tpu.wait_indirect_dma semaphore(%arg12 : memref<!tpu.dma_semaphore, #tpu.memory_space<semaphore_mem>>) src(%dma_wait3A_283 : memref<10112x128xf32, #tpu.memory_space<hbm>>) dst(%arg10 : memref<128x128xf32, #tpu.memory_space<vmem>>)
    %dma_start3A_284 = arith.constant 39 : i32
    %dma_start3A_285 = arith.constant 0 : i32
    %dma_start3A_286 = tpu.memref_slice %arg8[%dma_start3A_284, %dma_start3A_285] : memref<40x128xi32, #tpu.memory_space<vmem>> -> memref<1x128xi32, #tpu.memory_space<vmem>>
    %dma_start3A_287 = tpu.memref_squeeze %dma_start3A_286 : memref<1x128xi32, #tpu.memory_space<vmem>> -> memref<128xi32, #tpu.memory_space<vmem>>
    %dma_start3A_288 = arith.constant 0 : i32
    %dma_start3A_289 = arith.constant 0 : i32
    %dma_start3A_290 = tpu.memref_slice %arg15[%dma_start3A_288, %dma_start3A_289] : memref<10112x128xf32, #tpu.memory_space<vmem_shared>> -> memref<10112x128xf32, #tpu.memory_space<vmem_shared>>
    tpu.enqueue_indirect_dma source(%arg10 : memref<128x128xf32, #tpu.memory_space<vmem>>) target(%dma_start3A_290 : memref<10112x128xf32, #tpu.memory_space<vmem_shared>>) offsets(%dma_start3A_287 : memref<128xi32, #tpu.memory_space<vmem>>) semaphore(%arg14 : memref<!tpu.dma_semaphore, #tpu.memory_space<semaphore_mem>>) {add = true}
    %dma_wait3A_291 = arith.constant 38 : i32
    %dma_wait3A_292 = arith.constant 0 : i32
    %dma_wait3A_293 = tpu.memref_slice %arg8[%dma_wait3A_291, %dma_wait3A_292] : memref<40x128xi32, #tpu.memory_space<vmem>> -> memref<1x128xi32, #tpu.memory_space<vmem>>
    %dma_wait3A_294 = tpu.memref_squeeze %dma_wait3A_293 : memref<1x128xi32, #tpu.memory_space<vmem>> -> memref<128xi32, #tpu.memory_space<vmem>>
    %dma_wait3A_295 = arith.constant 0 : i32
    %dma_wait3A_296 = arith.constant 0 : i32
    %dma_wait3A_297 = tpu.memref_slice %arg15[%dma_wait3A_295, %dma_wait3A_296] : memref<10112x128xf32, #tpu.memory_space<vmem_shared>> -> memref<10112x128xf32, #tpu.memory_space<vmem_shared>>
    tpu.wait_indirect_dma semaphore(%arg13 : memref<!tpu.dma_semaphore, #tpu.memory_space<semaphore_mem>>) src(%arg9 : memref<128x128xf32, #tpu.memory_space<vmem>>) dst(%dma_wait3A_297 : memref<10112x128xf32, #tpu.memory_space<vmem_shared>>)
    %dma_wait3A_298 = arith.constant 39 : i32
    %dma_wait3A_299 = arith.constant 0 : i32
    %dma_wait3A_300 = tpu.memref_slice %arg8[%dma_wait3A_298, %dma_wait3A_299] : memref<40x128xi32, #tpu.memory_space<vmem>> -> memref<1x128xi32, #tpu.memory_space<vmem>>
    %dma_wait3A_301 = tpu.memref_squeeze %dma_wait3A_300 : memref<1x128xi32, #tpu.memory_space<vmem>> -> memref<128xi32, #tpu.memory_space<vmem>>
    %dma_wait3A_302 = arith.constant 0 : i32
    %dma_wait3A_303 = arith.constant 0 : i32
    %dma_wait3A_304 = tpu.memref_slice %arg15[%dma_wait3A_302, %dma_wait3A_303] : memref<10112x128xf32, #tpu.memory_space<vmem_shared>> -> memref<10112x128xf32, #tpu.memory_space<vmem_shared>>
    tpu.wait_indirect_dma semaphore(%arg14 : memref<!tpu.dma_semaphore, #tpu.memory_space<semaphore_mem>>) src(%arg10 : memref<128x128xf32, #tpu.memory_space<vmem>>) dst(%dma_wait3A_304 : memref<10112x128xf32, #tpu.memory_space<vmem_shared>>)
    %barrier3A_305 = arith.constant 0 : index
    tpu.barrier barrier_id(%barrier3A_305)
    "tpu.region"() ({
      %run_scoped3A = tpu.sem_alloc : memref<!tpu.dma_semaphore, #tpu.memory_space<semaphore_mem>>
      %dma_start3A_306 = arith.constant 0 : i32
      %dma_start3A_307 = tpu.memref_slice %arg5[%arg0, %mul3A_18, %dma_start3A_306] : memref<2x10112x128xf32, #tpu.memory_space<hbm>> -> memref<1x632x128xf32, #tpu.memory_space<hbm>>
      %dma_start3A_308 = tpu.memref_squeeze %dma_start3A_307 : memref<1x632x128xf32, #tpu.memory_space<hbm>> -> memref<632x128xf32, #tpu.memory_space<hbm>>
      %dma_start3A_309 = arith.constant 0 : i32
      %dma_start3A_310 = tpu.memref_slice %arg15[%mul3A_18, %dma_start3A_309] : memref<10112x128xf32, #tpu.memory_space<vmem_shared>> -> memref<632x128xf32, #tpu.memory_space<vmem_shared>>
      tpu.enqueue_dma source(%dma_start3A_310 : memref<632x128xf32, #tpu.memory_space<vmem_shared>>) target(%dma_start3A_308 : memref<632x128xf32, #tpu.memory_space<hbm>>) target_semaphore(%run_scoped3A : memref<!tpu.dma_semaphore, #tpu.memory_space<semaphore_mem>>)
      %dma_wait3A_311 = arith.constant 0 : i32
      %dma_wait3A_312 = tpu.memref_slice %arg5[%arg0, %mul3A_18, %dma_wait3A_311] : memref<2x10112x128xf32, #tpu.memory_space<hbm>> -> memref<1x632x128xf32, #tpu.memory_space<hbm>>
      %dma_wait3A_313 = tpu.memref_squeeze %dma_wait3A_312 : memref<1x632x128xf32, #tpu.memory_space<hbm>> -> memref<632x128xf32, #tpu.memory_space<hbm>>
      %dma_wait3A_314 = arith.constant 0 : i32
      %dma_wait3A_315 = tpu.memref_slice %arg15[%mul3A_18, %dma_wait3A_314] : memref<10112x128xf32, #tpu.memory_space<vmem_shared>> -> memref<632x128xf32, #tpu.memory_space<vmem_shared>>
      tpu.wait_dma2 semaphore(%run_scoped3A : memref<!tpu.dma_semaphore, #tpu.memory_space<semaphore_mem>>) src(%dma_wait3A_315 : memref<632x128xf32, #tpu.memory_space<vmem_shared>>) dst(%dma_wait3A_313 : memref<632x128xf32, #tpu.memory_space<hbm>>)
      tpu.yield
    }) : () -> ()
    return
  }
}

#map = affine_map<(d0, d1) -> (0, 0)>
#map1 = affine_map<(d0, d1) -> (0, 0, 0)>
module attributes {stable_mosaic.version = 14 : i64} {
  func.func @_sc_agg_body(%arg0: i32, %arg1: i32, %arg2: memref<10112x128xf32, #tpu.memory_space<hbm>>, %arg3: memref<32x80x128xi32, #tpu.memory_space<hbm>>, %arg4: memref<32x80x128xi32, #tpu.memory_space<hbm>>, %arg5: memref<2x10112x128xf32, #tpu.memory_space<hbm>>, %arg6: memref<40x128xi32, #tpu.memory_space<vmem>>, %arg7: memref<40x128xi32, #tpu.memory_space<vmem>>, %arg8: memref<128x128xf32, #tpu.memory_space<vmem>>, %arg9: memref<128x128xf32, #tpu.memory_space<vmem>>, %arg10: memref<!tpu.dma_semaphore, #tpu.memory_space<semaphore_mem>>, %arg11: memref<!tpu.dma_semaphore, #tpu.memory_space<semaphore_mem>>, %arg12: memref<!tpu.dma_semaphore, #tpu.memory_space<semaphore_mem>>, %arg13: memref<!tpu.dma_semaphore, #tpu.memory_space<semaphore_mem>>, %arg14: memref<10112x128xf32, #tpu.memory_space<vmem_shared>>) attributes {dimension_semantics = [#tpu.dimension_semantics<core_parallel>, #tpu.dimension_semantics<subcore_parallel>], iteration_bounds = array<i64: 2, 16>, scalar_prefetch = 0 : i64, scratch_operands = 9 : i64, tpu.core_type = #tpu.core_type<sc_vector_subcore>, window_params = [{transform_indices = #map}, {transform_indices = #map1}, {transform_indices = #map1}, {transform_indices = #map1}]} {
    %mul3A = arith.constant 16 : i32
    %mul3A_0 = arith.muli %arg0, %mul3A : i32
    %add3A = arith.addi %mul3A_0, %arg1 : i32
    %broadcast_in_dim3A = arith.constant 0.000000e+00 : f32
    %broadcast_in_dim3A_1 = vector.broadcast %broadcast_in_dim3A : f32 to vector<16xf32>
    %scan3A = arith.constant 0 : i32
    %scan3A_2 = arith.constant 0 : i32
    %scan3A_3 = arith.constant 128 : i32
    %scan3A_4 = arith.addi %scan3A_2, %scan3A_3 : i32
    %scan3A_5 = arith.constant 1 : i32
    %scan3A_6 = scf.for %scan3A_257 = %scan3A_2 to %scan3A_4 step %scan3A_5 iter_args(%scan3A_258 = %scan3A) -> (i32)  : i32 {
      %swap3A = arith.index_cast %scan3A_257 : i32 to index
      %swap3A_259 = arith.constant 0 : index
      %swap3A_260 = tpu.vector_load %arg8[%swap3A, %swap3A_259] {strides = array<i32>} : memref<128x128xf32, #tpu.memory_space<vmem>>, vector<1x16xf32>,
      %swap3A_261 = vector.shape_cast %swap3A_260 : vector<1x16xf32> to vector<16xf32>
      %swap3A_262 = vector.shape_cast %broadcast_in_dim3A_1 : vector<16xf32> to vector<1x16xf32>
      tpu.vector_store %arg8[%swap3A, %swap3A_259], %swap3A_262 {strides = array<i32>} : memref<128x128xf32, #tpu.memory_space<vmem>>, vector<1x16xf32>,
      %swap3A_263 = arith.index_cast %scan3A_257 : i32 to index
      %swap3A_264 = arith.constant 16 : index
      %swap3A_265 = tpu.vector_load %arg8[%swap3A_263, %swap3A_264] {strides = array<i32>} : memref<128x128xf32, #tpu.memory_space<vmem>>, vector<1x16xf32>,
      %swap3A_266 = vector.shape_cast %swap3A_265 : vector<1x16xf32> to vector<16xf32>
      %swap3A_267 = vector.shape_cast %broadcast_in_dim3A_1 : vector<16xf32> to vector<1x16xf32>
      tpu.vector_store %arg8[%swap3A_263, %swap3A_264], %swap3A_267 {strides = array<i32>} : memref<128x128xf32, #tpu.memory_space<vmem>>, vector<1x16xf32>,
      %swap3A_268 = arith.index_cast %scan3A_257 : i32 to index
      %swap3A_269 = arith.constant 32 : index
      %swap3A_270 = tpu.vector_load %arg8[%swap3A_268, %swap3A_269] {strides = array<i32>} : memref<128x128xf32, #tpu.memory_space<vmem>>, vector<1x16xf32>,
      %swap3A_271 = vector.shape_cast %swap3A_270 : vector<1x16xf32> to vector<16xf32>
      %swap3A_272 = vector.shape_cast %broadcast_in_dim3A_1 : vector<16xf32> to vector<1x16xf32>
      tpu.vector_store %arg8[%swap3A_268, %swap3A_269], %swap3A_272 {strides = array<i32>} : memref<128x128xf32, #tpu.memory_space<vmem>>, vector<1x16xf32>,
      %swap3A_273 = arith.index_cast %scan3A_257 : i32 to index
      %swap3A_274 = arith.constant 48 : index
      %swap3A_275 = tpu.vector_load %arg8[%swap3A_273, %swap3A_274] {strides = array<i32>} : memref<128x128xf32, #tpu.memory_space<vmem>>, vector<1x16xf32>,
      %swap3A_276 = vector.shape_cast %swap3A_275 : vector<1x16xf32> to vector<16xf32>
      %swap3A_277 = vector.shape_cast %broadcast_in_dim3A_1 : vector<16xf32> to vector<1x16xf32>
      tpu.vector_store %arg8[%swap3A_273, %swap3A_274], %swap3A_277 {strides = array<i32>} : memref<128x128xf32, #tpu.memory_space<vmem>>, vector<1x16xf32>,
      %swap3A_278 = arith.index_cast %scan3A_257 : i32 to index
      %swap3A_279 = arith.constant 64 : index
      %swap3A_280 = tpu.vector_load %arg8[%swap3A_278, %swap3A_279] {strides = array<i32>} : memref<128x128xf32, #tpu.memory_space<vmem>>, vector<1x16xf32>,
      %swap3A_281 = vector.shape_cast %swap3A_280 : vector<1x16xf32> to vector<16xf32>
      %swap3A_282 = vector.shape_cast %broadcast_in_dim3A_1 : vector<16xf32> to vector<1x16xf32>
      tpu.vector_store %arg8[%swap3A_278, %swap3A_279], %swap3A_282 {strides = array<i32>} : memref<128x128xf32, #tpu.memory_space<vmem>>, vector<1x16xf32>,
      %swap3A_283 = arith.index_cast %scan3A_257 : i32 to index
      %swap3A_284 = arith.constant 80 : index
      %swap3A_285 = tpu.vector_load %arg8[%swap3A_283, %swap3A_284] {strides = array<i32>} : memref<128x128xf32, #tpu.memory_space<vmem>>, vector<1x16xf32>,
      %swap3A_286 = vector.shape_cast %swap3A_285 : vector<1x16xf32> to vector<16xf32>
      %swap3A_287 = vector.shape_cast %broadcast_in_dim3A_1 : vector<16xf32> to vector<1x16xf32>
      tpu.vector_store %arg8[%swap3A_283, %swap3A_284], %swap3A_287 {strides = array<i32>} : memref<128x128xf32, #tpu.memory_space<vmem>>, vector<1x16xf32>,
      %swap3A_288 = arith.index_cast %scan3A_257 : i32 to index
      %swap3A_289 = arith.constant 96 : index
      %swap3A_290 = tpu.vector_load %arg8[%swap3A_288, %swap3A_289] {strides = array<i32>} : memref<128x128xf32, #tpu.memory_space<vmem>>, vector<1x16xf32>,
      %swap3A_291 = vector.shape_cast %swap3A_290 : vector<1x16xf32> to vector<16xf32>
      %swap3A_292 = vector.shape_cast %broadcast_in_dim3A_1 : vector<16xf32> to vector<1x16xf32>
      tpu.vector_store %arg8[%swap3A_288, %swap3A_289], %swap3A_292 {strides = array<i32>} : memref<128x128xf32, #tpu.memory_space<vmem>>, vector<1x16xf32>,
      %swap3A_293 = arith.index_cast %scan3A_257 : i32 to index
      %swap3A_294 = arith.constant 112 : index
      %swap3A_295 = tpu.vector_load %arg8[%swap3A_293, %swap3A_294] {strides = array<i32>} : memref<128x128xf32, #tpu.memory_space<vmem>>, vector<1x16xf32>,
      %swap3A_296 = vector.shape_cast %swap3A_295 : vector<1x16xf32> to vector<16xf32>
      %swap3A_297 = vector.shape_cast %broadcast_in_dim3A_1 : vector<16xf32> to vector<1x16xf32>
      tpu.vector_store %arg8[%swap3A_293, %swap3A_294], %swap3A_297 {strides = array<i32>} : memref<128x128xf32, #tpu.memory_space<vmem>>, vector<1x16xf32>,
      %scan3A_298 = arith.constant 0 : i32
      scf.yield %scan3A_298 : i32
    }
    %scan3A_7 = arith.constant 128 : i32
    %mul3A_8 = arith.constant 632 : i32
    %mul3A_9 = arith.muli %arg1, %mul3A_8 : i32
    %add3A_10 = arith.constant 0 : i32
    %add3A_11 = arith.addi %mul3A_9, %add3A_10 : i32
    "tpu.region"() ({
      %run_scoped3A = tpu.sem_alloc : memref<!tpu.dma_semaphore, #tpu.memory_space<semaphore_mem>>
      %dma_start3A_257 = arith.constant 0 : i32
      %dma_start3A_258 = arith.constant 0 : i32
      %dma_start3A_259 = tpu.memref_slice %arg8[%dma_start3A_257, %dma_start3A_258] : memref<128x128xf32, #tpu.memory_space<vmem>> -> memref<128x128xf32, #tpu.memory_space<vmem>>
      %dma_start3A_260 = arith.constant 0 : i32
      %dma_start3A_261 = tpu.memref_slice %arg14[%add3A_11, %dma_start3A_260] : memref<10112x128xf32, #tpu.memory_space<vmem_shared>> -> memref<128x128xf32, #tpu.memory_space<vmem_shared>>
      %dma_start3A_262 = arith.constant 0 : i32
      %dma_start3A_263 = tpu.memref_slice %arg14[%add3A_11, %dma_start3A_262] : memref<10112x128xf32, #tpu.memory_space<vmem_shared>> -> memref<128x128xf32, #tpu.memory_space<vmem_shared>>
      %dma_start3A_264 = arith.constant 0 : i32
      %dma_start3A_265 = arith.constant 0 : i32
      %dma_start3A_266 = tpu.memref_slice %arg8[%dma_start3A_264, %dma_start3A_265] : memref<128x128xf32, #tpu.memory_space<vmem>> -> memref<128x128xf32, #tpu.memory_space<vmem>>
      tpu.enqueue_dma source(%dma_start3A_266 : memref<128x128xf32, #tpu.memory_space<vmem>>) target(%dma_start3A_263 : memref<128x128xf32, #tpu.memory_space<vmem_shared>>) target_semaphore(%run_scoped3A : memref<!tpu.dma_semaphore, #tpu.memory_space<semaphore_mem>>)
      %dma_wait3A_267 = arith.constant 0 : i32
      %dma_wait3A_268 = arith.constant 0 : i32
      %dma_wait3A_269 = tpu.memref_slice %arg8[%dma_wait3A_267, %dma_wait3A_268] : memref<128x128xf32, #tpu.memory_space<vmem>> -> memref<128x128xf32, #tpu.memory_space<vmem>>
      %dma_wait3A_270 = arith.constant 0 : i32
      %dma_wait3A_271 = tpu.memref_slice %arg14[%add3A_11, %dma_wait3A_270] : memref<10112x128xf32, #tpu.memory_space<vmem_shared>> -> memref<128x128xf32, #tpu.memory_space<vmem_shared>>
      %dma_wait3A_272 = arith.constant 0 : i32
      %dma_wait3A_273 = tpu.memref_slice %arg14[%add3A_11, %dma_wait3A_272] : memref<10112x128xf32, #tpu.memory_space<vmem_shared>> -> memref<128x128xf32, #tpu.memory_space<vmem_shared>>
      %dma_wait3A_274 = arith.constant 0 : i32
      %dma_wait3A_275 = arith.constant 0 : i32
      %dma_wait3A_276 = tpu.memref_slice %arg8[%dma_wait3A_274, %dma_wait3A_275] : memref<128x128xf32, #tpu.memory_space<vmem>> -> memref<128x128xf32, #tpu.memory_space<vmem>>
      tpu.wait_dma2 semaphore(%run_scoped3A : memref<!tpu.dma_semaphore, #tpu.memory_space<semaphore_mem>>) src(%dma_wait3A_276 : memref<128x128xf32, #tpu.memory_space<vmem>>) dst(%dma_wait3A_273 : memref<128x128xf32, #tpu.memory_space<vmem_shared>>)
      tpu.yield
    }) : () -> ()
    %add3A_12 = arith.constant 128 : i32
    %add3A_13 = arith.addi %mul3A_9, %add3A_12 : i32
    "tpu.region"() ({
      %run_scoped3A = tpu.sem_alloc : memref<!tpu.dma_semaphore, #tpu.memory_space<semaphore_mem>>
      %dma_start3A_257 = arith.constant 0 : i32
      %dma_start3A_258 = arith.constant 0 : i32
      %dma_start3A_259 = tpu.memref_slice %arg8[%dma_start3A_257, %dma_start3A_258] : memref<128x128xf32, #tpu.memory_space<vmem>> -> memref<128x128xf32, #tpu.memory_space<vmem>>
      %dma_start3A_260 = arith.constant 0 : i32
      %dma_start3A_261 = tpu.memref_slice %arg14[%add3A_13, %dma_start3A_260] : memref<10112x128xf32, #tpu.memory_space<vmem_shared>> -> memref<128x128xf32, #tpu.memory_space<vmem_shared>>
      %dma_start3A_262 = arith.constant 0 : i32
      %dma_start3A_263 = tpu.memref_slice %arg14[%add3A_13, %dma_start3A_262] : memref<10112x128xf32, #tpu.memory_space<vmem_shared>> -> memref<128x128xf32, #tpu.memory_space<vmem_shared>>
      %dma_start3A_264 = arith.constant 0 : i32
      %dma_start3A_265 = arith.constant 0 : i32
      %dma_start3A_266 = tpu.memref_slice %arg8[%dma_start3A_264, %dma_start3A_265] : memref<128x128xf32, #tpu.memory_space<vmem>> -> memref<128x128xf32, #tpu.memory_space<vmem>>
      tpu.enqueue_dma source(%dma_start3A_266 : memref<128x128xf32, #tpu.memory_space<vmem>>) target(%dma_start3A_263 : memref<128x128xf32, #tpu.memory_space<vmem_shared>>) target_semaphore(%run_scoped3A : memref<!tpu.dma_semaphore, #tpu.memory_space<semaphore_mem>>)
      %dma_wait3A_267 = arith.constant 0 : i32
      %dma_wait3A_268 = arith.constant 0 : i32
      %dma_wait3A_269 = tpu.memref_slice %arg8[%dma_wait3A_267, %dma_wait3A_268] : memref<128x128xf32, #tpu.memory_space<vmem>> -> memref<128x128xf32, #tpu.memory_space<vmem>>
      %dma_wait3A_270 = arith.constant 0 : i32
      %dma_wait3A_271 = tpu.memref_slice %arg14[%add3A_13, %dma_wait3A_270] : memref<10112x128xf32, #tpu.memory_space<vmem_shared>> -> memref<128x128xf32, #tpu.memory_space<vmem_shared>>
      %dma_wait3A_272 = arith.constant 0 : i32
      %dma_wait3A_273 = tpu.memref_slice %arg14[%add3A_13, %dma_wait3A_272] : memref<10112x128xf32, #tpu.memory_space<vmem_shared>> -> memref<128x128xf32, #tpu.memory_space<vmem_shared>>
      %dma_wait3A_274 = arith.constant 0 : i32
      %dma_wait3A_275 = arith.constant 0 : i32
      %dma_wait3A_276 = tpu.memref_slice %arg8[%dma_wait3A_274, %dma_wait3A_275] : memref<128x128xf32, #tpu.memory_space<vmem>> -> memref<128x128xf32, #tpu.memory_space<vmem>>
      tpu.wait_dma2 semaphore(%run_scoped3A : memref<!tpu.dma_semaphore, #tpu.memory_space<semaphore_mem>>) src(%dma_wait3A_276 : memref<128x128xf32, #tpu.memory_space<vmem>>) dst(%dma_wait3A_273 : memref<128x128xf32, #tpu.memory_space<vmem_shared>>)
      tpu.yield
    }) : () -> ()
    %add3A_14 = arith.constant 256 : i32
    %add3A_15 = arith.addi %mul3A_9, %add3A_14 : i32
    "tpu.region"() ({
      %run_scoped3A = tpu.sem_alloc : memref<!tpu.dma_semaphore, #tpu.memory_space<semaphore_mem>>
      %dma_start3A_257 = arith.constant 0 : i32
      %dma_start3A_258 = arith.constant 0 : i32
      %dma_start3A_259 = tpu.memref_slice %arg8[%dma_start3A_257, %dma_start3A_258] : memref<128x128xf32, #tpu.memory_space<vmem>> -> memref<128x128xf32, #tpu.memory_space<vmem>>
      %dma_start3A_260 = arith.constant 0 : i32
      %dma_start3A_261 = tpu.memref_slice %arg14[%add3A_15, %dma_start3A_260] : memref<10112x128xf32, #tpu.memory_space<vmem_shared>> -> memref<128x128xf32, #tpu.memory_space<vmem_shared>>
      %dma_start3A_262 = arith.constant 0 : i32
      %dma_start3A_263 = tpu.memref_slice %arg14[%add3A_15, %dma_start3A_262] : memref<10112x128xf32, #tpu.memory_space<vmem_shared>> -> memref<128x128xf32, #tpu.memory_space<vmem_shared>>
      %dma_start3A_264 = arith.constant 0 : i32
      %dma_start3A_265 = arith.constant 0 : i32
      %dma_start3A_266 = tpu.memref_slice %arg8[%dma_start3A_264, %dma_start3A_265] : memref<128x128xf32, #tpu.memory_space<vmem>> -> memref<128x128xf32, #tpu.memory_space<vmem>>
      tpu.enqueue_dma source(%dma_start3A_266 : memref<128x128xf32, #tpu.memory_space<vmem>>) target(%dma_start3A_263 : memref<128x128xf32, #tpu.memory_space<vmem_shared>>) target_semaphore(%run_scoped3A : memref<!tpu.dma_semaphore, #tpu.memory_space<semaphore_mem>>)
      %dma_wait3A_267 = arith.constant 0 : i32
      %dma_wait3A_268 = arith.constant 0 : i32
      %dma_wait3A_269 = tpu.memref_slice %arg8[%dma_wait3A_267, %dma_wait3A_268] : memref<128x128xf32, #tpu.memory_space<vmem>> -> memref<128x128xf32, #tpu.memory_space<vmem>>
      %dma_wait3A_270 = arith.constant 0 : i32
      %dma_wait3A_271 = tpu.memref_slice %arg14[%add3A_15, %dma_wait3A_270] : memref<10112x128xf32, #tpu.memory_space<vmem_shared>> -> memref<128x128xf32, #tpu.memory_space<vmem_shared>>
      %dma_wait3A_272 = arith.constant 0 : i32
      %dma_wait3A_273 = tpu.memref_slice %arg14[%add3A_15, %dma_wait3A_272] : memref<10112x128xf32, #tpu.memory_space<vmem_shared>> -> memref<128x128xf32, #tpu.memory_space<vmem_shared>>
      %dma_wait3A_274 = arith.constant 0 : i32
      %dma_wait3A_275 = arith.constant 0 : i32
      %dma_wait3A_276 = tpu.memref_slice %arg8[%dma_wait3A_274, %dma_wait3A_275] : memref<128x128xf32, #tpu.memory_space<vmem>> -> memref<128x128xf32, #tpu.memory_space<vmem>>
      tpu.wait_dma2 semaphore(%run_scoped3A : memref<!tpu.dma_semaphore, #tpu.memory_space<semaphore_mem>>) src(%dma_wait3A_276 : memref<128x128xf32, #tpu.memory_space<vmem>>) dst(%dma_wait3A_273 : memref<128x128xf32, #tpu.memory_space<vmem_shared>>)
      tpu.yield
    }) : () -> ()
    %add3A_16 = arith.constant 384 : i32
    %add3A_17 = arith.addi %mul3A_9, %add3A_16 : i32
    "tpu.region"() ({
      %run_scoped3A = tpu.sem_alloc : memref<!tpu.dma_semaphore, #tpu.memory_space<semaphore_mem>>
      %dma_start3A_257 = arith.constant 0 : i32
      %dma_start3A_258 = arith.constant 0 : i32
      %dma_start3A_259 = tpu.memref_slice %arg8[%dma_start3A_257, %dma_start3A_258] : memref<128x128xf32, #tpu.memory_space<vmem>> -> memref<128x128xf32, #tpu.memory_space<vmem>>
      %dma_start3A_260 = arith.constant 0 : i32
      %dma_start3A_261 = tpu.memref_slice %arg14[%add3A_17, %dma_start3A_260] : memref<10112x128xf32, #tpu.memory_space<vmem_shared>> -> memref<128x128xf32, #tpu.memory_space<vmem_shared>>
      %dma_start3A_262 = arith.constant 0 : i32
      %dma_start3A_263 = tpu.memref_slice %arg14[%add3A_17, %dma_start3A_262] : memref<10112x128xf32, #tpu.memory_space<vmem_shared>> -> memref<128x128xf32, #tpu.memory_space<vmem_shared>>
      %dma_start3A_264 = arith.constant 0 : i32
      %dma_start3A_265 = arith.constant 0 : i32
      %dma_start3A_266 = tpu.memref_slice %arg8[%dma_start3A_264, %dma_start3A_265] : memref<128x128xf32, #tpu.memory_space<vmem>> -> memref<128x128xf32, #tpu.memory_space<vmem>>
      tpu.enqueue_dma source(%dma_start3A_266 : memref<128x128xf32, #tpu.memory_space<vmem>>) target(%dma_start3A_263 : memref<128x128xf32, #tpu.memory_space<vmem_shared>>) target_semaphore(%run_scoped3A : memref<!tpu.dma_semaphore, #tpu.memory_space<semaphore_mem>>)
      %dma_wait3A_267 = arith.constant 0 : i32
      %dma_wait3A_268 = arith.constant 0 : i32
      %dma_wait3A_269 = tpu.memref_slice %arg8[%dma_wait3A_267, %dma_wait3A_268] : memref<128x128xf32, #tpu.memory_space<vmem>> -> memref<128x128xf32, #tpu.memory_space<vmem>>
      %dma_wait3A_270 = arith.constant 0 : i32
      %dma_wait3A_271 = tpu.memref_slice %arg14[%add3A_17, %dma_wait3A_270] : memref<10112x128xf32, #tpu.memory_space<vmem_shared>> -> memref<128x128xf32, #tpu.memory_space<vmem_shared>>
      %dma_wait3A_272 = arith.constant 0 : i32
      %dma_wait3A_273 = tpu.memref_slice %arg14[%add3A_17, %dma_wait3A_272] : memref<10112x128xf32, #tpu.memory_space<vmem_shared>> -> memref<128x128xf32, #tpu.memory_space<vmem_shared>>
      %dma_wait3A_274 = arith.constant 0 : i32
      %dma_wait3A_275 = arith.constant 0 : i32
      %dma_wait3A_276 = tpu.memref_slice %arg8[%dma_wait3A_274, %dma_wait3A_275] : memref<128x128xf32, #tpu.memory_space<vmem>> -> memref<128x128xf32, #tpu.memory_space<vmem>>
      tpu.wait_dma2 semaphore(%run_scoped3A : memref<!tpu.dma_semaphore, #tpu.memory_space<semaphore_mem>>) src(%dma_wait3A_276 : memref<128x128xf32, #tpu.memory_space<vmem>>) dst(%dma_wait3A_273 : memref<128x128xf32, #tpu.memory_space<vmem_shared>>)
      tpu.yield
    }) : () -> ()
    %add3A_18 = arith.constant 512 : i32
    %add3A_19 = arith.addi %mul3A_9, %add3A_18 : i32
    "tpu.region"() ({
      %run_scoped3A = tpu.sem_alloc : memref<!tpu.dma_semaphore, #tpu.memory_space<semaphore_mem>>
      %dma_start3A_257 = arith.constant 0 : i32
      %dma_start3A_258 = arith.constant 0 : i32
      %dma_start3A_259 = tpu.memref_slice %arg8[%dma_start3A_257, %dma_start3A_258] : memref<128x128xf32, #tpu.memory_space<vmem>> -> memref<120x128xf32, #tpu.memory_space<vmem>>
      %dma_start3A_260 = arith.constant 0 : i32
      %dma_start3A_261 = tpu.memref_slice %arg14[%add3A_19, %dma_start3A_260] : memref<10112x128xf32, #tpu.memory_space<vmem_shared>> -> memref<120x128xf32, #tpu.memory_space<vmem_shared>>
      %dma_start3A_262 = arith.constant 0 : i32
      %dma_start3A_263 = tpu.memref_slice %arg14[%add3A_19, %dma_start3A_262] : memref<10112x128xf32, #tpu.memory_space<vmem_shared>> -> memref<120x128xf32, #tpu.memory_space<vmem_shared>>
      %dma_start3A_264 = arith.constant 0 : i32
      %dma_start3A_265 = arith.constant 0 : i32
      %dma_start3A_266 = tpu.memref_slice %arg8[%dma_start3A_264, %dma_start3A_265] : memref<128x128xf32, #tpu.memory_space<vmem>> -> memref<120x128xf32, #tpu.memory_space<vmem>>
      tpu.enqueue_dma source(%dma_start3A_266 : memref<120x128xf32, #tpu.memory_space<vmem>>) target(%dma_start3A_263 : memref<120x128xf32, #tpu.memory_space<vmem_shared>>) target_semaphore(%run_scoped3A : memref<!tpu.dma_semaphore, #tpu.memory_space<semaphore_mem>>)
      %dma_wait3A_267 = arith.constant 0 : i32
      %dma_wait3A_268 = arith.constant 0 : i32
      %dma_wait3A_269 = tpu.memref_slice %arg8[%dma_wait3A_267, %dma_wait3A_268] : memref<128x128xf32, #tpu.memory_space<vmem>> -> memref<120x128xf32, #tpu.memory_space<vmem>>
      %dma_wait3A_270 = arith.constant 0 : i32
      %dma_wait3A_271 = tpu.memref_slice %arg14[%add3A_19, %dma_wait3A_270] : memref<10112x128xf32, #tpu.memory_space<vmem_shared>> -> memref<120x128xf32, #tpu.memory_space<vmem_shared>>
      %dma_wait3A_272 = arith.constant 0 : i32
      %dma_wait3A_273 = tpu.memref_slice %arg14[%add3A_19, %dma_wait3A_272] : memref<10112x128xf32, #tpu.memory_space<vmem_shared>> -> memref<120x128xf32, #tpu.memory_space<vmem_shared>>
      %dma_wait3A_274 = arith.constant 0 : i32
      %dma_wait3A_275 = arith.constant 0 : i32
      %dma_wait3A_276 = tpu.memref_slice %arg8[%dma_wait3A_274, %dma_wait3A_275] : memref<128x128xf32, #tpu.memory_space<vmem>> -> memref<120x128xf32, #tpu.memory_space<vmem>>
      tpu.wait_dma2 semaphore(%run_scoped3A : memref<!tpu.dma_semaphore, #tpu.memory_space<semaphore_mem>>) src(%dma_wait3A_276 : memref<120x128xf32, #tpu.memory_space<vmem>>) dst(%dma_wait3A_273 : memref<120x128xf32, #tpu.memory_space<vmem_shared>>)
      tpu.yield
    }) : () -> ()
    %barrier3A = arith.constant 0 : index
    tpu.barrier barrier_id(%barrier3A)
    "tpu.region"() ({
      %run_scoped3A = tpu.sem_alloc : memref<!tpu.dma_semaphore, #tpu.memory_space<semaphore_mem>>
      %dma_start3A_257 = arith.constant 0 : i32
      %dma_start3A_258 = arith.constant 0 : i32
      %dma_start3A_259 = tpu.memref_slice %arg3[%add3A, %dma_start3A_257, %dma_start3A_258] : memref<32x80x128xi32, #tpu.memory_space<hbm>> -> memref<1x40x128xi32, #tpu.memory_space<hbm>>
      %dma_start3A_260 = tpu.memref_squeeze %dma_start3A_259 : memref<1x40x128xi32, #tpu.memory_space<hbm>> -> memref<40x128xi32, #tpu.memory_space<hbm>>
      %dma_start3A_261 = arith.constant 0 : i32
      %dma_start3A_262 = arith.constant 0 : i32
      %dma_start3A_263 = tpu.memref_slice %arg3[%add3A, %dma_start3A_261, %dma_start3A_262] : memref<32x80x128xi32, #tpu.memory_space<hbm>> -> memref<1x40x128xi32, #tpu.memory_space<hbm>>
      %dma_start3A_264 = tpu.memref_squeeze %dma_start3A_263 : memref<1x40x128xi32, #tpu.memory_space<hbm>> -> memref<40x128xi32, #tpu.memory_space<hbm>>
      tpu.enqueue_dma source(%dma_start3A_264 : memref<40x128xi32, #tpu.memory_space<hbm>>) target(%arg6 : memref<40x128xi32, #tpu.memory_space<vmem>>) target_semaphore(%run_scoped3A : memref<!tpu.dma_semaphore, #tpu.memory_space<semaphore_mem>>)
      %dma_wait3A_265 = arith.constant 0 : i32
      %dma_wait3A_266 = arith.constant 0 : i32
      %dma_wait3A_267 = tpu.memref_slice %arg3[%add3A, %dma_wait3A_265, %dma_wait3A_266] : memref<32x80x128xi32, #tpu.memory_space<hbm>> -> memref<1x40x128xi32, #tpu.memory_space<hbm>>
      %dma_wait3A_268 = tpu.memref_squeeze %dma_wait3A_267 : memref<1x40x128xi32, #tpu.memory_space<hbm>> -> memref<40x128xi32, #tpu.memory_space<hbm>>
      %dma_wait3A_269 = arith.constant 0 : i32
      %dma_wait3A_270 = arith.constant 0 : i32
      %dma_wait3A_271 = tpu.memref_slice %arg3[%add3A, %dma_wait3A_269, %dma_wait3A_270] : memref<32x80x128xi32, #tpu.memory_space<hbm>> -> memref<1x40x128xi32, #tpu.memory_space<hbm>>
      %dma_wait3A_272 = tpu.memref_squeeze %dma_wait3A_271 : memref<1x40x128xi32, #tpu.memory_space<hbm>> -> memref<40x128xi32, #tpu.memory_space<hbm>>
      tpu.wait_dma2 semaphore(%run_scoped3A : memref<!tpu.dma_semaphore, #tpu.memory_space<semaphore_mem>>) src(%dma_wait3A_272 : memref<40x128xi32, #tpu.memory_space<hbm>>) dst(%arg6 : memref<40x128xi32, #tpu.memory_space<vmem>>)
      tpu.yield
    }) : () -> ()
    "tpu.region"() ({
      %run_scoped3A = tpu.sem_alloc : memref<!tpu.dma_semaphore, #tpu.memory_space<semaphore_mem>>
      %dma_start3A_257 = arith.constant 0 : i32
      %dma_start3A_258 = arith.constant 0 : i32
      %dma_start3A_259 = tpu.memref_slice %arg4[%add3A, %dma_start3A_257, %dma_start3A_258] : memref<32x80x128xi32, #tpu.memory_space<hbm>> -> memref<1x40x128xi32, #tpu.memory_space<hbm>>
      %dma_start3A_260 = tpu.memref_squeeze %dma_start3A_259 : memref<1x40x128xi32, #tpu.memory_space<hbm>> -> memref<40x128xi32, #tpu.memory_space<hbm>>
      %dma_start3A_261 = arith.constant 0 : i32
      %dma_start3A_262 = arith.constant 0 : i32
      %dma_start3A_263 = tpu.memref_slice %arg4[%add3A, %dma_start3A_261, %dma_start3A_262] : memref<32x80x128xi32, #tpu.memory_space<hbm>> -> memref<1x40x128xi32, #tpu.memory_space<hbm>>
      %dma_start3A_264 = tpu.memref_squeeze %dma_start3A_263 : memref<1x40x128xi32, #tpu.memory_space<hbm>> -> memref<40x128xi32, #tpu.memory_space<hbm>>
      tpu.enqueue_dma source(%dma_start3A_264 : memref<40x128xi32, #tpu.memory_space<hbm>>) target(%arg7 : memref<40x128xi32, #tpu.memory_space<vmem>>) target_semaphore(%run_scoped3A : memref<!tpu.dma_semaphore, #tpu.memory_space<semaphore_mem>>)
      %dma_wait3A_265 = arith.constant 0 : i32
      %dma_wait3A_266 = arith.constant 0 : i32
      %dma_wait3A_267 = tpu.memref_slice %arg4[%add3A, %dma_wait3A_265, %dma_wait3A_266] : memref<32x80x128xi32, #tpu.memory_space<hbm>> -> memref<1x40x128xi32, #tpu.memory_space<hbm>>
      %dma_wait3A_268 = tpu.memref_squeeze %dma_wait3A_267 : memref<1x40x128xi32, #tpu.memory_space<hbm>> -> memref<40x128xi32, #tpu.memory_space<hbm>>
      %dma_wait3A_269 = arith.constant 0 : i32
      %dma_wait3A_270 = arith.constant 0 : i32
      %dma_wait3A_271 = tpu.memref_slice %arg4[%add3A, %dma_wait3A_269, %dma_wait3A_270] : memref<32x80x128xi32, #tpu.memory_space<hbm>> -> memref<1x40x128xi32, #tpu.memory_space<hbm>>
      %dma_wait3A_272 = tpu.memref_squeeze %dma_wait3A_271 : memref<1x40x128xi32, #tpu.memory_space<hbm>> -> memref<40x128xi32, #tpu.memory_space<hbm>>
      tpu.wait_dma2 semaphore(%run_scoped3A : memref<!tpu.dma_semaphore, #tpu.memory_space<semaphore_mem>>) src(%dma_wait3A_272 : memref<40x128xi32, #tpu.memory_space<hbm>>) dst(%arg7 : memref<40x128xi32, #tpu.memory_space<vmem>>)
      tpu.yield
    }) : () -> ()
    %dma_start3A = arith.constant 0 : i32
    %dma_start3A_20 = arith.constant 0 : i32
    %dma_start3A_21 = tpu.memref_slice %arg6[%dma_start3A, %dma_start3A_20] : memref<40x128xi32, #tpu.memory_space<vmem>> -> memref<1x128xi32, #tpu.memory_space<vmem>>
    %dma_start3A_22 = tpu.memref_squeeze %dma_start3A_21 : memref<1x128xi32, #tpu.memory_space<vmem>> -> memref<128xi32, #tpu.memory_space<vmem>>
    %dma_start3A_23 = arith.constant 0 : i32
    %dma_start3A_24 = arith.constant 0 : i32
    %dma_start3A_25 = tpu.memref_slice %arg2[%dma_start3A_23, %dma_start3A_24] : memref<10112x128xf32, #tpu.memory_space<hbm>> -> memref<10112x128xf32, #tpu.memory_space<hbm>>
    tpu.enqueue_indirect_dma source(%dma_start3A_25 : memref<10112x128xf32, #tpu.memory_space<hbm>>) target(%arg8 : memref<128x128xf32, #tpu.memory_space<vmem>>) offsets(%dma_start3A_22 : memref<128xi32, #tpu.memory_space<vmem>>) semaphore(%arg10 : memref<!tpu.dma_semaphore, #tpu.memory_space<semaphore_mem>>)
    %dma_wait3A = arith.constant 0 : i32
    %dma_wait3A_26 = arith.constant 0 : i32
    %dma_wait3A_27 = tpu.memref_slice %arg6[%dma_wait3A, %dma_wait3A_26] : memref<40x128xi32, #tpu.memory_space<vmem>> -> memref<1x128xi32, #tpu.memory_space<vmem>>
    %dma_wait3A_28 = tpu.memref_squeeze %dma_wait3A_27 : memref<1x128xi32, #tpu.memory_space<vmem>> -> memref<128xi32, #tpu.memory_space<vmem>>
    %dma_wait3A_29 = arith.constant 0 : i32
    %dma_wait3A_30 = arith.constant 0 : i32
    %dma_wait3A_31 = tpu.memref_slice %arg2[%dma_wait3A_29, %dma_wait3A_30] : memref<10112x128xf32, #tpu.memory_space<hbm>> -> memref<10112x128xf32, #tpu.memory_space<hbm>>
    tpu.wait_indirect_dma semaphore(%arg10 : memref<!tpu.dma_semaphore, #tpu.memory_space<semaphore_mem>>) src(%dma_wait3A_31 : memref<10112x128xf32, #tpu.memory_space<hbm>>) dst(%arg8 : memref<128x128xf32, #tpu.memory_space<vmem>>)
    %dma_start3A_32 = arith.constant 0 : i32
    %dma_start3A_33 = arith.constant 0 : i32
    %dma_start3A_34 = tpu.memref_slice %arg7[%dma_start3A_32, %dma_start3A_33] : memref<40x128xi32, #tpu.memory_space<vmem>> -> memref<1x128xi32, #tpu.memory_space<vmem>>
    %dma_start3A_35 = tpu.memref_squeeze %dma_start3A_34 : memref<1x128xi32, #tpu.memory_space<vmem>> -> memref<128xi32, #tpu.memory_space<vmem>>
    %dma_start3A_36 = arith.constant 0 : i32
    %dma_start3A_37 = arith.constant 0 : i32
    %dma_start3A_38 = tpu.memref_slice %arg14[%dma_start3A_36, %dma_start3A_37] : memref<10112x128xf32, #tpu.memory_space<vmem_shared>> -> memref<10112x128xf32, #tpu.memory_space<vmem_shared>>
    tpu.enqueue_indirect_dma source(%arg8 : memref<128x128xf32, #tpu.memory_space<vmem>>) target(%dma_start3A_38 : memref<10112x128xf32, #tpu.memory_space<vmem_shared>>) offsets(%dma_start3A_35 : memref<128xi32, #tpu.memory_space<vmem>>) semaphore(%arg12 : memref<!tpu.dma_semaphore, #tpu.memory_space<semaphore_mem>>) {add = true}
    %dma_start3A_39 = arith.constant 1 : i32
    %dma_start3A_40 = arith.constant 0 : i32
    %dma_start3A_41 = tpu.memref_slice %arg6[%dma_start3A_39, %dma_start3A_40] : memref<40x128xi32, #tpu.memory_space<vmem>> -> memref<1x128xi32, #tpu.memory_space<vmem>>
    %dma_start3A_42 = tpu.memref_squeeze %dma_start3A_41 : memref<1x128xi32, #tpu.memory_space<vmem>> -> memref<128xi32, #tpu.memory_space<vmem>>
    %dma_start3A_43 = arith.constant 0 : i32
    %dma_start3A_44 = arith.constant 0 : i32
    %dma_start3A_45 = tpu.memref_slice %arg2[%dma_start3A_43, %dma_start3A_44] : memref<10112x128xf32, #tpu.memory_space<hbm>> -> memref<10112x128xf32, #tpu.memory_space<hbm>>
    tpu.enqueue_indirect_dma source(%dma_start3A_45 : memref<10112x128xf32, #tpu.memory_space<hbm>>) target(%arg9 : memref<128x128xf32, #tpu.memory_space<vmem>>) offsets(%dma_start3A_42 : memref<128xi32, #tpu.memory_space<vmem>>) semaphore(%arg11 : memref<!tpu.dma_semaphore, #tpu.memory_space<semaphore_mem>>)
    %dma_wait3A_46 = arith.constant 1 : i32
    %dma_wait3A_47 = arith.constant 0 : i32
    %dma_wait3A_48 = tpu.memref_slice %arg6[%dma_wait3A_46, %dma_wait3A_47] : memref<40x128xi32, #tpu.memory_space<vmem>> -> memref<1x128xi32, #tpu.memory_space<vmem>>
    %dma_wait3A_49 = tpu.memref_squeeze %dma_wait3A_48 : memref<1x128xi32, #tpu.memory_space<vmem>> -> memref<128xi32, #tpu.memory_space<vmem>>
    %dma_wait3A_50 = arith.constant 0 : i32
    %dma_wait3A_51 = arith.constant 0 : i32
    %dma_wait3A_52 = tpu.memref_slice %arg2[%dma_wait3A_50, %dma_wait3A_51] : memref<10112x128xf32, #tpu.memory_space<hbm>> -> memref<10112x128xf32, #tpu.memory_space<hbm>>
    tpu.wait_indirect_dma semaphore(%arg11 : memref<!tpu.dma_semaphore, #tpu.memory_space<semaphore_mem>>) src(%dma_wait3A_52 : memref<10112x128xf32, #tpu.memory_space<hbm>>) dst(%arg9 : memref<128x128xf32, #tpu.memory_space<vmem>>)
    %dma_start3A_53 = arith.constant 1 : i32
    %dma_start3A_54 = arith.constant 0 : i32
    %dma_start3A_55 = tpu.memref_slice %arg7[%dma_start3A_53, %dma_start3A_54] : memref<40x128xi32, #tpu.memory_space<vmem>> -> memref<1x128xi32, #tpu.memory_space<vmem>>
    %dma_start3A_56 = tpu.memref_squeeze %dma_start3A_55 : memref<1x128xi32, #tpu.memory_space<vmem>> -> memref<128xi32, #tpu.memory_space<vmem>>
    %dma_start3A_57 = arith.constant 0 : i32
    %dma_start3A_58 = arith.constant 0 : i32
    %dma_start3A_59 = tpu.memref_slice %arg14[%dma_start3A_57, %dma_start3A_58] : memref<10112x128xf32, #tpu.memory_space<vmem_shared>> -> memref<10112x128xf32, #tpu.memory_space<vmem_shared>>
    tpu.enqueue_indirect_dma source(%arg9 : memref<128x128xf32, #tpu.memory_space<vmem>>) target(%dma_start3A_59 : memref<10112x128xf32, #tpu.memory_space<vmem_shared>>) offsets(%dma_start3A_56 : memref<128xi32, #tpu.memory_space<vmem>>) semaphore(%arg13 : memref<!tpu.dma_semaphore, #tpu.memory_space<semaphore_mem>>) {add = true}
    %dma_wait3A_60 = arith.constant 0 : i32
    %dma_wait3A_61 = arith.constant 0 : i32
    %dma_wait3A_62 = tpu.memref_slice %arg7[%dma_wait3A_60, %dma_wait3A_61] : memref<40x128xi32, #tpu.memory_space<vmem>> -> memref<1x128xi32, #tpu.memory_space<vmem>>
    %dma_wait3A_63 = tpu.memref_squeeze %dma_wait3A_62 : memref<1x128xi32, #tpu.memory_space<vmem>> -> memref<128xi32, #tpu.memory_space<vmem>>
    %dma_wait3A_64 = arith.constant 0 : i32
    %dma_wait3A_65 = arith.constant 0 : i32
    %dma_wait3A_66 = tpu.memref_slice %arg14[%dma_wait3A_64, %dma_wait3A_65] : memref<10112x128xf32, #tpu.memory_space<vmem_shared>> -> memref<10112x128xf32, #tpu.memory_space<vmem_shared>>
    tpu.wait_indirect_dma semaphore(%arg12 : memref<!tpu.dma_semaphore, #tpu.memory_space<semaphore_mem>>) src(%arg8 : memref<128x128xf32, #tpu.memory_space<vmem>>) dst(%dma_wait3A_66 : memref<10112x128xf32, #tpu.memory_space<vmem_shared>>)
    %dma_start3A_67 = arith.constant 2 : i32
    %dma_start3A_68 = arith.constant 0 : i32
    %dma_start3A_69 = tpu.memref_slice %arg6[%dma_start3A_67, %dma_start3A_68] : memref<40x128xi32, #tpu.memory_space<vmem>> -> memref<1x128xi32, #tpu.memory_space<vmem>>
    %dma_start3A_70 = tpu.memref_squeeze %dma_start3A_69 : memref<1x128xi32, #tpu.memory_space<vmem>> -> memref<128xi32, #tpu.memory_space<vmem>>
    %dma_start3A_71 = arith.constant 0 : i32
    %dma_start3A_72 = arith.constant 0 : i32
    %dma_start3A_73 = tpu.memref_slice %arg2[%dma_start3A_71, %dma_start3A_72] : memref<10112x128xf32, #tpu.memory_space<hbm>> -> memref<10112x128xf32, #tpu.memory_space<hbm>>
    tpu.enqueue_indirect_dma source(%dma_start3A_73 : memref<10112x128xf32, #tpu.memory_space<hbm>>) target(%arg8 : memref<128x128xf32, #tpu.memory_space<vmem>>) offsets(%dma_start3A_70 : memref<128xi32, #tpu.memory_space<vmem>>) semaphore(%arg10 : memref<!tpu.dma_semaphore, #tpu.memory_space<semaphore_mem>>)
    %scan3A_74 = arith.constant 0 : i32
    %scan3A_75 = arith.constant 1 : i32
    %scan3A_76 = arith.constant 18 : i32
    %scan3A_77 = arith.addi %scan3A_75, %scan3A_76 : i32
    %scan3A_78 = arith.constant 1 : i32
    %scan3A_79 = scf.for %scan3A_257 = %scan3A_75 to %scan3A_77 step %scan3A_78 iter_args(%scan3A_258 = %scan3A_74) -> (i32)  : i32 {
      %mul3A_259 = arith.constant 2 : i32
      %mul3A_260 = arith.muli %mul3A_259, %scan3A_257 : i32
      %dma_wait3A_261 = arith.constant 0 : i32
      %dma_wait3A_262 = tpu.memref_slice %arg6[%mul3A_260, %dma_wait3A_261] : memref<40x128xi32, #tpu.memory_space<vmem>> -> memref<1x128xi32, #tpu.memory_space<vmem>>
      %dma_wait3A_263 = tpu.memref_squeeze %dma_wait3A_262 : memref<1x128xi32, #tpu.memory_space<vmem>> -> memref<128xi32, #tpu.memory_space<vmem>>
      %dma_wait3A_264 = arith.constant 0 : i32
      %dma_wait3A_265 = arith.constant 0 : i32
      %dma_wait3A_266 = tpu.memref_slice %arg2[%dma_wait3A_264, %dma_wait3A_265] : memref<10112x128xf32, #tpu.memory_space<hbm>> -> memref<10112x128xf32, #tpu.memory_space<hbm>>
      tpu.wait_indirect_dma semaphore(%arg10 : memref<!tpu.dma_semaphore, #tpu.memory_space<semaphore_mem>>) src(%dma_wait3A_266 : memref<10112x128xf32, #tpu.memory_space<hbm>>) dst(%arg8 : memref<128x128xf32, #tpu.memory_space<vmem>>)
      %dma_start3A_267 = arith.constant 0 : i32
      %dma_start3A_268 = tpu.memref_slice %arg7[%mul3A_260, %dma_start3A_267] : memref<40x128xi32, #tpu.memory_space<vmem>> -> memref<1x128xi32, #tpu.memory_space<vmem>>
      %dma_start3A_269 = tpu.memref_squeeze %dma_start3A_268 : memref<1x128xi32, #tpu.memory_space<vmem>> -> memref<128xi32, #tpu.memory_space<vmem>>
      %dma_start3A_270 = arith.constant 0 : i32
      %dma_start3A_271 = arith.constant 0 : i32
      %dma_start3A_272 = tpu.memref_slice %arg14[%dma_start3A_270, %dma_start3A_271] : memref<10112x128xf32, #tpu.memory_space<vmem_shared>> -> memref<10112x128xf32, #tpu.memory_space<vmem_shared>>
      tpu.enqueue_indirect_dma source(%arg8 : memref<128x128xf32, #tpu.memory_space<vmem>>) target(%dma_start3A_272 : memref<10112x128xf32, #tpu.memory_space<vmem_shared>>) offsets(%dma_start3A_269 : memref<128xi32, #tpu.memory_space<vmem>>) semaphore(%arg12 : memref<!tpu.dma_semaphore, #tpu.memory_space<semaphore_mem>>) {add = true}
      %sub3A = arith.constant 1 : i32
      %sub3A_273 = arith.subi %mul3A_260, %sub3A : i32
      %dma_wait3A_274 = arith.constant 0 : i32
      %dma_wait3A_275 = tpu.memref_slice %arg7[%sub3A_273, %dma_wait3A_274] : memref<40x128xi32, #tpu.memory_space<vmem>> -> memref<1x128xi32, #tpu.memory_space<vmem>>
      %dma_wait3A_276 = tpu.memref_squeeze %dma_wait3A_275 : memref<1x128xi32, #tpu.memory_space<vmem>> -> memref<128xi32, #tpu.memory_space<vmem>>
      %dma_wait3A_277 = arith.constant 0 : i32
      %dma_wait3A_278 = arith.constant 0 : i32
      %dma_wait3A_279 = tpu.memref_slice %arg14[%dma_wait3A_277, %dma_wait3A_278] : memref<10112x128xf32, #tpu.memory_space<vmem_shared>> -> memref<10112x128xf32, #tpu.memory_space<vmem_shared>>
      tpu.wait_indirect_dma semaphore(%arg13 : memref<!tpu.dma_semaphore, #tpu.memory_space<semaphore_mem>>) src(%arg9 : memref<128x128xf32, #tpu.memory_space<vmem>>) dst(%dma_wait3A_279 : memref<10112x128xf32, #tpu.memory_space<vmem_shared>>)
      %add3A_280 = arith.constant 1 : i32
      %add3A_281 = arith.addi %mul3A_260, %add3A_280 : i32
      %dma_start3A_282 = arith.constant 0 : i32
      %dma_start3A_283 = tpu.memref_slice %arg6[%add3A_281, %dma_start3A_282] : memref<40x128xi32, #tpu.memory_space<vmem>> -> memref<1x128xi32, #tpu.memory_space<vmem>>
      %dma_start3A_284 = tpu.memref_squeeze %dma_start3A_283 : memref<1x128xi32, #tpu.memory_space<vmem>> -> memref<128xi32, #tpu.memory_space<vmem>>
      %dma_start3A_285 = arith.constant 0 : i32
      %dma_start3A_286 = arith.constant 0 : i32
      %dma_start3A_287 = tpu.memref_slice %arg2[%dma_start3A_285, %dma_start3A_286] : memref<10112x128xf32, #tpu.memory_space<hbm>> -> memref<10112x128xf32, #tpu.memory_space<hbm>>
      tpu.enqueue_indirect_dma source(%dma_start3A_287 : memref<10112x128xf32, #tpu.memory_space<hbm>>) target(%arg9 : memref<128x128xf32, #tpu.memory_space<vmem>>) offsets(%dma_start3A_284 : memref<128xi32, #tpu.memory_space<vmem>>) semaphore(%arg11 : memref<!tpu.dma_semaphore, #tpu.memory_space<semaphore_mem>>)
      %add3A_288 = arith.constant 1 : i32
      %add3A_289 = arith.addi %mul3A_260, %add3A_288 : i32
      %dma_wait3A_290 = arith.constant 0 : i32
      %dma_wait3A_291 = tpu.memref_slice %arg6[%add3A_289, %dma_wait3A_290] : memref<40x128xi32, #tpu.memory_space<vmem>> -> memref<1x128xi32, #tpu.memory_space<vmem>>
      %dma_wait3A_292 = tpu.memref_squeeze %dma_wait3A_291 : memref<1x128xi32, #tpu.memory_space<vmem>> -> memref<128xi32, #tpu.memory_space<vmem>>
      %dma_wait3A_293 = arith.constant 0 : i32
      %dma_wait3A_294 = arith.constant 0 : i32
      %dma_wait3A_295 = tpu.memref_slice %arg2[%dma_wait3A_293, %dma_wait3A_294] : memref<10112x128xf32, #tpu.memory_space<hbm>> -> memref<10112x128xf32, #tpu.memory_space<hbm>>
      tpu.wait_indirect_dma semaphore(%arg11 : memref<!tpu.dma_semaphore, #tpu.memory_space<semaphore_mem>>) src(%dma_wait3A_295 : memref<10112x128xf32, #tpu.memory_space<hbm>>) dst(%arg9 : memref<128x128xf32, #tpu.memory_space<vmem>>)
      %add3A_296 = arith.constant 1 : i32
      %add3A_297 = arith.addi %mul3A_260, %add3A_296 : i32
      %dma_start3A_298 = arith.constant 0 : i32
      %dma_start3A_299 = tpu.memref_slice %arg7[%add3A_297, %dma_start3A_298] : memref<40x128xi32, #tpu.memory_space<vmem>> -> memref<1x128xi32, #tpu.memory_space<vmem>>
      %dma_start3A_300 = tpu.memref_squeeze %dma_start3A_299 : memref<1x128xi32, #tpu.memory_space<vmem>> -> memref<128xi32, #tpu.memory_space<vmem>>
      %dma_start3A_301 = arith.constant 0 : i32
      %dma_start3A_302 = arith.constant 0 : i32
      %dma_start3A_303 = tpu.memref_slice %arg14[%dma_start3A_301, %dma_start3A_302] : memref<10112x128xf32, #tpu.memory_space<vmem_shared>> -> memref<10112x128xf32, #tpu.memory_space<vmem_shared>>
      tpu.enqueue_indirect_dma source(%arg9 : memref<128x128xf32, #tpu.memory_space<vmem>>) target(%dma_start3A_303 : memref<10112x128xf32, #tpu.memory_space<vmem_shared>>) offsets(%dma_start3A_300 : memref<128xi32, #tpu.memory_space<vmem>>) semaphore(%arg13 : memref<!tpu.dma_semaphore, #tpu.memory_space<semaphore_mem>>) {add = true}
      %dma_wait3A_304 = arith.constant 0 : i32
      %dma_wait3A_305 = tpu.memref_slice %arg7[%mul3A_260, %dma_wait3A_304] : memref<40x128xi32, #tpu.memory_space<vmem>> -> memref<1x128xi32, #tpu.memory_space<vmem>>
      %dma_wait3A_306 = tpu.memref_squeeze %dma_wait3A_305 : memref<1x128xi32, #tpu.memory_space<vmem>> -> memref<128xi32, #tpu.memory_space<vmem>>
      %dma_wait3A_307 = arith.constant 0 : i32
      %dma_wait3A_308 = arith.constant 0 : i32
      %dma_wait3A_309 = tpu.memref_slice %arg14[%dma_wait3A_307, %dma_wait3A_308] : memref<10112x128xf32, #tpu.memory_space<vmem_shared>> -> memref<10112x128xf32, #tpu.memory_space<vmem_shared>>
      tpu.wait_indirect_dma semaphore(%arg12 : memref<!tpu.dma_semaphore, #tpu.memory_space<semaphore_mem>>) src(%arg8 : memref<128x128xf32, #tpu.memory_space<vmem>>) dst(%dma_wait3A_309 : memref<10112x128xf32, #tpu.memory_space<vmem_shared>>)
      %add3A_310 = arith.constant 2 : i32
      %add3A_311 = arith.addi %mul3A_260, %add3A_310 : i32
      %dma_start3A_312 = arith.constant 0 : i32
      %dma_start3A_313 = tpu.memref_slice %arg6[%add3A_311, %dma_start3A_312] : memref<40x128xi32, #tpu.memory_space<vmem>> -> memref<1x128xi32, #tpu.memory_space<vmem>>
      %dma_start3A_314 = tpu.memref_squeeze %dma_start3A_313 : memref<1x128xi32, #tpu.memory_space<vmem>> -> memref<128xi32, #tpu.memory_space<vmem>>
      %dma_start3A_315 = arith.constant 0 : i32
      %dma_start3A_316 = arith.constant 0 : i32
      %dma_start3A_317 = tpu.memref_slice %arg2[%dma_start3A_315, %dma_start3A_316] : memref<10112x128xf32, #tpu.memory_space<hbm>> -> memref<10112x128xf32, #tpu.memory_space<hbm>>
      tpu.enqueue_indirect_dma source(%dma_start3A_317 : memref<10112x128xf32, #tpu.memory_space<hbm>>) target(%arg8 : memref<128x128xf32, #tpu.memory_space<vmem>>) offsets(%dma_start3A_314 : memref<128xi32, #tpu.memory_space<vmem>>) semaphore(%arg10 : memref<!tpu.dma_semaphore, #tpu.memory_space<semaphore_mem>>)
      %scan3A_318 = arith.constant 0 : i32
      scf.yield %scan3A_318 : i32
    }
    %scan3A_80 = arith.constant 18 : i32
    %dma_wait3A_81 = arith.constant 38 : i32
    %dma_wait3A_82 = arith.constant 0 : i32
    %dma_wait3A_83 = tpu.memref_slice %arg6[%dma_wait3A_81, %dma_wait3A_82] : memref<40x128xi32, #tpu.memory_space<vmem>> -> memref<1x128xi32, #tpu.memory_space<vmem>>
    %dma_wait3A_84 = tpu.memref_squeeze %dma_wait3A_83 : memref<1x128xi32, #tpu.memory_space<vmem>> -> memref<128xi32, #tpu.memory_space<vmem>>
    %dma_wait3A_85 = arith.constant 0 : i32
    %dma_wait3A_86 = arith.constant 0 : i32
    %dma_wait3A_87 = tpu.memref_slice %arg2[%dma_wait3A_85, %dma_wait3A_86] : memref<10112x128xf32, #tpu.memory_space<hbm>> -> memref<10112x128xf32, #tpu.memory_space<hbm>>
    tpu.wait_indirect_dma semaphore(%arg10 : memref<!tpu.dma_semaphore, #tpu.memory_space<semaphore_mem>>) src(%dma_wait3A_87 : memref<10112x128xf32, #tpu.memory_space<hbm>>) dst(%arg8 : memref<128x128xf32, #tpu.memory_space<vmem>>)
    %dma_start3A_88 = arith.constant 38 : i32
    %dma_start3A_89 = arith.constant 0 : i32
    %dma_start3A_90 = tpu.memref_slice %arg7[%dma_start3A_88, %dma_start3A_89] : memref<40x128xi32, #tpu.memory_space<vmem>> -> memref<1x128xi32, #tpu.memory_space<vmem>>
    %dma_start3A_91 = tpu.memref_squeeze %dma_start3A_90 : memref<1x128xi32, #tpu.memory_space<vmem>> -> memref<128xi32, #tpu.memory_space<vmem>>
    %dma_start3A_92 = arith.constant 0 : i32
    %dma_start3A_93 = arith.constant 0 : i32
    %dma_start3A_94 = tpu.memref_slice %arg14[%dma_start3A_92, %dma_start3A_93] : memref<10112x128xf32, #tpu.memory_space<vmem_shared>> -> memref<10112x128xf32, #tpu.memory_space<vmem_shared>>
    tpu.enqueue_indirect_dma source(%arg8 : memref<128x128xf32, #tpu.memory_space<vmem>>) target(%dma_start3A_94 : memref<10112x128xf32, #tpu.memory_space<vmem_shared>>) offsets(%dma_start3A_91 : memref<128xi32, #tpu.memory_space<vmem>>) semaphore(%arg12 : memref<!tpu.dma_semaphore, #tpu.memory_space<semaphore_mem>>) {add = true}
    %dma_wait3A_95 = arith.constant 37 : i32
    %dma_wait3A_96 = arith.constant 0 : i32
    %dma_wait3A_97 = tpu.memref_slice %arg7[%dma_wait3A_95, %dma_wait3A_96] : memref<40x128xi32, #tpu.memory_space<vmem>> -> memref<1x128xi32, #tpu.memory_space<vmem>>
    %dma_wait3A_98 = tpu.memref_squeeze %dma_wait3A_97 : memref<1x128xi32, #tpu.memory_space<vmem>> -> memref<128xi32, #tpu.memory_space<vmem>>
    %dma_wait3A_99 = arith.constant 0 : i32
    %dma_wait3A_100 = arith.constant 0 : i32
    %dma_wait3A_101 = tpu.memref_slice %arg14[%dma_wait3A_99, %dma_wait3A_100] : memref<10112x128xf32, #tpu.memory_space<vmem_shared>> -> memref<10112x128xf32, #tpu.memory_space<vmem_shared>>
    tpu.wait_indirect_dma semaphore(%arg13 : memref<!tpu.dma_semaphore, #tpu.memory_space<semaphore_mem>>) src(%arg9 : memref<128x128xf32, #tpu.memory_space<vmem>>) dst(%dma_wait3A_101 : memref<10112x128xf32, #tpu.memory_space<vmem_shared>>)
    %dma_start3A_102 = arith.constant 39 : i32
    %dma_start3A_103 = arith.constant 0 : i32
    %dma_start3A_104 = tpu.memref_slice %arg6[%dma_start3A_102, %dma_start3A_103] : memref<40x128xi32, #tpu.memory_space<vmem>> -> memref<1x128xi32, #tpu.memory_space<vmem>>
    %dma_start3A_105 = tpu.memref_squeeze %dma_start3A_104 : memref<1x128xi32, #tpu.memory_space<vmem>> -> memref<128xi32, #tpu.memory_space<vmem>>
    %dma_start3A_106 = arith.constant 0 : i32
    %dma_start3A_107 = arith.constant 0 : i32
    %dma_start3A_108 = tpu.memref_slice %arg2[%dma_start3A_106, %dma_start3A_107] : memref<10112x128xf32, #tpu.memory_space<hbm>> -> memref<10112x128xf32, #tpu.memory_space<hbm>>
    tpu.enqueue_indirect_dma source(%dma_start3A_108 : memref<10112x128xf32, #tpu.memory_space<hbm>>) target(%arg9 : memref<128x128xf32, #tpu.memory_space<vmem>>) offsets(%dma_start3A_105 : memref<128xi32, #tpu.memory_space<vmem>>) semaphore(%arg11 : memref<!tpu.dma_semaphore, #tpu.memory_space<semaphore_mem>>)
    %dma_wait3A_109 = arith.constant 39 : i32
    %dma_wait3A_110 = arith.constant 0 : i32
    %dma_wait3A_111 = tpu.memref_slice %arg6[%dma_wait3A_109, %dma_wait3A_110] : memref<40x128xi32, #tpu.memory_space<vmem>> -> memref<1x128xi32, #tpu.memory_space<vmem>>
    %dma_wait3A_112 = tpu.memref_squeeze %dma_wait3A_111 : memref<1x128xi32, #tpu.memory_space<vmem>> -> memref<128xi32, #tpu.memory_space<vmem>>
    %dma_wait3A_113 = arith.constant 0 : i32
    %dma_wait3A_114 = arith.constant 0 : i32
    %dma_wait3A_115 = tpu.memref_slice %arg2[%dma_wait3A_113, %dma_wait3A_114] : memref<10112x128xf32, #tpu.memory_space<hbm>> -> memref<10112x128xf32, #tpu.memory_space<hbm>>
    tpu.wait_indirect_dma semaphore(%arg11 : memref<!tpu.dma_semaphore, #tpu.memory_space<semaphore_mem>>) src(%dma_wait3A_115 : memref<10112x128xf32, #tpu.memory_space<hbm>>) dst(%arg9 : memref<128x128xf32, #tpu.memory_space<vmem>>)
    %dma_start3A_116 = arith.constant 39 : i32
    %dma_start3A_117 = arith.constant 0 : i32
    %dma_start3A_118 = tpu.memref_slice %arg7[%dma_start3A_116, %dma_start3A_117] : memref<40x128xi32, #tpu.memory_space<vmem>> -> memref<1x128xi32, #tpu.memory_space<vmem>>
    %dma_start3A_119 = tpu.memref_squeeze %dma_start3A_118 : memref<1x128xi32, #tpu.memory_space<vmem>> -> memref<128xi32, #tpu.memory_space<vmem>>
    %dma_start3A_120 = arith.constant 0 : i32
    %dma_start3A_121 = arith.constant 0 : i32
    %dma_start3A_122 = tpu.memref_slice %arg14[%dma_start3A_120, %dma_start3A_121] : memref<10112x128xf32, #tpu.memory_space<vmem_shared>> -> memref<10112x128xf32, #tpu.memory_space<vmem_shared>>
    tpu.enqueue_indirect_dma source(%arg9 : memref<128x128xf32, #tpu.memory_space<vmem>>) target(%dma_start3A_122 : memref<10112x128xf32, #tpu.memory_space<vmem_shared>>) offsets(%dma_start3A_119 : memref<128xi32, #tpu.memory_space<vmem>>) semaphore(%arg13 : memref<!tpu.dma_semaphore, #tpu.memory_space<semaphore_mem>>) {add = true}
    %dma_wait3A_123 = arith.constant 38 : i32
    %dma_wait3A_124 = arith.constant 0 : i32
    %dma_wait3A_125 = tpu.memref_slice %arg7[%dma_wait3A_123, %dma_wait3A_124] : memref<40x128xi32, #tpu.memory_space<vmem>> -> memref<1x128xi32, #tpu.memory_space<vmem>>
    %dma_wait3A_126 = tpu.memref_squeeze %dma_wait3A_125 : memref<1x128xi32, #tpu.memory_space<vmem>> -> memref<128xi32, #tpu.memory_space<vmem>>
    %dma_wait3A_127 = arith.constant 0 : i32
    %dma_wait3A_128 = arith.constant 0 : i32
    %dma_wait3A_129 = tpu.memref_slice %arg14[%dma_wait3A_127, %dma_wait3A_128] : memref<10112x128xf32, #tpu.memory_space<vmem_shared>> -> memref<10112x128xf32, #tpu.memory_space<vmem_shared>>
    tpu.wait_indirect_dma semaphore(%arg12 : memref<!tpu.dma_semaphore, #tpu.memory_space<semaphore_mem>>) src(%arg8 : memref<128x128xf32, #tpu.memory_space<vmem>>) dst(%dma_wait3A_129 : memref<10112x128xf32, #tpu.memory_space<vmem_shared>>)
    %dma_wait3A_130 = arith.constant 39 : i32
    %dma_wait3A_131 = arith.constant 0 : i32
    %dma_wait3A_132 = tpu.memref_slice %arg7[%dma_wait3A_130, %dma_wait3A_131] : memref<40x128xi32, #tpu.memory_space<vmem>> -> memref<1x128xi32, #tpu.memory_space<vmem>>
    %dma_wait3A_133 = tpu.memref_squeeze %dma_wait3A_132 : memref<1x128xi32, #tpu.memory_space<vmem>> -> memref<128xi32, #tpu.memory_space<vmem>>
    %dma_wait3A_134 = arith.constant 0 : i32
    %dma_wait3A_135 = arith.constant 0 : i32
    %dma_wait3A_136 = tpu.memref_slice %arg14[%dma_wait3A_134, %dma_wait3A_135] : memref<10112x128xf32, #tpu.memory_space<vmem_shared>> -> memref<10112x128xf32, #tpu.memory_space<vmem_shared>>
    tpu.wait_indirect_dma semaphore(%arg13 : memref<!tpu.dma_semaphore, #tpu.memory_space<semaphore_mem>>) src(%arg9 : memref<128x128xf32, #tpu.memory_space<vmem>>) dst(%dma_wait3A_136 : memref<10112x128xf32, #tpu.memory_space<vmem_shared>>)
    "tpu.region"() ({
      %run_scoped3A = tpu.sem_alloc : memref<!tpu.dma_semaphore, #tpu.memory_space<semaphore_mem>>
      %dma_start3A_257 = arith.constant 40 : i32
      %dma_start3A_258 = arith.constant 0 : i32
      %dma_start3A_259 = tpu.memref_slice %arg3[%add3A, %dma_start3A_257, %dma_start3A_258] : memref<32x80x128xi32, #tpu.memory_space<hbm>> -> memref<1x40x128xi32, #tpu.memory_space<hbm>>
      %dma_start3A_260 = tpu.memref_squeeze %dma_start3A_259 : memref<1x40x128xi32, #tpu.memory_space<hbm>> -> memref<40x128xi32, #tpu.memory_space<hbm>>
      %dma_start3A_261 = arith.constant 40 : i32
      %dma_start3A_262 = arith.constant 0 : i32
      %dma_start3A_263 = tpu.memref_slice %arg3[%add3A, %dma_start3A_261, %dma_start3A_262] : memref<32x80x128xi32, #tpu.memory_space<hbm>> -> memref<1x40x128xi32, #tpu.memory_space<hbm>>
      %dma_start3A_264 = tpu.memref_squeeze %dma_start3A_263 : memref<1x40x128xi32, #tpu.memory_space<hbm>> -> memref<40x128xi32, #tpu.memory_space<hbm>>
      tpu.enqueue_dma source(%dma_start3A_264 : memref<40x128xi32, #tpu.memory_space<hbm>>) target(%arg6 : memref<40x128xi32, #tpu.memory_space<vmem>>) target_semaphore(%run_scoped3A : memref<!tpu.dma_semaphore, #tpu.memory_space<semaphore_mem>>)
      %dma_wait3A_265 = arith.constant 40 : i32
      %dma_wait3A_266 = arith.constant 0 : i32
      %dma_wait3A_267 = tpu.memref_slice %arg3[%add3A, %dma_wait3A_265, %dma_wait3A_266] : memref<32x80x128xi32, #tpu.memory_space<hbm>> -> memref<1x40x128xi32, #tpu.memory_space<hbm>>
      %dma_wait3A_268 = tpu.memref_squeeze %dma_wait3A_267 : memref<1x40x128xi32, #tpu.memory_space<hbm>> -> memref<40x128xi32, #tpu.memory_space<hbm>>
      %dma_wait3A_269 = arith.constant 40 : i32
      %dma_wait3A_270 = arith.constant 0 : i32
      %dma_wait3A_271 = tpu.memref_slice %arg3[%add3A, %dma_wait3A_269, %dma_wait3A_270] : memref<32x80x128xi32, #tpu.memory_space<hbm>> -> memref<1x40x128xi32, #tpu.memory_space<hbm>>
      %dma_wait3A_272 = tpu.memref_squeeze %dma_wait3A_271 : memref<1x40x128xi32, #tpu.memory_space<hbm>> -> memref<40x128xi32, #tpu.memory_space<hbm>>
      tpu.wait_dma2 semaphore(%run_scoped3A : memref<!tpu.dma_semaphore, #tpu.memory_space<semaphore_mem>>) src(%dma_wait3A_272 : memref<40x128xi32, #tpu.memory_space<hbm>>) dst(%arg6 : memref<40x128xi32, #tpu.memory_space<vmem>>)
      tpu.yield
    }) : () -> ()
    "tpu.region"() ({
      %run_scoped3A = tpu.sem_alloc : memref<!tpu.dma_semaphore, #tpu.memory_space<semaphore_mem>>
      %dma_start3A_257 = arith.constant 40 : i32
      %dma_start3A_258 = arith.constant 0 : i32
      %dma_start3A_259 = tpu.memref_slice %arg4[%add3A, %dma_start3A_257, %dma_start3A_258] : memref<32x80x128xi32, #tpu.memory_space<hbm>> -> memref<1x40x128xi32, #tpu.memory_space<hbm>>
      %dma_start3A_260 = tpu.memref_squeeze %dma_start3A_259 : memref<1x40x128xi32, #tpu.memory_space<hbm>> -> memref<40x128xi32, #tpu.memory_space<hbm>>
      %dma_start3A_261 = arith.constant 40 : i32
      %dma_start3A_262 = arith.constant 0 : i32
      %dma_start3A_263 = tpu.memref_slice %arg4[%add3A, %dma_start3A_261, %dma_start3A_262] : memref<32x80x128xi32, #tpu.memory_space<hbm>> -> memref<1x40x128xi32, #tpu.memory_space<hbm>>
      %dma_start3A_264 = tpu.memref_squeeze %dma_start3A_263 : memref<1x40x128xi32, #tpu.memory_space<hbm>> -> memref<40x128xi32, #tpu.memory_space<hbm>>
      tpu.enqueue_dma source(%dma_start3A_264 : memref<40x128xi32, #tpu.memory_space<hbm>>) target(%arg7 : memref<40x128xi32, #tpu.memory_space<vmem>>) target_semaphore(%run_scoped3A : memref<!tpu.dma_semaphore, #tpu.memory_space<semaphore_mem>>)
      %dma_wait3A_265 = arith.constant 40 : i32
      %dma_wait3A_266 = arith.constant 0 : i32
      %dma_wait3A_267 = tpu.memref_slice %arg4[%add3A, %dma_wait3A_265, %dma_wait3A_266] : memref<32x80x128xi32, #tpu.memory_space<hbm>> -> memref<1x40x128xi32, #tpu.memory_space<hbm>>
      %dma_wait3A_268 = tpu.memref_squeeze %dma_wait3A_267 : memref<1x40x128xi32, #tpu.memory_space<hbm>> -> memref<40x128xi32, #tpu.memory_space<hbm>>
      %dma_wait3A_269 = arith.constant 40 : i32
      %dma_wait3A_270 = arith.constant 0 : i32
      %dma_wait3A_271 = tpu.memref_slice %arg4[%add3A, %dma_wait3A_269, %dma_wait3A_270] : memref<32x80x128xi32, #tpu.memory_space<hbm>> -> memref<1x40x128xi32, #tpu.memory_space<hbm>>
      %dma_wait3A_272 = tpu.memref_squeeze %dma_wait3A_271 : memref<1x40x128xi32, #tpu.memory_space<hbm>> -> memref<40x128xi32, #tpu.memory_space<hbm>>
      tpu.wait_dma2 semaphore(%run_scoped3A : memref<!tpu.dma_semaphore, #tpu.memory_space<semaphore_mem>>) src(%dma_wait3A_272 : memref<40x128xi32, #tpu.memory_space<hbm>>) dst(%arg7 : memref<40x128xi32, #tpu.memory_space<vmem>>)
      tpu.yield
    }) : () -> ()
    %dma_start3A_137 = arith.constant 0 : i32
    %dma_start3A_138 = arith.constant 0 : i32
    %dma_start3A_139 = tpu.memref_slice %arg6[%dma_start3A_137, %dma_start3A_138] : memref<40x128xi32, #tpu.memory_space<vmem>> -> memref<1x128xi32, #tpu.memory_space<vmem>>
    %dma_start3A_140 = tpu.memref_squeeze %dma_start3A_139 : memref<1x128xi32, #tpu.memory_space<vmem>> -> memref<128xi32, #tpu.memory_space<vmem>>
    %dma_start3A_141 = arith.constant 0 : i32
    %dma_start3A_142 = arith.constant 0 : i32
    %dma_start3A_143 = tpu.memref_slice %arg2[%dma_start3A_141, %dma_start3A_142] : memref<10112x128xf32, #tpu.memory_space<hbm>> -> memref<10112x128xf32, #tpu.memory_space<hbm>>
    tpu.enqueue_indirect_dma source(%dma_start3A_143 : memref<10112x128xf32, #tpu.memory_space<hbm>>) target(%arg8 : memref<128x128xf32, #tpu.memory_space<vmem>>) offsets(%dma_start3A_140 : memref<128xi32, #tpu.memory_space<vmem>>) semaphore(%arg10 : memref<!tpu.dma_semaphore, #tpu.memory_space<semaphore_mem>>)
    %dma_wait3A_144 = arith.constant 0 : i32
    %dma_wait3A_145 = arith.constant 0 : i32
    %dma_wait3A_146 = tpu.memref_slice %arg6[%dma_wait3A_144, %dma_wait3A_145] : memref<40x128xi32, #tpu.memory_space<vmem>> -> memref<1x128xi32, #tpu.memory_space<vmem>>
    %dma_wait3A_147 = tpu.memref_squeeze %dma_wait3A_146 : memref<1x128xi32, #tpu.memory_space<vmem>> -> memref<128xi32, #tpu.memory_space<vmem>>
    %dma_wait3A_148 = arith.constant 0 : i32
    %dma_wait3A_149 = arith.constant 0 : i32
    %dma_wait3A_150 = tpu.memref_slice %arg2[%dma_wait3A_148, %dma_wait3A_149] : memref<10112x128xf32, #tpu.memory_space<hbm>> -> memref<10112x128xf32, #tpu.memory_space<hbm>>
    tpu.wait_indirect_dma semaphore(%arg10 : memref<!tpu.dma_semaphore, #tpu.memory_space<semaphore_mem>>) src(%dma_wait3A_150 : memref<10112x128xf32, #tpu.memory_space<hbm>>) dst(%arg8 : memref<128x128xf32, #tpu.memory_space<vmem>>)
    %dma_start3A_151 = arith.constant 0 : i32
    %dma_start3A_152 = arith.constant 0 : i32
    %dma_start3A_153 = tpu.memref_slice %arg7[%dma_start3A_151, %dma_start3A_152] : memref<40x128xi32, #tpu.memory_space<vmem>> -> memref<1x128xi32, #tpu.memory_space<vmem>>
    %dma_start3A_154 = tpu.memref_squeeze %dma_start3A_153 : memref<1x128xi32, #tpu.memory_space<vmem>> -> memref<128xi32, #tpu.memory_space<vmem>>
    %dma_start3A_155 = arith.constant 0 : i32
    %dma_start3A_156 = arith.constant 0 : i32
    %dma_start3A_157 = tpu.memref_slice %arg14[%dma_start3A_155, %dma_start3A_156] : memref<10112x128xf32, #tpu.memory_space<vmem_shared>> -> memref<10112x128xf32, #tpu.memory_space<vmem_shared>>
    tpu.enqueue_indirect_dma source(%arg8 : memref<128x128xf32, #tpu.memory_space<vmem>>) target(%dma_start3A_157 : memref<10112x128xf32, #tpu.memory_space<vmem_shared>>) offsets(%dma_start3A_154 : memref<128xi32, #tpu.memory_space<vmem>>) semaphore(%arg12 : memref<!tpu.dma_semaphore, #tpu.memory_space<semaphore_mem>>) {add = true}
    %dma_start3A_158 = arith.constant 1 : i32
    %dma_start3A_159 = arith.constant 0 : i32
    %dma_start3A_160 = tpu.memref_slice %arg6[%dma_start3A_158, %dma_start3A_159] : memref<40x128xi32, #tpu.memory_space<vmem>> -> memref<1x128xi32, #tpu.memory_space<vmem>>
    %dma_start3A_161 = tpu.memref_squeeze %dma_start3A_160 : memref<1x128xi32, #tpu.memory_space<vmem>> -> memref<128xi32, #tpu.memory_space<vmem>>
    %dma_start3A_162 = arith.constant 0 : i32
    %dma_start3A_163 = arith.constant 0 : i32
    %dma_start3A_164 = tpu.memref_slice %arg2[%dma_start3A_162, %dma_start3A_163] : memref<10112x128xf32, #tpu.memory_space<hbm>> -> memref<10112x128xf32, #tpu.memory_space<hbm>>
    tpu.enqueue_indirect_dma source(%dma_start3A_164 : memref<10112x128xf32, #tpu.memory_space<hbm>>) target(%arg9 : memref<128x128xf32, #tpu.memory_space<vmem>>) offsets(%dma_start3A_161 : memref<128xi32, #tpu.memory_space<vmem>>) semaphore(%arg11 : memref<!tpu.dma_semaphore, #tpu.memory_space<semaphore_mem>>)
    %dma_wait3A_165 = arith.constant 1 : i32
    %dma_wait3A_166 = arith.constant 0 : i32
    %dma_wait3A_167 = tpu.memref_slice %arg6[%dma_wait3A_165, %dma_wait3A_166] : memref<40x128xi32, #tpu.memory_space<vmem>> -> memref<1x128xi32, #tpu.memory_space<vmem>>
    %dma_wait3A_168 = tpu.memref_squeeze %dma_wait3A_167 : memref<1x128xi32, #tpu.memory_space<vmem>> -> memref<128xi32, #tpu.memory_space<vmem>>
    %dma_wait3A_169 = arith.constant 0 : i32
    %dma_wait3A_170 = arith.constant 0 : i32
    %dma_wait3A_171 = tpu.memref_slice %arg2[%dma_wait3A_169, %dma_wait3A_170] : memref<10112x128xf32, #tpu.memory_space<hbm>> -> memref<10112x128xf32, #tpu.memory_space<hbm>>
    tpu.wait_indirect_dma semaphore(%arg11 : memref<!tpu.dma_semaphore, #tpu.memory_space<semaphore_mem>>) src(%dma_wait3A_171 : memref<10112x128xf32, #tpu.memory_space<hbm>>) dst(%arg9 : memref<128x128xf32, #tpu.memory_space<vmem>>)
    %dma_start3A_172 = arith.constant 1 : i32
    %dma_start3A_173 = arith.constant 0 : i32
    %dma_start3A_174 = tpu.memref_slice %arg7[%dma_start3A_172, %dma_start3A_173] : memref<40x128xi32, #tpu.memory_space<vmem>> -> memref<1x128xi32, #tpu.memory_space<vmem>>
    %dma_start3A_175 = tpu.memref_squeeze %dma_start3A_174 : memref<1x128xi32, #tpu.memory_space<vmem>> -> memref<128xi32, #tpu.memory_space<vmem>>
    %dma_start3A_176 = arith.constant 0 : i32
    %dma_start3A_177 = arith.constant 0 : i32
    %dma_start3A_178 = tpu.memref_slice %arg14[%dma_start3A_176, %dma_start3A_177] : memref<10112x128xf32, #tpu.memory_space<vmem_shared>> -> memref<10112x128xf32, #tpu.memory_space<vmem_shared>>
    tpu.enqueue_indirect_dma source(%arg9 : memref<128x128xf32, #tpu.memory_space<vmem>>) target(%dma_start3A_178 : memref<10112x128xf32, #tpu.memory_space<vmem_shared>>) offsets(%dma_start3A_175 : memref<128xi32, #tpu.memory_space<vmem>>) semaphore(%arg13 : memref<!tpu.dma_semaphore, #tpu.memory_space<semaphore_mem>>) {add = true}
    %dma_wait3A_179 = arith.constant 0 : i32
    %dma_wait3A_180 = arith.constant 0 : i32
    %dma_wait3A_181 = tpu.memref_slice %arg7[%dma_wait3A_179, %dma_wait3A_180] : memref<40x128xi32, #tpu.memory_space<vmem>> -> memref<1x128xi32, #tpu.memory_space<vmem>>
    %dma_wait3A_182 = tpu.memref_squeeze %dma_wait3A_181 : memref<1x128xi32, #tpu.memory_space<vmem>> -> memref<128xi32, #tpu.memory_space<vmem>>
    %dma_wait3A_183 = arith.constant 0 : i32
    %dma_wait3A_184 = arith.constant 0 : i32
    %dma_wait3A_185 = tpu.memref_slice %arg14[%dma_wait3A_183, %dma_wait3A_184] : memref<10112x128xf32, #tpu.memory_space<vmem_shared>> -> memref<10112x128xf32, #tpu.memory_space<vmem_shared>>
    tpu.wait_indirect_dma semaphore(%arg12 : memref<!tpu.dma_semaphore, #tpu.memory_space<semaphore_mem>>) src(%arg8 : memref<128x128xf32, #tpu.memory_space<vmem>>) dst(%dma_wait3A_185 : memref<10112x128xf32, #tpu.memory_space<vmem_shared>>)
    %dma_start3A_186 = arith.constant 2 : i32
    %dma_start3A_187 = arith.constant 0 : i32
    %dma_start3A_188 = tpu.memref_slice %arg6[%dma_start3A_186, %dma_start3A_187] : memref<40x128xi32, #tpu.memory_space<vmem>> -> memref<1x128xi32, #tpu.memory_space<vmem>>
    %dma_start3A_189 = tpu.memref_squeeze %dma_start3A_188 : memref<1x128xi32, #tpu.memory_space<vmem>> -> memref<128xi32, #tpu.memory_space<vmem>>
    %dma_start3A_190 = arith.constant 0 : i32
    %dma_start3A_191 = arith.constant 0 : i32
    %dma_start3A_192 = tpu.memref_slice %arg2[%dma_start3A_190, %dma_start3A_191] : memref<10112x128xf32, #tpu.memory_space<hbm>> -> memref<10112x128xf32, #tpu.memory_space<hbm>>
    tpu.enqueue_indirect_dma source(%dma_start3A_192 : memref<10112x128xf32, #tpu.memory_space<hbm>>) target(%arg8 : memref<128x128xf32, #tpu.memory_space<vmem>>) offsets(%dma_start3A_189 : memref<128xi32, #tpu.memory_space<vmem>>) semaphore(%arg10 : memref<!tpu.dma_semaphore, #tpu.memory_space<semaphore_mem>>)
    %scan3A_193 = arith.constant 0 : i32
    %scan3A_194 = arith.constant 1 : i32
    %scan3A_195 = arith.constant 18 : i32
    %scan3A_196 = arith.addi %scan3A_194, %scan3A_195 : i32
    %scan3A_197 = arith.constant 1 : i32
    %scan3A_198 = scf.for %scan3A_257 = %scan3A_194 to %scan3A_196 step %scan3A_197 iter_args(%scan3A_258 = %scan3A_193) -> (i32)  : i32 {
      %mul3A_259 = arith.constant 2 : i32
      %mul3A_260 = arith.muli %mul3A_259, %scan3A_257 : i32
      %dma_wait3A_261 = arith.constant 0 : i32
      %dma_wait3A_262 = tpu.memref_slice %arg6[%mul3A_260, %dma_wait3A_261] : memref<40x128xi32, #tpu.memory_space<vmem>> -> memref<1x128xi32, #tpu.memory_space<vmem>>
      %dma_wait3A_263 = tpu.memref_squeeze %dma_wait3A_262 : memref<1x128xi32, #tpu.memory_space<vmem>> -> memref<128xi32, #tpu.memory_space<vmem>>
      %dma_wait3A_264 = arith.constant 0 : i32
      %dma_wait3A_265 = arith.constant 0 : i32
      %dma_wait3A_266 = tpu.memref_slice %arg2[%dma_wait3A_264, %dma_wait3A_265] : memref<10112x128xf32, #tpu.memory_space<hbm>> -> memref<10112x128xf32, #tpu.memory_space<hbm>>
      tpu.wait_indirect_dma semaphore(%arg10 : memref<!tpu.dma_semaphore, #tpu.memory_space<semaphore_mem>>) src(%dma_wait3A_266 : memref<10112x128xf32, #tpu.memory_space<hbm>>) dst(%arg8 : memref<128x128xf32, #tpu.memory_space<vmem>>)
      %dma_start3A_267 = arith.constant 0 : i32
      %dma_start3A_268 = tpu.memref_slice %arg7[%mul3A_260, %dma_start3A_267] : memref<40x128xi32, #tpu.memory_space<vmem>> -> memref<1x128xi32, #tpu.memory_space<vmem>>
      %dma_start3A_269 = tpu.memref_squeeze %dma_start3A_268 : memref<1x128xi32, #tpu.memory_space<vmem>> -> memref<128xi32, #tpu.memory_space<vmem>>
      %dma_start3A_270 = arith.constant 0 : i32
      %dma_start3A_271 = arith.constant 0 : i32
      %dma_start3A_272 = tpu.memref_slice %arg14[%dma_start3A_270, %dma_start3A_271] : memref<10112x128xf32, #tpu.memory_space<vmem_shared>> -> memref<10112x128xf32, #tpu.memory_space<vmem_shared>>
      tpu.enqueue_indirect_dma source(%arg8 : memref<128x128xf32, #tpu.memory_space<vmem>>) target(%dma_start3A_272 : memref<10112x128xf32, #tpu.memory_space<vmem_shared>>) offsets(%dma_start3A_269 : memref<128xi32, #tpu.memory_space<vmem>>) semaphore(%arg12 : memref<!tpu.dma_semaphore, #tpu.memory_space<semaphore_mem>>) {add = true}
      %sub3A = arith.constant 1 : i32
      %sub3A_273 = arith.subi %mul3A_260, %sub3A : i32
      %dma_wait3A_274 = arith.constant 0 : i32
      %dma_wait3A_275 = tpu.memref_slice %arg7[%sub3A_273, %dma_wait3A_274] : memref<40x128xi32, #tpu.memory_space<vmem>> -> memref<1x128xi32, #tpu.memory_space<vmem>>
      %dma_wait3A_276 = tpu.memref_squeeze %dma_wait3A_275 : memref<1x128xi32, #tpu.memory_space<vmem>> -> memref<128xi32, #tpu.memory_space<vmem>>
      %dma_wait3A_277 = arith.constant 0 : i32
      %dma_wait3A_278 = arith.constant 0 : i32
      %dma_wait3A_279 = tpu.memref_slice %arg14[%dma_wait3A_277, %dma_wait3A_278] : memref<10112x128xf32, #tpu.memory_space<vmem_shared>> -> memref<10112x128xf32, #tpu.memory_space<vmem_shared>>
      tpu.wait_indirect_dma semaphore(%arg13 : memref<!tpu.dma_semaphore, #tpu.memory_space<semaphore_mem>>) src(%arg9 : memref<128x128xf32, #tpu.memory_space<vmem>>) dst(%dma_wait3A_279 : memref<10112x128xf32, #tpu.memory_space<vmem_shared>>)
      %add3A_280 = arith.constant 1 : i32
      %add3A_281 = arith.addi %mul3A_260, %add3A_280 : i32
      %dma_start3A_282 = arith.constant 0 : i32
      %dma_start3A_283 = tpu.memref_slice %arg6[%add3A_281, %dma_start3A_282] : memref<40x128xi32, #tpu.memory_space<vmem>> -> memref<1x128xi32, #tpu.memory_space<vmem>>
      %dma_start3A_284 = tpu.memref_squeeze %dma_start3A_283 : memref<1x128xi32, #tpu.memory_space<vmem>> -> memref<128xi32, #tpu.memory_space<vmem>>
      %dma_start3A_285 = arith.constant 0 : i32
      %dma_start3A_286 = arith.constant 0 : i32
      %dma_start3A_287 = tpu.memref_slice %arg2[%dma_start3A_285, %dma_start3A_286] : memref<10112x128xf32, #tpu.memory_space<hbm>> -> memref<10112x128xf32, #tpu.memory_space<hbm>>
      tpu.enqueue_indirect_dma source(%dma_start3A_287 : memref<10112x128xf32, #tpu.memory_space<hbm>>) target(%arg9 : memref<128x128xf32, #tpu.memory_space<vmem>>) offsets(%dma_start3A_284 : memref<128xi32, #tpu.memory_space<vmem>>) semaphore(%arg11 : memref<!tpu.dma_semaphore, #tpu.memory_space<semaphore_mem>>)
      %add3A_288 = arith.constant 1 : i32
      %add3A_289 = arith.addi %mul3A_260, %add3A_288 : i32
      %dma_wait3A_290 = arith.constant 0 : i32
      %dma_wait3A_291 = tpu.memref_slice %arg6[%add3A_289, %dma_wait3A_290] : memref<40x128xi32, #tpu.memory_space<vmem>> -> memref<1x128xi32, #tpu.memory_space<vmem>>
      %dma_wait3A_292 = tpu.memref_squeeze %dma_wait3A_291 : memref<1x128xi32, #tpu.memory_space<vmem>> -> memref<128xi32, #tpu.memory_space<vmem>>
      %dma_wait3A_293 = arith.constant 0 : i32
      %dma_wait3A_294 = arith.constant 0 : i32
      %dma_wait3A_295 = tpu.memref_slice %arg2[%dma_wait3A_293, %dma_wait3A_294] : memref<10112x128xf32, #tpu.memory_space<hbm>> -> memref<10112x128xf32, #tpu.memory_space<hbm>>
      tpu.wait_indirect_dma semaphore(%arg11 : memref<!tpu.dma_semaphore, #tpu.memory_space<semaphore_mem>>) src(%dma_wait3A_295 : memref<10112x128xf32, #tpu.memory_space<hbm>>) dst(%arg9 : memref<128x128xf32, #tpu.memory_space<vmem>>)
      %add3A_296 = arith.constant 1 : i32
      %add3A_297 = arith.addi %mul3A_260, %add3A_296 : i32
      %dma_start3A_298 = arith.constant 0 : i32
      %dma_start3A_299 = tpu.memref_slice %arg7[%add3A_297, %dma_start3A_298] : memref<40x128xi32, #tpu.memory_space<vmem>> -> memref<1x128xi32, #tpu.memory_space<vmem>>
      %dma_start3A_300 = tpu.memref_squeeze %dma_start3A_299 : memref<1x128xi32, #tpu.memory_space<vmem>> -> memref<128xi32, #tpu.memory_space<vmem>>
      %dma_start3A_301 = arith.constant 0 : i32
      %dma_start3A_302 = arith.constant 0 : i32
      %dma_start3A_303 = tpu.memref_slice %arg14[%dma_start3A_301, %dma_start3A_302] : memref<10112x128xf32, #tpu.memory_space<vmem_shared>> -> memref<10112x128xf32, #tpu.memory_space<vmem_shared>>
      tpu.enqueue_indirect_dma source(%arg9 : memref<128x128xf32, #tpu.memory_space<vmem>>) target(%dma_start3A_303 : memref<10112x128xf32, #tpu.memory_space<vmem_shared>>) offsets(%dma_start3A_300 : memref<128xi32, #tpu.memory_space<vmem>>) semaphore(%arg13 : memref<!tpu.dma_semaphore, #tpu.memory_space<semaphore_mem>>) {add = true}
      %dma_wait3A_304 = arith.constant 0 : i32
      %dma_wait3A_305 = tpu.memref_slice %arg7[%mul3A_260, %dma_wait3A_304] : memref<40x128xi32, #tpu.memory_space<vmem>> -> memref<1x128xi32, #tpu.memory_space<vmem>>
      %dma_wait3A_306 = tpu.memref_squeeze %dma_wait3A_305 : memref<1x128xi32, #tpu.memory_space<vmem>> -> memref<128xi32, #tpu.memory_space<vmem>>
      %dma_wait3A_307 = arith.constant 0 : i32
      %dma_wait3A_308 = arith.constant 0 : i32
      %dma_wait3A_309 = tpu.memref_slice %arg14[%dma_wait3A_307, %dma_wait3A_308] : memref<10112x128xf32, #tpu.memory_space<vmem_shared>> -> memref<10112x128xf32, #tpu.memory_space<vmem_shared>>
      tpu.wait_indirect_dma semaphore(%arg12 : memref<!tpu.dma_semaphore, #tpu.memory_space<semaphore_mem>>) src(%arg8 : memref<128x128xf32, #tpu.memory_space<vmem>>) dst(%dma_wait3A_309 : memref<10112x128xf32, #tpu.memory_space<vmem_shared>>)
      %add3A_310 = arith.constant 2 : i32
      %add3A_311 = arith.addi %mul3A_260, %add3A_310 : i32
      %dma_start3A_312 = arith.constant 0 : i32
      %dma_start3A_313 = tpu.memref_slice %arg6[%add3A_311, %dma_start3A_312] : memref<40x128xi32, #tpu.memory_space<vmem>> -> memref<1x128xi32, #tpu.memory_space<vmem>>
      %dma_start3A_314 = tpu.memref_squeeze %dma_start3A_313 : memref<1x128xi32, #tpu.memory_space<vmem>> -> memref<128xi32, #tpu.memory_space<vmem>>
      %dma_start3A_315 = arith.constant 0 : i32
      %dma_start3A_316 = arith.constant 0 : i32
      %dma_start3A_317 = tpu.memref_slice %arg2[%dma_start3A_315, %dma_start3A_316] : memref<10112x128xf32, #tpu.memory_space<hbm>> -> memref<10112x128xf32, #tpu.memory_space<hbm>>
      tpu.enqueue_indirect_dma source(%dma_start3A_317 : memref<10112x128xf32, #tpu.memory_space<hbm>>) target(%arg8 : memref<128x128xf32, #tpu.memory_space<vmem>>) offsets(%dma_start3A_314 : memref<128xi32, #tpu.memory_space<vmem>>) semaphore(%arg10 : memref<!tpu.dma_semaphore, #tpu.memory_space<semaphore_mem>>)
      %scan3A_318 = arith.constant 0 : i32
      scf.yield %scan3A_318 : i32
    }
    %scan3A_199 = arith.constant 18 : i32
    %dma_wait3A_200 = arith.constant 38 : i32
    %dma_wait3A_201 = arith.constant 0 : i32
    %dma_wait3A_202 = tpu.memref_slice %arg6[%dma_wait3A_200, %dma_wait3A_201] : memref<40x128xi32, #tpu.memory_space<vmem>> -> memref<1x128xi32, #tpu.memory_space<vmem>>
    %dma_wait3A_203 = tpu.memref_squeeze %dma_wait3A_202 : memref<1x128xi32, #tpu.memory_space<vmem>> -> memref<128xi32, #tpu.memory_space<vmem>>
    %dma_wait3A_204 = arith.constant 0 : i32
    %dma_wait3A_205 = arith.constant 0 : i32
    %dma_wait3A_206 = tpu.memref_slice %arg2[%dma_wait3A_204, %dma_wait3A_205] : memref<10112x128xf32, #tpu.memory_space<hbm>> -> memref<10112x128xf32, #tpu.memory_space<hbm>>
    tpu.wait_indirect_dma semaphore(%arg10 : memref<!tpu.dma_semaphore, #tpu.memory_space<semaphore_mem>>) src(%dma_wait3A_206 : memref<10112x128xf32, #tpu.memory_space<hbm>>) dst(%arg8 : memref<128x128xf32, #tpu.memory_space<vmem>>)
    %dma_start3A_207 = arith.constant 38 : i32
    %dma_start3A_208 = arith.constant 0 : i32
    %dma_start3A_209 = tpu.memref_slice %arg7[%dma_start3A_207, %dma_start3A_208] : memref<40x128xi32, #tpu.memory_space<vmem>> -> memref<1x128xi32, #tpu.memory_space<vmem>>
    %dma_start3A_210 = tpu.memref_squeeze %dma_start3A_209 : memref<1x128xi32, #tpu.memory_space<vmem>> -> memref<128xi32, #tpu.memory_space<vmem>>
    %dma_start3A_211 = arith.constant 0 : i32
    %dma_start3A_212 = arith.constant 0 : i32
    %dma_start3A_213 = tpu.memref_slice %arg14[%dma_start3A_211, %dma_start3A_212] : memref<10112x128xf32, #tpu.memory_space<vmem_shared>> -> memref<10112x128xf32, #tpu.memory_space<vmem_shared>>
    tpu.enqueue_indirect_dma source(%arg8 : memref<128x128xf32, #tpu.memory_space<vmem>>) target(%dma_start3A_213 : memref<10112x128xf32, #tpu.memory_space<vmem_shared>>) offsets(%dma_start3A_210 : memref<128xi32, #tpu.memory_space<vmem>>) semaphore(%arg12 : memref<!tpu.dma_semaphore, #tpu.memory_space<semaphore_mem>>) {add = true}
    %dma_wait3A_214 = arith.constant 37 : i32
    %dma_wait3A_215 = arith.constant 0 : i32
    %dma_wait3A_216 = tpu.memref_slice %arg7[%dma_wait3A_214, %dma_wait3A_215] : memref<40x128xi32, #tpu.memory_space<vmem>> -> memref<1x128xi32, #tpu.memory_space<vmem>>
    %dma_wait3A_217 = tpu.memref_squeeze %dma_wait3A_216 : memref<1x128xi32, #tpu.memory_space<vmem>> -> memref<128xi32, #tpu.memory_space<vmem>>
    %dma_wait3A_218 = arith.constant 0 : i32
    %dma_wait3A_219 = arith.constant 0 : i32
    %dma_wait3A_220 = tpu.memref_slice %arg14[%dma_wait3A_218, %dma_wait3A_219] : memref<10112x128xf32, #tpu.memory_space<vmem_shared>> -> memref<10112x128xf32, #tpu.memory_space<vmem_shared>>
    tpu.wait_indirect_dma semaphore(%arg13 : memref<!tpu.dma_semaphore, #tpu.memory_space<semaphore_mem>>) src(%arg9 : memref<128x128xf32, #tpu.memory_space<vmem>>) dst(%dma_wait3A_220 : memref<10112x128xf32, #tpu.memory_space<vmem_shared>>)
    %dma_start3A_221 = arith.constant 39 : i32
    %dma_start3A_222 = arith.constant 0 : i32
    %dma_start3A_223 = tpu.memref_slice %arg6[%dma_start3A_221, %dma_start3A_222] : memref<40x128xi32, #tpu.memory_space<vmem>> -> memref<1x128xi32, #tpu.memory_space<vmem>>
    %dma_start3A_224 = tpu.memref_squeeze %dma_start3A_223 : memref<1x128xi32, #tpu.memory_space<vmem>> -> memref<128xi32, #tpu.memory_space<vmem>>
    %dma_start3A_225 = arith.constant 0 : i32
    %dma_start3A_226 = arith.constant 0 : i32
    %dma_start3A_227 = tpu.memref_slice %arg2[%dma_start3A_225, %dma_start3A_226] : memref<10112x128xf32, #tpu.memory_space<hbm>> -> memref<10112x128xf32, #tpu.memory_space<hbm>>
    tpu.enqueue_indirect_dma source(%dma_start3A_227 : memref<10112x128xf32, #tpu.memory_space<hbm>>) target(%arg9 : memref<128x128xf32, #tpu.memory_space<vmem>>) offsets(%dma_start3A_224 : memref<128xi32, #tpu.memory_space<vmem>>) semaphore(%arg11 : memref<!tpu.dma_semaphore, #tpu.memory_space<semaphore_mem>>)
    %dma_wait3A_228 = arith.constant 39 : i32
    %dma_wait3A_229 = arith.constant 0 : i32
    %dma_wait3A_230 = tpu.memref_slice %arg6[%dma_wait3A_228, %dma_wait3A_229] : memref<40x128xi32, #tpu.memory_space<vmem>> -> memref<1x128xi32, #tpu.memory_space<vmem>>
    %dma_wait3A_231 = tpu.memref_squeeze %dma_wait3A_230 : memref<1x128xi32, #tpu.memory_space<vmem>> -> memref<128xi32, #tpu.memory_space<vmem>>
    %dma_wait3A_232 = arith.constant 0 : i32
    %dma_wait3A_233 = arith.constant 0 : i32
    %dma_wait3A_234 = tpu.memref_slice %arg2[%dma_wait3A_232, %dma_wait3A_233] : memref<10112x128xf32, #tpu.memory_space<hbm>> -> memref<10112x128xf32, #tpu.memory_space<hbm>>
    tpu.wait_indirect_dma semaphore(%arg11 : memref<!tpu.dma_semaphore, #tpu.memory_space<semaphore_mem>>) src(%dma_wait3A_234 : memref<10112x128xf32, #tpu.memory_space<hbm>>) dst(%arg9 : memref<128x128xf32, #tpu.memory_space<vmem>>)
    %dma_start3A_235 = arith.constant 39 : i32
    %dma_start3A_236 = arith.constant 0 : i32
    %dma_start3A_237 = tpu.memref_slice %arg7[%dma_start3A_235, %dma_start3A_236] : memref<40x128xi32, #tpu.memory_space<vmem>> -> memref<1x128xi32, #tpu.memory_space<vmem>>
    %dma_start3A_238 = tpu.memref_squeeze %dma_start3A_237 : memref<1x128xi32, #tpu.memory_space<vmem>> -> memref<128xi32, #tpu.memory_space<vmem>>
    %dma_start3A_239 = arith.constant 0 : i32
    %dma_start3A_240 = arith.constant 0 : i32
    %dma_start3A_241 = tpu.memref_slice %arg14[%dma_start3A_239, %dma_start3A_240] : memref<10112x128xf32, #tpu.memory_space<vmem_shared>> -> memref<10112x128xf32, #tpu.memory_space<vmem_shared>>
    tpu.enqueue_indirect_dma source(%arg9 : memref<128x128xf32, #tpu.memory_space<vmem>>) target(%dma_start3A_241 : memref<10112x128xf32, #tpu.memory_space<vmem_shared>>) offsets(%dma_start3A_238 : memref<128xi32, #tpu.memory_space<vmem>>) semaphore(%arg13 : memref<!tpu.dma_semaphore, #tpu.memory_space<semaphore_mem>>) {add = true}
    %dma_wait3A_242 = arith.constant 38 : i32
    %dma_wait3A_243 = arith.constant 0 : i32
    %dma_wait3A_244 = tpu.memref_slice %arg7[%dma_wait3A_242, %dma_wait3A_243] : memref<40x128xi32, #tpu.memory_space<vmem>> -> memref<1x128xi32, #tpu.memory_space<vmem>>
    %dma_wait3A_245 = tpu.memref_squeeze %dma_wait3A_244 : memref<1x128xi32, #tpu.memory_space<vmem>> -> memref<128xi32, #tpu.memory_space<vmem>>
    %dma_wait3A_246 = arith.constant 0 : i32
    %dma_wait3A_247 = arith.constant 0 : i32
    %dma_wait3A_248 = tpu.memref_slice %arg14[%dma_wait3A_246, %dma_wait3A_247] : memref<10112x128xf32, #tpu.memory_space<vmem_shared>> -> memref<10112x128xf32, #tpu.memory_space<vmem_shared>>
    tpu.wait_indirect_dma semaphore(%arg12 : memref<!tpu.dma_semaphore, #tpu.memory_space<semaphore_mem>>) src(%arg8 : memref<128x128xf32, #tpu.memory_space<vmem>>) dst(%dma_wait3A_248 : memref<10112x128xf32, #tpu.memory_space<vmem_shared>>)
    %dma_wait3A_249 = arith.constant 39 : i32
    %dma_wait3A_250 = arith.constant 0 : i32
    %dma_wait3A_251 = tpu.memref_slice %arg7[%dma_wait3A_249, %dma_wait3A_250] : memref<40x128xi32, #tpu.memory_space<vmem>> -> memref<1x128xi32, #tpu.memory_space<vmem>>
    %dma_wait3A_252 = tpu.memref_squeeze %dma_wait3A_251 : memref<1x128xi32, #tpu.memory_space<vmem>> -> memref<128xi32, #tpu.memory_space<vmem>>
    %dma_wait3A_253 = arith.constant 0 : i32
    %dma_wait3A_254 = arith.constant 0 : i32
    %dma_wait3A_255 = tpu.memref_slice %arg14[%dma_wait3A_253, %dma_wait3A_254] : memref<10112x128xf32, #tpu.memory_space<vmem_shared>> -> memref<10112x128xf32, #tpu.memory_space<vmem_shared>>
    tpu.wait_indirect_dma semaphore(%arg13 : memref<!tpu.dma_semaphore, #tpu.memory_space<semaphore_mem>>) src(%arg9 : memref<128x128xf32, #tpu.memory_space<vmem>>) dst(%dma_wait3A_255 : memref<10112x128xf32, #tpu.memory_space<vmem_shared>>)
    %barrier3A_256 = arith.constant 0 : index
    tpu.barrier barrier_id(%barrier3A_256)
    "tpu.region"() ({
      %run_scoped3A = tpu.sem_alloc : memref<!tpu.dma_semaphore, #tpu.memory_space<semaphore_mem>>
      %dma_start3A_257 = arith.constant 0 : i32
      %dma_start3A_258 = tpu.memref_slice %arg5[%arg0, %mul3A_9, %dma_start3A_257] : memref<2x10112x128xf32, #tpu.memory_space<hbm>> -> memref<1x632x128xf32, #tpu.memory_space<hbm>>
      %dma_start3A_259 = tpu.memref_squeeze %dma_start3A_258 : memref<1x632x128xf32, #tpu.memory_space<hbm>> -> memref<632x128xf32, #tpu.memory_space<hbm>>
      %dma_start3A_260 = arith.constant 0 : i32
      %dma_start3A_261 = tpu.memref_slice %arg14[%mul3A_9, %dma_start3A_260] : memref<10112x128xf32, #tpu.memory_space<vmem_shared>> -> memref<632x128xf32, #tpu.memory_space<vmem_shared>>
      tpu.enqueue_dma source(%dma_start3A_261 : memref<632x128xf32, #tpu.memory_space<vmem_shared>>) target(%dma_start3A_259 : memref<632x128xf32, #tpu.memory_space<hbm>>) target_semaphore(%run_scoped3A : memref<!tpu.dma_semaphore, #tpu.memory_space<semaphore_mem>>)
      %dma_wait3A_262 = arith.constant 0 : i32
      %dma_wait3A_263 = tpu.memref_slice %arg5[%arg0, %mul3A_9, %dma_wait3A_262] : memref<2x10112x128xf32, #tpu.memory_space<hbm>> -> memref<1x632x128xf32, #tpu.memory_space<hbm>>
      %dma_wait3A_264 = tpu.memref_squeeze %dma_wait3A_263 : memref<1x632x128xf32, #tpu.memory_space<hbm>> -> memref<632x128xf32, #tpu.memory_space<hbm>>
      %dma_wait3A_265 = arith.constant 0 : i32
      %dma_wait3A_266 = tpu.memref_slice %arg14[%mul3A_9, %dma_wait3A_265] : memref<10112x128xf32, #tpu.memory_space<vmem_shared>> -> memref<632x128xf32, #tpu.memory_space<vmem_shared>>
      tpu.wait_dma2 semaphore(%run_scoped3A : memref<!tpu.dma_semaphore, #tpu.memory_space<semaphore_mem>>) src(%dma_wait3A_266 : memref<632x128xf32, #tpu.memory_space<vmem_shared>>) dst(%dma_wait3A_264 : memref<632x128xf32, #tpu.memory_space<hbm>>)
      tpu.yield
    }) : () -> ()
    return
  }
}

#map = affine_map<(d0, d1) -> (0, 0)>
#map1 = affine_map<(d0, d1) -> (0, 0, 0)>
module attributes {stable_mosaic.version = 14 : i64} {
  func.func @_sc_agg_body(%arg0: i32, %arg1: i32, %arg2: memref<10112x128xf32, #tpu.memory_space<hbm>>, %arg3: memref<32x80x128xi32, #tpu.memory_space<hbm>>, %arg4: memref<32x80x128xi32, #tpu.memory_space<hbm>>, %arg5: memref<2x10112x128xf32, #tpu.memory_space<hbm>>, %arg6: memref<40x128xi32, #tpu.memory_space<vmem>>, %arg7: memref<40x128xi32, #tpu.memory_space<vmem>>, %arg8: memref<128x128xf32, #tpu.memory_space<vmem>>, %arg9: memref<128x128xf32, #tpu.memory_space<vmem>>, %arg10: memref<!tpu.dma_semaphore, #tpu.memory_space<semaphore_mem>>, %arg11: memref<!tpu.dma_semaphore, #tpu.memory_space<semaphore_mem>>, %arg12: memref<!tpu.dma_semaphore, #tpu.memory_space<semaphore_mem>>, %arg13: memref<!tpu.dma_semaphore, #tpu.memory_space<semaphore_mem>>, %arg14: memref<10112x128xf32, #tpu.memory_space<vmem_shared>>) attributes {dimension_semantics = [#tpu.dimension_semantics<core_parallel>, #tpu.dimension_semantics<subcore_parallel>], iteration_bounds = array<i64: 2, 16>, scalar_prefetch = 0 : i64, scratch_operands = 9 : i64, tpu.core_type = #tpu.core_type<sc_vector_subcore>, window_params = [{transform_indices = #map}, {transform_indices = #map1}, {transform_indices = #map1}, {transform_indices = #map1}]} {
    %mul3A = arith.constant 16 : i32
    %mul3A_0 = arith.muli %arg0, %mul3A : i32
    %add3A = arith.addi %mul3A_0, %arg1 : i32
    %broadcast_in_dim3A = arith.constant 0.000000e+00 : f32
    %broadcast_in_dim3A_1 = vector.broadcast %broadcast_in_dim3A : f32 to vector<16xf32>
    %scan3A = arith.constant 0 : i32
    %scan3A_2 = arith.constant 0 : i32
    %scan3A_3 = arith.constant 128 : i32
    %scan3A_4 = arith.addi %scan3A_2, %scan3A_3 : i32
    %scan3A_5 = arith.constant 1 : i32
    %scan3A_6 = scf.for %scan3A_257 = %scan3A_2 to %scan3A_4 step %scan3A_5 iter_args(%scan3A_258 = %scan3A) -> (i32)  : i32 {
      %swap3A = arith.index_cast %scan3A_257 : i32 to index
      %swap3A_259 = arith.constant 0 : index
      %swap3A_260 = tpu.vector_load %arg8[%swap3A, %swap3A_259] {strides = array<i32>} : memref<128x128xf32, #tpu.memory_space<vmem>>, vector<1x16xf32>,
      %swap3A_261 = vector.shape_cast %swap3A_260 : vector<1x16xf32> to vector<16xf32>
      %swap3A_262 = vector.shape_cast %broadcast_in_dim3A_1 : vector<16xf32> to vector<1x16xf32>
      tpu.vector_store %arg8[%swap3A, %swap3A_259], %swap3A_262 {strides = array<i32>} : memref<128x128xf32, #tpu.memory_space<vmem>>, vector<1x16xf32>,
      %swap3A_263 = arith.index_cast %scan3A_257 : i32 to index
      %swap3A_264 = arith.constant 16 : index
      %swap3A_265 = tpu.vector_load %arg8[%swap3A_263, %swap3A_264] {strides = array<i32>} : memref<128x128xf32, #tpu.memory_space<vmem>>, vector<1x16xf32>,
      %swap3A_266 = vector.shape_cast %swap3A_265 : vector<1x16xf32> to vector<16xf32>
      %swap3A_267 = vector.shape_cast %broadcast_in_dim3A_1 : vector<16xf32> to vector<1x16xf32>
      tpu.vector_store %arg8[%swap3A_263, %swap3A_264], %swap3A_267 {strides = array<i32>} : memref<128x128xf32, #tpu.memory_space<vmem>>, vector<1x16xf32>,
      %swap3A_268 = arith.index_cast %scan3A_257 : i32 to index
      %swap3A_269 = arith.constant 32 : index
      %swap3A_270 = tpu.vector_load %arg8[%swap3A_268, %swap3A_269] {strides = array<i32>} : memref<128x128xf32, #tpu.memory_space<vmem>>, vector<1x16xf32>,
      %swap3A_271 = vector.shape_cast %swap3A_270 : vector<1x16xf32> to vector<16xf32>
      %swap3A_272 = vector.shape_cast %broadcast_in_dim3A_1 : vector<16xf32> to vector<1x16xf32>
      tpu.vector_store %arg8[%swap3A_268, %swap3A_269], %swap3A_272 {strides = array<i32>} : memref<128x128xf32, #tpu.memory_space<vmem>>, vector<1x16xf32>,
      %swap3A_273 = arith.index_cast %scan3A_257 : i32 to index
      %swap3A_274 = arith.constant 48 : index
      %swap3A_275 = tpu.vector_load %arg8[%swap3A_273, %swap3A_274] {strides = array<i32>} : memref<128x128xf32, #tpu.memory_space<vmem>>, vector<1x16xf32>,
      %swap3A_276 = vector.shape_cast %swap3A_275 : vector<1x16xf32> to vector<16xf32>
      %swap3A_277 = vector.shape_cast %broadcast_in_dim3A_1 : vector<16xf32> to vector<1x16xf32>
      tpu.vector_store %arg8[%swap3A_273, %swap3A_274], %swap3A_277 {strides = array<i32>} : memref<128x128xf32, #tpu.memory_space<vmem>>, vector<1x16xf32>,
      %swap3A_278 = arith.index_cast %scan3A_257 : i32 to index
      %swap3A_279 = arith.constant 64 : index
      %swap3A_280 = tpu.vector_load %arg8[%swap3A_278, %swap3A_279] {strides = array<i32>} : memref<128x128xf32, #tpu.memory_space<vmem>>, vector<1x16xf32>,
      %swap3A_281 = vector.shape_cast %swap3A_280 : vector<1x16xf32> to vector<16xf32>
      %swap3A_282 = vector.shape_cast %broadcast_in_dim3A_1 : vector<16xf32> to vector<1x16xf32>
      tpu.vector_store %arg8[%swap3A_278, %swap3A_279], %swap3A_282 {strides = array<i32>} : memref<128x128xf32, #tpu.memory_space<vmem>>, vector<1x16xf32>,
      %swap3A_283 = arith.index_cast %scan3A_257 : i32 to index
      %swap3A_284 = arith.constant 80 : index
      %swap3A_285 = tpu.vector_load %arg8[%swap3A_283, %swap3A_284] {strides = array<i32>} : memref<128x128xf32, #tpu.memory_space<vmem>>, vector<1x16xf32>,
      %swap3A_286 = vector.shape_cast %swap3A_285 : vector<1x16xf32> to vector<16xf32>
      %swap3A_287 = vector.shape_cast %broadcast_in_dim3A_1 : vector<16xf32> to vector<1x16xf32>
      tpu.vector_store %arg8[%swap3A_283, %swap3A_284], %swap3A_287 {strides = array<i32>} : memref<128x128xf32, #tpu.memory_space<vmem>>, vector<1x16xf32>,
      %swap3A_288 = arith.index_cast %scan3A_257 : i32 to index
      %swap3A_289 = arith.constant 96 : index
      %swap3A_290 = tpu.vector_load %arg8[%swap3A_288, %swap3A_289] {strides = array<i32>} : memref<128x128xf32, #tpu.memory_space<vmem>>, vector<1x16xf32>,
      %swap3A_291 = vector.shape_cast %swap3A_290 : vector<1x16xf32> to vector<16xf32>
      %swap3A_292 = vector.shape_cast %broadcast_in_dim3A_1 : vector<16xf32> to vector<1x16xf32>
      tpu.vector_store %arg8[%swap3A_288, %swap3A_289], %swap3A_292 {strides = array<i32>} : memref<128x128xf32, #tpu.memory_space<vmem>>, vector<1x16xf32>,
      %swap3A_293 = arith.index_cast %scan3A_257 : i32 to index
      %swap3A_294 = arith.constant 112 : index
      %swap3A_295 = tpu.vector_load %arg8[%swap3A_293, %swap3A_294] {strides = array<i32>} : memref<128x128xf32, #tpu.memory_space<vmem>>, vector<1x16xf32>,
      %swap3A_296 = vector.shape_cast %swap3A_295 : vector<1x16xf32> to vector<16xf32>
      %swap3A_297 = vector.shape_cast %broadcast_in_dim3A_1 : vector<16xf32> to vector<1x16xf32>
      tpu.vector_store %arg8[%swap3A_293, %swap3A_294], %swap3A_297 {strides = array<i32>} : memref<128x128xf32, #tpu.memory_space<vmem>>, vector<1x16xf32>,
      %scan3A_298 = arith.constant 0 : i32
      scf.yield %scan3A_298 : i32
    }
    %scan3A_7 = arith.constant 128 : i32
    %mul3A_8 = arith.constant 632 : i32
    %mul3A_9 = arith.muli %arg1, %mul3A_8 : i32
    %add3A_10 = arith.constant 0 : i32
    %add3A_11 = arith.addi %mul3A_9, %add3A_10 : i32
    "tpu.region"() ({
      %run_scoped3A = tpu.sem_alloc : memref<!tpu.dma_semaphore, #tpu.memory_space<semaphore_mem>>
      %dma_start3A_257 = arith.constant 0 : i32
      %dma_start3A_258 = arith.constant 0 : i32
      %dma_start3A_259 = tpu.memref_slice %arg8[%dma_start3A_257, %dma_start3A_258] : memref<128x128xf32, #tpu.memory_space<vmem>> -> memref<128x128xf32, #tpu.memory_space<vmem>>
      %dma_start3A_260 = arith.constant 0 : i32
      %dma_start3A_261 = tpu.memref_slice %arg14[%add3A_11, %dma_start3A_260] : memref<10112x128xf32, #tpu.memory_space<vmem_shared>> -> memref<128x128xf32, #tpu.memory_space<vmem_shared>>
      %dma_start3A_262 = arith.constant 0 : i32
      %dma_start3A_263 = tpu.memref_slice %arg14[%add3A_11, %dma_start3A_262] : memref<10112x128xf32, #tpu.memory_space<vmem_shared>> -> memref<128x128xf32, #tpu.memory_space<vmem_shared>>
      %dma_start3A_264 = arith.constant 0 : i32
      %dma_start3A_265 = arith.constant 0 : i32
      %dma_start3A_266 = tpu.memref_slice %arg8[%dma_start3A_264, %dma_start3A_265] : memref<128x128xf32, #tpu.memory_space<vmem>> -> memref<128x128xf32, #tpu.memory_space<vmem>>
      tpu.enqueue_dma source(%dma_start3A_266 : memref<128x128xf32, #tpu.memory_space<vmem>>) target(%dma_start3A_263 : memref<128x128xf32, #tpu.memory_space<vmem_shared>>) target_semaphore(%run_scoped3A : memref<!tpu.dma_semaphore, #tpu.memory_space<semaphore_mem>>)
      %dma_wait3A_267 = arith.constant 0 : i32
      %dma_wait3A_268 = arith.constant 0 : i32
      %dma_wait3A_269 = tpu.memref_slice %arg8[%dma_wait3A_267, %dma_wait3A_268] : memref<128x128xf32, #tpu.memory_space<vmem>> -> memref<128x128xf32, #tpu.memory_space<vmem>>
      %dma_wait3A_270 = arith.constant 0 : i32
      %dma_wait3A_271 = tpu.memref_slice %arg14[%add3A_11, %dma_wait3A_270] : memref<10112x128xf32, #tpu.memory_space<vmem_shared>> -> memref<128x128xf32, #tpu.memory_space<vmem_shared>>
      %dma_wait3A_272 = arith.constant 0 : i32
      %dma_wait3A_273 = tpu.memref_slice %arg14[%add3A_11, %dma_wait3A_272] : memref<10112x128xf32, #tpu.memory_space<vmem_shared>> -> memref<128x128xf32, #tpu.memory_space<vmem_shared>>
      %dma_wait3A_274 = arith.constant 0 : i32
      %dma_wait3A_275 = arith.constant 0 : i32
      %dma_wait3A_276 = tpu.memref_slice %arg8[%dma_wait3A_274, %dma_wait3A_275] : memref<128x128xf32, #tpu.memory_space<vmem>> -> memref<128x128xf32, #tpu.memory_space<vmem>>
      tpu.wait_dma2 semaphore(%run_scoped3A : memref<!tpu.dma_semaphore, #tpu.memory_space<semaphore_mem>>) src(%dma_wait3A_276 : memref<128x128xf32, #tpu.memory_space<vmem>>) dst(%dma_wait3A_273 : memref<128x128xf32, #tpu.memory_space<vmem_shared>>)
      tpu.yield
    }) : () -> ()
    %add3A_12 = arith.constant 128 : i32
    %add3A_13 = arith.addi %mul3A_9, %add3A_12 : i32
    "tpu.region"() ({
      %run_scoped3A = tpu.sem_alloc : memref<!tpu.dma_semaphore, #tpu.memory_space<semaphore_mem>>
      %dma_start3A_257 = arith.constant 0 : i32
      %dma_start3A_258 = arith.constant 0 : i32
      %dma_start3A_259 = tpu.memref_slice %arg8[%dma_start3A_257, %dma_start3A_258] : memref<128x128xf32, #tpu.memory_space<vmem>> -> memref<128x128xf32, #tpu.memory_space<vmem>>
      %dma_start3A_260 = arith.constant 0 : i32
      %dma_start3A_261 = tpu.memref_slice %arg14[%add3A_13, %dma_start3A_260] : memref<10112x128xf32, #tpu.memory_space<vmem_shared>> -> memref<128x128xf32, #tpu.memory_space<vmem_shared>>
      %dma_start3A_262 = arith.constant 0 : i32
      %dma_start3A_263 = tpu.memref_slice %arg14[%add3A_13, %dma_start3A_262] : memref<10112x128xf32, #tpu.memory_space<vmem_shared>> -> memref<128x128xf32, #tpu.memory_space<vmem_shared>>
      %dma_start3A_264 = arith.constant 0 : i32
      %dma_start3A_265 = arith.constant 0 : i32
      %dma_start3A_266 = tpu.memref_slice %arg8[%dma_start3A_264, %dma_start3A_265] : memref<128x128xf32, #tpu.memory_space<vmem>> -> memref<128x128xf32, #tpu.memory_space<vmem>>
      tpu.enqueue_dma source(%dma_start3A_266 : memref<128x128xf32, #tpu.memory_space<vmem>>) target(%dma_start3A_263 : memref<128x128xf32, #tpu.memory_space<vmem_shared>>) target_semaphore(%run_scoped3A : memref<!tpu.dma_semaphore, #tpu.memory_space<semaphore_mem>>)
      %dma_wait3A_267 = arith.constant 0 : i32
      %dma_wait3A_268 = arith.constant 0 : i32
      %dma_wait3A_269 = tpu.memref_slice %arg8[%dma_wait3A_267, %dma_wait3A_268] : memref<128x128xf32, #tpu.memory_space<vmem>> -> memref<128x128xf32, #tpu.memory_space<vmem>>
      %dma_wait3A_270 = arith.constant 0 : i32
      %dma_wait3A_271 = tpu.memref_slice %arg14[%add3A_13, %dma_wait3A_270] : memref<10112x128xf32, #tpu.memory_space<vmem_shared>> -> memref<128x128xf32, #tpu.memory_space<vmem_shared>>
      %dma_wait3A_272 = arith.constant 0 : i32
      %dma_wait3A_273 = tpu.memref_slice %arg14[%add3A_13, %dma_wait3A_272] : memref<10112x128xf32, #tpu.memory_space<vmem_shared>> -> memref<128x128xf32, #tpu.memory_space<vmem_shared>>
      %dma_wait3A_274 = arith.constant 0 : i32
      %dma_wait3A_275 = arith.constant 0 : i32
      %dma_wait3A_276 = tpu.memref_slice %arg8[%dma_wait3A_274, %dma_wait3A_275] : memref<128x128xf32, #tpu.memory_space<vmem>> -> memref<128x128xf32, #tpu.memory_space<vmem>>
      tpu.wait_dma2 semaphore(%run_scoped3A : memref<!tpu.dma_semaphore, #tpu.memory_space<semaphore_mem>>) src(%dma_wait3A_276 : memref<128x128xf32, #tpu.memory_space<vmem>>) dst(%dma_wait3A_273 : memref<128x128xf32, #tpu.memory_space<vmem_shared>>)
      tpu.yield
    }) : () -> ()
    %add3A_14 = arith.constant 256 : i32
    %add3A_15 = arith.addi %mul3A_9, %add3A_14 : i32
    "tpu.region"() ({
      %run_scoped3A = tpu.sem_alloc : memref<!tpu.dma_semaphore, #tpu.memory_space<semaphore_mem>>
      %dma_start3A_257 = arith.constant 0 : i32
      %dma_start3A_258 = arith.constant 0 : i32
      %dma_start3A_259 = tpu.memref_slice %arg8[%dma_start3A_257, %dma_start3A_258] : memref<128x128xf32, #tpu.memory_space<vmem>> -> memref<128x128xf32, #tpu.memory_space<vmem>>
      %dma_start3A_260 = arith.constant 0 : i32
      %dma_start3A_261 = tpu.memref_slice %arg14[%add3A_15, %dma_start3A_260] : memref<10112x128xf32, #tpu.memory_space<vmem_shared>> -> memref<128x128xf32, #tpu.memory_space<vmem_shared>>
      %dma_start3A_262 = arith.constant 0 : i32
      %dma_start3A_263 = tpu.memref_slice %arg14[%add3A_15, %dma_start3A_262] : memref<10112x128xf32, #tpu.memory_space<vmem_shared>> -> memref<128x128xf32, #tpu.memory_space<vmem_shared>>
      %dma_start3A_264 = arith.constant 0 : i32
      %dma_start3A_265 = arith.constant 0 : i32
      %dma_start3A_266 = tpu.memref_slice %arg8[%dma_start3A_264, %dma_start3A_265] : memref<128x128xf32, #tpu.memory_space<vmem>> -> memref<128x128xf32, #tpu.memory_space<vmem>>
      tpu.enqueue_dma source(%dma_start3A_266 : memref<128x128xf32, #tpu.memory_space<vmem>>) target(%dma_start3A_263 : memref<128x128xf32, #tpu.memory_space<vmem_shared>>) target_semaphore(%run_scoped3A : memref<!tpu.dma_semaphore, #tpu.memory_space<semaphore_mem>>)
      %dma_wait3A_267 = arith.constant 0 : i32
      %dma_wait3A_268 = arith.constant 0 : i32
      %dma_wait3A_269 = tpu.memref_slice %arg8[%dma_wait3A_267, %dma_wait3A_268] : memref<128x128xf32, #tpu.memory_space<vmem>> -> memref<128x128xf32, #tpu.memory_space<vmem>>
      %dma_wait3A_270 = arith.constant 0 : i32
      %dma_wait3A_271 = tpu.memref_slice %arg14[%add3A_15, %dma_wait3A_270] : memref<10112x128xf32, #tpu.memory_space<vmem_shared>> -> memref<128x128xf32, #tpu.memory_space<vmem_shared>>
      %dma_wait3A_272 = arith.constant 0 : i32
      %dma_wait3A_273 = tpu.memref_slice %arg14[%add3A_15, %dma_wait3A_272] : memref<10112x128xf32, #tpu.memory_space<vmem_shared>> -> memref<128x128xf32, #tpu.memory_space<vmem_shared>>
      %dma_wait3A_274 = arith.constant 0 : i32
      %dma_wait3A_275 = arith.constant 0 : i32
      %dma_wait3A_276 = tpu.memref_slice %arg8[%dma_wait3A_274, %dma_wait3A_275] : memref<128x128xf32, #tpu.memory_space<vmem>> -> memref<128x128xf32, #tpu.memory_space<vmem>>
      tpu.wait_dma2 semaphore(%run_scoped3A : memref<!tpu.dma_semaphore, #tpu.memory_space<semaphore_mem>>) src(%dma_wait3A_276 : memref<128x128xf32, #tpu.memory_space<vmem>>) dst(%dma_wait3A_273 : memref<128x128xf32, #tpu.memory_space<vmem_shared>>)
      tpu.yield
    }) : () -> ()
    %add3A_16 = arith.constant 384 : i32
    %add3A_17 = arith.addi %mul3A_9, %add3A_16 : i32
    "tpu.region"() ({
      %run_scoped3A = tpu.sem_alloc : memref<!tpu.dma_semaphore, #tpu.memory_space<semaphore_mem>>
      %dma_start3A_257 = arith.constant 0 : i32
      %dma_start3A_258 = arith.constant 0 : i32
      %dma_start3A_259 = tpu.memref_slice %arg8[%dma_start3A_257, %dma_start3A_258] : memref<128x128xf32, #tpu.memory_space<vmem>> -> memref<128x128xf32, #tpu.memory_space<vmem>>
      %dma_start3A_260 = arith.constant 0 : i32
      %dma_start3A_261 = tpu.memref_slice %arg14[%add3A_17, %dma_start3A_260] : memref<10112x128xf32, #tpu.memory_space<vmem_shared>> -> memref<128x128xf32, #tpu.memory_space<vmem_shared>>
      %dma_start3A_262 = arith.constant 0 : i32
      %dma_start3A_263 = tpu.memref_slice %arg14[%add3A_17, %dma_start3A_262] : memref<10112x128xf32, #tpu.memory_space<vmem_shared>> -> memref<128x128xf32, #tpu.memory_space<vmem_shared>>
      %dma_start3A_264 = arith.constant 0 : i32
      %dma_start3A_265 = arith.constant 0 : i32
      %dma_start3A_266 = tpu.memref_slice %arg8[%dma_start3A_264, %dma_start3A_265] : memref<128x128xf32, #tpu.memory_space<vmem>> -> memref<128x128xf32, #tpu.memory_space<vmem>>
      tpu.enqueue_dma source(%dma_start3A_266 : memref<128x128xf32, #tpu.memory_space<vmem>>) target(%dma_start3A_263 : memref<128x128xf32, #tpu.memory_space<vmem_shared>>) target_semaphore(%run_scoped3A : memref<!tpu.dma_semaphore, #tpu.memory_space<semaphore_mem>>)
      %dma_wait3A_267 = arith.constant 0 : i32
      %dma_wait3A_268 = arith.constant 0 : i32
      %dma_wait3A_269 = tpu.memref_slice %arg8[%dma_wait3A_267, %dma_wait3A_268] : memref<128x128xf32, #tpu.memory_space<vmem>> -> memref<128x128xf32, #tpu.memory_space<vmem>>
      %dma_wait3A_270 = arith.constant 0 : i32
      %dma_wait3A_271 = tpu.memref_slice %arg14[%add3A_17, %dma_wait3A_270] : memref<10112x128xf32, #tpu.memory_space<vmem_shared>> -> memref<128x128xf32, #tpu.memory_space<vmem_shared>>
      %dma_wait3A_272 = arith.constant 0 : i32
      %dma_wait3A_273 = tpu.memref_slice %arg14[%add3A_17, %dma_wait3A_272] : memref<10112x128xf32, #tpu.memory_space<vmem_shared>> -> memref<128x128xf32, #tpu.memory_space<vmem_shared>>
      %dma_wait3A_274 = arith.constant 0 : i32
      %dma_wait3A_275 = arith.constant 0 : i32
      %dma_wait3A_276 = tpu.memref_slice %arg8[%dma_wait3A_274, %dma_wait3A_275] : memref<128x128xf32, #tpu.memory_space<vmem>> -> memref<128x128xf32, #tpu.memory_space<vmem>>
      tpu.wait_dma2 semaphore(%run_scoped3A : memref<!tpu.dma_semaphore, #tpu.memory_space<semaphore_mem>>) src(%dma_wait3A_276 : memref<128x128xf32, #tpu.memory_space<vmem>>) dst(%dma_wait3A_273 : memref<128x128xf32, #tpu.memory_space<vmem_shared>>)
      tpu.yield
    }) : () -> ()
    %add3A_18 = arith.constant 512 : i32
    %add3A_19 = arith.addi %mul3A_9, %add3A_18 : i32
    "tpu.region"() ({
      %run_scoped3A = tpu.sem_alloc : memref<!tpu.dma_semaphore, #tpu.memory_space<semaphore_mem>>
      %dma_start3A_257 = arith.constant 0 : i32
      %dma_start3A_258 = arith.constant 0 : i32
      %dma_start3A_259 = tpu.memref_slice %arg8[%dma_start3A_257, %dma_start3A_258] : memref<128x128xf32, #tpu.memory_space<vmem>> -> memref<120x128xf32, #tpu.memory_space<vmem>>
      %dma_start3A_260 = arith.constant 0 : i32
      %dma_start3A_261 = tpu.memref_slice %arg14[%add3A_19, %dma_start3A_260] : memref<10112x128xf32, #tpu.memory_space<vmem_shared>> -> memref<120x128xf32, #tpu.memory_space<vmem_shared>>
      %dma_start3A_262 = arith.constant 0 : i32
      %dma_start3A_263 = tpu.memref_slice %arg14[%add3A_19, %dma_start3A_262] : memref<10112x128xf32, #tpu.memory_space<vmem_shared>> -> memref<120x128xf32, #tpu.memory_space<vmem_shared>>
      %dma_start3A_264 = arith.constant 0 : i32
      %dma_start3A_265 = arith.constant 0 : i32
      %dma_start3A_266 = tpu.memref_slice %arg8[%dma_start3A_264, %dma_start3A_265] : memref<128x128xf32, #tpu.memory_space<vmem>> -> memref<120x128xf32, #tpu.memory_space<vmem>>
      tpu.enqueue_dma source(%dma_start3A_266 : memref<120x128xf32, #tpu.memory_space<vmem>>) target(%dma_start3A_263 : memref<120x128xf32, #tpu.memory_space<vmem_shared>>) target_semaphore(%run_scoped3A : memref<!tpu.dma_semaphore, #tpu.memory_space<semaphore_mem>>)
      %dma_wait3A_267 = arith.constant 0 : i32
      %dma_wait3A_268 = arith.constant 0 : i32
      %dma_wait3A_269 = tpu.memref_slice %arg8[%dma_wait3A_267, %dma_wait3A_268] : memref<128x128xf32, #tpu.memory_space<vmem>> -> memref<120x128xf32, #tpu.memory_space<vmem>>
      %dma_wait3A_270 = arith.constant 0 : i32
      %dma_wait3A_271 = tpu.memref_slice %arg14[%add3A_19, %dma_wait3A_270] : memref<10112x128xf32, #tpu.memory_space<vmem_shared>> -> memref<120x128xf32, #tpu.memory_space<vmem_shared>>
      %dma_wait3A_272 = arith.constant 0 : i32
      %dma_wait3A_273 = tpu.memref_slice %arg14[%add3A_19, %dma_wait3A_272] : memref<10112x128xf32, #tpu.memory_space<vmem_shared>> -> memref<120x128xf32, #tpu.memory_space<vmem_shared>>
      %dma_wait3A_274 = arith.constant 0 : i32
      %dma_wait3A_275 = arith.constant 0 : i32
      %dma_wait3A_276 = tpu.memref_slice %arg8[%dma_wait3A_274, %dma_wait3A_275] : memref<128x128xf32, #tpu.memory_space<vmem>> -> memref<120x128xf32, #tpu.memory_space<vmem>>
      tpu.wait_dma2 semaphore(%run_scoped3A : memref<!tpu.dma_semaphore, #tpu.memory_space<semaphore_mem>>) src(%dma_wait3A_276 : memref<120x128xf32, #tpu.memory_space<vmem>>) dst(%dma_wait3A_273 : memref<120x128xf32, #tpu.memory_space<vmem_shared>>)
      tpu.yield
    }) : () -> ()
    %barrier3A = arith.constant 0 : index
    tpu.barrier barrier_id(%barrier3A)
    "tpu.region"() ({
      %run_scoped3A = tpu.sem_alloc : memref<!tpu.dma_semaphore, #tpu.memory_space<semaphore_mem>>
      %dma_start3A_257 = arith.constant 0 : i32
      %dma_start3A_258 = arith.constant 0 : i32
      %dma_start3A_259 = tpu.memref_slice %arg3[%add3A, %dma_start3A_257, %dma_start3A_258] : memref<32x80x128xi32, #tpu.memory_space<hbm>> -> memref<1x40x128xi32, #tpu.memory_space<hbm>>
      %dma_start3A_260 = tpu.memref_squeeze %dma_start3A_259 : memref<1x40x128xi32, #tpu.memory_space<hbm>> -> memref<40x128xi32, #tpu.memory_space<hbm>>
      %dma_start3A_261 = arith.constant 0 : i32
      %dma_start3A_262 = arith.constant 0 : i32
      %dma_start3A_263 = tpu.memref_slice %arg3[%add3A, %dma_start3A_261, %dma_start3A_262] : memref<32x80x128xi32, #tpu.memory_space<hbm>> -> memref<1x40x128xi32, #tpu.memory_space<hbm>>
      %dma_start3A_264 = tpu.memref_squeeze %dma_start3A_263 : memref<1x40x128xi32, #tpu.memory_space<hbm>> -> memref<40x128xi32, #tpu.memory_space<hbm>>
      tpu.enqueue_dma source(%dma_start3A_264 : memref<40x128xi32, #tpu.memory_space<hbm>>) target(%arg6 : memref<40x128xi32, #tpu.memory_space<vmem>>) target_semaphore(%run_scoped3A : memref<!tpu.dma_semaphore, #tpu.memory_space<semaphore_mem>>)
      %dma_wait3A_265 = arith.constant 0 : i32
      %dma_wait3A_266 = arith.constant 0 : i32
      %dma_wait3A_267 = tpu.memref_slice %arg3[%add3A, %dma_wait3A_265, %dma_wait3A_266] : memref<32x80x128xi32, #tpu.memory_space<hbm>> -> memref<1x40x128xi32, #tpu.memory_space<hbm>>
      %dma_wait3A_268 = tpu.memref_squeeze %dma_wait3A_267 : memref<1x40x128xi32, #tpu.memory_space<hbm>> -> memref<40x128xi32, #tpu.memory_space<hbm>>
      %dma_wait3A_269 = arith.constant 0 : i32
      %dma_wait3A_270 = arith.constant 0 : i32
      %dma_wait3A_271 = tpu.memref_slice %arg3[%add3A, %dma_wait3A_269, %dma_wait3A_270] : memref<32x80x128xi32, #tpu.memory_space<hbm>> -> memref<1x40x128xi32, #tpu.memory_space<hbm>>
      %dma_wait3A_272 = tpu.memref_squeeze %dma_wait3A_271 : memref<1x40x128xi32, #tpu.memory_space<hbm>> -> memref<40x128xi32, #tpu.memory_space<hbm>>
      tpu.wait_dma2 semaphore(%run_scoped3A : memref<!tpu.dma_semaphore, #tpu.memory_space<semaphore_mem>>) src(%dma_wait3A_272 : memref<40x128xi32, #tpu.memory_space<hbm>>) dst(%arg6 : memref<40x128xi32, #tpu.memory_space<vmem>>)
      tpu.yield
    }) : () -> ()
    "tpu.region"() ({
      %run_scoped3A = tpu.sem_alloc : memref<!tpu.dma_semaphore, #tpu.memory_space<semaphore_mem>>
      %dma_start3A_257 = arith.constant 0 : i32
      %dma_start3A_258 = arith.constant 0 : i32
      %dma_start3A_259 = tpu.memref_slice %arg4[%add3A, %dma_start3A_257, %dma_start3A_258] : memref<32x80x128xi32, #tpu.memory_space<hbm>> -> memref<1x40x128xi32, #tpu.memory_space<hbm>>
      %dma_start3A_260 = tpu.memref_squeeze %dma_start3A_259 : memref<1x40x128xi32, #tpu.memory_space<hbm>> -> memref<40x128xi32, #tpu.memory_space<hbm>>
      %dma_start3A_261 = arith.constant 0 : i32
      %dma_start3A_262 = arith.constant 0 : i32
      %dma_start3A_263 = tpu.memref_slice %arg4[%add3A, %dma_start3A_261, %dma_start3A_262] : memref<32x80x128xi32, #tpu.memory_space<hbm>> -> memref<1x40x128xi32, #tpu.memory_space<hbm>>
      %dma_start3A_264 = tpu.memref_squeeze %dma_start3A_263 : memref<1x40x128xi32, #tpu.memory_space<hbm>> -> memref<40x128xi32, #tpu.memory_space<hbm>>
      tpu.enqueue_dma source(%dma_start3A_264 : memref<40x128xi32, #tpu.memory_space<hbm>>) target(%arg7 : memref<40x128xi32, #tpu.memory_space<vmem>>) target_semaphore(%run_scoped3A : memref<!tpu.dma_semaphore, #tpu.memory_space<semaphore_mem>>)
      %dma_wait3A_265 = arith.constant 0 : i32
      %dma_wait3A_266 = arith.constant 0 : i32
      %dma_wait3A_267 = tpu.memref_slice %arg4[%add3A, %dma_wait3A_265, %dma_wait3A_266] : memref<32x80x128xi32, #tpu.memory_space<hbm>> -> memref<1x40x128xi32, #tpu.memory_space<hbm>>
      %dma_wait3A_268 = tpu.memref_squeeze %dma_wait3A_267 : memref<1x40x128xi32, #tpu.memory_space<hbm>> -> memref<40x128xi32, #tpu.memory_space<hbm>>
      %dma_wait3A_269 = arith.constant 0 : i32
      %dma_wait3A_270 = arith.constant 0 : i32
      %dma_wait3A_271 = tpu.memref_slice %arg4[%add3A, %dma_wait3A_269, %dma_wait3A_270] : memref<32x80x128xi32, #tpu.memory_space<hbm>> -> memref<1x40x128xi32, #tpu.memory_space<hbm>>
      %dma_wait3A_272 = tpu.memref_squeeze %dma_wait3A_271 : memref<1x40x128xi32, #tpu.memory_space<hbm>> -> memref<40x128xi32, #tpu.memory_space<hbm>>
      tpu.wait_dma2 semaphore(%run_scoped3A : memref<!tpu.dma_semaphore, #tpu.memory_space<semaphore_mem>>) src(%dma_wait3A_272 : memref<40x128xi32, #tpu.memory_space<hbm>>) dst(%arg7 : memref<40x128xi32, #tpu.memory_space<vmem>>)
      tpu.yield
    }) : () -> ()
    %dma_start3A = arith.constant 0 : i32
    %dma_start3A_20 = arith.constant 0 : i32
    %dma_start3A_21 = tpu.memref_slice %arg6[%dma_start3A, %dma_start3A_20] : memref<40x128xi32, #tpu.memory_space<vmem>> -> memref<1x128xi32, #tpu.memory_space<vmem>>
    %dma_start3A_22 = tpu.memref_squeeze %dma_start3A_21 : memref<1x128xi32, #tpu.memory_space<vmem>> -> memref<128xi32, #tpu.memory_space<vmem>>
    %dma_start3A_23 = arith.constant 0 : i32
    %dma_start3A_24 = arith.constant 0 : i32
    %dma_start3A_25 = tpu.memref_slice %arg2[%dma_start3A_23, %dma_start3A_24] : memref<10112x128xf32, #tpu.memory_space<hbm>> -> memref<10112x128xf32, #tpu.memory_space<hbm>>
    tpu.enqueue_indirect_dma source(%dma_start3A_25 : memref<10112x128xf32, #tpu.memory_space<hbm>>) target(%arg8 : memref<128x128xf32, #tpu.memory_space<vmem>>) offsets(%dma_start3A_22 : memref<128xi32, #tpu.memory_space<vmem>>) semaphore(%arg10 : memref<!tpu.dma_semaphore, #tpu.memory_space<semaphore_mem>>)
    %dma_wait3A = arith.constant 0 : i32
    %dma_wait3A_26 = arith.constant 0 : i32
    %dma_wait3A_27 = tpu.memref_slice %arg6[%dma_wait3A, %dma_wait3A_26] : memref<40x128xi32, #tpu.memory_space<vmem>> -> memref<1x128xi32, #tpu.memory_space<vmem>>
    %dma_wait3A_28 = tpu.memref_squeeze %dma_wait3A_27 : memref<1x128xi32, #tpu.memory_space<vmem>> -> memref<128xi32, #tpu.memory_space<vmem>>
    %dma_wait3A_29 = arith.constant 0 : i32
    %dma_wait3A_30 = arith.constant 0 : i32
    %dma_wait3A_31 = tpu.memref_slice %arg2[%dma_wait3A_29, %dma_wait3A_30] : memref<10112x128xf32, #tpu.memory_space<hbm>> -> memref<10112x128xf32, #tpu.memory_space<hbm>>
    tpu.wait_indirect_dma semaphore(%arg10 : memref<!tpu.dma_semaphore, #tpu.memory_space<semaphore_mem>>) src(%dma_wait3A_31 : memref<10112x128xf32, #tpu.memory_space<hbm>>) dst(%arg8 : memref<128x128xf32, #tpu.memory_space<vmem>>)
    %dma_start3A_32 = arith.constant 0 : i32
    %dma_start3A_33 = arith.constant 0 : i32
    %dma_start3A_34 = tpu.memref_slice %arg7[%dma_start3A_32, %dma_start3A_33] : memref<40x128xi32, #tpu.memory_space<vmem>> -> memref<1x128xi32, #tpu.memory_space<vmem>>
    %dma_start3A_35 = tpu.memref_squeeze %dma_start3A_34 : memref<1x128xi32, #tpu.memory_space<vmem>> -> memref<128xi32, #tpu.memory_space<vmem>>
    %dma_start3A_36 = arith.constant 0 : i32
    %dma_start3A_37 = arith.constant 0 : i32
    %dma_start3A_38 = tpu.memref_slice %arg14[%dma_start3A_36, %dma_start3A_37] : memref<10112x128xf32, #tpu.memory_space<vmem_shared>> -> memref<10112x128xf32, #tpu.memory_space<vmem_shared>>
    tpu.enqueue_indirect_dma source(%arg8 : memref<128x128xf32, #tpu.memory_space<vmem>>) target(%dma_start3A_38 : memref<10112x128xf32, #tpu.memory_space<vmem_shared>>) offsets(%dma_start3A_35 : memref<128xi32, #tpu.memory_space<vmem>>) semaphore(%arg12 : memref<!tpu.dma_semaphore, #tpu.memory_space<semaphore_mem>>) {add = true}
    %dma_start3A_39 = arith.constant 1 : i32
    %dma_start3A_40 = arith.constant 0 : i32
    %dma_start3A_41 = tpu.memref_slice %arg6[%dma_start3A_39, %dma_start3A_40] : memref<40x128xi32, #tpu.memory_space<vmem>> -> memref<1x128xi32, #tpu.memory_space<vmem>>
    %dma_start3A_42 = tpu.memref_squeeze %dma_start3A_41 : memref<1x128xi32, #tpu.memory_space<vmem>> -> memref<128xi32, #tpu.memory_space<vmem>>
    %dma_start3A_43 = arith.constant 0 : i32
    %dma_start3A_44 = arith.constant 0 : i32
    %dma_start3A_45 = tpu.memref_slice %arg2[%dma_start3A_43, %dma_start3A_44] : memref<10112x128xf32, #tpu.memory_space<hbm>> -> memref<10112x128xf32, #tpu.memory_space<hbm>>
    tpu.enqueue_indirect_dma source(%dma_start3A_45 : memref<10112x128xf32, #tpu.memory_space<hbm>>) target(%arg9 : memref<128x128xf32, #tpu.memory_space<vmem>>) offsets(%dma_start3A_42 : memref<128xi32, #tpu.memory_space<vmem>>) semaphore(%arg11 : memref<!tpu.dma_semaphore, #tpu.memory_space<semaphore_mem>>)
    %dma_wait3A_46 = arith.constant 1 : i32
    %dma_wait3A_47 = arith.constant 0 : i32
    %dma_wait3A_48 = tpu.memref_slice %arg6[%dma_wait3A_46, %dma_wait3A_47] : memref<40x128xi32, #tpu.memory_space<vmem>> -> memref<1x128xi32, #tpu.memory_space<vmem>>
    %dma_wait3A_49 = tpu.memref_squeeze %dma_wait3A_48 : memref<1x128xi32, #tpu.memory_space<vmem>> -> memref<128xi32, #tpu.memory_space<vmem>>
    %dma_wait3A_50 = arith.constant 0 : i32
    %dma_wait3A_51 = arith.constant 0 : i32
    %dma_wait3A_52 = tpu.memref_slice %arg2[%dma_wait3A_50, %dma_wait3A_51] : memref<10112x128xf32, #tpu.memory_space<hbm>> -> memref<10112x128xf32, #tpu.memory_space<hbm>>
    tpu.wait_indirect_dma semaphore(%arg11 : memref<!tpu.dma_semaphore, #tpu.memory_space<semaphore_mem>>) src(%dma_wait3A_52 : memref<10112x128xf32, #tpu.memory_space<hbm>>) dst(%arg9 : memref<128x128xf32, #tpu.memory_space<vmem>>)
    %dma_start3A_53 = arith.constant 1 : i32
    %dma_start3A_54 = arith.constant 0 : i32
    %dma_start3A_55 = tpu.memref_slice %arg7[%dma_start3A_53, %dma_start3A_54] : memref<40x128xi32, #tpu.memory_space<vmem>> -> memref<1x128xi32, #tpu.memory_space<vmem>>
    %dma_start3A_56 = tpu.memref_squeeze %dma_start3A_55 : memref<1x128xi32, #tpu.memory_space<vmem>> -> memref<128xi32, #tpu.memory_space<vmem>>
    %dma_start3A_57 = arith.constant 0 : i32
    %dma_start3A_58 = arith.constant 0 : i32
    %dma_start3A_59 = tpu.memref_slice %arg14[%dma_start3A_57, %dma_start3A_58] : memref<10112x128xf32, #tpu.memory_space<vmem_shared>> -> memref<10112x128xf32, #tpu.memory_space<vmem_shared>>
    tpu.enqueue_indirect_dma source(%arg9 : memref<128x128xf32, #tpu.memory_space<vmem>>) target(%dma_start3A_59 : memref<10112x128xf32, #tpu.memory_space<vmem_shared>>) offsets(%dma_start3A_56 : memref<128xi32, #tpu.memory_space<vmem>>) semaphore(%arg13 : memref<!tpu.dma_semaphore, #tpu.memory_space<semaphore_mem>>) {add = true}
    %dma_wait3A_60 = arith.constant 0 : i32
    %dma_wait3A_61 = arith.constant 0 : i32
    %dma_wait3A_62 = tpu.memref_slice %arg7[%dma_wait3A_60, %dma_wait3A_61] : memref<40x128xi32, #tpu.memory_space<vmem>> -> memref<1x128xi32, #tpu.memory_space<vmem>>
    %dma_wait3A_63 = tpu.memref_squeeze %dma_wait3A_62 : memref<1x128xi32, #tpu.memory_space<vmem>> -> memref<128xi32, #tpu.memory_space<vmem>>
    %dma_wait3A_64 = arith.constant 0 : i32
    %dma_wait3A_65 = arith.constant 0 : i32
    %dma_wait3A_66 = tpu.memref_slice %arg14[%dma_wait3A_64, %dma_wait3A_65] : memref<10112x128xf32, #tpu.memory_space<vmem_shared>> -> memref<10112x128xf32, #tpu.memory_space<vmem_shared>>
    tpu.wait_indirect_dma semaphore(%arg12 : memref<!tpu.dma_semaphore, #tpu.memory_space<semaphore_mem>>) src(%arg8 : memref<128x128xf32, #tpu.memory_space<vmem>>) dst(%dma_wait3A_66 : memref<10112x128xf32, #tpu.memory_space<vmem_shared>>)
    %dma_start3A_67 = arith.constant 2 : i32
    %dma_start3A_68 = arith.constant 0 : i32
    %dma_start3A_69 = tpu.memref_slice %arg6[%dma_start3A_67, %dma_start3A_68] : memref<40x128xi32, #tpu.memory_space<vmem>> -> memref<1x128xi32, #tpu.memory_space<vmem>>
    %dma_start3A_70 = tpu.memref_squeeze %dma_start3A_69 : memref<1x128xi32, #tpu.memory_space<vmem>> -> memref<128xi32, #tpu.memory_space<vmem>>
    %dma_start3A_71 = arith.constant 0 : i32
    %dma_start3A_72 = arith.constant 0 : i32
    %dma_start3A_73 = tpu.memref_slice %arg2[%dma_start3A_71, %dma_start3A_72] : memref<10112x128xf32, #tpu.memory_space<hbm>> -> memref<10112x128xf32, #tpu.memory_space<hbm>>
    tpu.enqueue_indirect_dma source(%dma_start3A_73 : memref<10112x128xf32, #tpu.memory_space<hbm>>) target(%arg8 : memref<128x128xf32, #tpu.memory_space<vmem>>) offsets(%dma_start3A_70 : memref<128xi32, #tpu.memory_space<vmem>>) semaphore(%arg10 : memref<!tpu.dma_semaphore, #tpu.memory_space<semaphore_mem>>)
    %scan3A_74 = arith.constant 0 : i32
    %scan3A_75 = arith.constant 1 : i32
    %scan3A_76 = arith.constant 18 : i32
    %scan3A_77 = arith.addi %scan3A_75, %scan3A_76 : i32
    %scan3A_78 = arith.constant 1 : i32
    %scan3A_79 = scf.for %scan3A_257 = %scan3A_75 to %scan3A_77 step %scan3A_78 iter_args(%scan3A_258 = %scan3A_74) -> (i32)  : i32 {
      %mul3A_259 = arith.constant 2 : i32
      %mul3A_260 = arith.muli %mul3A_259, %scan3A_257 : i32
      %dma_wait3A_261 = arith.constant 0 : i32
      %dma_wait3A_262 = tpu.memref_slice %arg6[%mul3A_260, %dma_wait3A_261] : memref<40x128xi32, #tpu.memory_space<vmem>> -> memref<1x128xi32, #tpu.memory_space<vmem>>
      %dma_wait3A_263 = tpu.memref_squeeze %dma_wait3A_262 : memref<1x128xi32, #tpu.memory_space<vmem>> -> memref<128xi32, #tpu.memory_space<vmem>>
      %dma_wait3A_264 = arith.constant 0 : i32
      %dma_wait3A_265 = arith.constant 0 : i32
      %dma_wait3A_266 = tpu.memref_slice %arg2[%dma_wait3A_264, %dma_wait3A_265] : memref<10112x128xf32, #tpu.memory_space<hbm>> -> memref<10112x128xf32, #tpu.memory_space<hbm>>
      tpu.wait_indirect_dma semaphore(%arg10 : memref<!tpu.dma_semaphore, #tpu.memory_space<semaphore_mem>>) src(%dma_wait3A_266 : memref<10112x128xf32, #tpu.memory_space<hbm>>) dst(%arg8 : memref<128x128xf32, #tpu.memory_space<vmem>>)
      %dma_start3A_267 = arith.constant 0 : i32
      %dma_start3A_268 = tpu.memref_slice %arg7[%mul3A_260, %dma_start3A_267] : memref<40x128xi32, #tpu.memory_space<vmem>> -> memref<1x128xi32, #tpu.memory_space<vmem>>
      %dma_start3A_269 = tpu.memref_squeeze %dma_start3A_268 : memref<1x128xi32, #tpu.memory_space<vmem>> -> memref<128xi32, #tpu.memory_space<vmem>>
      %dma_start3A_270 = arith.constant 0 : i32
      %dma_start3A_271 = arith.constant 0 : i32
      %dma_start3A_272 = tpu.memref_slice %arg14[%dma_start3A_270, %dma_start3A_271] : memref<10112x128xf32, #tpu.memory_space<vmem_shared>> -> memref<10112x128xf32, #tpu.memory_space<vmem_shared>>
      tpu.enqueue_indirect_dma source(%arg8 : memref<128x128xf32, #tpu.memory_space<vmem>>) target(%dma_start3A_272 : memref<10112x128xf32, #tpu.memory_space<vmem_shared>>) offsets(%dma_start3A_269 : memref<128xi32, #tpu.memory_space<vmem>>) semaphore(%arg12 : memref<!tpu.dma_semaphore, #tpu.memory_space<semaphore_mem>>) {add = true}
      %sub3A = arith.constant 1 : i32
      %sub3A_273 = arith.subi %mul3A_260, %sub3A : i32
      %dma_wait3A_274 = arith.constant 0 : i32
      %dma_wait3A_275 = tpu.memref_slice %arg7[%sub3A_273, %dma_wait3A_274] : memref<40x128xi32, #tpu.memory_space<vmem>> -> memref<1x128xi32, #tpu.memory_space<vmem>>
      %dma_wait3A_276 = tpu.memref_squeeze %dma_wait3A_275 : memref<1x128xi32, #tpu.memory_space<vmem>> -> memref<128xi32, #tpu.memory_space<vmem>>
      %dma_wait3A_277 = arith.constant 0 : i32
      %dma_wait3A_278 = arith.constant 0 : i32
      %dma_wait3A_279 = tpu.memref_slice %arg14[%dma_wait3A_277, %dma_wait3A_278] : memref<10112x128xf32, #tpu.memory_space<vmem_shared>> -> memref<10112x128xf32, #tpu.memory_space<vmem_shared>>
      tpu.wait_indirect_dma semaphore(%arg13 : memref<!tpu.dma_semaphore, #tpu.memory_space<semaphore_mem>>) src(%arg9 : memref<128x128xf32, #tpu.memory_space<vmem>>) dst(%dma_wait3A_279 : memref<10112x128xf32, #tpu.memory_space<vmem_shared>>)
      %add3A_280 = arith.constant 1 : i32
      %add3A_281 = arith.addi %mul3A_260, %add3A_280 : i32
      %dma_start3A_282 = arith.constant 0 : i32
      %dma_start3A_283 = tpu.memref_slice %arg6[%add3A_281, %dma_start3A_282] : memref<40x128xi32, #tpu.memory_space<vmem>> -> memref<1x128xi32, #tpu.memory_space<vmem>>
      %dma_start3A_284 = tpu.memref_squeeze %dma_start3A_283 : memref<1x128xi32, #tpu.memory_space<vmem>> -> memref<128xi32, #tpu.memory_space<vmem>>
      %dma_start3A_285 = arith.constant 0 : i32
      %dma_start3A_286 = arith.constant 0 : i32
      %dma_start3A_287 = tpu.memref_slice %arg2[%dma_start3A_285, %dma_start3A_286] : memref<10112x128xf32, #tpu.memory_space<hbm>> -> memref<10112x128xf32, #tpu.memory_space<hbm>>
      tpu.enqueue_indirect_dma source(%dma_start3A_287 : memref<10112x128xf32, #tpu.memory_space<hbm>>) target(%arg9 : memref<128x128xf32, #tpu.memory_space<vmem>>) offsets(%dma_start3A_284 : memref<128xi32, #tpu.memory_space<vmem>>) semaphore(%arg11 : memref<!tpu.dma_semaphore, #tpu.memory_space<semaphore_mem>>)
      %add3A_288 = arith.constant 1 : i32
      %add3A_289 = arith.addi %mul3A_260, %add3A_288 : i32
      %dma_wait3A_290 = arith.constant 0 : i32
      %dma_wait3A_291 = tpu.memref_slice %arg6[%add3A_289, %dma_wait3A_290] : memref<40x128xi32, #tpu.memory_space<vmem>> -> memref<1x128xi32, #tpu.memory_space<vmem>>
      %dma_wait3A_292 = tpu.memref_squeeze %dma_wait3A_291 : memref<1x128xi32, #tpu.memory_space<vmem>> -> memref<128xi32, #tpu.memory_space<vmem>>
      %dma_wait3A_293 = arith.constant 0 : i32
      %dma_wait3A_294 = arith.constant 0 : i32
      %dma_wait3A_295 = tpu.memref_slice %arg2[%dma_wait3A_293, %dma_wait3A_294] : memref<10112x128xf32, #tpu.memory_space<hbm>> -> memref<10112x128xf32, #tpu.memory_space<hbm>>
      tpu.wait_indirect_dma semaphore(%arg11 : memref<!tpu.dma_semaphore, #tpu.memory_space<semaphore_mem>>) src(%dma_wait3A_295 : memref<10112x128xf32, #tpu.memory_space<hbm>>) dst(%arg9 : memref<128x128xf32, #tpu.memory_space<vmem>>)
      %add3A_296 = arith.constant 1 : i32
      %add3A_297 = arith.addi %mul3A_260, %add3A_296 : i32
      %dma_start3A_298 = arith.constant 0 : i32
      %dma_start3A_299 = tpu.memref_slice %arg7[%add3A_297, %dma_start3A_298] : memref<40x128xi32, #tpu.memory_space<vmem>> -> memref<1x128xi32, #tpu.memory_space<vmem>>
      %dma_start3A_300 = tpu.memref_squeeze %dma_start3A_299 : memref<1x128xi32, #tpu.memory_space<vmem>> -> memref<128xi32, #tpu.memory_space<vmem>>
      %dma_start3A_301 = arith.constant 0 : i32
      %dma_start3A_302 = arith.constant 0 : i32
      %dma_start3A_303 = tpu.memref_slice %arg14[%dma_start3A_301, %dma_start3A_302] : memref<10112x128xf32, #tpu.memory_space<vmem_shared>> -> memref<10112x128xf32, #tpu.memory_space<vmem_shared>>
      tpu.enqueue_indirect_dma source(%arg9 : memref<128x128xf32, #tpu.memory_space<vmem>>) target(%dma_start3A_303 : memref<10112x128xf32, #tpu.memory_space<vmem_shared>>) offsets(%dma_start3A_300 : memref<128xi32, #tpu.memory_space<vmem>>) semaphore(%arg13 : memref<!tpu.dma_semaphore, #tpu.memory_space<semaphore_mem>>) {add = true}
      %dma_wait3A_304 = arith.constant 0 : i32
      %dma_wait3A_305 = tpu.memref_slice %arg7[%mul3A_260, %dma_wait3A_304] : memref<40x128xi32, #tpu.memory_space<vmem>> -> memref<1x128xi32, #tpu.memory_space<vmem>>
      %dma_wait3A_306 = tpu.memref_squeeze %dma_wait3A_305 : memref<1x128xi32, #tpu.memory_space<vmem>> -> memref<128xi32, #tpu.memory_space<vmem>>
      %dma_wait3A_307 = arith.constant 0 : i32
      %dma_wait3A_308 = arith.constant 0 : i32
      %dma_wait3A_309 = tpu.memref_slice %arg14[%dma_wait3A_307, %dma_wait3A_308] : memref<10112x128xf32, #tpu.memory_space<vmem_shared>> -> memref<10112x128xf32, #tpu.memory_space<vmem_shared>>
      tpu.wait_indirect_dma semaphore(%arg12 : memref<!tpu.dma_semaphore, #tpu.memory_space<semaphore_mem>>) src(%arg8 : memref<128x128xf32, #tpu.memory_space<vmem>>) dst(%dma_wait3A_309 : memref<10112x128xf32, #tpu.memory_space<vmem_shared>>)
      %add3A_310 = arith.constant 2 : i32
      %add3A_311 = arith.addi %mul3A_260, %add3A_310 : i32
      %dma_start3A_312 = arith.constant 0 : i32
      %dma_start3A_313 = tpu.memref_slice %arg6[%add3A_311, %dma_start3A_312] : memref<40x128xi32, #tpu.memory_space<vmem>> -> memref<1x128xi32, #tpu.memory_space<vmem>>
      %dma_start3A_314 = tpu.memref_squeeze %dma_start3A_313 : memref<1x128xi32, #tpu.memory_space<vmem>> -> memref<128xi32, #tpu.memory_space<vmem>>
      %dma_start3A_315 = arith.constant 0 : i32
      %dma_start3A_316 = arith.constant 0 : i32
      %dma_start3A_317 = tpu.memref_slice %arg2[%dma_start3A_315, %dma_start3A_316] : memref<10112x128xf32, #tpu.memory_space<hbm>> -> memref<10112x128xf32, #tpu.memory_space<hbm>>
      tpu.enqueue_indirect_dma source(%dma_start3A_317 : memref<10112x128xf32, #tpu.memory_space<hbm>>) target(%arg8 : memref<128x128xf32, #tpu.memory_space<vmem>>) offsets(%dma_start3A_314 : memref<128xi32, #tpu.memory_space<vmem>>) semaphore(%arg10 : memref<!tpu.dma_semaphore, #tpu.memory_space<semaphore_mem>>)
      %scan3A_318 = arith.constant 0 : i32
      scf.yield %scan3A_318 : i32
    }
    %scan3A_80 = arith.constant 18 : i32
    %dma_wait3A_81 = arith.constant 38 : i32
    %dma_wait3A_82 = arith.constant 0 : i32
    %dma_wait3A_83 = tpu.memref_slice %arg6[%dma_wait3A_81, %dma_wait3A_82] : memref<40x128xi32, #tpu.memory_space<vmem>> -> memref<1x128xi32, #tpu.memory_space<vmem>>
    %dma_wait3A_84 = tpu.memref_squeeze %dma_wait3A_83 : memref<1x128xi32, #tpu.memory_space<vmem>> -> memref<128xi32, #tpu.memory_space<vmem>>
    %dma_wait3A_85 = arith.constant 0 : i32
    %dma_wait3A_86 = arith.constant 0 : i32
    %dma_wait3A_87 = tpu.memref_slice %arg2[%dma_wait3A_85, %dma_wait3A_86] : memref<10112x128xf32, #tpu.memory_space<hbm>> -> memref<10112x128xf32, #tpu.memory_space<hbm>>
    tpu.wait_indirect_dma semaphore(%arg10 : memref<!tpu.dma_semaphore, #tpu.memory_space<semaphore_mem>>) src(%dma_wait3A_87 : memref<10112x128xf32, #tpu.memory_space<hbm>>) dst(%arg8 : memref<128x128xf32, #tpu.memory_space<vmem>>)
    %dma_start3A_88 = arith.constant 38 : i32
    %dma_start3A_89 = arith.constant 0 : i32
    %dma_start3A_90 = tpu.memref_slice %arg7[%dma_start3A_88, %dma_start3A_89] : memref<40x128xi32, #tpu.memory_space<vmem>> -> memref<1x128xi32, #tpu.memory_space<vmem>>
    %dma_start3A_91 = tpu.memref_squeeze %dma_start3A_90 : memref<1x128xi32, #tpu.memory_space<vmem>> -> memref<128xi32, #tpu.memory_space<vmem>>
    %dma_start3A_92 = arith.constant 0 : i32
    %dma_start3A_93 = arith.constant 0 : i32
    %dma_start3A_94 = tpu.memref_slice %arg14[%dma_start3A_92, %dma_start3A_93] : memref<10112x128xf32, #tpu.memory_space<vmem_shared>> -> memref<10112x128xf32, #tpu.memory_space<vmem_shared>>
    tpu.enqueue_indirect_dma source(%arg8 : memref<128x128xf32, #tpu.memory_space<vmem>>) target(%dma_start3A_94 : memref<10112x128xf32, #tpu.memory_space<vmem_shared>>) offsets(%dma_start3A_91 : memref<128xi32, #tpu.memory_space<vmem>>) semaphore(%arg12 : memref<!tpu.dma_semaphore, #tpu.memory_space<semaphore_mem>>) {add = true}
    %dma_wait3A_95 = arith.constant 37 : i32
    %dma_wait3A_96 = arith.constant 0 : i32
    %dma_wait3A_97 = tpu.memref_slice %arg7[%dma_wait3A_95, %dma_wait3A_96] : memref<40x128xi32, #tpu.memory_space<vmem>> -> memref<1x128xi32, #tpu.memory_space<vmem>>
    %dma_wait3A_98 = tpu.memref_squeeze %dma_wait3A_97 : memref<1x128xi32, #tpu.memory_space<vmem>> -> memref<128xi32, #tpu.memory_space<vmem>>
    %dma_wait3A_99 = arith.constant 0 : i32
    %dma_wait3A_100 = arith.constant 0 : i32
    %dma_wait3A_101 = tpu.memref_slice %arg14[%dma_wait3A_99, %dma_wait3A_100] : memref<10112x128xf32, #tpu.memory_space<vmem_shared>> -> memref<10112x128xf32, #tpu.memory_space<vmem_shared>>
    tpu.wait_indirect_dma semaphore(%arg13 : memref<!tpu.dma_semaphore, #tpu.memory_space<semaphore_mem>>) src(%arg9 : memref<128x128xf32, #tpu.memory_space<vmem>>) dst(%dma_wait3A_101 : memref<10112x128xf32, #tpu.memory_space<vmem_shared>>)
    %dma_start3A_102 = arith.constant 39 : i32
    %dma_start3A_103 = arith.constant 0 : i32
    %dma_start3A_104 = tpu.memref_slice %arg6[%dma_start3A_102, %dma_start3A_103] : memref<40x128xi32, #tpu.memory_space<vmem>> -> memref<1x128xi32, #tpu.memory_space<vmem>>
    %dma_start3A_105 = tpu.memref_squeeze %dma_start3A_104 : memref<1x128xi32, #tpu.memory_space<vmem>> -> memref<128xi32, #tpu.memory_space<vmem>>
    %dma_start3A_106 = arith.constant 0 : i32
    %dma_start3A_107 = arith.constant 0 : i32
    %dma_start3A_108 = tpu.memref_slice %arg2[%dma_start3A_106, %dma_start3A_107] : memref<10112x128xf32, #tpu.memory_space<hbm>> -> memref<10112x128xf32, #tpu.memory_space<hbm>>
    tpu.enqueue_indirect_dma source(%dma_start3A_108 : memref<10112x128xf32, #tpu.memory_space<hbm>>) target(%arg9 : memref<128x128xf32, #tpu.memory_space<vmem>>) offsets(%dma_start3A_105 : memref<128xi32, #tpu.memory_space<vmem>>) semaphore(%arg11 : memref<!tpu.dma_semaphore, #tpu.memory_space<semaphore_mem>>)
    %dma_wait3A_109 = arith.constant 39 : i32
    %dma_wait3A_110 = arith.constant 0 : i32
    %dma_wait3A_111 = tpu.memref_slice %arg6[%dma_wait3A_109, %dma_wait3A_110] : memref<40x128xi32, #tpu.memory_space<vmem>> -> memref<1x128xi32, #tpu.memory_space<vmem>>
    %dma_wait3A_112 = tpu.memref_squeeze %dma_wait3A_111 : memref<1x128xi32, #tpu.memory_space<vmem>> -> memref<128xi32, #tpu.memory_space<vmem>>
    %dma_wait3A_113 = arith.constant 0 : i32
    %dma_wait3A_114 = arith.constant 0 : i32
    %dma_wait3A_115 = tpu.memref_slice %arg2[%dma_wait3A_113, %dma_wait3A_114] : memref<10112x128xf32, #tpu.memory_space<hbm>> -> memref<10112x128xf32, #tpu.memory_space<hbm>>
    tpu.wait_indirect_dma semaphore(%arg11 : memref<!tpu.dma_semaphore, #tpu.memory_space<semaphore_mem>>) src(%dma_wait3A_115 : memref<10112x128xf32, #tpu.memory_space<hbm>>) dst(%arg9 : memref<128x128xf32, #tpu.memory_space<vmem>>)
    %dma_start3A_116 = arith.constant 39 : i32
    %dma_start3A_117 = arith.constant 0 : i32
    %dma_start3A_118 = tpu.memref_slice %arg7[%dma_start3A_116, %dma_start3A_117] : memref<40x128xi32, #tpu.memory_space<vmem>> -> memref<1x128xi32, #tpu.memory_space<vmem>>
    %dma_start3A_119 = tpu.memref_squeeze %dma_start3A_118 : memref<1x128xi32, #tpu.memory_space<vmem>> -> memref<128xi32, #tpu.memory_space<vmem>>
    %dma_start3A_120 = arith.constant 0 : i32
    %dma_start3A_121 = arith.constant 0 : i32
    %dma_start3A_122 = tpu.memref_slice %arg14[%dma_start3A_120, %dma_start3A_121] : memref<10112x128xf32, #tpu.memory_space<vmem_shared>> -> memref<10112x128xf32, #tpu.memory_space<vmem_shared>>
    tpu.enqueue_indirect_dma source(%arg9 : memref<128x128xf32, #tpu.memory_space<vmem>>) target(%dma_start3A_122 : memref<10112x128xf32, #tpu.memory_space<vmem_shared>>) offsets(%dma_start3A_119 : memref<128xi32, #tpu.memory_space<vmem>>) semaphore(%arg13 : memref<!tpu.dma_semaphore, #tpu.memory_space<semaphore_mem>>) {add = true}
    %dma_wait3A_123 = arith.constant 38 : i32
    %dma_wait3A_124 = arith.constant 0 : i32
    %dma_wait3A_125 = tpu.memref_slice %arg7[%dma_wait3A_123, %dma_wait3A_124] : memref<40x128xi32, #tpu.memory_space<vmem>> -> memref<1x128xi32, #tpu.memory_space<vmem>>
    %dma_wait3A_126 = tpu.memref_squeeze %dma_wait3A_125 : memref<1x128xi32, #tpu.memory_space<vmem>> -> memref<128xi32, #tpu.memory_space<vmem>>
    %dma_wait3A_127 = arith.constant 0 : i32
    %dma_wait3A_128 = arith.constant 0 : i32
    %dma_wait3A_129 = tpu.memref_slice %arg14[%dma_wait3A_127, %dma_wait3A_128] : memref<10112x128xf32, #tpu.memory_space<vmem_shared>> -> memref<10112x128xf32, #tpu.memory_space<vmem_shared>>
    tpu.wait_indirect_dma semaphore(%arg12 : memref<!tpu.dma_semaphore, #tpu.memory_space<semaphore_mem>>) src(%arg8 : memref<128x128xf32, #tpu.memory_space<vmem>>) dst(%dma_wait3A_129 : memref<10112x128xf32, #tpu.memory_space<vmem_shared>>)
    %dma_wait3A_130 = arith.constant 39 : i32
    %dma_wait3A_131 = arith.constant 0 : i32
    %dma_wait3A_132 = tpu.memref_slice %arg7[%dma_wait3A_130, %dma_wait3A_131] : memref<40x128xi32, #tpu.memory_space<vmem>> -> memref<1x128xi32, #tpu.memory_space<vmem>>
    %dma_wait3A_133 = tpu.memref_squeeze %dma_wait3A_132 : memref<1x128xi32, #tpu.memory_space<vmem>> -> memref<128xi32, #tpu.memory_space<vmem>>
    %dma_wait3A_134 = arith.constant 0 : i32
    %dma_wait3A_135 = arith.constant 0 : i32
    %dma_wait3A_136 = tpu.memref_slice %arg14[%dma_wait3A_134, %dma_wait3A_135] : memref<10112x128xf32, #tpu.memory_space<vmem_shared>> -> memref<10112x128xf32, #tpu.memory_space<vmem_shared>>
    tpu.wait_indirect_dma semaphore(%arg13 : memref<!tpu.dma_semaphore, #tpu.memory_space<semaphore_mem>>) src(%arg9 : memref<128x128xf32, #tpu.memory_space<vmem>>) dst(%dma_wait3A_136 : memref<10112x128xf32, #tpu.memory_space<vmem_shared>>)
    "tpu.region"() ({
      %run_scoped3A = tpu.sem_alloc : memref<!tpu.dma_semaphore, #tpu.memory_space<semaphore_mem>>
      %dma_start3A_257 = arith.constant 40 : i32
      %dma_start3A_258 = arith.constant 0 : i32
      %dma_start3A_259 = tpu.memref_slice %arg3[%add3A, %dma_start3A_257, %dma_start3A_258] : memref<32x80x128xi32, #tpu.memory_space<hbm>> -> memref<1x40x128xi32, #tpu.memory_space<hbm>>
      %dma_start3A_260 = tpu.memref_squeeze %dma_start3A_259 : memref<1x40x128xi32, #tpu.memory_space<hbm>> -> memref<40x128xi32, #tpu.memory_space<hbm>>
      %dma_start3A_261 = arith.constant 40 : i32
      %dma_start3A_262 = arith.constant 0 : i32
      %dma_start3A_263 = tpu.memref_slice %arg3[%add3A, %dma_start3A_261, %dma_start3A_262] : memref<32x80x128xi32, #tpu.memory_space<hbm>> -> memref<1x40x128xi32, #tpu.memory_space<hbm>>
      %dma_start3A_264 = tpu.memref_squeeze %dma_start3A_263 : memref<1x40x128xi32, #tpu.memory_space<hbm>> -> memref<40x128xi32, #tpu.memory_space<hbm>>
      tpu.enqueue_dma source(%dma_start3A_264 : memref<40x128xi32, #tpu.memory_space<hbm>>) target(%arg6 : memref<40x128xi32, #tpu.memory_space<vmem>>) target_semaphore(%run_scoped3A : memref<!tpu.dma_semaphore, #tpu.memory_space<semaphore_mem>>)
      %dma_wait3A_265 = arith.constant 40 : i32
      %dma_wait3A_266 = arith.constant 0 : i32
      %dma_wait3A_267 = tpu.memref_slice %arg3[%add3A, %dma_wait3A_265, %dma_wait3A_266] : memref<32x80x128xi32, #tpu.memory_space<hbm>> -> memref<1x40x128xi32, #tpu.memory_space<hbm>>
      %dma_wait3A_268 = tpu.memref_squeeze %dma_wait3A_267 : memref<1x40x128xi32, #tpu.memory_space<hbm>> -> memref<40x128xi32, #tpu.memory_space<hbm>>
      %dma_wait3A_269 = arith.constant 40 : i32
      %dma_wait3A_270 = arith.constant 0 : i32
      %dma_wait3A_271 = tpu.memref_slice %arg3[%add3A, %dma_wait3A_269, %dma_wait3A_270] : memref<32x80x128xi32, #tpu.memory_space<hbm>> -> memref<1x40x128xi32, #tpu.memory_space<hbm>>
      %dma_wait3A_272 = tpu.memref_squeeze %dma_wait3A_271 : memref<1x40x128xi32, #tpu.memory_space<hbm>> -> memref<40x128xi32, #tpu.memory_space<hbm>>
      tpu.wait_dma2 semaphore(%run_scoped3A : memref<!tpu.dma_semaphore, #tpu.memory_space<semaphore_mem>>) src(%dma_wait3A_272 : memref<40x128xi32, #tpu.memory_space<hbm>>) dst(%arg6 : memref<40x128xi32, #tpu.memory_space<vmem>>)
      tpu.yield
    }) : () -> ()
    "tpu.region"() ({
      %run_scoped3A = tpu.sem_alloc : memref<!tpu.dma_semaphore, #tpu.memory_space<semaphore_mem>>
      %dma_start3A_257 = arith.constant 40 : i32
      %dma_start3A_258 = arith.constant 0 : i32
      %dma_start3A_259 = tpu.memref_slice %arg4[%add3A, %dma_start3A_257, %dma_start3A_258] : memref<32x80x128xi32, #tpu.memory_space<hbm>> -> memref<1x40x128xi32, #tpu.memory_space<hbm>>
      %dma_start3A_260 = tpu.memref_squeeze %dma_start3A_259 : memref<1x40x128xi32, #tpu.memory_space<hbm>> -> memref<40x128xi32, #tpu.memory_space<hbm>>
      %dma_start3A_261 = arith.constant 40 : i32
      %dma_start3A_262 = arith.constant 0 : i32
      %dma_start3A_263 = tpu.memref_slice %arg4[%add3A, %dma_start3A_261, %dma_start3A_262] : memref<32x80x128xi32, #tpu.memory_space<hbm>> -> memref<1x40x128xi32, #tpu.memory_space<hbm>>
      %dma_start3A_264 = tpu.memref_squeeze %dma_start3A_263 : memref<1x40x128xi32, #tpu.memory_space<hbm>> -> memref<40x128xi32, #tpu.memory_space<hbm>>
      tpu.enqueue_dma source(%dma_start3A_264 : memref<40x128xi32, #tpu.memory_space<hbm>>) target(%arg7 : memref<40x128xi32, #tpu.memory_space<vmem>>) target_semaphore(%run_scoped3A : memref<!tpu.dma_semaphore, #tpu.memory_space<semaphore_mem>>)
      %dma_wait3A_265 = arith.constant 40 : i32
      %dma_wait3A_266 = arith.constant 0 : i32
      %dma_wait3A_267 = tpu.memref_slice %arg4[%add3A, %dma_wait3A_265, %dma_wait3A_266] : memref<32x80x128xi32, #tpu.memory_space<hbm>> -> memref<1x40x128xi32, #tpu.memory_space<hbm>>
      %dma_wait3A_268 = tpu.memref_squeeze %dma_wait3A_267 : memref<1x40x128xi32, #tpu.memory_space<hbm>> -> memref<40x128xi32, #tpu.memory_space<hbm>>
      %dma_wait3A_269 = arith.constant 40 : i32
      %dma_wait3A_270 = arith.constant 0 : i32
      %dma_wait3A_271 = tpu.memref_slice %arg4[%add3A, %dma_wait3A_269, %dma_wait3A_270] : memref<32x80x128xi32, #tpu.memory_space<hbm>> -> memref<1x40x128xi32, #tpu.memory_space<hbm>>
      %dma_wait3A_272 = tpu.memref_squeeze %dma_wait3A_271 : memref<1x40x128xi32, #tpu.memory_space<hbm>> -> memref<40x128xi32, #tpu.memory_space<hbm>>
      tpu.wait_dma2 semaphore(%run_scoped3A : memref<!tpu.dma_semaphore, #tpu.memory_space<semaphore_mem>>) src(%dma_wait3A_272 : memref<40x128xi32, #tpu.memory_space<hbm>>) dst(%arg7 : memref<40x128xi32, #tpu.memory_space<vmem>>)
      tpu.yield
    }) : () -> ()
    %dma_start3A_137 = arith.constant 0 : i32
    %dma_start3A_138 = arith.constant 0 : i32
    %dma_start3A_139 = tpu.memref_slice %arg6[%dma_start3A_137, %dma_start3A_138] : memref<40x128xi32, #tpu.memory_space<vmem>> -> memref<1x128xi32, #tpu.memory_space<vmem>>
    %dma_start3A_140 = tpu.memref_squeeze %dma_start3A_139 : memref<1x128xi32, #tpu.memory_space<vmem>> -> memref<128xi32, #tpu.memory_space<vmem>>
    %dma_start3A_141 = arith.constant 0 : i32
    %dma_start3A_142 = arith.constant 0 : i32
    %dma_start3A_143 = tpu.memref_slice %arg2[%dma_start3A_141, %dma_start3A_142] : memref<10112x128xf32, #tpu.memory_space<hbm>> -> memref<10112x128xf32, #tpu.memory_space<hbm>>
    tpu.enqueue_indirect_dma source(%dma_start3A_143 : memref<10112x128xf32, #tpu.memory_space<hbm>>) target(%arg8 : memref<128x128xf32, #tpu.memory_space<vmem>>) offsets(%dma_start3A_140 : memref<128xi32, #tpu.memory_space<vmem>>) semaphore(%arg10 : memref<!tpu.dma_semaphore, #tpu.memory_space<semaphore_mem>>)
    %dma_wait3A_144 = arith.constant 0 : i32
    %dma_wait3A_145 = arith.constant 0 : i32
    %dma_wait3A_146 = tpu.memref_slice %arg6[%dma_wait3A_144, %dma_wait3A_145] : memref<40x128xi32, #tpu.memory_space<vmem>> -> memref<1x128xi32, #tpu.memory_space<vmem>>
    %dma_wait3A_147 = tpu.memref_squeeze %dma_wait3A_146 : memref<1x128xi32, #tpu.memory_space<vmem>> -> memref<128xi32, #tpu.memory_space<vmem>>
    %dma_wait3A_148 = arith.constant 0 : i32
    %dma_wait3A_149 = arith.constant 0 : i32
    %dma_wait3A_150 = tpu.memref_slice %arg2[%dma_wait3A_148, %dma_wait3A_149] : memref<10112x128xf32, #tpu.memory_space<hbm>> -> memref<10112x128xf32, #tpu.memory_space<hbm>>
    tpu.wait_indirect_dma semaphore(%arg10 : memref<!tpu.dma_semaphore, #tpu.memory_space<semaphore_mem>>) src(%dma_wait3A_150 : memref<10112x128xf32, #tpu.memory_space<hbm>>) dst(%arg8 : memref<128x128xf32, #tpu.memory_space<vmem>>)
    %dma_start3A_151 = arith.constant 0 : i32
    %dma_start3A_152 = arith.constant 0 : i32
    %dma_start3A_153 = tpu.memref_slice %arg7[%dma_start3A_151, %dma_start3A_152] : memref<40x128xi32, #tpu.memory_space<vmem>> -> memref<1x128xi32, #tpu.memory_space<vmem>>
    %dma_start3A_154 = tpu.memref_squeeze %dma_start3A_153 : memref<1x128xi32, #tpu.memory_space<vmem>> -> memref<128xi32, #tpu.memory_space<vmem>>
    %dma_start3A_155 = arith.constant 0 : i32
    %dma_start3A_156 = arith.constant 0 : i32
    %dma_start3A_157 = tpu.memref_slice %arg14[%dma_start3A_155, %dma_start3A_156] : memref<10112x128xf32, #tpu.memory_space<vmem_shared>> -> memref<10112x128xf32, #tpu.memory_space<vmem_shared>>
    tpu.enqueue_indirect_dma source(%arg8 : memref<128x128xf32, #tpu.memory_space<vmem>>) target(%dma_start3A_157 : memref<10112x128xf32, #tpu.memory_space<vmem_shared>>) offsets(%dma_start3A_154 : memref<128xi32, #tpu.memory_space<vmem>>) semaphore(%arg12 : memref<!tpu.dma_semaphore, #tpu.memory_space<semaphore_mem>>) {add = true}
    %dma_start3A_158 = arith.constant 1 : i32
    %dma_start3A_159 = arith.constant 0 : i32
    %dma_start3A_160 = tpu.memref_slice %arg6[%dma_start3A_158, %dma_start3A_159] : memref<40x128xi32, #tpu.memory_space<vmem>> -> memref<1x128xi32, #tpu.memory_space<vmem>>
    %dma_start3A_161 = tpu.memref_squeeze %dma_start3A_160 : memref<1x128xi32, #tpu.memory_space<vmem>> -> memref<128xi32, #tpu.memory_space<vmem>>
    %dma_start3A_162 = arith.constant 0 : i32
    %dma_start3A_163 = arith.constant 0 : i32
    %dma_start3A_164 = tpu.memref_slice %arg2[%dma_start3A_162, %dma_start3A_163] : memref<10112x128xf32, #tpu.memory_space<hbm>> -> memref<10112x128xf32, #tpu.memory_space<hbm>>
    tpu.enqueue_indirect_dma source(%dma_start3A_164 : memref<10112x128xf32, #tpu.memory_space<hbm>>) target(%arg9 : memref<128x128xf32, #tpu.memory_space<vmem>>) offsets(%dma_start3A_161 : memref<128xi32, #tpu.memory_space<vmem>>) semaphore(%arg11 : memref<!tpu.dma_semaphore, #tpu.memory_space<semaphore_mem>>)
    %dma_wait3A_165 = arith.constant 1 : i32
    %dma_wait3A_166 = arith.constant 0 : i32
    %dma_wait3A_167 = tpu.memref_slice %arg6[%dma_wait3A_165, %dma_wait3A_166] : memref<40x128xi32, #tpu.memory_space<vmem>> -> memref<1x128xi32, #tpu.memory_space<vmem>>
    %dma_wait3A_168 = tpu.memref_squeeze %dma_wait3A_167 : memref<1x128xi32, #tpu.memory_space<vmem>> -> memref<128xi32, #tpu.memory_space<vmem>>
    %dma_wait3A_169 = arith.constant 0 : i32
    %dma_wait3A_170 = arith.constant 0 : i32
    %dma_wait3A_171 = tpu.memref_slice %arg2[%dma_wait3A_169, %dma_wait3A_170] : memref<10112x128xf32, #tpu.memory_space<hbm>> -> memref<10112x128xf32, #tpu.memory_space<hbm>>
    tpu.wait_indirect_dma semaphore(%arg11 : memref<!tpu.dma_semaphore, #tpu.memory_space<semaphore_mem>>) src(%dma_wait3A_171 : memref<10112x128xf32, #tpu.memory_space<hbm>>) dst(%arg9 : memref<128x128xf32, #tpu.memory_space<vmem>>)
    %dma_start3A_172 = arith.constant 1 : i32
    %dma_start3A_173 = arith.constant 0 : i32
    %dma_start3A_174 = tpu.memref_slice %arg7[%dma_start3A_172, %dma_start3A_173] : memref<40x128xi32, #tpu.memory_space<vmem>> -> memref<1x128xi32, #tpu.memory_space<vmem>>
    %dma_start3A_175 = tpu.memref_squeeze %dma_start3A_174 : memref<1x128xi32, #tpu.memory_space<vmem>> -> memref<128xi32, #tpu.memory_space<vmem>>
    %dma_start3A_176 = arith.constant 0 : i32
    %dma_start3A_177 = arith.constant 0 : i32
    %dma_start3A_178 = tpu.memref_slice %arg14[%dma_start3A_176, %dma_start3A_177] : memref<10112x128xf32, #tpu.memory_space<vmem_shared>> -> memref<10112x128xf32, #tpu.memory_space<vmem_shared>>
    tpu.enqueue_indirect_dma source(%arg9 : memref<128x128xf32, #tpu.memory_space<vmem>>) target(%dma_start3A_178 : memref<10112x128xf32, #tpu.memory_space<vmem_shared>>) offsets(%dma_start3A_175 : memref<128xi32, #tpu.memory_space<vmem>>) semaphore(%arg13 : memref<!tpu.dma_semaphore, #tpu.memory_space<semaphore_mem>>) {add = true}
    %dma_wait3A_179 = arith.constant 0 : i32
    %dma_wait3A_180 = arith.constant 0 : i32
    %dma_wait3A_181 = tpu.memref_slice %arg7[%dma_wait3A_179, %dma_wait3A_180] : memref<40x128xi32, #tpu.memory_space<vmem>> -> memref<1x128xi32, #tpu.memory_space<vmem>>
    %dma_wait3A_182 = tpu.memref_squeeze %dma_wait3A_181 : memref<1x128xi32, #tpu.memory_space<vmem>> -> memref<128xi32, #tpu.memory_space<vmem>>
    %dma_wait3A_183 = arith.constant 0 : i32
    %dma_wait3A_184 = arith.constant 0 : i32
    %dma_wait3A_185 = tpu.memref_slice %arg14[%dma_wait3A_183, %dma_wait3A_184] : memref<10112x128xf32, #tpu.memory_space<vmem_shared>> -> memref<10112x128xf32, #tpu.memory_space<vmem_shared>>
    tpu.wait_indirect_dma semaphore(%arg12 : memref<!tpu.dma_semaphore, #tpu.memory_space<semaphore_mem>>) src(%arg8 : memref<128x128xf32, #tpu.memory_space<vmem>>) dst(%dma_wait3A_185 : memref<10112x128xf32, #tpu.memory_space<vmem_shared>>)
    %dma_start3A_186 = arith.constant 2 : i32
    %dma_start3A_187 = arith.constant 0 : i32
    %dma_start3A_188 = tpu.memref_slice %arg6[%dma_start3A_186, %dma_start3A_187] : memref<40x128xi32, #tpu.memory_space<vmem>> -> memref<1x128xi32, #tpu.memory_space<vmem>>
    %dma_start3A_189 = tpu.memref_squeeze %dma_start3A_188 : memref<1x128xi32, #tpu.memory_space<vmem>> -> memref<128xi32, #tpu.memory_space<vmem>>
    %dma_start3A_190 = arith.constant 0 : i32
    %dma_start3A_191 = arith.constant 0 : i32
    %dma_start3A_192 = tpu.memref_slice %arg2[%dma_start3A_190, %dma_start3A_191] : memref<10112x128xf32, #tpu.memory_space<hbm>> -> memref<10112x128xf32, #tpu.memory_space<hbm>>
    tpu.enqueue_indirect_dma source(%dma_start3A_192 : memref<10112x128xf32, #tpu.memory_space<hbm>>) target(%arg8 : memref<128x128xf32, #tpu.memory_space<vmem>>) offsets(%dma_start3A_189 : memref<128xi32, #tpu.memory_space<vmem>>) semaphore(%arg10 : memref<!tpu.dma_semaphore, #tpu.memory_space<semaphore_mem>>)
    %scan3A_193 = arith.constant 0 : i32
    %scan3A_194 = arith.constant 1 : i32
    %scan3A_195 = arith.constant 18 : i32
    %scan3A_196 = arith.addi %scan3A_194, %scan3A_195 : i32
    %scan3A_197 = arith.constant 1 : i32
    %scan3A_198 = scf.for %scan3A_257 = %scan3A_194 to %scan3A_196 step %scan3A_197 iter_args(%scan3A_258 = %scan3A_193) -> (i32)  : i32 {
      %mul3A_259 = arith.constant 2 : i32
      %mul3A_260 = arith.muli %mul3A_259, %scan3A_257 : i32
      %dma_wait3A_261 = arith.constant 0 : i32
      %dma_wait3A_262 = tpu.memref_slice %arg6[%mul3A_260, %dma_wait3A_261] : memref<40x128xi32, #tpu.memory_space<vmem>> -> memref<1x128xi32, #tpu.memory_space<vmem>>
      %dma_wait3A_263 = tpu.memref_squeeze %dma_wait3A_262 : memref<1x128xi32, #tpu.memory_space<vmem>> -> memref<128xi32, #tpu.memory_space<vmem>>
      %dma_wait3A_264 = arith.constant 0 : i32
      %dma_wait3A_265 = arith.constant 0 : i32
      %dma_wait3A_266 = tpu.memref_slice %arg2[%dma_wait3A_264, %dma_wait3A_265] : memref<10112x128xf32, #tpu.memory_space<hbm>> -> memref<10112x128xf32, #tpu.memory_space<hbm>>
      tpu.wait_indirect_dma semaphore(%arg10 : memref<!tpu.dma_semaphore, #tpu.memory_space<semaphore_mem>>) src(%dma_wait3A_266 : memref<10112x128xf32, #tpu.memory_space<hbm>>) dst(%arg8 : memref<128x128xf32, #tpu.memory_space<vmem>>)
      %dma_start3A_267 = arith.constant 0 : i32
      %dma_start3A_268 = tpu.memref_slice %arg7[%mul3A_260, %dma_start3A_267] : memref<40x128xi32, #tpu.memory_space<vmem>> -> memref<1x128xi32, #tpu.memory_space<vmem>>
      %dma_start3A_269 = tpu.memref_squeeze %dma_start3A_268 : memref<1x128xi32, #tpu.memory_space<vmem>> -> memref<128xi32, #tpu.memory_space<vmem>>
      %dma_start3A_270 = arith.constant 0 : i32
      %dma_start3A_271 = arith.constant 0 : i32
      %dma_start3A_272 = tpu.memref_slice %arg14[%dma_start3A_270, %dma_start3A_271] : memref<10112x128xf32, #tpu.memory_space<vmem_shared>> -> memref<10112x128xf32, #tpu.memory_space<vmem_shared>>
      tpu.enqueue_indirect_dma source(%arg8 : memref<128x128xf32, #tpu.memory_space<vmem>>) target(%dma_start3A_272 : memref<10112x128xf32, #tpu.memory_space<vmem_shared>>) offsets(%dma_start3A_269 : memref<128xi32, #tpu.memory_space<vmem>>) semaphore(%arg12 : memref<!tpu.dma_semaphore, #tpu.memory_space<semaphore_mem>>) {add = true}
      %sub3A = arith.constant 1 : i32
      %sub3A_273 = arith.subi %mul3A_260, %sub3A : i32
      %dma_wait3A_274 = arith.constant 0 : i32
      %dma_wait3A_275 = tpu.memref_slice %arg7[%sub3A_273, %dma_wait3A_274] : memref<40x128xi32, #tpu.memory_space<vmem>> -> memref<1x128xi32, #tpu.memory_space<vmem>>
      %dma_wait3A_276 = tpu.memref_squeeze %dma_wait3A_275 : memref<1x128xi32, #tpu.memory_space<vmem>> -> memref<128xi32, #tpu.memory_space<vmem>>
      %dma_wait3A_277 = arith.constant 0 : i32
      %dma_wait3A_278 = arith.constant 0 : i32
      %dma_wait3A_279 = tpu.memref_slice %arg14[%dma_wait3A_277, %dma_wait3A_278] : memref<10112x128xf32, #tpu.memory_space<vmem_shared>> -> memref<10112x128xf32, #tpu.memory_space<vmem_shared>>
      tpu.wait_indirect_dma semaphore(%arg13 : memref<!tpu.dma_semaphore, #tpu.memory_space<semaphore_mem>>) src(%arg9 : memref<128x128xf32, #tpu.memory_space<vmem>>) dst(%dma_wait3A_279 : memref<10112x128xf32, #tpu.memory_space<vmem_shared>>)
      %add3A_280 = arith.constant 1 : i32
      %add3A_281 = arith.addi %mul3A_260, %add3A_280 : i32
      %dma_start3A_282 = arith.constant 0 : i32
      %dma_start3A_283 = tpu.memref_slice %arg6[%add3A_281, %dma_start3A_282] : memref<40x128xi32, #tpu.memory_space<vmem>> -> memref<1x128xi32, #tpu.memory_space<vmem>>
      %dma_start3A_284 = tpu.memref_squeeze %dma_start3A_283 : memref<1x128xi32, #tpu.memory_space<vmem>> -> memref<128xi32, #tpu.memory_space<vmem>>
      %dma_start3A_285 = arith.constant 0 : i32
      %dma_start3A_286 = arith.constant 0 : i32
      %dma_start3A_287 = tpu.memref_slice %arg2[%dma_start3A_285, %dma_start3A_286] : memref<10112x128xf32, #tpu.memory_space<hbm>> -> memref<10112x128xf32, #tpu.memory_space<hbm>>
      tpu.enqueue_indirect_dma source(%dma_start3A_287 : memref<10112x128xf32, #tpu.memory_space<hbm>>) target(%arg9 : memref<128x128xf32, #tpu.memory_space<vmem>>) offsets(%dma_start3A_284 : memref<128xi32, #tpu.memory_space<vmem>>) semaphore(%arg11 : memref<!tpu.dma_semaphore, #tpu.memory_space<semaphore_mem>>)
      %add3A_288 = arith.constant 1 : i32
      %add3A_289 = arith.addi %mul3A_260, %add3A_288 : i32
      %dma_wait3A_290 = arith.constant 0 : i32
      %dma_wait3A_291 = tpu.memref_slice %arg6[%add3A_289, %dma_wait3A_290] : memref<40x128xi32, #tpu.memory_space<vmem>> -> memref<1x128xi32, #tpu.memory_space<vmem>>
      %dma_wait3A_292 = tpu.memref_squeeze %dma_wait3A_291 : memref<1x128xi32, #tpu.memory_space<vmem>> -> memref<128xi32, #tpu.memory_space<vmem>>
      %dma_wait3A_293 = arith.constant 0 : i32
      %dma_wait3A_294 = arith.constant 0 : i32
      %dma_wait3A_295 = tpu.memref_slice %arg2[%dma_wait3A_293, %dma_wait3A_294] : memref<10112x128xf32, #tpu.memory_space<hbm>> -> memref<10112x128xf32, #tpu.memory_space<hbm>>
      tpu.wait_indirect_dma semaphore(%arg11 : memref<!tpu.dma_semaphore, #tpu.memory_space<semaphore_mem>>) src(%dma_wait3A_295 : memref<10112x128xf32, #tpu.memory_space<hbm>>) dst(%arg9 : memref<128x128xf32, #tpu.memory_space<vmem>>)
      %add3A_296 = arith.constant 1 : i32
      %add3A_297 = arith.addi %mul3A_260, %add3A_296 : i32
      %dma_start3A_298 = arith.constant 0 : i32
      %dma_start3A_299 = tpu.memref_slice %arg7[%add3A_297, %dma_start3A_298] : memref<40x128xi32, #tpu.memory_space<vmem>> -> memref<1x128xi32, #tpu.memory_space<vmem>>
      %dma_start3A_300 = tpu.memref_squeeze %dma_start3A_299 : memref<1x128xi32, #tpu.memory_space<vmem>> -> memref<128xi32, #tpu.memory_space<vmem>>
      %dma_start3A_301 = arith.constant 0 : i32
      %dma_start3A_302 = arith.constant 0 : i32
      %dma_start3A_303 = tpu.memref_slice %arg14[%dma_start3A_301, %dma_start3A_302] : memref<10112x128xf32, #tpu.memory_space<vmem_shared>> -> memref<10112x128xf32, #tpu.memory_space<vmem_shared>>
      tpu.enqueue_indirect_dma source(%arg9 : memref<128x128xf32, #tpu.memory_space<vmem>>) target(%dma_start3A_303 : memref<10112x128xf32, #tpu.memory_space<vmem_shared>>) offsets(%dma_start3A_300 : memref<128xi32, #tpu.memory_space<vmem>>) semaphore(%arg13 : memref<!tpu.dma_semaphore, #tpu.memory_space<semaphore_mem>>) {add = true}
      %dma_wait3A_304 = arith.constant 0 : i32
      %dma_wait3A_305 = tpu.memref_slice %arg7[%mul3A_260, %dma_wait3A_304] : memref<40x128xi32, #tpu.memory_space<vmem>> -> memref<1x128xi32, #tpu.memory_space<vmem>>
      %dma_wait3A_306 = tpu.memref_squeeze %dma_wait3A_305 : memref<1x128xi32, #tpu.memory_space<vmem>> -> memref<128xi32, #tpu.memory_space<vmem>>
      %dma_wait3A_307 = arith.constant 0 : i32
      %dma_wait3A_308 = arith.constant 0 : i32
      %dma_wait3A_309 = tpu.memref_slice %arg14[%dma_wait3A_307, %dma_wait3A_308] : memref<10112x128xf32, #tpu.memory_space<vmem_shared>> -> memref<10112x128xf32, #tpu.memory_space<vmem_shared>>
      tpu.wait_indirect_dma semaphore(%arg12 : memref<!tpu.dma_semaphore, #tpu.memory_space<semaphore_mem>>) src(%arg8 : memref<128x128xf32, #tpu.memory_space<vmem>>) dst(%dma_wait3A_309 : memref<10112x128xf32, #tpu.memory_space<vmem_shared>>)
      %add3A_310 = arith.constant 2 : i32
      %add3A_311 = arith.addi %mul3A_260, %add3A_310 : i32
      %dma_start3A_312 = arith.constant 0 : i32
      %dma_start3A_313 = tpu.memref_slice %arg6[%add3A_311, %dma_start3A_312] : memref<40x128xi32, #tpu.memory_space<vmem>> -> memref<1x128xi32, #tpu.memory_space<vmem>>
      %dma_start3A_314 = tpu.memref_squeeze %dma_start3A_313 : memref<1x128xi32, #tpu.memory_space<vmem>> -> memref<128xi32, #tpu.memory_space<vmem>>
      %dma_start3A_315 = arith.constant 0 : i32
      %dma_start3A_316 = arith.constant 0 : i32
      %dma_start3A_317 = tpu.memref_slice %arg2[%dma_start3A_315, %dma_start3A_316] : memref<10112x128xf32, #tpu.memory_space<hbm>> -> memref<10112x128xf32, #tpu.memory_space<hbm>>
      tpu.enqueue_indirect_dma source(%dma_start3A_317 : memref<10112x128xf32, #tpu.memory_space<hbm>>) target(%arg8 : memref<128x128xf32, #tpu.memory_space<vmem>>) offsets(%dma_start3A_314 : memref<128xi32, #tpu.memory_space<vmem>>) semaphore(%arg10 : memref<!tpu.dma_semaphore, #tpu.memory_space<semaphore_mem>>)
      %scan3A_318 = arith.constant 0 : i32
      scf.yield %scan3A_318 : i32
    }
    %scan3A_199 = arith.constant 18 : i32
    %dma_wait3A_200 = arith.constant 38 : i32
    %dma_wait3A_201 = arith.constant 0 : i32
    %dma_wait3A_202 = tpu.memref_slice %arg6[%dma_wait3A_200, %dma_wait3A_201] : memref<40x128xi32, #tpu.memory_space<vmem>> -> memref<1x128xi32, #tpu.memory_space<vmem>>
    %dma_wait3A_203 = tpu.memref_squeeze %dma_wait3A_202 : memref<1x128xi32, #tpu.memory_space<vmem>> -> memref<128xi32, #tpu.memory_space<vmem>>
    %dma_wait3A_204 = arith.constant 0 : i32
    %dma_wait3A_205 = arith.constant 0 : i32
    %dma_wait3A_206 = tpu.memref_slice %arg2[%dma_wait3A_204, %dma_wait3A_205] : memref<10112x128xf32, #tpu.memory_space<hbm>> -> memref<10112x128xf32, #tpu.memory_space<hbm>>
    tpu.wait_indirect_dma semaphore(%arg10 : memref<!tpu.dma_semaphore, #tpu.memory_space<semaphore_mem>>) src(%dma_wait3A_206 : memref<10112x128xf32, #tpu.memory_space<hbm>>) dst(%arg8 : memref<128x128xf32, #tpu.memory_space<vmem>>)
    %dma_start3A_207 = arith.constant 38 : i32
    %dma_start3A_208 = arith.constant 0 : i32
    %dma_start3A_209 = tpu.memref_slice %arg7[%dma_start3A_207, %dma_start3A_208] : memref<40x128xi32, #tpu.memory_space<vmem>> -> memref<1x128xi32, #tpu.memory_space<vmem>>
    %dma_start3A_210 = tpu.memref_squeeze %dma_start3A_209 : memref<1x128xi32, #tpu.memory_space<vmem>> -> memref<128xi32, #tpu.memory_space<vmem>>
    %dma_start3A_211 = arith.constant 0 : i32
    %dma_start3A_212 = arith.constant 0 : i32
    %dma_start3A_213 = tpu.memref_slice %arg14[%dma_start3A_211, %dma_start3A_212] : memref<10112x128xf32, #tpu.memory_space<vmem_shared>> -> memref<10112x128xf32, #tpu.memory_space<vmem_shared>>
    tpu.enqueue_indirect_dma source(%arg8 : memref<128x128xf32, #tpu.memory_space<vmem>>) target(%dma_start3A_213 : memref<10112x128xf32, #tpu.memory_space<vmem_shared>>) offsets(%dma_start3A_210 : memref<128xi32, #tpu.memory_space<vmem>>) semaphore(%arg12 : memref<!tpu.dma_semaphore, #tpu.memory_space<semaphore_mem>>) {add = true}
    %dma_wait3A_214 = arith.constant 37 : i32
    %dma_wait3A_215 = arith.constant 0 : i32
    %dma_wait3A_216 = tpu.memref_slice %arg7[%dma_wait3A_214, %dma_wait3A_215] : memref<40x128xi32, #tpu.memory_space<vmem>> -> memref<1x128xi32, #tpu.memory_space<vmem>>
    %dma_wait3A_217 = tpu.memref_squeeze %dma_wait3A_216 : memref<1x128xi32, #tpu.memory_space<vmem>> -> memref<128xi32, #tpu.memory_space<vmem>>
    %dma_wait3A_218 = arith.constant 0 : i32
    %dma_wait3A_219 = arith.constant 0 : i32
    %dma_wait3A_220 = tpu.memref_slice %arg14[%dma_wait3A_218, %dma_wait3A_219] : memref<10112x128xf32, #tpu.memory_space<vmem_shared>> -> memref<10112x128xf32, #tpu.memory_space<vmem_shared>>
    tpu.wait_indirect_dma semaphore(%arg13 : memref<!tpu.dma_semaphore, #tpu.memory_space<semaphore_mem>>) src(%arg9 : memref<128x128xf32, #tpu.memory_space<vmem>>) dst(%dma_wait3A_220 : memref<10112x128xf32, #tpu.memory_space<vmem_shared>>)
    %dma_start3A_221 = arith.constant 39 : i32
    %dma_start3A_222 = arith.constant 0 : i32
    %dma_start3A_223 = tpu.memref_slice %arg6[%dma_start3A_221, %dma_start3A_222] : memref<40x128xi32, #tpu.memory_space<vmem>> -> memref<1x128xi32, #tpu.memory_space<vmem>>
    %dma_start3A_224 = tpu.memref_squeeze %dma_start3A_223 : memref<1x128xi32, #tpu.memory_space<vmem>> -> memref<128xi32, #tpu.memory_space<vmem>>
    %dma_start3A_225 = arith.constant 0 : i32
    %dma_start3A_226 = arith.constant 0 : i32
    %dma_start3A_227 = tpu.memref_slice %arg2[%dma_start3A_225, %dma_start3A_226] : memref<10112x128xf32, #tpu.memory_space<hbm>> -> memref<10112x128xf32, #tpu.memory_space<hbm>>
    tpu.enqueue_indirect_dma source(%dma_start3A_227 : memref<10112x128xf32, #tpu.memory_space<hbm>>) target(%arg9 : memref<128x128xf32, #tpu.memory_space<vmem>>) offsets(%dma_start3A_224 : memref<128xi32, #tpu.memory_space<vmem>>) semaphore(%arg11 : memref<!tpu.dma_semaphore, #tpu.memory_space<semaphore_mem>>)
    %dma_wait3A_228 = arith.constant 39 : i32
    %dma_wait3A_229 = arith.constant 0 : i32
    %dma_wait3A_230 = tpu.memref_slice %arg6[%dma_wait3A_228, %dma_wait3A_229] : memref<40x128xi32, #tpu.memory_space<vmem>> -> memref<1x128xi32, #tpu.memory_space<vmem>>
    %dma_wait3A_231 = tpu.memref_squeeze %dma_wait3A_230 : memref<1x128xi32, #tpu.memory_space<vmem>> -> memref<128xi32, #tpu.memory_space<vmem>>
    %dma_wait3A_232 = arith.constant 0 : i32
    %dma_wait3A_233 = arith.constant 0 : i32
    %dma_wait3A_234 = tpu.memref_slice %arg2[%dma_wait3A_232, %dma_wait3A_233] : memref<10112x128xf32, #tpu.memory_space<hbm>> -> memref<10112x128xf32, #tpu.memory_space<hbm>>
    tpu.wait_indirect_dma semaphore(%arg11 : memref<!tpu.dma_semaphore, #tpu.memory_space<semaphore_mem>>) src(%dma_wait3A_234 : memref<10112x128xf32, #tpu.memory_space<hbm>>) dst(%arg9 : memref<128x128xf32, #tpu.memory_space<vmem>>)
    %dma_start3A_235 = arith.constant 39 : i32
    %dma_start3A_236 = arith.constant 0 : i32
    %dma_start3A_237 = tpu.memref_slice %arg7[%dma_start3A_235, %dma_start3A_236] : memref<40x128xi32, #tpu.memory_space<vmem>> -> memref<1x128xi32, #tpu.memory_space<vmem>>
    %dma_start3A_238 = tpu.memref_squeeze %dma_start3A_237 : memref<1x128xi32, #tpu.memory_space<vmem>> -> memref<128xi32, #tpu.memory_space<vmem>>
    %dma_start3A_239 = arith.constant 0 : i32
    %dma_start3A_240 = arith.constant 0 : i32
    %dma_start3A_241 = tpu.memref_slice %arg14[%dma_start3A_239, %dma_start3A_240] : memref<10112x128xf32, #tpu.memory_space<vmem_shared>> -> memref<10112x128xf32, #tpu.memory_space<vmem_shared>>
    tpu.enqueue_indirect_dma source(%arg9 : memref<128x128xf32, #tpu.memory_space<vmem>>) target(%dma_start3A_241 : memref<10112x128xf32, #tpu.memory_space<vmem_shared>>) offsets(%dma_start3A_238 : memref<128xi32, #tpu.memory_space<vmem>>) semaphore(%arg13 : memref<!tpu.dma_semaphore, #tpu.memory_space<semaphore_mem>>) {add = true}
    %dma_wait3A_242 = arith.constant 38 : i32
    %dma_wait3A_243 = arith.constant 0 : i32
    %dma_wait3A_244 = tpu.memref_slice %arg7[%dma_wait3A_242, %dma_wait3A_243] : memref<40x128xi32, #tpu.memory_space<vmem>> -> memref<1x128xi32, #tpu.memory_space<vmem>>
    %dma_wait3A_245 = tpu.memref_squeeze %dma_wait3A_244 : memref<1x128xi32, #tpu.memory_space<vmem>> -> memref<128xi32, #tpu.memory_space<vmem>>
    %dma_wait3A_246 = arith.constant 0 : i32
    %dma_wait3A_247 = arith.constant 0 : i32
    %dma_wait3A_248 = tpu.memref_slice %arg14[%dma_wait3A_246, %dma_wait3A_247] : memref<10112x128xf32, #tpu.memory_space<vmem_shared>> -> memref<10112x128xf32, #tpu.memory_space<vmem_shared>>
    tpu.wait_indirect_dma semaphore(%arg12 : memref<!tpu.dma_semaphore, #tpu.memory_space<semaphore_mem>>) src(%arg8 : memref<128x128xf32, #tpu.memory_space<vmem>>) dst(%dma_wait3A_248 : memref<10112x128xf32, #tpu.memory_space<vmem_shared>>)
    %dma_wait3A_249 = arith.constant 39 : i32
    %dma_wait3A_250 = arith.constant 0 : i32
    %dma_wait3A_251 = tpu.memref_slice %arg7[%dma_wait3A_249, %dma_wait3A_250] : memref<40x128xi32, #tpu.memory_space<vmem>> -> memref<1x128xi32, #tpu.memory_space<vmem>>
    %dma_wait3A_252 = tpu.memref_squeeze %dma_wait3A_251 : memref<1x128xi32, #tpu.memory_space<vmem>> -> memref<128xi32, #tpu.memory_space<vmem>>
    %dma_wait3A_253 = arith.constant 0 : i32
    %dma_wait3A_254 = arith.constant 0 : i32
    %dma_wait3A_255 = tpu.memref_slice %arg14[%dma_wait3A_253, %dma_wait3A_254] : memref<10112x128xf32, #tpu.memory_space<vmem_shared>> -> memref<10112x128xf32, #tpu.memory_space<vmem_shared>>
    tpu.wait_indirect_dma semaphore(%arg13 : memref<!tpu.dma_semaphore, #tpu.memory_space<semaphore_mem>>) src(%arg9 : memref<128x128xf32, #tpu.memory_space<vmem>>) dst(%dma_wait3A_255 : memref<10112x128xf32, #tpu.memory_space<vmem_shared>>)
    %barrier3A_256 = arith.constant 0 : index
    tpu.barrier barrier_id(%barrier3A_256)
    "tpu.region"() ({
      %run_scoped3A = tpu.sem_alloc : memref<!tpu.dma_semaphore, #tpu.memory_space<semaphore_mem>>
      %dma_start3A_257 = arith.constant 0 : i32
      %dma_start3A_258 = tpu.memref_slice %arg5[%arg0, %mul3A_9, %dma_start3A_257] : memref<2x10112x128xf32, #tpu.memory_space<hbm>> -> memref<1x632x128xf32, #tpu.memory_space<hbm>>
      %dma_start3A_259 = tpu.memref_squeeze %dma_start3A_258 : memref<1x632x128xf32, #tpu.memory_space<hbm>> -> memref<632x128xf32, #tpu.memory_space<hbm>>
      %dma_start3A_260 = arith.constant 0 : i32
      %dma_start3A_261 = tpu.memref_slice %arg14[%mul3A_9, %dma_start3A_260] : memref<10112x128xf32, #tpu.memory_space<vmem_shared>> -> memref<632x128xf32, #tpu.memory_space<vmem_shared>>
      tpu.enqueue_dma source(%dma_start3A_261 : memref<632x128xf32, #tpu.memory_space<vmem_shared>>) target(%dma_start3A_259 : memref<632x128xf32, #tpu.memory_space<hbm>>) target_semaphore(%run_scoped3A : memref<!tpu.dma_semaphore, #tpu.memory_space<semaphore_mem>>)
      %dma_wait3A_262 = arith.constant 0 : i32
      %dma_wait3A_263 = tpu.memref_slice %arg5[%arg0, %mul3A_9, %dma_wait3A_262] : memref<2x10112x128xf32, #tpu.memory_space<hbm>> -> memref<1x632x128xf32, #tpu.memory_space<hbm>>
      %dma_wait3A_264 = tpu.memref_squeeze %dma_wait3A_263 : memref<1x632x128xf32, #tpu.memory_space<hbm>> -> memref<632x128xf32, #tpu.memory_space<hbm>>
      %dma_wait3A_265 = arith.constant 0 : i32
      %dma_wait3A_266 = tpu.memref_slice %arg14[%mul3A_9, %dma_wait3A_265] : memref<10112x128xf32, #tpu.memory_space<vmem_shared>> -> memref<632x128xf32, #tpu.memory_space<vmem_shared>>
      tpu.wait_dma2 semaphore(%run_scoped3A : memref<!tpu.dma_semaphore, #tpu.memory_space<semaphore_mem>>) src(%dma_wait3A_266 : memref<632x128xf32, #tpu.memory_space<vmem_shared>>) dst(%dma_wait3A_264 : memref<632x128xf32, #tpu.memory_space<hbm>>)
      tpu.yield
    }) : () -> ()
    return
  }
}

module attributes {stable_mosaic.version = 14 : i64} {
  func.func @_dense_body(%arg0: i32, %arg1: memref<2x632x128xf32, #tpu.memory_space<vmem>>, %arg2: memref<2x632x128xf32, #tpu.memory_space<vmem>>, %arg3: memref<632x128xf32, #tpu.memory_space<vmem>>, %arg4: memref<128x128xf32, #tpu.memory_space<vmem>>, %arg5: memref<128x128xf32, #tpu.memory_space<vmem>>, %arg6: memref<1x128xf32, #tpu.memory_space<vmem>>, %arg7: memref<632x128xf32, #tpu.memory_space<vmem>>) attributes {dimension_semantics = [#tpu.dimension_semantics<arbitrary>], iteration_bounds = array<i64: 16>, scalar_prefetch = 0 : i64, scratch_operands = 0 : i64, tpu.core_type = #tpu.core_type<tc>, window_params = [{transform_indices = @transform_0, window_bounds = array<i64: 2, 632, 128>}, {transform_indices = @transform_1, window_bounds = array<i64: 2, 632, 128>}, {transform_indices = @transform_2, window_bounds = array<i64: 632, 128>}, {pipeline_mode = #tpu.pipeline_mode<synchronous>, transform_indices = @transform_3, window_bounds = array<i64: 128, 128>}, {pipeline_mode = #tpu.pipeline_mode<synchronous>, transform_indices = @transform_4, window_bounds = array<i64: 128, 128>}, {pipeline_mode = #tpu.pipeline_mode<synchronous>, transform_indices = @transform_5, window_bounds = array<i64: 1, 128>}, {transform_indices = @transform_6, window_bounds = array<i64: 632, 128>}]} {
    %get3A = arith.constant 0 : index
    %get3A_0 = arith.constant 0 : index
    %get3A_1 = arith.constant 0 : index
    %get3A_2 = vector.load %arg1[%get3A, %get3A_0, %get3A_1] : memref<2x632x128xf32, #tpu.memory_space<vmem>>, vector<1x632x128xf32>
    %get3A_3 = vector.shape_cast %get3A_2 : vector<1x632x128xf32> to vector<632x128xf32>
    %get3A_4 = arith.constant 1 : index
    %get3A_5 = arith.constant 0 : index
    %get3A_6 = arith.constant 0 : index
    %get3A_7 = vector.load %arg1[%get3A_4, %get3A_5, %get3A_6] : memref<2x632x128xf32, #tpu.memory_space<vmem>>, vector<1x632x128xf32>
    %get3A_8 = vector.shape_cast %get3A_7 : vector<1x632x128xf32> to vector<632x128xf32>
    %add3A = arith.addf %get3A_3, %get3A_8 : vector<632x128xf32>
    %get3A_9 = arith.constant 0 : index
    %get3A_10 = arith.constant 0 : index
    %get3A_11 = arith.constant 0 : index
    %get3A_12 = vector.load %arg2[%get3A_9, %get3A_10, %get3A_11] : memref<2x632x128xf32, #tpu.memory_space<vmem>>, vector<1x632x1xf32>
    %get3A_13 = vector.shape_cast %get3A_12 : vector<1x632x1xf32> to vector<632x1xf32>
    %get3A_14 = arith.constant 1 : index
    %get3A_15 = arith.constant 0 : index
    %get3A_16 = arith.constant 0 : index
    %get3A_17 = vector.load %arg2[%get3A_14, %get3A_15, %get3A_16] : memref<2x632x128xf32, #tpu.memory_space<vmem>>, vector<1x632x1xf32>
    %get3A_18 = vector.shape_cast %get3A_17 : vector<1x632x1xf32> to vector<632x1xf32>
    %add3A_19 = arith.addf %get3A_13, %get3A_18 : vector<632x1xf32>
    %max3A = arith.constant 1.000000e+00 : f32
    %max3A_20 = vector.broadcast %max3A : f32 to vector<632x1xf32>
    %max3A_21 = arith.maximumf %add3A_19, %max3A_20 : vector<632x1xf32>
    %div3A = arith.constant 1.000000e+00 : f32
    %div3A_22 = vector.broadcast %div3A : f32 to vector<632x1xf32>
    %div3A_23 = arith.divf %div3A_22, %max3A_21 : vector<632x1xf32>
    %mul3A = vector.broadcast %div3A_23 : vector<632x1xf32> to vector<632x128xf32>
    %mul3A_24 = arith.mulf %add3A, %mul3A : vector<632x128xf32>
    %get3A_25 = arith.constant 0 : index
    %get3A_26 = arith.constant 0 : index
    %get3A_27 = vector.load %arg4[%get3A_25, %get3A_26] : memref<128x128xf32, #tpu.memory_space<vmem>>, vector<128x128xf32>
    %dot_general3A = arith.constant dense<0.000000e+00> : vector<632x128xf32>
    %dot_general3A_28 = tpu.matmul %mul3A_24, %get3A_27, %dot_general3A {dimension_numbers = #tpu.dot_dimension_numbers<[1], [0], [0], [1], [0, 0, 1, 1], [], []>, transpose_lhs_hint = false} : vector<632x128xf32>, vector<128x128xf32>, vector<632x128xf32> -> vector<632x128xf32>
    %get3A_29 = arith.constant 0 : index
    %get3A_30 = arith.constant 0 : index
    %get3A_31 = vector.load %arg3[%get3A_29, %get3A_30] : memref<632x128xf32, #tpu.memory_space<vmem>>, vector<632x128xf32>
    %get3A_32 = arith.constant 0 : index
    %get3A_33 = arith.constant 0 : index
    %get3A_34 = vector.load %arg5[%get3A_32, %get3A_33] : memref<128x128xf32, #tpu.memory_space<vmem>>, vector<128x128xf32>
    %dot_general3A_35 = arith.constant dense<0.000000e+00> : vector<632x128xf32>
    %dot_general3A_36 = tpu.matmul %get3A_31, %get3A_34, %dot_general3A_35 {dimension_numbers = #tpu.dot_dimension_numbers<[1], [0], [0], [1], [0, 0, 1, 1], [], []>, transpose_lhs_hint = false} : vector<632x128xf32>, vector<128x128xf32>, vector<632x128xf32> -> vector<632x128xf32>
    %add3A_37 = arith.addf %dot_general3A_28, %dot_general3A_36 : vector<632x128xf32>
    %get3A_38 = arith.constant 0 : index
    %get3A_39 = arith.constant 0 : index
    %get3A_40 = vector.load %arg6[%get3A_38, %get3A_39] : memref<1x128xf32, #tpu.memory_space<vmem>>, vector<1x128xf32>
    %add3A_41 = vector.broadcast %get3A_40 : vector<1x128xf32> to vector<632x128xf32>
    %add3A_42 = arith.addf %add3A_37, %add3A_41 : vector<632x128xf32>
    %max3A_43 = arith.constant 0.000000e+00 : f32
    %max3A_44 = vector.broadcast %max3A_43 : f32 to vector<632x128xf32>
    %max3A_45 = arith.maximumf %add3A_42, %max3A_44 : vector<632x128xf32>
    %swap3A = arith.constant 0 : index
    %swap3A_46 = arith.constant 0 : index
    %swap3A_47 = vector.load %arg7[%swap3A, %swap3A_46] : memref<632x128xf32, #tpu.memory_space<vmem>>, vector<632x128xf32>
    tpu.vector_store %arg7[%swap3A, %swap3A_46], %max3A_45 {strides = array<i32>} : memref<632x128xf32, #tpu.memory_space<vmem>>, vector<632x128xf32>,
    return
  }
  func.func @transform_0(%arg0: i32) -> (i32, i32, i32) {
    %c0_i32 = arith.constant 0 : i32
    %c0_i32_0 = arith.constant 0 : i32
    %c0_i32_1 = arith.constant 0 : i32
    return %c0_i32, %arg0, %c0_i32_0 : i32, i32, i32
  }
  func.func @transform_1(%arg0: i32) -> (i32, i32, i32) {
    %c0_i32 = arith.constant 0 : i32
    %c0_i32_0 = arith.constant 0 : i32
    %c0_i32_1 = arith.constant 0 : i32
    return %c0_i32, %arg0, %c0_i32_0 : i32, i32, i32
  }
  func.func @transform_2(%arg0: i32) -> (i32, i32) {
    %c0_i32 = arith.constant 0 : i32
    %c0_i32_0 = arith.constant 0 : i32
    return %arg0, %c0_i32 : i32, i32
  }
  func.func @transform_3(%arg0: i32) -> (i32, i32) {
    %c0_i32 = arith.constant 0 : i32
    %c0_i32_0 = arith.constant 0 : i32
    %c0_i32_1 = arith.constant 0 : i32
    return %c0_i32, %c0_i32_0 : i32, i32
  }
  func.func @transform_4(%arg0: i32) -> (i32, i32) {
    %c0_i32 = arith.constant 0 : i32
    %c0_i32_0 = arith.constant 0 : i32
    %c0_i32_1 = arith.constant 0 : i32
    return %c0_i32, %c0_i32_0 : i32, i32
  }
  func.func @transform_5(%arg0: i32) -> (i32, i32) {
    %c0_i32 = arith.constant 0 : i32
    %c0_i32_0 = arith.constant 0 : i32
    %c0_i32_1 = arith.constant 0 : i32
    return %c0_i32, %c0_i32_0 : i32, i32
  }
  func.func @transform_6(%arg0: i32) -> (i32, i32) {
    %c0_i32 = arith.constant 0 : i32
    %c0_i32_0 = arith.constant 0 : i32
    return %arg0, %c0_i32 : i32, i32
  }
}

module attributes {stable_mosaic.version = 14 : i64} {
  func.func @_final_body(%arg0: i32, %arg1: memref<2x632x128xf32, #tpu.memory_space<vmem>>, %arg2: memref<2x632x128xf32, #tpu.memory_space<vmem>>, %arg3: memref<632x128xf32, #tpu.memory_space<vmem>>, %arg4: memref<128x128xf32, #tpu.memory_space<vmem>>, %arg5: memref<128x128xf32, #tpu.memory_space<vmem>>, %arg6: memref<1x128xf32, #tpu.memory_space<vmem>>, %arg7: memref<632x128xf32, #tpu.memory_space<vmem>>, %arg8: memref<128x128xf32, #tpu.memory_space<vmem>>, %arg9: memref<128x128xf32, #tpu.memory_space<vmem>>, %arg10: memref<128x128xf32, #tpu.memory_space<vmem>>, %arg11: memref<1x128xf32, #tpu.memory_space<vmem>>, %arg12: memref<632x128xf32, #tpu.memory_space<vmem>>) attributes {dimension_semantics = [#tpu.dimension_semantics<arbitrary>], iteration_bounds = array<i64: 16>, scalar_prefetch = 0 : i64, scratch_operands = 0 : i64, tpu.core_type = #tpu.core_type<tc>, window_params = [{transform_indices = @transform_0, window_bounds = array<i64: 2, 632, 128>}, {transform_indices = @transform_1, window_bounds = array<i64: 2, 632, 128>}, {transform_indices = @transform_2, window_bounds = array<i64: 632, 128>}, {pipeline_mode = #tpu.pipeline_mode<synchronous>, transform_indices = @transform_3, window_bounds = array<i64: 128, 128>}, {pipeline_mode = #tpu.pipeline_mode<synchronous>, transform_indices = @transform_4, window_bounds = array<i64: 128, 128>}, {pipeline_mode = #tpu.pipeline_mode<synchronous>, transform_indices = @transform_5, window_bounds = array<i64: 1, 128>}, {transform_indices = @transform_6, window_bounds = array<i64: 632, 128>}, {pipeline_mode = #tpu.pipeline_mode<synchronous>, transform_indices = @transform_7, window_bounds = array<i64: 128, 128>}, {pipeline_mode = #tpu.pipeline_mode<synchronous>, transform_indices = @transform_8, window_bounds = array<i64: 128, 128>}, {pipeline_mode = #tpu.pipeline_mode<synchronous>, transform_indices = @transform_9, window_bounds = array<i64: 128, 128>}, {pipeline_mode = #tpu.pipeline_mode<synchronous>, transform_indices = @transform_10, window_bounds = array<i64: 1, 128>}, {transform_indices = @transform_11, window_bounds = array<i64: 632, 128>}]} {
    %get3A = arith.constant 0 : index
    %get3A_0 = arith.constant 0 : index
    %get3A_1 = arith.constant 0 : index
    %get3A_2 = vector.load %arg1[%get3A, %get3A_0, %get3A_1] : memref<2x632x128xf32, #tpu.memory_space<vmem>>, vector<1x632x128xf32>
    %get3A_3 = vector.shape_cast %get3A_2 : vector<1x632x128xf32> to vector<632x128xf32>
    %get3A_4 = arith.constant 1 : index
    %get3A_5 = arith.constant 0 : index
    %get3A_6 = arith.constant 0 : index
    %get3A_7 = vector.load %arg1[%get3A_4, %get3A_5, %get3A_6] : memref<2x632x128xf32, #tpu.memory_space<vmem>>, vector<1x632x128xf32>
    %get3A_8 = vector.shape_cast %get3A_7 : vector<1x632x128xf32> to vector<632x128xf32>
    %add3A = arith.addf %get3A_3, %get3A_8 : vector<632x128xf32>
    %get3A_9 = arith.constant 0 : index
    %get3A_10 = arith.constant 0 : index
    %get3A_11 = arith.constant 0 : index
    %get3A_12 = vector.load %arg2[%get3A_9, %get3A_10, %get3A_11] : memref<2x632x128xf32, #tpu.memory_space<vmem>>, vector<1x632x1xf32>
    %get3A_13 = vector.shape_cast %get3A_12 : vector<1x632x1xf32> to vector<632x1xf32>
    %get3A_14 = arith.constant 1 : index
    %get3A_15 = arith.constant 0 : index
    %get3A_16 = arith.constant 0 : index
    %get3A_17 = vector.load %arg2[%get3A_14, %get3A_15, %get3A_16] : memref<2x632x128xf32, #tpu.memory_space<vmem>>, vector<1x632x1xf32>
    %get3A_18 = vector.shape_cast %get3A_17 : vector<1x632x1xf32> to vector<632x1xf32>
    %add3A_19 = arith.addf %get3A_13, %get3A_18 : vector<632x1xf32>
    %max3A = arith.constant 1.000000e+00 : f32
    %max3A_20 = vector.broadcast %max3A : f32 to vector<632x1xf32>
    %max3A_21 = arith.maximumf %add3A_19, %max3A_20 : vector<632x1xf32>
    %div3A = arith.constant 1.000000e+00 : f32
    %div3A_22 = vector.broadcast %div3A : f32 to vector<632x1xf32>
    %div3A_23 = arith.divf %div3A_22, %max3A_21 : vector<632x1xf32>
    %mul3A = vector.broadcast %div3A_23 : vector<632x1xf32> to vector<632x128xf32>
    %mul3A_24 = arith.mulf %add3A, %mul3A : vector<632x128xf32>
    %get3A_25 = arith.constant 0 : index
    %get3A_26 = arith.constant 0 : index
    %get3A_27 = vector.load %arg4[%get3A_25, %get3A_26] : memref<128x128xf32, #tpu.memory_space<vmem>>, vector<128x128xf32>
    %dot_general3A = arith.constant dense<0.000000e+00> : vector<632x128xf32>
    %dot_general3A_28 = tpu.matmul %mul3A_24, %get3A_27, %dot_general3A {dimension_numbers = #tpu.dot_dimension_numbers<[1], [0], [0], [1], [0, 0, 1, 1], [], []>, transpose_lhs_hint = false} : vector<632x128xf32>, vector<128x128xf32>, vector<632x128xf32> -> vector<632x128xf32>
    %get3A_29 = arith.constant 0 : index
    %get3A_30 = arith.constant 0 : index
    %get3A_31 = vector.load %arg3[%get3A_29, %get3A_30] : memref<632x128xf32, #tpu.memory_space<vmem>>, vector<632x128xf32>
    %get3A_32 = arith.constant 0 : index
    %get3A_33 = arith.constant 0 : index
    %get3A_34 = vector.load %arg5[%get3A_32, %get3A_33] : memref<128x128xf32, #tpu.memory_space<vmem>>, vector<128x128xf32>
    %dot_general3A_35 = arith.constant dense<0.000000e+00> : vector<632x128xf32>
    %dot_general3A_36 = tpu.matmul %get3A_31, %get3A_34, %dot_general3A_35 {dimension_numbers = #tpu.dot_dimension_numbers<[1], [0], [0], [1], [0, 0, 1, 1], [], []>, transpose_lhs_hint = false} : vector<632x128xf32>, vector<128x128xf32>, vector<632x128xf32> -> vector<632x128xf32>
    %add3A_37 = arith.addf %dot_general3A_28, %dot_general3A_36 : vector<632x128xf32>
    %get3A_38 = arith.constant 0 : index
    %get3A_39 = arith.constant 0 : index
    %get3A_40 = vector.load %arg6[%get3A_38, %get3A_39] : memref<1x128xf32, #tpu.memory_space<vmem>>, vector<1x128xf32>
    %add3A_41 = vector.broadcast %get3A_40 : vector<1x128xf32> to vector<632x128xf32>
    %add3A_42 = arith.addf %add3A_37, %add3A_41 : vector<632x128xf32>
    %max3A_43 = arith.constant 0.000000e+00 : f32
    %max3A_44 = vector.broadcast %max3A_43 : f32 to vector<632x128xf32>
    %max3A_45 = arith.maximumf %add3A_42, %max3A_44 : vector<632x128xf32>
    %get3A_46 = arith.constant 0 : index
    %get3A_47 = arith.constant 0 : index
    %get3A_48 = vector.load %arg7[%get3A_46, %get3A_47] : memref<632x128xf32, #tpu.memory_space<vmem>>, vector<632x128xf32>
    %get3A_49 = arith.constant 0 : index
    %get3A_50 = arith.constant 0 : index
    %get3A_51 = vector.load %arg8[%get3A_49, %get3A_50] : memref<128x128xf32, #tpu.memory_space<vmem>>, vector<128x128xf32>
    %dot_general3A_52 = arith.constant dense<0.000000e+00> : vector<632x128xf32>
    %dot_general3A_53 = tpu.matmul %get3A_48, %get3A_51, %dot_general3A_52 {dimension_numbers = #tpu.dot_dimension_numbers<[1], [0], [0], [1], [0, 0, 1, 1], [], []>, transpose_lhs_hint = false} : vector<632x128xf32>, vector<128x128xf32>, vector<632x128xf32> -> vector<632x128xf32>
    %get3A_54 = arith.constant 0 : index
    %get3A_55 = arith.constant 0 : index
    %get3A_56 = vector.load %arg3[%get3A_54, %get3A_55] : memref<632x128xf32, #tpu.memory_space<vmem>>, vector<632x128xf32>
    %get3A_57 = arith.constant 0 : index
    %get3A_58 = arith.constant 0 : index
    %get3A_59 = vector.load %arg9[%get3A_57, %get3A_58] : memref<128x128xf32, #tpu.memory_space<vmem>>, vector<128x128xf32>
    %dot_general3A_60 = arith.constant dense<0.000000e+00> : vector<632x128xf32>
    %dot_general3A_61 = tpu.matmul %get3A_56, %get3A_59, %dot_general3A_60 {dimension_numbers = #tpu.dot_dimension_numbers<[1], [0], [0], [1], [0, 0, 1, 1], [], []>, transpose_lhs_hint = false} : vector<632x128xf32>, vector<128x128xf32>, vector<632x128xf32> -> vector<632x128xf32>
    %add3A_62 = arith.addf %dot_general3A_53, %dot_general3A_61 : vector<632x128xf32>
    %get3A_63 = arith.constant 0 : index
    %get3A_64 = arith.constant 0 : index
    %get3A_65 = vector.load %arg10[%get3A_63, %get3A_64] : memref<128x128xf32, #tpu.memory_space<vmem>>, vector<128x128xf32>
    %dot_general3A_66 = arith.constant dense<0.000000e+00> : vector<632x128xf32>
    %dot_general3A_67 = tpu.matmul %max3A_45, %get3A_65, %dot_general3A_66 {dimension_numbers = #tpu.dot_dimension_numbers<[1], [0], [0], [1], [0, 0, 1, 1], [], []>, transpose_lhs_hint = false} : vector<632x128xf32>, vector<128x128xf32>, vector<632x128xf32> -> vector<632x128xf32>
    %add3A_68 = arith.addf %add3A_62, %dot_general3A_67 : vector<632x128xf32>
    %get3A_69 = arith.constant 0 : index
    %get3A_70 = arith.constant 0 : index
    %get3A_71 = vector.load %arg11[%get3A_69, %get3A_70] : memref<1x128xf32, #tpu.memory_space<vmem>>, vector<1x128xf32>
    %add3A_72 = vector.broadcast %get3A_71 : vector<1x128xf32> to vector<632x128xf32>
    %add3A_73 = arith.addf %add3A_68, %add3A_72 : vector<632x128xf32>
    %swap3A = arith.constant 0 : index
    %swap3A_74 = arith.constant 0 : index
    %swap3A_75 = vector.load %arg12[%swap3A, %swap3A_74] : memref<632x128xf32, #tpu.memory_space<vmem>>, vector<632x128xf32>
    tpu.vector_store %arg12[%swap3A, %swap3A_74], %add3A_73 {strides = array<i32>} : memref<632x128xf32, #tpu.memory_space<vmem>>, vector<632x128xf32>,
    return
  }
  func.func @transform_0(%arg0: i32) -> (i32, i32, i32) {
    %c0_i32 = arith.constant 0 : i32
    %c0_i32_0 = arith.constant 0 : i32
    %c0_i32_1 = arith.constant 0 : i32
    return %c0_i32, %arg0, %c0_i32_0 : i32, i32, i32
  }
  func.func @transform_1(%arg0: i32) -> (i32, i32, i32) {
    %c0_i32 = arith.constant 0 : i32
    %c0_i32_0 = arith.constant 0 : i32
    %c0_i32_1 = arith.constant 0 : i32
    return %c0_i32, %arg0, %c0_i32_0 : i32, i32, i32
  }
  func.func @transform_2(%arg0: i32) -> (i32, i32) {
    %c0_i32 = arith.constant 0 : i32
    %c0_i32_0 = arith.constant 0 : i32
    return %arg0, %c0_i32 : i32, i32
  }
  func.func @transform_3(%arg0: i32) -> (i32, i32) {
    %c0_i32 = arith.constant 0 : i32
    %c0_i32_0 = arith.constant 0 : i32
    %c0_i32_1 = arith.constant 0 : i32
    return %c0_i32, %c0_i32_0 : i32, i32
  }
  func.func @transform_4(%arg0: i32) -> (i32, i32) {
    %c0_i32 = arith.constant 0 : i32
    %c0_i32_0 = arith.constant 0 : i32
    %c0_i32_1 = arith.constant 0 : i32
    return %c0_i32, %c0_i32_0 : i32, i32
  }
  func.func @transform_5(%arg0: i32) -> (i32, i32) {
    %c0_i32 = arith.constant 0 : i32
    %c0_i32_0 = arith.constant 0 : i32
    %c0_i32_1 = arith.constant 0 : i32
    return %c0_i32, %c0_i32_0 : i32, i32
  }
  func.func @transform_6(%arg0: i32) -> (i32, i32) {
    %c0_i32 = arith.constant 0 : i32
    %c0_i32_0 = arith.constant 0 : i32
    return %arg0, %c0_i32 : i32, i32
  }
  func.func @transform_7(%arg0: i32) -> (i32, i32) {
    %c0_i32 = arith.constant 0 : i32
    %c0_i32_0 = arith.constant 0 : i32
    %c0_i32_1 = arith.constant 0 : i32
    return %c0_i32, %c0_i32_0 : i32, i32
  }
  func.func @transform_8(%arg0: i32) -> (i32, i32) {
    %c0_i32 = arith.constant 0 : i32
    %c0_i32_0 = arith.constant 0 : i32
    %c0_i32_1 = arith.constant 0 : i32
    return %c0_i32, %c0_i32_0 : i32, i32
  }
  func.func @transform_9(%arg0: i32) -> (i32, i32) {
    %c0_i32 = arith.constant 0 : i32
    %c0_i32_0 = arith.constant 0 : i32
    %c0_i32_1 = arith.constant 0 : i32
    return %c0_i32, %c0_i32_0 : i32, i32
  }
  func.func @transform_10(%arg0: i32) -> (i32, i32) {
    %c0_i32 = arith.constant 0 : i32
    %c0_i32_0 = arith.constant 0 : i32
    %c0_i32_1 = arith.constant 0 : i32
    return %c0_i32, %c0_i32_0 : i32, i32
  }
  func.func @transform_11(%arg0: i32) -> (i32, i32) {
    %c0_i32 = arith.constant 0 : i32
    %c0_i32_0 = arith.constant 0 : i32
    return %arg0, %c0_i32 : i32, i32
  }
}

</mosaic_0001>

<sc_bundles>
// kernel: kernel.11.cloned.1.call-start
scs
__scs_entry_jumppad:
0x0: {  	(pc) =	sbr.rel $0x88, $3  }
0x1: {  	(tag) =	ssettag $0x0;
	lr =	simm.s32 $0x1  }
0x2: {  	[smem:$0x3F94] =	sst lr;
	_ =	strace $0xD0000000  }
0x3: {  	_ = 	snop  }
0x4: {  	_ = 	snop  }
0x5: {  	_ = 	snop  }
0x6: {  	_ = 	snop  }
0x7: {  	_ = 	snop  }
__scs_overlays_trampoline_lowered:
0x8: {  	[smem:$0x3FA3] =	sst s0  }
0x9: {  	[smem:$0x3FA4] =	sst s1  }
0xa: {  	[smem:$0x3FA5] =	sst s2  }
0xb: {  	[smem:$0x3FA6] =	sst s3  }
0xc: {  	[smem:$0x3FA7] =	sst s4  }
0xd: {  	[smem:$0x3FA8] =	sst s5  }
0xe: {  	[smem:$0x3FA9] =	sst s6  }
0xf: {  	[smem:$0x3FAA] =	sst s7  }
0x10: {  	[smem:$0x3FAB] =	sst s8  }
0x11: {  	[smem:$0x3FAC] =	sst s9;
	s0 =	simm.s32 @!p0 $0x0  }
0x12: {  	s1 =	sld [smem:$0x3F92];
	s0 =	simm.s32 @p0 $0x1  }
0x13: {  	[smem:$0x3FAD] =	sst s0;
	s0 =	simm.s32 @!p1 $0x0  }
0x14: {  	s2 =	sld [smem:$0x3F91];
	s0 =	simm.s32 @p1 $0x1  }
0x15: {  	[smem:$0x3FAE] =	sst s0;
	s0 =	simm.s32 @!p2 $0x0  }
0x16: {  	s3 =	sld [smem:$0x3FDB];
	s0 =	simm.s32 @p2 $0x1  }
0x17: {  	s4 =	simm.s32 $0x1BF5;
	[smem:$0x3FB0] =	sst s0  }
0x18: {  	s0 =	sld [smem:$0x3F93];
	_ =	swait.ge [sflag:s4], $0x0  }
0x19: {  	s7 =	sld [smem:$0x3F94]  }
0x1a: {  	s8 =	sadd.s32 $0xFFFFE003, lr  }
0x1b: {  	s9 =	sadd.s32 $0xFFFFFEF7, lr;
	s5 =	simm.s32 $0xFFFFFFFF;
	p2 =	slt.u32 s8, $0xFFFFF086  }
0x1c: {  	p1 =	slt.u32 s9, $0xF7A;
	s5 =	simm.s32 @!p2 $0x0  }
0x1d: {  	s5 =	simm.s32 @p1 $0x1;
	p0 =	seq.s32 s7, s2  }
0x1e: {  	s7 =	smul.u32 @!p0 $0xF7A, s2;
	p2 =	seq.s32 @!p0 s5, $0x0  }
0x1f: {  	s9 =	smul.u32 $0xF7A, s1;
	s8 =	simm.s32 @!p0 $0x1BF5;
	p2 =	por !p2, p0  }
0x20: {  	[sflag:s8] =	ssyncset.s32 @!p0 $0xFFFFF086;
	s6 =	sadd.s32 @!p0 s3, s7;
	s7 =	simm.s32 @!p0 $0x108  }
0x21: {  	s3 =	sadd.s32 s3, s9;
	s6 =	sadd.s32 @!p0 $0x88, s6;
	s7 =	simm.s32 @p2 $0x1082  }
0x22: {  	[simem:s7], [sflag:s8] =	dma.local @!p0 [hbm:s6], $0xF7A  }
0x23: {  	s9 =	sor.u32 $0xD0000000, s2;
	s6 =	simm.s32 $0x108;
	_ =	swait.ge @!p0 [sflag:s8], $0x0  }
0x24: {  	s3 =	sadd.s32 $0x88, s3;
	s6 =	simm.s32 @!p1 $0x1082;
	[sflag:s4] =	ssyncset.s32 $0xFFFFF086  }
0x25: {  	[simem:s6], [sflag:s4] =	dma.local [hbm:s3], $0xF7A  }
0x26: {  	[smem:$0x3F94] =	sst s1;
	(tag) =	ssettag s2;
	_ =	strace s9  }
0x27: {  	s1 =	sld [smem:$0x3FA4]  }
0x28: {  	s2 =	sld [smem:$0x3FA5]  }
0x29: {  	s4 =	sld [smem:$0x3FA7]  }
0x2a: {  	p0 =	seq.s32 s5, $0x0;
	s5 =	sld [smem:$0x3FA8]  }
0x2b: {  	s6 =	sld [smem:$0x3FA9]  }
0x2c: {  	s7 =	sld [smem:$0x3FAA]  }
0x2d: {  	s3 =	simm.s32 $0x108;
	s8 =	sld [smem:$0x3FAB]  }
0x2e: {  	s3 =	simm.s32 @!p0 $0x1082;
	s9 =	sld [smem:$0x3FAC]  }
0x2f: {  	lr =	sadd.s32 s0, s3;
	s0 =	sld [smem:$0x3FA3]  }
0x30: {  	s3 =	sld [smem:$0x3FA6]  }
0x31: {  	[smem:$0x3FAF] =	sst s10  }
0x32: {  	s10 =	sld [smem:$0x3FAD];
	_ =	sdelay $0x3  }
0x33: {  	p0 =	seq.s32 s10, $0x1;
	s10 =	sld [smem:$0x3FAF];
	_ =	sdelay $0x3  }
0x34: {  	[smem:$0x3FAF] =	sst s10  }
0x35: {  	s10 =	sld [smem:$0x3FAE];
	_ =	sdelay $0x3  }
0x36: {  	p1 =	seq.s32 s10, $0x1;
	s10 =	sld [smem:$0x3FAF];
	_ =	sdelay $0x3  }
0x37: {  	[smem:$0x3FAF] =	sst s10  }
0x38: {  	s10 =	sld [smem:$0x3FB0]  }
0x39: {  	_ = 	snop;
	(pc) =	sbr.ind lr, $3  }
0x3a: {  	_ = 	snop  }
0x3b: {  	_ = 	snop  }
0x3c: {  	p2 =	seq.s32 s10, $0x1;
	s10 =	sld [smem:$0x3FAF]  }
0x3d: {  	_ =	shalt  }
0x3e: {  	_ =	shalt  }
0x3f: {  	_ =	shalt  }
0x40: {  	_ =	shalt  }
0x41: {  	_ =	shalt  }
0x42: {  	_ =	shalt  }
0x43: {  	_ =	shalt  }
0x44: {  	_ =	shalt  }
0x45: {  	_ =	shalt  }
0x46: {  	_ =	shalt  }
0x47: {  	_ =	shalt  }
0x48: {  	_ =	shalt  }
0x49: {  	_ =	shalt  }
0x4a: {  	_ =	shalt  }
0x4b: {  	_ =	shalt  }
0x4c: {  	_ =	shalt  }
0x4d: {  	_ =	shalt  }
0x4e: {  	_ =	shalt  }
0x4f: {  	_ =	shalt  }
0x50: {  	_ =	shalt  }
0x51: {  	_ =	shalt  }
0x52: {  	_ =	shalt  }
0x53: {  	_ =	shalt  }
0x54: {  	_ =	shalt  }
0x55: {  	_ =	shalt  }
0x56: {  	_ =	shalt  }
0x57: {  	_ =	shalt  }
0x58: {  	_ =	shalt  }
0x59: {  	_ =	shalt  }
0x5a: {  	_ =	shalt  }
0x5b: {  	_ =	shalt  }
0x5c: {  	_ =	shalt  }
0x5d: {  	_ =	shalt  }
0x5e: {  	_ =	shalt  }
0x5f: {  	_ =	shalt  }
0x60: {  	_ =	shalt  }
0x61: {  	_ =	shalt  }
0x62: {  	_ =	shalt  }
0x63: {  	_ =	shalt  }
0x64: {  	_ =	shalt  }
0x65: {  	_ =	shalt  }
0x66: {  	_ =	shalt  }
0x67: {  	_ =	shalt  }
0x68: {  	_ =	shalt  }
0x69: {  	_ =	shalt  }
0x6a: {  	_ =	shalt  }
0x6b: {  	_ =	shalt  }
0x6c: {  	_ =	shalt  }
0x6d: {  	_ =	shalt  }
0x6e: {  	_ =	shalt  }
0x6f: {  	_ =	shalt  }
0x70: {  	_ =	shalt  }
0x71: {  	_ =	shalt  }
0x72: {  	_ =	shalt  }
0x73: {  	_ =	shalt  }
0x74: {  	_ =	shalt  }
0x75: {  	_ =	shalt  }
0x76: {  	_ =	shalt  }
0x77: {  	_ =	shalt  }
0x78: {  	_ =	shalt  }
0x79: {  	_ =	shalt  }
0x7a: {  	_ =	shalt  }
0x7b: {  	_ =	shalt  }
0x7c: {  	_ =	shalt  }
0x7d: {  	_ =	shalt  }
0x7e: {  	_ =	shalt  }
0x7f: {  	_ =	shalt  }
0x80: {  	_ =	shalt  }
0x81: {  	_ =	shalt  }
0x82: {  	_ =	shalt  }
0x83: {  	_ =	shalt  }
0x84: {  	_ =	shalt  }
0x85: {  	_ =	shalt  }
0x86: {  	_ =	shalt  }
0x87: {  	_ =	shalt  }
.Lfunc_end0:
.L_simem_size_0:
called_computation.1_lowered:
.L_overlay_start_0:
0x88: {  	s2 =	sld [smem:$0x3FD9]  }
0x89: {  	s3 =	sld [smem:$0x3FFE];
	_ =	sdelay $0x1  }
0x8a: {  	s1 =	srdreg.scid  }
0x8b: {  	s0 =	sand.u32 $0x1, s1  }
0x8c: {  	s17 =	sshll.u32 s0, $0xA;
	s2 =	sadd.s32 s3, s2  }
0x8d: {  	s2 =	sadd.s32 s2, s17  }
0x8e: {  	[smem:$0x3FBB] =	sst s2  }
0x8f: {  	_ = 	snop  }
0x90: {  	s2 =	sld [smem:$0x3FD0];
	(tm) =	ssettm $0x1  }
0x91: {  	s18 =	sld [smem:$0x3FFB];
	_ =	sdelay $0x3  }
0x92: {  	_ =	strace s18  }
0x93: {  	s3 =	sld [smem:$0x3FFC];
	_ =	sdelay $0x3  }
0x94: {  	_ =	strace s3  }
0x95: {  	s3 =	sld [smem:$0x3FFD];
	_ =	sdelay $0x3  }
0x96: {  	_ =	strace s3  }
0x97: {  	_ =	strace $0x8FFFFFFF  }
0x98: {  	s19 =	sld [smem:$0x3FDB];
	_ =	sdelay $0x1  }
0x99: {  	s4 =	simm.s32 $_scs_section_size  }
0x9a: {  	s5 =	simm.s32 $_size__tile_overlayer_lowered;
	s6 =	simm.s32 $_tile_overlayer_lowered  }
0x9b: {  	s22 =	simm.s32 $0x1BFF;
	s21 =	sshll.u32 s6, $0x1;
	s3 =	sadd.s32 s4, s19  }
0x9c: {  	s7 =	simm.s32 $0x0;
	s20 =	sshll.u32 s5, $0x1;
	s5 =	sadd.s32 s21, s3  }
0x9d: {  	[timem:s7], [sflag:s22] =	dma.local [hbm:s5], s20  }
0x9e: {  	_ =	swait.ge [sflag:s22], s20  }
0x9f: {  	s4 =	ssub.s32 $0x0, s20;
	[sflag:s22] =	ssyncset.done $0x0  }
0xa0: {  	[sflag:s22] =	ssyncadd.s32 s4;
	_ =	sdelay $0x1  }
0xa1: {  	s23 =	simm.s32 $0x1B8B  }
0xa2: {  	_ =	swait.ge [sflag:s23], $0x1  }
0xa3: {  	[sflag:s23] =	ssyncset.done $0x0  }
0xa4: {  	s25 =	simm.s32 $0x1B8E;
	s24 =	sld [smem:$0x3FFE];
	[sflag:s23] =	ssyncadd.s32 $0xFFFFFFFF  }
0xa5: {  	s26 =	simm.s32 $execute0_lowered;
	[smem:$0x3FD2] =	sst s25  }
0xa6: {  	s5 =	sshll.u32 s26, $0x1;
	_ =	strace $0x80000049;
	[dreg:$0x1] =	wrdreg $0xFFFFFFFF  }
0xa7: {  	s28 =	simm.s32 $_size_execute0_lowered;
	s3 =	sadd.s32 s3, s5;
	[dreg:$0x0] =	wrdreg $0x0  }
0xa8: {  	s5 =	sshll.u32 s28, $0x1;
	[dreg:$0x2] =	wrdreg s3  }
0xa9: {  	[dreg:$0x3] =	wrdreg s5  }
0xaa: {  	[dreg:$0x4] =	wrdreg $0xC0  }
0xab: {  	_ =	task [dreg:s7], $0x5FFFF  }
0xac: {  	[dreg:$0x1] =	wrdreg $0xFFFFFFFF  }
0xad: {  	[dreg:$0x0] =	wrdreg $0x60  }
0xae: {  	[dreg:$0x2] =	wrdreg s24  }
0xaf: {  	[dreg:$0x3] =	wrdreg s2  }
0xb0: {  	[dreg:$0x4] =	wrdreg $0xA8000  }
0xb1: {  	[dreg:$0x5] =	wrdreg $0x9  }
0xb2: {  	_ =	task.clear_ibuf [dreg:s7], $0x6FFFF;
	_ =	strace $0x90000049  }
0xb3: {  	s29 =	simm.s32 $0x9;
	_ =	strace $0x8000004B  }
0xb4: {  	_ =	swait.ge [sflag:s29], $0x1  }
0xb5: {  	[sflag:s29] =	ssyncadd.s32 $0xFFFFFFFF  }
0xb6: {  	_ =	strace $0x9000004B  }
0xb7: {  	_ =	sfence  }
0xb8: {  	s30 =	sld [smem:$0x0];
	_ =	sdelay $0x2  }
0xb9: {  	s31 =	sshll.u32 s1, $0xD;
	s1 =	sshrl.u32 s1, $0x2  }
0xba: {  	s3 =	sand.u32 $0x4000, s31;
	s1 =	sadd.s32 s1, s30  }
0xbb: {  	s0 =	sor.u32 s3, s0;
	s1 =	sshll.u32 s1, $0x11  }
0xbc: {  	s0 =	sor.u32 s1, s0  }
0xbd: {  	s0 =	sadd.s32 $0x8F2B, s0  }
0xbe: {  	[sflag:s0] =	ssyncadd.remote.s32 $0x1  }
0xbf: {  	_ =	sfence.sel $0xFFFF  }
0xc0: {  	[dreg:$0x0] =	wrdreg $0xFFFFFFFF;
	(pc) =	sbr.abs _section_cstart, $3  }
0xc1: {  	[dreg:$0x1] =	wrdreg $0xFFFFFFFF  }
0xc2: {  	_ =	task.clear_ibuf [dreg:s7], $0x2FFFF;
	_ =	strace $0x9FFFFFFF  }
0xc3: {  	(tm) =	ssettm $0x7FFFFFFF  }
tec
execute0_lowered:
.L_overlay_start_1:
0x0: {  	(tag) =	ssettag $0x1  }
0x1: {  	s0 =	rddreg [dreg:$0x0]  }
0x2: {  	s2 =	rddreg [dreg:$0x1]  }
0x3: {  	s1 =	rddreg [dreg:$0x2]  }
0x4: {  	s3 =	srdreg.scid;
	s9 =	stileid.u32  }
0x5: {  	s16 =	simm.s32 $0x2800;
	s17 =	simm.s32 $0x5;
	s18 =	simm.s32 $0x1400  }
0x6: {  	s19 =	simm.s32 $0x80;
	s20 =	simm.s32 $0x1;
	s21 =	simm.s32 $0x6800  }
0x7: {  	s22 =	simm.s32 $0x2;
	s23 =	simm.s32 $0x1480;
	s28 =	simm.s32 $0x2700  }
0x8: {  	s29 =	simm.s32 $0x1380;
	s30 =	simm.s32 $0x2780;
	s7 =	smul.u32 $0x13C00, s9  }
0x9: {  	s31 =	simm.s32 $0x0;
	s5 =	sand.u32 $0x1, s3;
	s8 =	smul.u32 $0x4F000, s9  }
0xa: {  	s3 =	simm.s32 $0x0;
	s4 =	sadd.s32 $0x3800, s0;
	s6 =	smul.u32 $0x13C000, s5  }
0xb: {  	[smem:$0x7FF] =	sst s3;
	s24 =	sshll.u32 s5, $0x4;
	s5 =	ssub.s32 $0x2, s5  }
0xc: {  	s13 =	sadd.s32 $0x2B000, s0;
	_ =	strace $0x8000004A;
	s25 =	sshrl.u32 s5, $0x1  }
0xd: {  	s8 =	sshrl.u32 s8, $0x2;
	s6 =	sadd.s32 s7, s6;
	s7 =	sor.u32 s9, s24  }
0xe: {  	s15 =	ssub.s32 s5, s25;
	s5 =	sadd.s32 s8, s1;
	s24 =	simm.s32 $0x3  }
0xf: {  	s25 =	simm.s32 $0x100;
	s6 =	sshrl.u32 s6, $0x3;
	s10 =	smul.u32 $0x2800, s7  }
0x10: {  	s26 =	sadd.s32 $0x4000, s5;
	s7 =	sadd.s32 $0x8000, s5;
	s8 =	sadd.s32 $0xC000, s5  }
0x11: {  	s9 =	sadd.s32 $0x10000, s5;
	s15 =	smax.u32 s15, $0x1;
	s0 =	sadd.s32 s6, s0  }
0x12: {  	[dreg:$0x4] =	wrdreg s26;
	s26 =	simm.s32 $0x4;
	s11 =	sshrl.u32 s10, $0x3  }
0x13: {  	s14 =	sadd.s32 $0x280, s11;
	s10 =	sadd.s32 s2, s11;
	s11 =	sadd.s32 s13, s11  }
0x14: {  	v0 =	vimm.f32 $0.0e+00;
	s12 =	sadd.s32 s2, s14;
	s13 =	sadd.s32 s13, s14;
	s14 =	sadd.s32 $0x35000, s0  }
.LBB2_1:
0x15: {  	s0 =	simm.s32 $0x0;
	s2 =	simm.s32 $0x200  }
.LBB2_2:
0x16: {  	p0 =	sne.s32 s2, $0xFE00;
	[tilespmem:s0+$0x2870] =	vst v0  }
0x17: {  	[tilespmem:s0+$0x2800] =	vst v0  }
0x18: {  	[tilespmem:s0+$0x2810] =	vst v0  }
.Ltmp0:
0x19: {  	[tilespmem:s0+$0x2820] =	vst v0;
	(pc) =	sbr.rel @p0 .LBB2_2-.Ltmp0, $4  }
0x1a: {  	[tilespmem:s0+$0x2830] =	vst v0  }
0x1b: {  	[tilespmem:s0+$0x2840] =	vst v0  }
0x1c: {  	[tilespmem:s0+$0x2850] =	vst v0  }
0x1d: {  	[tilespmem:s0+$0x2860] =	vst v0;
	s0 =	sshra.s32 s2, $0x2;
	s2 =	sadd.s32 $0x200, s2  }
0x1e: {  	[tilespmem:s0+$0x2870] =	vst v0  }
0x1f: {  	[tilespmem:s0+$0x2800] =	vst v0  }
0x20: {  	[tilespmem:s0+$0x2810] =	vst v0  }
0x21: {  	[tilespmem:s0+$0x2820] =	vst v0  }
0x22: {  	[tilespmem:s0+$0x2830] =	vst v0  }
0x23: {  	[tilespmem:s0+$0x2840] =	vst v0  }
0x24: {  	[tilespmem:s0+$0x2850] =	vst v0  }
0x25: {  	[tilespmem:s0+$0x2860] =	vst v0  }
0x26: {  	[spmem:s5] =	stream.linear.scatter [tilespmem:s16], [sflag:$0x5], $0x4000, $0x38;
	[tilespmem:$0x1E400] =	vst v63  }
0x27: {  	_ =	swait.ge [sflag:s17], $0x4000  }
0x28: {  	[sflag:s17] =	ssyncset.done $0x0  }
0x29: {  	s2 =	rddreg [dreg:$0x4];
	[sflag:s17] =	ssyncadd.s32 $0xFFFFC000  }
0x2a: {  	[spmem:s2] =	stream.linear.scatter [tilespmem:s16], [sflag:$0x5], $0x4000, $0x38;
	[tilespmem:$0x1E400] =	vst v63  }
0x2b: {  	_ =	swait.ge [sflag:s17], $0x4000  }
0x2c: {  	[sflag:s17] =	ssyncset.done $0x0  }
0x2d: {  	[sflag:s17] =	ssyncadd.s32 $0xFFFFC000  }
0x2e: {  	[spmem:s7] =	stream.linear.scatter [tilespmem:s16], [sflag:$0x5], $0x4000, $0x38;
	[tilespmem:$0x1E400] =	vst v63  }
0x2f: {  	_ =	swait.ge [sflag:s17], $0x4000  }
0x30: {  	[sflag:s17] =	ssyncset.done $0x0  }
0x31: {  	[sflag:s17] =	ssyncadd.s32 $0xFFFFC000  }
0x32: {  	[spmem:s8] =	stream.linear.scatter [tilespmem:s16], [sflag:$0x5], $0x4000, $0x38;
	[tilespmem:$0x1E400] =	vst v63  }
0x33: {  	_ =	swait.ge [sflag:s17], $0x4000  }
0x34: {  	[sflag:s17] =	ssyncset.done $0x0  }
0x35: {  	[sflag:s17] =	ssyncadd.s32 $0xFFFFC000  }
0x36: {  	[spmem:s9] =	stream.linear.scatter [tilespmem:s16], [sflag:$0x5], $0x3C00, $0x38;
	[tilespmem:$0x1E400] =	vst v63  }
0x37: {  	_ =	swait.ge [sflag:s17], $0x3C00  }
0x38: {  	[sflag:s17] =	ssyncset.done $0x0  }
0x39: {  	[sflag:s17] =	ssyncadd.s32 $0xFFFFC400  }
0x3a: {  	[bflag:$0x0] =	sbarrier.arrive $0xFFFF  }
0x3b: {  	[tilespmem:s3], [sflag:$0x5] =	stream.linear.gather [hbm4b:s10+s3], $0x1400, $0x38;
	[tilespmem:$0x1E400] =	vst v63  }
0x3c: {  	_ =	swait.ge [sflag:s17], $0x1400  }
0x3d: {  	[sflag:s17] =	ssyncset.done $0x0  }
0x3e: {  	[sflag:s17] =	ssyncadd.s32 $0xFFFFEC00  }
0x3f: {  	[tilespmem:s18], [sflag:$0x5] =	stream.linear.gather [hbm4b:s11+s3], $0x1400, $0x38;
	[tilespmem:$0x1E400] =	vst v63  }
0x40: {  	_ =	swait.ge [sflag:s17], $0x1400  }
0x41: {  	[sflag:s17] =	ssyncset.done $0x0  }
0x42: {  	[sflag:s17] =	ssyncadd.s32 $0xFFFFEC00  }
0x43: {  	[tilespmem:s16], [sflag:$0x1] =	stream.indirect.gather [hbm4b:s4+s19], $0x80, s3, s19, $0xb8;
	[tilespmem:$0x1E400] =	vst v63  }
0x44: {  	_ =	swait.ge [sflag:s20], $0x4000  }
0x45: {  	[sflag:s20] =	ssyncset.done $0x0  }
0x46: {  	[sflag:s20] =	ssyncadd.s32 $0xFFFFC000  }
0x47: {  	[spmem:s1] =	stream.indirect.scatter.add.f32 [tilespmem:s16], [sflag:$0x3], $0x80, s18, s19, $0xb8;
	[tilespmem:$0x1E400] =	vst v63  }
0x48: {  	_ = 	snop  }
0x49: {  	[tilespmem:s21], [sflag:$0x2] =	stream.indirect.gather [hbm4b:s4+s19], $0x80, s19, s19, $0xb8;
	[tilespmem:$0x1E400] =	vst v63  }
0x4a: {  	_ =	swait.ge [sflag:s22], $0x4000  }
0x4b: {  	[sflag:s22] =	ssyncset.done $0x0  }
0x4c: {  	[sflag:s22] =	ssyncadd.s32 $0xFFFFC000  }
0x4d: {  	[spmem:s1] =	stream.indirect.scatter.add.f32 [tilespmem:s21], [sflag:$0x4], $0x80, s23, s19, $0xb8;
	[tilespmem:$0x1E400] =	vst v63  }
0x4e: {  	_ =	swait.ge [sflag:s24], $0x4000  }
0x4f: {  	[sflag:s24] =	ssyncset.done $0x0  }
0x50: {  	[sflag:s24] =	ssyncadd.s32 $0xFFFFC000  }
0x51: {  	[tilespmem:s16], [sflag:$0x1] =	stream.indirect.gather [hbm4b:s4+s19], $0x80, s25, s19, $0xb8;
	[tilespmem:$0x1E400] =	vst v63  }
0x52: {  	_ =	swait.ge [sflag:s20], $0x4000  }
0x53: {  	[sflag:s20] =	ssyncset.done $0x0  }
0x54: {  	s6 =	simm.s32 $0x1500;
	[sflag:s20] =	ssyncadd.s32 $0xFFFFC000  }
0x55: {  	[spmem:s1] =	stream.indirect.scatter.add.f32 [tilespmem:s16], [sflag:$0x3], $0x80, s6, s19, $0xb8;
	[tilespmem:$0x1E400] =	vst v63  }
0x56: {  	_ =	swait.ge [sflag:s26], $0x4000  }
0x57: {  	[sflag:s26] =	ssyncset.done $0x0  }
0x58: {  	s2 =	simm.s32 $0x180;
	[sflag:s26] =	ssyncadd.s32 $0xFFFFC000  }
0x59: {  	[tilespmem:s21], [sflag:$0x2] =	stream.indirect.gather [hbm4b:s4+s19], $0x80, s2, s19, $0xb8;
	[tilespmem:$0x1E400] =	vst v63  }
0x5a: {  	_ =	swait.ge [sflag:s22], $0x4000  }
0x5b: {  	[sflag:s22] =	ssyncset.done $0x0  }
0x5c: {  	s6 =	simm.s32 $0x1580;
	[sflag:s22] =	ssyncadd.s32 $0xFFFFC000  }
0x5d: {  	[spmem:s1] =	stream.indirect.scatter.add.f32 [tilespmem:s21], [sflag:$0x4], $0x80, s6, s19, $0xb8;
	[tilespmem:$0x1E400] =	vst v63  }
0x5e: {  	_ =	swait.ge [sflag:s24], $0x4000  }
0x5f: {  	[sflag:s24] =	ssyncset.done $0x0  }
0x60: {  	s0 =	simm.s32 $0xFFFFBC00;
	s2 =	simm.s32 $0x200;
	[sflag:s24] =	ssyncadd.s32 $0xFFFFC000  }
.LBB2_4:
0x61: {  	[tilespmem:s16], [sflag:$0x1] =	stream.indirect.gather [hbm4b:s4+s19], $0x80, s2, s19, $0xb8;
	[tilespmem:$0x1E400] =	vst v63  }
0x62: {  	s2 =	smov.u32 s0  }
0x63: {  	p0 =	sne.s32 s0, $0xFFFFFC00;
	s0 =	sadd.s32 $0x400, s0;
	_ =	swait.ge [sflag:s20], $0x4000  }
0x64: {  	s2 =	sshra.s32 s2, $0x2;
	[sflag:s20] =	ssyncset.done $0x0  }
0x65: {  	s6 =	sadd.s32 $0x2700, s2;
	[sflag:s20] =	ssyncadd.s32 $0xFFFFC000  }
0x66: {  	[spmem:s1] =	stream.indirect.scatter.add.f32 [tilespmem:s16], [sflag:$0x3], $0x80, s6, s19, $0xb8;
	[tilespmem:$0x1E400] =	vst v63  }
0x67: {  	_ =	swait.ge [sflag:s26], $0x4000  }
0x68: {  	[sflag:s26] =	ssyncset.done $0x0  }
0x69: {  	s6 =	sadd.s32 $0x1380, s2;
	[sflag:s26] =	ssyncadd.s32 $0xFFFFC000  }
0x6a: {  	[tilespmem:s21], [sflag:$0x2] =	stream.indirect.gather [hbm4b:s4+s19], $0x80, s6, s19, $0xb8;
	[tilespmem:$0x1E400] =	vst v63  }
0x6b: {  	_ =	swait.ge [sflag:s22], $0x4000  }
0x6c: {  	[sflag:s22] =	ssyncset.done $0x0  }
.Ltmp1:
0x6d: {  	s6 =	sadd.s32 $0x2780, s2;
	[sflag:s22] =	ssyncadd.s32 $0xFFFFC000;
	(pc) =	sbr.rel @p0 .LBB2_4-.Ltmp1, $4  }
0x6e: {  	[spmem:s1] =	stream.indirect.scatter.add.f32 [tilespmem:s21], [sflag:$0x4], $0x80, s6, s19, $0xb8;
	[tilespmem:$0x1E400] =	vst v63  }
0x6f: {  	_ =	swait.ge [sflag:s24], $0x4000  }
0x70: {  	[sflag:s24] =	ssyncset.done $0x0  }
0x71: {  	s2 =	sadd.s32 $0x1400, s2;
	[sflag:s24] =	ssyncadd.s32 $0xFFFFC000  }
0x72: {  	[tilespmem:s16], [sflag:$0x1] =	stream.indirect.gather [hbm4b:s4+s19], $0x80, s2, s19, $0xb8;
	[tilespmem:$0x1E400] =	vst v63  }
0x73: {  	_ =	swait.ge [sflag:s20], $0x4000  }
0x74: {  	[sflag:s20] =	ssyncset.done $0x0  }
0x75: {  	[sflag:s20] =	ssyncadd.s32 $0xFFFFC000  }
0x76: {  	[spmem:s1] =	stream.indirect.scatter.add.f32 [tilespmem:s16], [sflag:$0x3], $0x80, s28, s19, $0xb8;
	[tilespmem:$0x1E400] =	vst v63  }
0x77: {  	_ =	swait.ge [sflag:s26], $0x4000  }
0x78: {  	[sflag:s26] =	ssyncset.done $0x0  }
0x79: {  	[sflag:s26] =	ssyncadd.s32 $0xFFFFC000  }
0x7a: {  	[tilespmem:s21], [sflag:$0x2] =	stream.indirect.gather [hbm4b:s4+s19], $0x80, s29, s19, $0xb8;
	[tilespmem:$0x1E400] =	vst v63  }
0x7b: {  	_ =	swait.ge [sflag:s22], $0x4000  }
0x7c: {  	[sflag:s22] =	ssyncset.done $0x0  }
0x7d: {  	[sflag:s22] =	ssyncadd.s32 $0xFFFFC000  }
0x7e: {  	[spmem:s1] =	stream.indirect.scatter.add.f32 [tilespmem:s21], [sflag:$0x4], $0x80, s30, s19, $0xb8;
	[tilespmem:$0x1E400] =	vst v63  }
0x7f: {  	_ =	swait.ge [sflag:s24], $0x4000  }
0x80: {  	[sflag:s24] =	ssyncset.done $0x0  }
0x81: {  	[sflag:s24] =	ssyncadd.s32 $0xFFFFC000  }
0x82: {  	_ =	swait.ge [sflag:s26], $0x4000  }
0x83: {  	[sflag:s26] =	ssyncset.done $0x0  }
0x84: {  	[sflag:s26] =	ssyncadd.s32 $0xFFFFC000  }
0x85: {  	[tilespmem:s3], [sflag:$0x5] =	stream.linear.gather [hbm4b:s12+s3], $0x1400, $0x38;
	[tilespmem:$0x1E400] =	vst v63  }
0x86: {  	_ =	swait.ge [sflag:s17], $0x1400  }
0x87: {  	[sflag:s17] =	ssyncset.done $0x0  }
0x88: {  	[sflag:s17] =	ssyncadd.s32 $0xFFFFEC00  }
0x89: {  	[tilespmem:s18], [sflag:$0x5] =	stream.linear.gather [hbm4b:s13+s3], $0x1400, $0x38;
	[tilespmem:$0x1E400] =	vst v63  }
0x8a: {  	_ =	swait.ge [sflag:s17], $0x1400  }
0x8b: {  	[sflag:s17] =	ssyncset.done $0x0  }
0x8c: {  	[sflag:s17] =	ssyncadd.s32 $0xFFFFEC00  }
0x8d: {  	[tilespmem:s16], [sflag:$0x1] =	stream.indirect.gather [hbm4b:s4+s19], $0x80, s3, s19, $0xb8;
	[tilespmem:$0x1E400] =	vst v63  }
0x8e: {  	_ =	swait.ge [sflag:s20], $0x4000  }
0x8f: {  	[sflag:s20] =	ssyncset.done $0x0  }
0x90: {  	[sflag:s20] =	ssyncadd.s32 $0xFFFFC000  }
0x91: {  	[spmem:s1] =	stream.indirect.scatter.add.f32 [tilespmem:s16], [sflag:$0x3], $0x80, s18, s19, $0xb8;
	[tilespmem:$0x1E400] =	vst v63  }
0x92: {  	_ = 	snop  }
0x93: {  	[tilespmem:s21], [sflag:$0x2] =	stream.indirect.gather [hbm4b:s4+s19], $0x80, s19, s19, $0xb8;
	[tilespmem:$0x1E400] =	vst v63  }
0x94: {  	_ =	swait.ge [sflag:s22], $0x4000  }
0x95: {  	[sflag:s22] =	ssyncset.done $0x0  }
0x96: {  	[sflag:s22] =	ssyncadd.s32 $0xFFFFC000  }
0x97: {  	[spmem:s1] =	stream.indirect.scatter.add.f32 [tilespmem:s21], [sflag:$0x4], $0x80, s23, s19, $0xb8;
	[tilespmem:$0x1E400] =	vst v63  }
0x98: {  	_ =	swait.ge [sflag:s24], $0x4000  }
0x99: {  	[sflag:s24] =	ssyncset.done $0x0  }
0x9a: {  	[sflag:s24] =	ssyncadd.s32 $0xFFFFC000  }
0x9b: {  	[tilespmem:s16], [sflag:$0x1] =	stream.indirect.gather [hbm4b:s4+s19], $0x80, s25, s19, $0xb8;
	[tilespmem:$0x1E400] =	vst v63  }
0x9c: {  	_ =	swait.ge [sflag:s20], $0x4000  }
0x9d: {  	[sflag:s20] =	ssyncset.done $0x0  }
0x9e: {  	s0 =	simm.s32 $0x1500;
	[sflag:s20] =	ssyncadd.s32 $0xFFFFC000  }
0x9f: {  	[spmem:s1] =	stream.indirect.scatter.add.f32 [tilespmem:s16], [sflag:$0x3], $0x80, s0, s19, $0xb8;
	[tilespmem:$0x1E400] =	vst v63  }
0xa0: {  	_ =	swait.ge [sflag:s26], $0x4000  }
0xa1: {  	[sflag:s26] =	ssyncset.done $0x0  }
0xa2: {  	s2 =	simm.s32 $0x180;
	[sflag:s26] =	ssyncadd.s32 $0xFFFFC000  }
0xa3: {  	[tilespmem:s21], [sflag:$0x2] =	stream.indirect.gather [hbm4b:s4+s19], $0x80, s2, s19, $0xb8;
	[tilespmem:$0x1E400] =	vst v63  }
0xa4: {  	_ =	swait.ge [sflag:s22], $0x4000  }
0xa5: {  	[sflag:s22] =	ssyncset.done $0x0  }
0xa6: {  	s6 =	simm.s32 $0x1580;
	[sflag:s22] =	ssyncadd.s32 $0xFFFFC000  }
0xa7: {  	[spmem:s1] =	stream.indirect.scatter.add.f32 [tilespmem:s21], [sflag:$0x4], $0x80, s6, s19, $0xb8;
	[tilespmem:$0x1E400] =	vst v63  }
0xa8: {  	_ =	swait.ge [sflag:s24], $0x4000  }
0xa9: {  	[sflag:s24] =	ssyncset.done $0x0  }
0xaa: {  	s0 =	simm.s32 $0xFFFFBC00;
	s2 =	simm.s32 $0x200;
	[sflag:s24] =	ssyncadd.s32 $0xFFFFC000  }
.LBB2_6:
0xab: {  	[tilespmem:s16], [sflag:$0x1] =	stream.indirect.gather [hbm4b:s4+s19], $0x80, s2, s19, $0xb8;
	[tilespmem:$0x1E400] =	vst v63  }
0xac: {  	s2 =	smov.u32 s0  }
0xad: {  	p0 =	sne.s32 s0, $0xFFFFFC00;
	s0 =	sadd.s32 $0x400, s0;
	_ =	swait.ge [sflag:s20], $0x4000  }
0xae: {  	s2 =	sshra.s32 s2, $0x2;
	[sflag:s20] =	ssyncset.done $0x0  }
0xaf: {  	s6 =	sadd.s32 $0x2700, s2;
	[sflag:s20] =	ssyncadd.s32 $0xFFFFC000  }
0xb0: {  	[spmem:s1] =	stream.indirect.scatter.add.f32 [tilespmem:s16], [sflag:$0x3], $0x80, s6, s19, $0xb8;
	[tilespmem:$0x1E400] =	vst v63  }
0xb1: {  	_ =	swait.ge [sflag:s26], $0x4000  }
0xb2: {  	[sflag:s26] =	ssyncset.done $0x0  }
0xb3: {  	s6 =	sadd.s32 $0x1380, s2;
	[sflag:s26] =	ssyncadd.s32 $0xFFFFC000  }
0xb4: {  	[tilespmem:s21], [sflag:$0x2] =	stream.indirect.gather [hbm4b:s4+s19], $0x80, s6, s19, $0xb8;
	[tilespmem:$0x1E400] =	vst v63  }
0xb5: {  	_ =	swait.ge [sflag:s22], $0x4000  }
0xb6: {  	[sflag:s22] =	ssyncset.done $0x0  }
.Ltmp2:
0xb7: {  	s6 =	sadd.s32 $0x2780, s2;
	[sflag:s22] =	ssyncadd.s32 $0xFFFFC000;
	(pc) =	sbr.rel @p0 .LBB2_6-.Ltmp2, $4  }
0xb8: {  	[spmem:s1] =	stream.indirect.scatter.add.f32 [tilespmem:s21], [sflag:$0x4], $0x80, s6, s19, $0xb8;
	[tilespmem:$0x1E400] =	vst v63  }
0xb9: {  	_ =	swait.ge [sflag:s24], $0x4000  }
0xba: {  	[sflag:s24] =	ssyncset.done $0x0  }
0xbb: {  	s2 =	sadd.s32 $0x1400, s2;
	[sflag:s24] =	ssyncadd.s32 $0xFFFFC000  }
0xbc: {  	[tilespmem:s16], [sflag:$0x1] =	stream.indirect.gather [hbm4b:s4+s19], $0x80, s2, s19, $0xb8;
	[tilespmem:$0x1E400] =	vst v63  }
0xbd: {  	_ =	swait.ge [sflag:s20], $0x4000  }
0xbe: {  	[sflag:s20] =	ssyncset.done $0x0  }
0xbf: {  	[sflag:s20] =	ssyncadd.s32 $0xFFFFC000  }
0xc0: {  	[spmem:s1] =	stream.indirect.scatter.add.f32 [tilespmem:s16], [sflag:$0x3], $0x80, s28, s19, $0xb8;
	[tilespmem:$0x1E400] =	vst v63  }
0xc1: {  	_ =	swait.ge [sflag:s26], $0x4000  }
0xc2: {  	[sflag:s26] =	ssyncset.done $0x0  }
0xc3: {  	[sflag:s26] =	ssyncadd.s32 $0xFFFFC000  }
0xc4: {  	[tilespmem:s21], [sflag:$0x2] =	stream.indirect.gather [hbm4b:s4+s19], $0x80, s29, s19, $0xb8;
	[tilespmem:$0x1E400] =	vst v63  }
0xc5: {  	_ =	swait.ge [sflag:s22], $0x4000  }
0xc6: {  	[sflag:s22] =	ssyncset.done $0x0  }
0xc7: {  	[sflag:s22] =	ssyncadd.s32 $0xFFFFC000  }
0xc8: {  	[spmem:s1] =	stream.indirect.scatter.add.f32 [tilespmem:s21], [sflag:$0x4], $0x80, s30, s19, $0xb8;
	[tilespmem:$0x1E400] =	vst v63  }
0xc9: {  	_ =	swait.ge [sflag:s24], $0x4000  }
0xca: {  	[sflag:s24] =	ssyncset.done $0x0  }
0xcb: {  	[sflag:s24] =	ssyncadd.s32 $0xFFFFC000  }
0xcc: {  	s0 =	stileid.u32;
	_ =	swait.ge [sflag:s26], $0x4000  }
0xcd: {  	s6 =	sshrl.u32 s5, $0x3;
	s31 =	sadd.s32 $0x1, s31;
	[sflag:s26] =	ssyncset.done $0x0  }
0xce: {  	s0 =	sshll.u32 s0, $0x6;
	p0 =	sne.s32 s31, s15;
	[sflag:s26] =	ssyncadd.s32 $0xFFFFC000  }
.Ltmp3:
0xcf: {  	s0 =	sor.u32 $0x1C05, s0;
	[bflag:$0x0] =	sbarrier.arrive $0xFFFF;
	(pc) =	sbr.rel @p0 .LBB2_1-.Ltmp3, $4  }
0xd0: {  	[hbm:s14], [sflag:s0] =	dma.local [spmem:s6], $0x2780  }
0xd1: {  	_ =	swait.ge [sflag:s17], $0x2780  }
0xd2: {  	[sflag:s17] =	ssyncset.done $0x0  }
0xd3: {  	[sflag:s17] =	ssyncadd.s32 $0xFFFFD880  }
0xd4: {  	_ =	sfence.sel $0x180000  }
0xd5: {  	[bflag:$0x0] =	sbarrier.arrive $0xFFFF  }
0xd6: {  	_ =	strace $0x9000004A  }
0xd7: {  	s0 =	stileid.u32;
	[bflag:$0x2] =	sbarrier.arrive $0xFFFF  }
0xd8: {  	p0 =	sne.s32 s0, $0x0;
	s0 =	rddreg [dreg:$0x3]  }
0xd9: {  	s0 =	sadd.s32 @!p0 $0x100000, s0  }
0xda: {  	[sflag:s0] =	ssyncadd.tile.s32 @!p0 $0x1;
	_ =	shalt  }
.Lfunc_end2:
_tile_overlayer_lowered:
.L_overlay_start_2:
0xdb: {  	(tag) =	ssettag $0x2  }
0xdc: {  	s0 =	rddreg [dreg:$0x0];
	s2 =	stileid.u32  }
0xdd: {  	s1 =	rddreg [dreg:$0x1];
	p0 =	sne.s32 s2, $0x0  }
0xde: {  	s3 =	rddreg [dreg:$0x2];
	[bflag:$0x3] =	sbarrier.arrive $0xFFFF;
	s2 =	simm.s32 @!p0 $0x1C05  }
0xdf: {  	[timem:s3], [sflag:s2] =	dma.local @!p0 [hbm:s0], s1  }
0xe0: {  	s0 =	simm.s32 @!p0 $0x5  }
0xe1: {  	_ =	swait.ge @!p0 [sflag:s0], s1  }
0xe2: {  	s1 =	ssub.s32 @!p0 $0x0, s1;
	[sflag:s0] =	ssyncset.done @!p0 $0x0  }
0xe3: {  	[sflag:s0] =	ssyncadd.s32 @!p0 s1  }
0xe4: {  	[bflag:$0x3] =	sbarrier.arrive $0xFFFF  }
0xe5: {  	_ =	shalt  }

// kernel: kernel.14.cloned.1.call-start
scs
__scs_entry_jumppad:
0x0: {  	(pc) =	sbr.rel $0x88, $3  }
0x1: {  	(tag) =	ssettag $0x0;
	lr =	simm.s32 $0x1  }
0x2: {  	[smem:$0x3F94] =	sst lr;
	_ =	strace $0xD0000000  }
0x3: {  	_ = 	snop  }
0x4: {  	_ = 	snop  }
0x5: {  	_ = 	snop  }
0x6: {  	_ = 	snop  }
0x7: {  	_ = 	snop  }
__scs_overlays_trampoline_lowered:
0x8: {  	[smem:$0x3FA3] =	sst s0  }
0x9: {  	[smem:$0x3FA4] =	sst s1  }
0xa: {  	[smem:$0x3FA5] =	sst s2  }
0xb: {  	[smem:$0x3FA6] =	sst s3  }
0xc: {  	[smem:$0x3FA7] =	sst s4  }
0xd: {  	[smem:$0x3FA8] =	sst s5  }
0xe: {  	[smem:$0x3FA9] =	sst s6  }
0xf: {  	[smem:$0x3FAA] =	sst s7  }
0x10: {  	[smem:$0x3FAB] =	sst s8  }
0x11: {  	[smem:$0x3FAC] =	sst s9;
	s0 =	simm.s32 @!p0 $0x0  }
0x12: {  	s1 =	sld [smem:$0x3F92];
	s0 =	simm.s32 @p0 $0x1  }
0x13: {  	[smem:$0x3FAD] =	sst s0;
	s0 =	simm.s32 @!p1 $0x0  }
0x14: {  	s2 =	sld [smem:$0x3F91];
	s0 =	simm.s32 @p1 $0x1  }
0x15: {  	[smem:$0x3FAE] =	sst s0;
	s0 =	simm.s32 @!p2 $0x0  }
0x16: {  	s3 =	sld [smem:$0x3FDB];
	s0 =	simm.s32 @p2 $0x1  }
0x17: {  	s4 =	simm.s32 $0x1BF5;
	[smem:$0x3FB0] =	sst s0  }
0x18: {  	s0 =	sld [smem:$0x3F93];
	_ =	swait.ge [sflag:s4], $0x0  }
0x19: {  	s7 =	sld [smem:$0x3F94]  }
0x1a: {  	s8 =	sadd.s32 $0xFFFFE003, lr  }
0x1b: {  	s9 =	sadd.s32 $0xFFFFFEF7, lr;
	s5 =	simm.s32 $0xFFFFFFFF;
	p2 =	slt.u32 s8, $0xFFFFF086  }
0x1c: {  	p1 =	slt.u32 s9, $0xF7A;
	s5 =	simm.s32 @!p2 $0x0  }
0x1d: {  	s5 =	simm.s32 @p1 $0x1;
	p0 =	seq.s32 s7, s2  }
0x1e: {  	s7 =	smul.u32 @!p0 $0xF7A, s2;
	p2 =	seq.s32 @!p0 s5, $0x0  }
0x1f: {  	s9 =	smul.u32 $0xF7A, s1;
	s8 =	simm.s32 @!p0 $0x1BF5;
	p2 =	por !p2, p0  }
0x20: {  	[sflag:s8] =	ssyncset.s32 @!p0 $0xFFFFF086;
	s6 =	sadd.s32 @!p0 s3, s7;
	s7 =	simm.s32 @!p0 $0x108  }
0x21: {  	s3 =	sadd.s32 s3, s9;
	s6 =	sadd.s32 @!p0 $0x88, s6;
	s7 =	simm.s32 @p2 $0x1082  }
0x22: {  	[simem:s7], [sflag:s8] =	dma.local @!p0 [hbm:s6], $0xF7A  }
0x23: {  	s9 =	sor.u32 $0xD0000000, s2;
	s6 =	simm.s32 $0x108;
	_ =	swait.ge @!p0 [sflag:s8], $0x0  }
0x24: {  	s3 =	sadd.s32 $0x88, s3;
	s6 =	simm.s32 @!p1 $0x1082;
	[sflag:s4] =	ssyncset.s32 $0xFFFFF086  }
0x25: {  	[simem:s6], [sflag:s4] =	dma.local [hbm:s3], $0xF7A  }
0x26: {  	[smem:$0x3F94] =	sst s1;
	(tag) =	ssettag s2;
	_ =	strace s9  }
0x27: {  	s1 =	sld [smem:$0x3FA4]  }
0x28: {  	s2 =	sld [smem:$0x3FA5]  }
0x29: {  	s4 =	sld [smem:$0x3FA7]  }
0x2a: {  	p0 =	seq.s32 s5, $0x0;
	s5 =	sld [smem:$0x3FA8]  }
0x2b: {  	s6 =	sld [smem:$0x3FA9]  }
0x2c: {  	s7 =	sld [smem:$0x3FAA]  }
0x2d: {  	s3 =	simm.s32 $0x108;
	s8 =	sld [smem:$0x3FAB]  }
0x2e: {  	s3 =	simm.s32 @!p0 $0x1082;
	s9 =	sld [smem:$0x3FAC]  }
0x2f: {  	lr =	sadd.s32 s0, s3;
	s0 =	sld [smem:$0x3FA3]  }
0x30: {  	s3 =	sld [smem:$0x3FA6]  }
0x31: {  	[smem:$0x3FAF] =	sst s10  }
0x32: {  	s10 =	sld [smem:$0x3FAD];
	_ =	sdelay $0x3  }
0x33: {  	p0 =	seq.s32 s10, $0x1;
	s10 =	sld [smem:$0x3FAF];
	_ =	sdelay $0x3  }
0x34: {  	[smem:$0x3FAF] =	sst s10  }
0x35: {  	s10 =	sld [smem:$0x3FAE];
	_ =	sdelay $0x3  }
0x36: {  	p1 =	seq.s32 s10, $0x1;
	s10 =	sld [smem:$0x3FAF];
	_ =	sdelay $0x3  }
0x37: {  	[smem:$0x3FAF] =	sst s10  }
0x38: {  	s10 =	sld [smem:$0x3FB0]  }
0x39: {  	_ = 	snop;
	(pc) =	sbr.ind lr, $3  }
0x3a: {  	_ = 	snop  }
0x3b: {  	_ = 	snop  }
0x3c: {  	p2 =	seq.s32 s10, $0x1;
	s10 =	sld [smem:$0x3FAF]  }
0x3d: {  	_ =	shalt  }
0x3e: {  	_ =	shalt  }
0x3f: {  	_ =	shalt  }
0x40: {  	_ =	shalt  }
0x41: {  	_ =	shalt  }
0x42: {  	_ =	shalt  }
0x43: {  	_ =	shalt  }
0x44: {  	_ =	shalt  }
0x45: {  	_ =	shalt  }
0x46: {  	_ =	shalt  }
0x47: {  	_ =	shalt  }
0x48: {  	_ =	shalt  }
0x49: {  	_ =	shalt  }
0x4a: {  	_ =	shalt  }
0x4b: {  	_ =	shalt  }
0x4c: {  	_ =	shalt  }
0x4d: {  	_ =	shalt  }
0x4e: {  	_ =	shalt  }
0x4f: {  	_ =	shalt  }
0x50: {  	_ =	shalt  }
0x51: {  	_ =	shalt  }
0x52: {  	_ =	shalt  }
0x53: {  	_ =	shalt  }
0x54: {  	_ =	shalt  }
0x55: {  	_ =	shalt  }
0x56: {  	_ =	shalt  }
0x57: {  	_ =	shalt  }
0x58: {  	_ =	shalt  }
0x59: {  	_ =	shalt  }
0x5a: {  	_ =	shalt  }
0x5b: {  	_ =	shalt  }
0x5c: {  	_ =	shalt  }
0x5d: {  	_ =	shalt  }
0x5e: {  	_ =	shalt  }
0x5f: {  	_ =	shalt  }
0x60: {  	_ =	shalt  }
0x61: {  	_ =	shalt  }
0x62: {  	_ =	shalt  }
0x63: {  	_ =	shalt  }
0x64: {  	_ =	shalt  }
0x65: {  	_ =	shalt  }
0x66: {  	_ =	shalt  }
0x67: {  	_ =	shalt  }
0x68: {  	_ =	shalt  }
0x69: {  	_ =	shalt  }
0x6a: {  	_ =	shalt  }
0x6b: {  	_ =	shalt  }
0x6c: {  	_ =	shalt  }
0x6d: {  	_ =	shalt  }
0x6e: {  	_ =	shalt  }
0x6f: {  	_ =	shalt  }
0x70: {  	_ =	shalt  }
0x71: {  	_ =	shalt  }
0x72: {  	_ =	shalt  }
0x73: {  	_ =	shalt  }
0x74: {  	_ =	shalt  }
0x75: {  	_ =	shalt  }
0x76: {  	_ =	shalt  }
0x77: {  	_ =	shalt  }
0x78: {  	_ =	shalt  }
0x79: {  	_ =	shalt  }
0x7a: {  	_ =	shalt  }
0x7b: {  	_ =	shalt  }
0x7c: {  	_ =	shalt  }
0x7d: {  	_ =	shalt  }
0x7e: {  	_ =	shalt  }
0x7f: {  	_ =	shalt  }
0x80: {  	_ =	shalt  }
0x81: {  	_ =	shalt  }
0x82: {  	_ =	shalt  }
0x83: {  	_ =	shalt  }
0x84: {  	_ =	shalt  }
0x85: {  	_ =	shalt  }
0x86: {  	_ =	shalt  }
0x87: {  	_ =	shalt  }
.Lfunc_end0:
.L_simem_size_0:
called_computation.2_lowered:
.L_overlay_start_0:
0x88: {  	s2 =	sld [smem:$0x3FD9]  }
0x89: {  	s3 =	sld [smem:$0x3FFE];
	_ =	sdelay $0x1  }
0x8a: {  	s1 =	srdreg.scid  }
0x8b: {  	s0 =	sand.u32 $0x1, s1  }
0x8c: {  	s17 =	sshll.u32 s0, $0xA;
	s2 =	sadd.s32 s3, s2  }
0x8d: {  	s2 =	sadd.s32 s2, s17  }
0x8e: {  	[smem:$0x3FBB] =	sst s2  }
0x8f: {  	_ = 	snop  }
0x90: {  	s2 =	sld [smem:$0x3FD0];
	(tm) =	ssettm $0x1  }
0x91: {  	s18 =	sld [smem:$0x3FFB];
	_ =	sdelay $0x3  }
0x92: {  	_ =	strace s18  }
0x93: {  	s3 =	sld [smem:$0x3FFC];
	_ =	sdelay $0x3  }
0x94: {  	_ =	strace s3  }
0x95: {  	s3 =	sld [smem:$0x3FFD];
	_ =	sdelay $0x3  }
0x96: {  	_ =	strace s3  }
0x97: {  	_ =	strace $0x8FFFFFFF  }
0x98: {  	s19 =	sld [smem:$0x3FDB];
	_ =	sdelay $0x1  }
0x99: {  	s4 =	simm.s32 $_scs_section_size  }
0x9a: {  	s5 =	simm.s32 $_size__tile_overlayer_lowered;
	s6 =	simm.s32 $_tile_overlayer_lowered  }
0x9b: {  	s22 =	simm.s32 $0x1BFF;
	s21 =	sshll.u32 s6, $0x1;
	s3 =	sadd.s32 s4, s19  }
0x9c: {  	s7 =	simm.s32 $0x0;
	s20 =	sshll.u32 s5, $0x1;
	s5 =	sadd.s32 s21, s3  }
0x9d: {  	[timem:s7], [sflag:s22] =	dma.local [hbm:s5], s20  }
0x9e: {  	_ =	swait.ge [sflag:s22], s20  }
0x9f: {  	s4 =	ssub.s32 $0x0, s20;
	[sflag:s22] =	ssyncset.done $0x0  }
0xa0: {  	[sflag:s22] =	ssyncadd.s32 s4;
	_ =	sdelay $0x1  }
0xa1: {  	s23 =	simm.s32 $0x1B8B  }
0xa2: {  	_ =	swait.ge [sflag:s23], $0x1  }
0xa3: {  	[sflag:s23] =	ssyncset.done $0x0  }
0xa4: {  	s25 =	simm.s32 $0x1B8E;
	s24 =	sld [smem:$0x3FFE];
	[sflag:s23] =	ssyncadd.s32 $0xFFFFFFFF  }
0xa5: {  	s26 =	simm.s32 $execute0_lowered;
	[smem:$0x3FD2] =	sst s25  }
0xa6: {  	s5 =	sshll.u32 s26, $0x1;
	_ =	strace $0x8000004C;
	[dreg:$0x1] =	wrdreg $0xFFFFFFFF  }
0xa7: {  	s28 =	simm.s32 $_size_execute0_lowered;
	s3 =	sadd.s32 s3, s5;
	[dreg:$0x0] =	wrdreg $0x0  }
0xa8: {  	s5 =	sshll.u32 s28, $0x1;
	[dreg:$0x2] =	wrdreg s3  }
0xa9: {  	[dreg:$0x3] =	wrdreg s5  }
0xaa: {  	[dreg:$0x4] =	wrdreg $0xC0  }
0xab: {  	_ =	task [dreg:s7], $0x5FFFF  }
0xac: {  	[dreg:$0x1] =	wrdreg $0xFFFFFFFF  }
0xad: {  	[dreg:$0x0] =	wrdreg $0x60  }
0xae: {  	[dreg:$0x2] =	wrdreg s24  }
0xaf: {  	[dreg:$0x3] =	wrdreg s2  }
0xb0: {  	[dreg:$0x4] =	wrdreg $0xA8000  }
0xb1: {  	[dreg:$0x5] =	wrdreg $0x9  }
0xb2: {  	_ =	task.clear_ibuf [dreg:s7], $0x6FFFF;
	_ =	strace $0x9000004C  }
0xb3: {  	s29 =	simm.s32 $0x9;
	_ =	strace $0x8000004E  }
0xb4: {  	_ =	swait.ge [sflag:s29], $0x1  }
0xb5: {  	[sflag:s29] =	ssyncadd.s32 $0xFFFFFFFF  }
0xb6: {  	_ =	strace $0x9000004E  }
0xb7: {  	_ =	sfence  }
0xb8: {  	s30 =	sld [smem:$0x0];
	_ =	sdelay $0x2  }
0xb9: {  	s31 =	sshll.u32 s1, $0xD;
	s1 =	sshrl.u32 s1, $0x2  }
0xba: {  	s3 =	sand.u32 $0x4000, s31;
	s1 =	sadd.s32 s1, s30  }
0xbb: {  	s0 =	sor.u32 s3, s0;
	s1 =	sshll.u32 s1, $0x11  }
0xbc: {  	s0 =	sor.u32 s1, s0  }
0xbd: {  	s0 =	sadd.s32 $0x8F2B, s0  }
0xbe: {  	[sflag:s0] =	ssyncadd.remote.s32 $0x1  }
0xbf: {  	_ =	sfence.sel $0xFFFF  }
0xc0: {  	[dreg:$0x0] =	wrdreg $0xFFFFFFFF;
	(pc) =	sbr.abs _section_cstart, $3  }
0xc1: {  	[dreg:$0x1] =	wrdreg $0xFFFFFFFF  }
0xc2: {  	_ =	task.clear_ibuf [dreg:s7], $0x2FFFF;
	_ =	strace $0x9FFFFFFF  }
0xc3: {  	(tm) =	ssettm $0x7FFFFFFF  }
tec
execute0_lowered:
.L_overlay_start_1:
0x0: {  	(tag) =	ssettag $0x1  }
0x1: {  	s0 =	rddreg [dreg:$0x0]  }
0x2: {  	s2 =	rddreg [dreg:$0x1]  }
0x3: {  	s1 =	rddreg [dreg:$0x2]  }
0x4: {  	s3 =	srdreg.scid;
	s9 =	stileid.u32  }
0x5: {  	s16 =	simm.s32 $0x2800;
	s17 =	simm.s32 $0x5;
	s18 =	simm.s32 $0x1400  }
0x6: {  	s19 =	simm.s32 $0x80;
	s20 =	simm.s32 $0x1;
	s21 =	simm.s32 $0x6800  }
0x7: {  	s22 =	simm.s32 $0x2;
	s23 =	simm.s32 $0x1480;
	s28 =	simm.s32 $0x2700  }
0x8: {  	s29 =	simm.s32 $0x1380;
	s30 =	simm.s32 $0x2780;
	s7 =	smul.u32 $0x13C00, s9  }
0x9: {  	s31 =	simm.s32 $0x0;
	s5 =	sand.u32 $0x1, s3;
	s8 =	smul.u32 $0x4F000, s9  }
0xa: {  	s3 =	simm.s32 $0x0;
	s4 =	sadd.s32 $0x3800, s0;
	s6 =	smul.u32 $0x13C000, s5  }
0xb: {  	[smem:$0x7FF] =	sst s3;
	s24 =	sshll.u32 s5, $0x4;
	s5 =	ssub.s32 $0x2, s5  }
0xc: {  	s13 =	sadd.s32 $0x2B000, s0;
	_ =	strace $0x8000004D;
	s25 =	sshrl.u32 s5, $0x1  }
0xd: {  	s8 =	sshrl.u32 s8, $0x2;
	s6 =	sadd.s32 s7, s6;
	s7 =	sor.u32 s9, s24  }
0xe: {  	s15 =	ssub.s32 s5, s25;
	s5 =	sadd.s32 s8, s1;
	s24 =	simm.s32 $0x3  }
0xf: {  	s25 =	simm.s32 $0x100;
	s6 =	sshrl.u32 s6, $0x3;
	s10 =	smul.u32 $0x2800, s7  }
0x10: {  	s26 =	sadd.s32 $0x4000, s5;
	s7 =	sadd.s32 $0x8000, s5;
	s8 =	sadd.s32 $0xC000, s5  }
0x11: {  	s9 =	sadd.s32 $0x10000, s5;
	s15 =	smax.u32 s15, $0x1;
	s0 =	sadd.s32 s6, s0  }
0x12: {  	[dreg:$0x4] =	wrdreg s26;
	s26 =	simm.s32 $0x4;
	s11 =	sshrl.u32 s10, $0x3  }
0x13: {  	s14 =	sadd.s32 $0x280, s11;
	s10 =	sadd.s32 s2, s11;
	s11 =	sadd.s32 s13, s11  }
0x14: {  	v0 =	vimm.f32 $0.0e+00;
	s12 =	sadd.s32 s2, s14;
	s13 =	sadd.s32 s13, s14;
	s14 =	sadd.s32 $0x35000, s0  }
.LBB2_1:
0x15: {  	s0 =	simm.s32 $0x0;
	s2 =	simm.s32 $0x200  }
.LBB2_2:
0x16: {  	p0 =	sne.s32 s2, $0xFE00;
	[tilespmem:s0+$0x2870] =	vst v0  }
0x17: {  	[tilespmem:s0+$0x2800] =	vst v0  }
0x18: {  	[tilespmem:s0+$0x2810] =	vst v0  }
.Ltmp0:
0x19: {  	[tilespmem:s0+$0x2820] =	vst v0;
	(pc) =	sbr.rel @p0 .LBB2_2-.Ltmp0, $4  }
0x1a: {  	[tilespmem:s0+$0x2830] =	vst v0  }
0x1b: {  	[tilespmem:s0+$0x2840] =	vst v0  }
0x1c: {  	[tilespmem:s0+$0x2850] =	vst v0  }
0x1d: {  	[tilespmem:s0+$0x2860] =	vst v0;
	s0 =	sshra.s32 s2, $0x2;
	s2 =	sadd.s32 $0x200, s2  }
0x1e: {  	[tilespmem:s0+$0x2870] =	vst v0  }
0x1f: {  	[tilespmem:s0+$0x2800] =	vst v0  }
0x20: {  	[tilespmem:s0+$0x2810] =	vst v0  }
0x21: {  	[tilespmem:s0+$0x2820] =	vst v0  }
0x22: {  	[tilespmem:s0+$0x2830] =	vst v0  }
0x23: {  	[tilespmem:s0+$0x2840] =	vst v0  }
0x24: {  	[tilespmem:s0+$0x2850] =	vst v0  }
0x25: {  	[tilespmem:s0+$0x2860] =	vst v0  }
0x26: {  	[spmem:s5] =	stream.linear.scatter [tilespmem:s16], [sflag:$0x5], $0x4000, $0x38;
	[tilespmem:$0x1E400] =	vst v63  }
0x27: {  	_ =	swait.ge [sflag:s17], $0x4000  }
0x28: {  	[sflag:s17] =	ssyncset.done $0x0  }
0x29: {  	s2 =	rddreg [dreg:$0x4];
	[sflag:s17] =	ssyncadd.s32 $0xFFFFC000  }
0x2a: {  	[spmem:s2] =	stream.linear.scatter [tilespmem:s16], [sflag:$0x5], $0x4000, $0x38;
	[tilespmem:$0x1E400] =	vst v63  }
0x2b: {  	_ =	swait.ge [sflag:s17], $0x4000  }
0x2c: {  	[sflag:s17] =	ssyncset.done $0x0  }
0x2d: {  	[sflag:s17] =	ssyncadd.s32 $0xFFFFC000  }
0x2e: {  	[spmem:s7] =	stream.linear.scatter [tilespmem:s16], [sflag:$0x5], $0x4000, $0x38;
	[tilespmem:$0x1E400] =	vst v63  }
0x2f: {  	_ =	swait.ge [sflag:s17], $0x4000  }
0x30: {  	[sflag:s17] =	ssyncset.done $0x0  }
0x31: {  	[sflag:s17] =	ssyncadd.s32 $0xFFFFC000  }
0x32: {  	[spmem:s8] =	stream.linear.scatter [tilespmem:s16], [sflag:$0x5], $0x4000, $0x38;
	[tilespmem:$0x1E400] =	vst v63  }
0x33: {  	_ =	swait.ge [sflag:s17], $0x4000  }
0x34: {  	[sflag:s17] =	ssyncset.done $0x0  }
0x35: {  	[sflag:s17] =	ssyncadd.s32 $0xFFFFC000  }
0x36: {  	[spmem:s9] =	stream.linear.scatter [tilespmem:s16], [sflag:$0x5], $0x3C00, $0x38;
	[tilespmem:$0x1E400] =	vst v63  }
0x37: {  	_ =	swait.ge [sflag:s17], $0x3C00  }
0x38: {  	[sflag:s17] =	ssyncset.done $0x0  }
0x39: {  	[sflag:s17] =	ssyncadd.s32 $0xFFFFC400  }
0x3a: {  	[bflag:$0x0] =	sbarrier.arrive $0xFFFF  }
0x3b: {  	[tilespmem:s3], [sflag:$0x5] =	stream.linear.gather [hbm4b:s10+s3], $0x1400, $0x38;
	[tilespmem:$0x1E400] =	vst v63  }
0x3c: {  	_ =	swait.ge [sflag:s17], $0x1400  }
0x3d: {  	[sflag:s17] =	ssyncset.done $0x0  }
0x3e: {  	[sflag:s17] =	ssyncadd.s32 $0xFFFFEC00  }
0x3f: {  	[tilespmem:s18], [sflag:$0x5] =	stream.linear.gather [hbm4b:s11+s3], $0x1400, $0x38;
	[tilespmem:$0x1E400] =	vst v63  }
0x40: {  	_ =	swait.ge [sflag:s17], $0x1400  }
0x41: {  	[sflag:s17] =	ssyncset.done $0x0  }
0x42: {  	[sflag:s17] =	ssyncadd.s32 $0xFFFFEC00  }
0x43: {  	[tilespmem:s16], [sflag:$0x1] =	stream.indirect.gather [hbm4b:s4+s19], $0x80, s3, s19, $0xb8;
	[tilespmem:$0x1E400] =	vst v63  }
0x44: {  	_ =	swait.ge [sflag:s20], $0x4000  }
0x45: {  	[sflag:s20] =	ssyncset.done $0x0  }
0x46: {  	[sflag:s20] =	ssyncadd.s32 $0xFFFFC000  }
0x47: {  	[spmem:s1] =	stream.indirect.scatter.add.f32 [tilespmem:s16], [sflag:$0x3], $0x80, s18, s19, $0xb8;
	[tilespmem:$0x1E400] =	vst v63  }
0x48: {  	_ = 	snop  }
0x49: {  	[tilespmem:s21], [sflag:$0x2] =	stream.indirect.gather [hbm4b:s4+s19], $0x80, s19, s19, $0xb8;
	[tilespmem:$0x1E400] =	vst v63  }
0x4a: {  	_ =	swait.ge [sflag:s22], $0x4000  }
0x4b: {  	[sflag:s22] =	ssyncset.done $0x0  }
0x4c: {  	[sflag:s22] =	ssyncadd.s32 $0xFFFFC000  }
0x4d: {  	[spmem:s1] =	stream.indirect.scatter.add.f32 [tilespmem:s21], [sflag:$0x4], $0x80, s23, s19, $0xb8;
	[tilespmem:$0x1E400] =	vst v63  }
0x4e: {  	_ =	swait.ge [sflag:s24], $0x4000  }
0x4f: {  	[sflag:s24] =	ssyncset.done $0x0  }
0x50: {  	[sflag:s24] =	ssyncadd.s32 $0xFFFFC000  }
0x51: {  	[tilespmem:s16], [sflag:$0x1] =	stream.indirect.gather [hbm4b:s4+s19], $0x80, s25, s19, $0xb8;
	[tilespmem:$0x1E400] =	vst v63  }
0x52: {  	_ =	swait.ge [sflag:s20], $0x4000  }
0x53: {  	[sflag:s20] =	ssyncset.done $0x0  }
0x54: {  	s6 =	simm.s32 $0x1500;
	[sflag:s20] =	ssyncadd.s32 $0xFFFFC000  }
0x55: {  	[spmem:s1] =	stream.indirect.scatter.add.f32 [tilespmem:s16], [sflag:$0x3], $0x80, s6, s19, $0xb8;
	[tilespmem:$0x1E400] =	vst v63  }
0x56: {  	_ =	swait.ge [sflag:s26], $0x4000  }
0x57: {  	[sflag:s26] =	ssyncset.done $0x0  }
0x58: {  	s2 =	simm.s32 $0x180;
	[sflag:s26] =	ssyncadd.s32 $0xFFFFC000  }
0x59: {  	[tilespmem:s21], [sflag:$0x2] =	stream.indirect.gather [hbm4b:s4+s19], $0x80, s2, s19, $0xb8;
	[tilespmem:$0x1E400] =	vst v63  }
0x5a: {  	_ =	swait.ge [sflag:s22], $0x4000  }
0x5b: {  	[sflag:s22] =	ssyncset.done $0x0  }
0x5c: {  	s6 =	simm.s32 $0x1580;
	[sflag:s22] =	ssyncadd.s32 $0xFFFFC000  }
0x5d: {  	[spmem:s1] =	stream.indirect.scatter.add.f32 [tilespmem:s21], [sflag:$0x4], $0x80, s6, s19, $0xb8;
	[tilespmem:$0x1E400] =	vst v63  }
0x5e: {  	_ =	swait.ge [sflag:s24], $0x4000  }
0x5f: {  	[sflag:s24] =	ssyncset.done $0x0  }
0x60: {  	s0 =	simm.s32 $0xFFFFBC00;
	s2 =	simm.s32 $0x200;
	[sflag:s24] =	ssyncadd.s32 $0xFFFFC000  }
.LBB2_4:
0x61: {  	[tilespmem:s16], [sflag:$0x1] =	stream.indirect.gather [hbm4b:s4+s19], $0x80, s2, s19, $0xb8;
	[tilespmem:$0x1E400] =	vst v63  }
0x62: {  	s2 =	smov.u32 s0  }
0x63: {  	p0 =	sne.s32 s0, $0xFFFFFC00;
	s0 =	sadd.s32 $0x400, s0;
	_ =	swait.ge [sflag:s20], $0x4000  }
0x64: {  	s2 =	sshra.s32 s2, $0x2;
	[sflag:s20] =	ssyncset.done $0x0  }
0x65: {  	s6 =	sadd.s32 $0x2700, s2;
	[sflag:s20] =	ssyncadd.s32 $0xFFFFC000  }
0x66: {  	[spmem:s1] =	stream.indirect.scatter.add.f32 [tilespmem:s16], [sflag:$0x3], $0x80, s6, s19, $0xb8;
	[tilespmem:$0x1E400] =	vst v63  }
0x67: {  	_ =	swait.ge [sflag:s26], $0x4000  }
0x68: {  	[sflag:s26] =	ssyncset.done $0x0  }
0x69: {  	s6 =	sadd.s32 $0x1380, s2;
	[sflag:s26] =	ssyncadd.s32 $0xFFFFC000  }
0x6a: {  	[tilespmem:s21], [sflag:$0x2] =	stream.indirect.gather [hbm4b:s4+s19], $0x80, s6, s19, $0xb8;
	[tilespmem:$0x1E400] =	vst v63  }
0x6b: {  	_ =	swait.ge [sflag:s22], $0x4000  }
0x6c: {  	[sflag:s22] =	ssyncset.done $0x0  }
.Ltmp1:
0x6d: {  	s6 =	sadd.s32 $0x2780, s2;
	[sflag:s22] =	ssyncadd.s32 $0xFFFFC000;
	(pc) =	sbr.rel @p0 .LBB2_4-.Ltmp1, $4  }
0x6e: {  	[spmem:s1] =	stream.indirect.scatter.add.f32 [tilespmem:s21], [sflag:$0x4], $0x80, s6, s19, $0xb8;
	[tilespmem:$0x1E400] =	vst v63  }
0x6f: {  	_ =	swait.ge [sflag:s24], $0x4000  }
0x70: {  	[sflag:s24] =	ssyncset.done $0x0  }
0x71: {  	s2 =	sadd.s32 $0x1400, s2;
	[sflag:s24] =	ssyncadd.s32 $0xFFFFC000  }
0x72: {  	[tilespmem:s16], [sflag:$0x1] =	stream.indirect.gather [hbm4b:s4+s19], $0x80, s2, s19, $0xb8;
	[tilespmem:$0x1E400] =	vst v63  }
0x73: {  	_ =	swait.ge [sflag:s20], $0x4000  }
0x74: {  	[sflag:s20] =	ssyncset.done $0x0  }
0x75: {  	[sflag:s20] =	ssyncadd.s32 $0xFFFFC000  }
0x76: {  	[spmem:s1] =	stream.indirect.scatter.add.f32 [tilespmem:s16], [sflag:$0x3], $0x80, s28, s19, $0xb8;
	[tilespmem:$0x1E400] =	vst v63  }
0x77: {  	_ =	swait.ge [sflag:s26], $0x4000  }
0x78: {  	[sflag:s26] =	ssyncset.done $0x0  }
0x79: {  	[sflag:s26] =	ssyncadd.s32 $0xFFFFC000  }
0x7a: {  	[tilespmem:s21], [sflag:$0x2] =	stream.indirect.gather [hbm4b:s4+s19], $0x80, s29, s19, $0xb8;
	[tilespmem:$0x1E400] =	vst v63  }
0x7b: {  	_ =	swait.ge [sflag:s22], $0x4000  }
0x7c: {  	[sflag:s22] =	ssyncset.done $0x0  }
0x7d: {  	[sflag:s22] =	ssyncadd.s32 $0xFFFFC000  }
0x7e: {  	[spmem:s1] =	stream.indirect.scatter.add.f32 [tilespmem:s21], [sflag:$0x4], $0x80, s30, s19, $0xb8;
	[tilespmem:$0x1E400] =	vst v63  }
0x7f: {  	_ =	swait.ge [sflag:s24], $0x4000  }
0x80: {  	[sflag:s24] =	ssyncset.done $0x0  }
0x81: {  	[sflag:s24] =	ssyncadd.s32 $0xFFFFC000  }
0x82: {  	_ =	swait.ge [sflag:s26], $0x4000  }
0x83: {  	[sflag:s26] =	ssyncset.done $0x0  }
0x84: {  	[sflag:s26] =	ssyncadd.s32 $0xFFFFC000  }
0x85: {  	[tilespmem:s3], [sflag:$0x5] =	stream.linear.gather [hbm4b:s12+s3], $0x1400, $0x38;
	[tilespmem:$0x1E400] =	vst v63  }
0x86: {  	_ =	swait.ge [sflag:s17], $0x1400  }
0x87: {  	[sflag:s17] =	ssyncset.done $0x0  }
0x88: {  	[sflag:s17] =	ssyncadd.s32 $0xFFFFEC00  }
0x89: {  	[tilespmem:s18], [sflag:$0x5] =	stream.linear.gather [hbm4b:s13+s3], $0x1400, $0x38;
	[tilespmem:$0x1E400] =	vst v63  }
0x8a: {  	_ =	swait.ge [sflag:s17], $0x1400  }
0x8b: {  	[sflag:s17] =	ssyncset.done $0x0  }
0x8c: {  	[sflag:s17] =	ssyncadd.s32 $0xFFFFEC00  }
0x8d: {  	[tilespmem:s16], [sflag:$0x1] =	stream.indirect.gather [hbm4b:s4+s19], $0x80, s3, s19, $0xb8;
	[tilespmem:$0x1E400] =	vst v63  }
0x8e: {  	_ =	swait.ge [sflag:s20], $0x4000  }
0x8f: {  	[sflag:s20] =	ssyncset.done $0x0  }
0x90: {  	[sflag:s20] =	ssyncadd.s32 $0xFFFFC000  }
0x91: {  	[spmem:s1] =	stream.indirect.scatter.add.f32 [tilespmem:s16], [sflag:$0x3], $0x80, s18, s19, $0xb8;
	[tilespmem:$0x1E400] =	vst v63  }
0x92: {  	_ = 	snop  }
0x93: {  	[tilespmem:s21], [sflag:$0x2] =	stream.indirect.gather [hbm4b:s4+s19], $0x80, s19, s19, $0xb8;
	[tilespmem:$0x1E400] =	vst v63  }
0x94: {  	_ =	swait.ge [sflag:s22], $0x4000  }
0x95: {  	[sflag:s22] =	ssyncset.done $0x0  }
0x96: {  	[sflag:s22] =	ssyncadd.s32 $0xFFFFC000  }
0x97: {  	[spmem:s1] =	stream.indirect.scatter.add.f32 [tilespmem:s21], [sflag:$0x4], $0x80, s23, s19, $0xb8;
	[tilespmem:$0x1E400] =	vst v63  }
0x98: {  	_ =	swait.ge [sflag:s24], $0x4000  }
0x99: {  	[sflag:s24] =	ssyncset.done $0x0  }
0x9a: {  	[sflag:s24] =	ssyncadd.s32 $0xFFFFC000  }
0x9b: {  	[tilespmem:s16], [sflag:$0x1] =	stream.indirect.gather [hbm4b:s4+s19], $0x80, s25, s19, $0xb8;
	[tilespmem:$0x1E400] =	vst v63  }
0x9c: {  	_ =	swait.ge [sflag:s20], $0x4000  }
0x9d: {  	[sflag:s20] =	ssyncset.done $0x0  }
0x9e: {  	s0 =	simm.s32 $0x1500;
	[sflag:s20] =	ssyncadd.s32 $0xFFFFC000  }
0x9f: {  	[spmem:s1] =	stream.indirect.scatter.add.f32 [tilespmem:s16], [sflag:$0x3], $0x80, s0, s19, $0xb8;
	[tilespmem:$0x1E400] =	vst v63  }
0xa0: {  	_ =	swait.ge [sflag:s26], $0x4000  }
0xa1: {  	[sflag:s26] =	ssyncset.done $0x0  }
0xa2: {  	s2 =	simm.s32 $0x180;
	[sflag:s26] =	ssyncadd.s32 $0xFFFFC000  }
0xa3: {  	[tilespmem:s21], [sflag:$0x2] =	stream.indirect.gather [hbm4b:s4+s19], $0x80, s2, s19, $0xb8;
	[tilespmem:$0x1E400] =	vst v63  }
0xa4: {  	_ =	swait.ge [sflag:s22], $0x4000  }
0xa5: {  	[sflag:s22] =	ssyncset.done $0x0  }
0xa6: {  	s6 =	simm.s32 $0x1580;
	[sflag:s22] =	ssyncadd.s32 $0xFFFFC000  }
0xa7: {  	[spmem:s1] =	stream.indirect.scatter.add.f32 [tilespmem:s21], [sflag:$0x4], $0x80, s6, s19, $0xb8;
	[tilespmem:$0x1E400] =	vst v63  }
0xa8: {  	_ =	swait.ge [sflag:s24], $0x4000  }
0xa9: {  	[sflag:s24] =	ssyncset.done $0x0  }
0xaa: {  	s0 =	simm.s32 $0xFFFFBC00;
	s2 =	simm.s32 $0x200;
	[sflag:s24] =	ssyncadd.s32 $0xFFFFC000  }
.LBB2_6:
0xab: {  	[tilespmem:s16], [sflag:$0x1] =	stream.indirect.gather [hbm4b:s4+s19], $0x80, s2, s19, $0xb8;
	[tilespmem:$0x1E400] =	vst v63  }
0xac: {  	s2 =	smov.u32 s0  }
0xad: {  	p0 =	sne.s32 s0, $0xFFFFFC00;
	s0 =	sadd.s32 $0x400, s0;
	_ =	swait.ge [sflag:s20], $0x4000  }
0xae: {  	s2 =	sshra.s32 s2, $0x2;
	[sflag:s20] =	ssyncset.done $0x0  }
0xaf: {  	s6 =	sadd.s32 $0x2700, s2;
	[sflag:s20] =	ssyncadd.s32 $0xFFFFC000  }
0xb0: {  	[spmem:s1] =	stream.indirect.scatter.add.f32 [tilespmem:s16], [sflag:$0x3], $0x80, s6, s19, $0xb8;
	[tilespmem:$0x1E400] =	vst v63  }
0xb1: {  	_ =	swait.ge [sflag:s26], $0x4000  }
0xb2: {  	[sflag:s26] =	ssyncset.done $0x0  }
0xb3: {  	s6 =	sadd.s32 $0x1380, s2;
	[sflag:s26] =	ssyncadd.s32 $0xFFFFC000  }
0xb4: {  	[tilespmem:s21], [sflag:$0x2] =	stream.indirect.gather [hbm4b:s4+s19], $0x80, s6, s19, $0xb8;
	[tilespmem:$0x1E400] =	vst v63  }
0xb5: {  	_ =	swait.ge [sflag:s22], $0x4000  }
0xb6: {  	[sflag:s22] =	ssyncset.done $0x0  }
.Ltmp2:
0xb7: {  	s6 =	sadd.s32 $0x2780, s2;
	[sflag:s22] =	ssyncadd.s32 $0xFFFFC000;
	(pc) =	sbr.rel @p0 .LBB2_6-.Ltmp2, $4  }
0xb8: {  	[spmem:s1] =	stream.indirect.scatter.add.f32 [tilespmem:s21], [sflag:$0x4], $0x80, s6, s19, $0xb8;
	[tilespmem:$0x1E400] =	vst v63  }
0xb9: {  	_ =	swait.ge [sflag:s24], $0x4000  }
0xba: {  	[sflag:s24] =	ssyncset.done $0x0  }
0xbb: {  	s2 =	sadd.s32 $0x1400, s2;
	[sflag:s24] =	ssyncadd.s32 $0xFFFFC000  }
0xbc: {  	[tilespmem:s16], [sflag:$0x1] =	stream.indirect.gather [hbm4b:s4+s19], $0x80, s2, s19, $0xb8;
	[tilespmem:$0x1E400] =	vst v63  }
0xbd: {  	_ =	swait.ge [sflag:s20], $0x4000  }
0xbe: {  	[sflag:s20] =	ssyncset.done $0x0  }
0xbf: {  	[sflag:s20] =	ssyncadd.s32 $0xFFFFC000  }
0xc0: {  	[spmem:s1] =	stream.indirect.scatter.add.f32 [tilespmem:s16], [sflag:$0x3], $0x80, s28, s19, $0xb8;
	[tilespmem:$0x1E400] =	vst v63  }
0xc1: {  	_ =	swait.ge [sflag:s26], $0x4000  }
0xc2: {  	[sflag:s26] =	ssyncset.done $0x0  }
0xc3: {  	[sflag:s26] =	ssyncadd.s32 $0xFFFFC000  }
0xc4: {  	[tilespmem:s21], [sflag:$0x2] =	stream.indirect.gather [hbm4b:s4+s19], $0x80, s29, s19, $0xb8;
	[tilespmem:$0x1E400] =	vst v63  }
0xc5: {  	_ =	swait.ge [sflag:s22], $0x4000  }
0xc6: {  	[sflag:s22] =	ssyncset.done $0x0  }
0xc7: {  	[sflag:s22] =	ssyncadd.s32 $0xFFFFC000  }
0xc8: {  	[spmem:s1] =	stream.indirect.scatter.add.f32 [tilespmem:s21], [sflag:$0x4], $0x80, s30, s19, $0xb8;
	[tilespmem:$0x1E400] =	vst v63  }
0xc9: {  	_ =	swait.ge [sflag:s24], $0x4000  }
0xca: {  	[sflag:s24] =	ssyncset.done $0x0  }
0xcb: {  	[sflag:s24] =	ssyncadd.s32 $0xFFFFC000  }
0xcc: {  	s0 =	stileid.u32;
	_ =	swait.ge [sflag:s26], $0x4000  }
0xcd: {  	s6 =	sshrl.u32 s5, $0x3;
	s31 =	sadd.s32 $0x1, s31;
	[sflag:s26] =	ssyncset.done $0x0  }
0xce: {  	s0 =	sshll.u32 s0, $0x6;
	p0 =	sne.s32 s31, s15;
	[sflag:s26] =	ssyncadd.s32 $0xFFFFC000  }
.Ltmp3:
0xcf: {  	s0 =	sor.u32 $0x1C05, s0;
	[bflag:$0x0] =	sbarrier.arrive $0xFFFF;
	(pc) =	sbr.rel @p0 .LBB2_1-.Ltmp3, $4  }
0xd0: {  	[hbm:s14], [sflag:s0] =	dma.local [spmem:s6], $0x2780  }
0xd1: {  	_ =	swait.ge [sflag:s17], $0x2780  }
0xd2: {  	[sflag:s17] =	ssyncset.done $0x0  }
0xd3: {  	[sflag:s17] =	ssyncadd.s32 $0xFFFFD880  }
0xd4: {  	_ =	sfence.sel $0x180000  }
0xd5: {  	[bflag:$0x0] =	sbarrier.arrive $0xFFFF  }
0xd6: {  	_ =	strace $0x9000004D  }
0xd7: {  	s0 =	stileid.u32;
	[bflag:$0x2] =	sbarrier.arrive $0xFFFF  }
0xd8: {  	p0 =	sne.s32 s0, $0x0;
	s0 =	rddreg [dreg:$0x3]  }
0xd9: {  	s0 =	sadd.s32 @!p0 $0x100000, s0  }
0xda: {  	[sflag:s0] =	ssyncadd.tile.s32 @!p0 $0x1;
	_ =	shalt  }
.Lfunc_end2:
_tile_overlayer_lowered:
.L_overlay_start_2:
0xdb: {  	(tag) =	ssettag $0x2  }
0xdc: {  	s0 =	rddreg [dreg:$0x0];
	s2 =	stileid.u32  }
0xdd: {  	s1 =	rddreg [dreg:$0x1];
	p0 =	sne.s32 s2, $0x0  }
0xde: {  	s3 =	rddreg [dreg:$0x2];
	[bflag:$0x3] =	sbarrier.arrive $0xFFFF;
	s2 =	simm.s32 @!p0 $0x1C05  }
0xdf: {  	[timem:s3], [sflag:s2] =	dma.local @!p0 [hbm:s0], s1  }
0xe0: {  	s0 =	simm.s32 @!p0 $0x5  }
0xe1: {  	_ =	swait.ge @!p0 [sflag:s0], s1  }
0xe2: {  	s1 =	ssub.s32 @!p0 $0x0, s1;
	[sflag:s0] =	ssyncset.done @!p0 $0x0  }
0xe3: {  	[sflag:s0] =	ssyncadd.s32 @!p0 s1  }
0xe4: {  	[bflag:$0x3] =	sbarrier.arrive $0xFFFF  }
0xe5: {  	_ =	shalt  }

// kernel: kernel.8.cloned.1.call-start
scs
__scs_entry_jumppad:
0x0: {  	(pc) =	sbr.rel $0x88, $3  }
0x1: {  	(tag) =	ssettag $0x0;
	lr =	simm.s32 $0x1  }
0x2: {  	[smem:$0x3F94] =	sst lr;
	_ =	strace $0xD0000000  }
0x3: {  	_ = 	snop  }
0x4: {  	_ = 	snop  }
0x5: {  	_ = 	snop  }
0x6: {  	_ = 	snop  }
0x7: {  	_ = 	snop  }
__scs_overlays_trampoline_lowered:
0x8: {  	[smem:$0x3FA3] =	sst s0  }
0x9: {  	[smem:$0x3FA4] =	sst s1  }
0xa: {  	[smem:$0x3FA5] =	sst s2  }
0xb: {  	[smem:$0x3FA6] =	sst s3  }
0xc: {  	[smem:$0x3FA7] =	sst s4  }
0xd: {  	[smem:$0x3FA8] =	sst s5  }
0xe: {  	[smem:$0x3FA9] =	sst s6  }
0xf: {  	[smem:$0x3FAA] =	sst s7  }
0x10: {  	[smem:$0x3FAB] =	sst s8  }
0x11: {  	[smem:$0x3FAC] =	sst s9;
	s0 =	simm.s32 @!p0 $0x0  }
0x12: {  	s1 =	sld [smem:$0x3F92];
	s0 =	simm.s32 @p0 $0x1  }
0x13: {  	[smem:$0x3FAD] =	sst s0;
	s0 =	simm.s32 @!p1 $0x0  }
0x14: {  	s2 =	sld [smem:$0x3F91];
	s0 =	simm.s32 @p1 $0x1  }
0x15: {  	[smem:$0x3FAE] =	sst s0;
	s0 =	simm.s32 @!p2 $0x0  }
0x16: {  	s3 =	sld [smem:$0x3FDB];
	s0 =	simm.s32 @p2 $0x1  }
0x17: {  	s4 =	simm.s32 $0x1BF5;
	[smem:$0x3FB0] =	sst s0  }
0x18: {  	s0 =	sld [smem:$0x3F93];
	_ =	swait.ge [sflag:s4], $0x0  }
0x19: {  	s7 =	sld [smem:$0x3F94]  }
0x1a: {  	s8 =	sadd.s32 $0xFFFFE003, lr  }
0x1b: {  	s9 =	sadd.s32 $0xFFFFFEF7, lr;
	s5 =	simm.s32 $0xFFFFFFFF;
	p2 =	slt.u32 s8, $0xFFFFF086  }
0x1c: {  	p1 =	slt.u32 s9, $0xF7A;
	s5 =	simm.s32 @!p2 $0x0  }
0x1d: {  	s5 =	simm.s32 @p1 $0x1;
	p0 =	seq.s32 s7, s2  }
0x1e: {  	s7 =	smul.u32 @!p0 $0xF7A, s2;
	p2 =	seq.s32 @!p0 s5, $0x0  }
0x1f: {  	s9 =	smul.u32 $0xF7A, s1;
	s8 =	simm.s32 @!p0 $0x1BF5;
	p2 =	por !p2, p0  }
0x20: {  	[sflag:s8] =	ssyncset.s32 @!p0 $0xFFFFF086;
	s6 =	sadd.s32 @!p0 s3, s7;
	s7 =	simm.s32 @!p0 $0x108  }
0x21: {  	s3 =	sadd.s32 s3, s9;
	s6 =	sadd.s32 @!p0 $0x88, s6;
	s7 =	simm.s32 @p2 $0x1082  }
0x22: {  	[simem:s7], [sflag:s8] =	dma.local @!p0 [hbm:s6], $0xF7A  }
0x23: {  	s9 =	sor.u32 $0xD0000000, s2;
	s6 =	simm.s32 $0x108;
	_ =	swait.ge @!p0 [sflag:s8], $0x0  }
0x24: {  	s3 =	sadd.s32 $0x88, s3;
	s6 =	simm.s32 @!p1 $0x1082;
	[sflag:s4] =	ssyncset.s32 $0xFFFFF086  }
0x25: {  	[simem:s6], [sflag:s4] =	dma.local [hbm:s3], $0xF7A  }
0x26: {  	[smem:$0x3F94] =	sst s1;
	(tag) =	ssettag s2;
	_ =	strace s9  }
0x27: {  	s1 =	sld [smem:$0x3FA4]  }
0x28: {  	s2 =	sld [smem:$0x3FA5]  }
0x29: {  	s4 =	sld [smem:$0x3FA7]  }
0x2a: {  	p0 =	seq.s32 s5, $0x0;
	s5 =	sld [smem:$0x3FA8]  }
0x2b: {  	s6 =	sld [smem:$0x3FA9]  }
0x2c: {  	s7 =	sld [smem:$0x3FAA]  }
0x2d: {  	s3 =	simm.s32 $0x108;
	s8 =	sld [smem:$0x3FAB]  }
0x2e: {  	s3 =	simm.s32 @!p0 $0x1082;
	s9 =	sld [smem:$0x3FAC]  }
0x2f: {  	lr =	sadd.s32 s0, s3;
	s0 =	sld [smem:$0x3FA3]  }
0x30: {  	s3 =	sld [smem:$0x3FA6]  }
0x31: {  	[smem:$0x3FAF] =	sst s10  }
0x32: {  	s10 =	sld [smem:$0x3FAD];
	_ =	sdelay $0x3  }
0x33: {  	p0 =	seq.s32 s10, $0x1;
	s10 =	sld [smem:$0x3FAF];
	_ =	sdelay $0x3  }
0x34: {  	[smem:$0x3FAF] =	sst s10  }
0x35: {  	s10 =	sld [smem:$0x3FAE];
	_ =	sdelay $0x3  }
0x36: {  	p1 =	seq.s32 s10, $0x1;
	s10 =	sld [smem:$0x3FAF];
	_ =	sdelay $0x3  }
0x37: {  	[smem:$0x3FAF] =	sst s10  }
0x38: {  	s10 =	sld [smem:$0x3FB0]  }
0x39: {  	_ = 	snop;
	(pc) =	sbr.ind lr, $3  }
0x3a: {  	_ = 	snop  }
0x3b: {  	_ = 	snop  }
0x3c: {  	p2 =	seq.s32 s10, $0x1;
	s10 =	sld [smem:$0x3FAF]  }
0x3d: {  	_ =	shalt  }
0x3e: {  	_ =	shalt  }
0x3f: {  	_ =	shalt  }
0x40: {  	_ =	shalt  }
0x41: {  	_ =	shalt  }
0x42: {  	_ =	shalt  }
0x43: {  	_ =	shalt  }
0x44: {  	_ =	shalt  }
0x45: {  	_ =	shalt  }
0x46: {  	_ =	shalt  }
0x47: {  	_ =	shalt  }
0x48: {  	_ =	shalt  }
0x49: {  	_ =	shalt  }
0x4a: {  	_ =	shalt  }
0x4b: {  	_ =	shalt  }
0x4c: {  	_ =	shalt  }
0x4d: {  	_ =	shalt  }
0x4e: {  	_ =	shalt  }
0x4f: {  	_ =	shalt  }
0x50: {  	_ =	shalt  }
0x51: {  	_ =	shalt  }
0x52: {  	_ =	shalt  }
0x53: {  	_ =	shalt  }
0x54: {  	_ =	shalt  }
0x55: {  	_ =	shalt  }
0x56: {  	_ =	shalt  }
0x57: {  	_ =	shalt  }
0x58: {  	_ =	shalt  }
0x59: {  	_ =	shalt  }
0x5a: {  	_ =	shalt  }
0x5b: {  	_ =	shalt  }
0x5c: {  	_ =	shalt  }
0x5d: {  	_ =	shalt  }
0x5e: {  	_ =	shalt  }
0x5f: {  	_ =	shalt  }
0x60: {  	_ =	shalt  }
0x61: {  	_ =	shalt  }
0x62: {  	_ =	shalt  }
0x63: {  	_ =	shalt  }
0x64: {  	_ =	shalt  }
0x65: {  	_ =	shalt  }
0x66: {  	_ =	shalt  }
0x67: {  	_ =	shalt  }
0x68: {  	_ =	shalt  }
0x69: {  	_ =	shalt  }
0x6a: {  	_ =	shalt  }
0x6b: {  	_ =	shalt  }
0x6c: {  	_ =	shalt  }
0x6d: {  	_ =	shalt  }
0x6e: {  	_ =	shalt  }
0x6f: {  	_ =	shalt  }
0x70: {  	_ =	shalt  }
0x71: {  	_ =	shalt  }
0x72: {  	_ =	shalt  }
0x73: {  	_ =	shalt  }
0x74: {  	_ =	shalt  }
0x75: {  	_ =	shalt  }
0x76: {  	_ =	shalt  }
0x77: {  	_ =	shalt  }
0x78: {  	_ =	shalt  }
0x79: {  	_ =	shalt  }
0x7a: {  	_ =	shalt  }
0x7b: {  	_ =	shalt  }
0x7c: {  	_ =	shalt  }
0x7d: {  	_ =	shalt  }
0x7e: {  	_ =	shalt  }
0x7f: {  	_ =	shalt  }
0x80: {  	_ =	shalt  }
0x81: {  	_ =	shalt  }
0x82: {  	_ =	shalt  }
0x83: {  	_ =	shalt  }
0x84: {  	_ =	shalt  }
0x85: {  	_ =	shalt  }
0x86: {  	_ =	shalt  }
0x87: {  	_ =	shalt  }
.Lfunc_end0:
.L_simem_size_0:
called_computation_lowered:
.L_overlay_start_0:
0x88: {  	s2 =	sld [smem:$0x3FD9]  }
0x89: {  	s3 =	sld [smem:$0x3FFE];
	_ =	sdelay $0x1  }
0x8a: {  	s1 =	srdreg.scid  }
0x8b: {  	s0 =	sand.u32 $0x1, s1  }
0x8c: {  	s17 =	sshll.u32 s0, $0xA;
	s2 =	sadd.s32 s3, s2  }
0x8d: {  	s2 =	sadd.s32 s2, s17  }
0x8e: {  	[smem:$0x3FBB] =	sst s2  }
0x8f: {  	_ = 	snop  }
0x90: {  	s2 =	sld [smem:$0x3FD0];
	(tm) =	ssettm $0x1  }
0x91: {  	s18 =	sld [smem:$0x3FFB];
	_ =	sdelay $0x3  }
0x92: {  	_ =	strace s18  }
0x93: {  	s3 =	sld [smem:$0x3FFC];
	_ =	sdelay $0x3  }
0x94: {  	_ =	strace s3  }
0x95: {  	s3 =	sld [smem:$0x3FFD];
	_ =	sdelay $0x3  }
0x96: {  	_ =	strace s3  }
0x97: {  	_ =	strace $0x8FFFFFFF  }
0x98: {  	s19 =	sld [smem:$0x3FDB];
	_ =	sdelay $0x1  }
0x99: {  	s4 =	simm.s32 $_scs_section_size  }
0x9a: {  	s5 =	simm.s32 $_size__tile_overlayer_lowered;
	s6 =	simm.s32 $_tile_overlayer_lowered  }
0x9b: {  	s22 =	simm.s32 $0x1BFF;
	s21 =	sshll.u32 s6, $0x1;
	s3 =	sadd.s32 s4, s19  }
0x9c: {  	s7 =	simm.s32 $0x0;
	s20 =	sshll.u32 s5, $0x1;
	s5 =	sadd.s32 s21, s3  }
0x9d: {  	[timem:s7], [sflag:s22] =	dma.local [hbm:s5], s20  }
0x9e: {  	_ =	swait.ge [sflag:s22], s20  }
0x9f: {  	s4 =	ssub.s32 $0x0, s20;
	[sflag:s22] =	ssyncset.done $0x0  }
0xa0: {  	[sflag:s22] =	ssyncadd.s32 s4;
	_ =	sdelay $0x1  }
0xa1: {  	s23 =	simm.s32 $0x1B8B  }
0xa2: {  	_ =	swait.ge [sflag:s23], $0x1  }
0xa3: {  	[sflag:s23] =	ssyncset.done $0x0  }
0xa4: {  	s25 =	simm.s32 $0x1B8E;
	s24 =	sld [smem:$0x3FFE];
	[sflag:s23] =	ssyncadd.s32 $0xFFFFFFFF  }
0xa5: {  	s26 =	simm.s32 $execute0_lowered;
	[smem:$0x3FD2] =	sst s25  }
0xa6: {  	s5 =	sshll.u32 s26, $0x1;
	_ =	strace $0x80000046;
	[dreg:$0x1] =	wrdreg $0xFFFFFFFF  }
0xa7: {  	s28 =	simm.s32 $_size_execute0_lowered;
	s3 =	sadd.s32 s3, s5;
	[dreg:$0x0] =	wrdreg $0x0  }
0xa8: {  	s5 =	sshll.u32 s28, $0x1;
	[dreg:$0x2] =	wrdreg s3  }
0xa9: {  	[dreg:$0x3] =	wrdreg s5  }
0xaa: {  	[dreg:$0x4] =	wrdreg $0xC0  }
0xab: {  	_ =	task [dreg:s7], $0x5FFFF  }
0xac: {  	[dreg:$0x1] =	wrdreg $0xFFFFFFFF  }
0xad: {  	[dreg:$0x0] =	wrdreg $0x60  }
0xae: {  	[dreg:$0x2] =	wrdreg s24  }
0xaf: {  	[dreg:$0x3] =	wrdreg s2  }
0xb0: {  	[dreg:$0x4] =	wrdreg $0xA8000  }
0xb1: {  	[dreg:$0x5] =	wrdreg $0x9  }
0xb2: {  	_ =	task.clear_ibuf [dreg:s7], $0x6FFFF;
	_ =	strace $0x90000046  }
0xb3: {  	s29 =	simm.s32 $0x9;
	_ =	strace $0x80000048  }
0xb4: {  	_ =	swait.ge [sflag:s29], $0x1  }
0xb5: {  	[sflag:s29] =	ssyncadd.s32 $0xFFFFFFFF  }
0xb6: {  	_ =	strace $0x90000048  }
0xb7: {  	_ =	sfence  }
0xb8: {  	s30 =	sld [smem:$0x0];
	_ =	sdelay $0x2  }
0xb9: {  	s31 =	sshll.u32 s1, $0xD;
	s1 =	sshrl.u32 s1, $0x2  }
0xba: {  	s3 =	sand.u32 $0x4000, s31;
	s1 =	sadd.s32 s1, s30  }
0xbb: {  	s0 =	sor.u32 s3, s0;
	s1 =	sshll.u32 s1, $0x11  }
0xbc: {  	s0 =	sor.u32 s1, s0  }
0xbd: {  	s0 =	sadd.s32 $0x8F2B, s0  }
0xbe: {  	[sflag:s0] =	ssyncadd.remote.s32 $0x1  }
0xbf: {  	_ =	sfence.sel $0xFFFF  }
0xc0: {  	[dreg:$0x0] =	wrdreg $0xFFFFFFFF;
	(pc) =	sbr.abs _section_cstart, $3  }
0xc1: {  	[dreg:$0x1] =	wrdreg $0xFFFFFFFF  }
0xc2: {  	_ =	task.clear_ibuf [dreg:s7], $0x2FFFF;
	_ =	strace $0x9FFFFFFF  }
0xc3: {  	(tm) =	ssettm $0x7FFFFFFF  }
tec
execute0_lowered:
.L_overlay_start_1:
0x0: {  	(tag) =	ssettag $0x1  }
0x1: {  	s0 =	rddreg [dreg:$0x0]  }
0x2: {  	s2 =	rddreg [dreg:$0x1]  }
0x3: {  	s1 =	rddreg [dreg:$0x2]  }
0x4: {  	s3 =	srdreg.scid;
	s10 =	stileid.u32  }
0x5: {  	s17 =	simm.s32 $0x2800;
	s18 =	simm.s32 $0x5;
	s19 =	simm.s32 $0x1400  }
0x6: {  	s20 =	simm.s32 $0x80;
	s21 =	simm.s32 $0x6800;
	s22 =	simm.s32 $0x1480  }
0x7: {  	s28 =	simm.s32 $0x1600;
	s29 =	simm.s32 $0x2680;
	s30 =	simm.s32 $0x2700  }
0x8: {  	s31 =	simm.s32 $0x2780;
	s5 =	sand.u32 $0x1, s3;
	s7 =	smul.u32 $0x13C00, s10  }
0x9: {  	s3 =	simm.s32 $0x0;
	s4 =	sadd.s32 $0x3800, s0;
	s23 =	smul.u32 $0x4F000, s10  }
0xa: {  	s11 =	sadd.s32 $0x2B000, s0;
	s6 =	smul.u32 $0x13C000, s5;
	[smem:$0x7FF] =	sst s3  }
0xb: {  	s8 =	sshll.u32 s5, $0x4;
	s9 =	ssub.s32 $0x2, s5;
	_ =	strace $0x80000047  }
0xc: {  	s8 =	sor.u32 s10, s8;
	s24 =	sshrl.u32 s23, $0x2;
	s25 =	sshrl.u32 s9, $0x1  }
0xd: {  	s23 =	simm.s32 $0x1380;
	s6 =	sadd.s32 s7, s6;
	s5 =	sadd.s32 s24, s1  }
0xe: {  	s10 =	smul.u32 $0x2800, s8;
	s12 =	ssub.s32 s9, s25;
	s25 =	simm.s32 $0x1500  }
0xf: {  	s6 =	sshrl.u32 s6, $0x3;
	s7 =	sadd.s32 $0x8000, s5;
	s8 =	sadd.s32 $0xC000, s5  }
0x10: {  	s9 =	sadd.s32 $0x10000, s5;
	s26 =	smax.u32 s12, $0x1;
	s12 =	simm.s32 $0x2  }
0x11: {  	s0 =	sadd.s32 s6, s0;
	s6 =	sadd.s32 $0x4000, s5;
	s13 =	sshrl.u32 s10, $0x3  }
0x12: {  	[dreg:$0x8] =	wrdreg s26;
	s10 =	sadd.s32 s11, s13;
	s15 =	sadd.s32 $0x84000, s0  }
0x13: {  	s14 =	sadd.s32 $0x280, s13;
	s13 =	sadd.s32 s2, s13;
	[dreg:$0x4] =	wrdreg s15  }
0x14: {  	s26 =	simm.s32 $0x1580;
	s0 =	sadd.s32 $0x35000, s0;
	[dreg:$0x5] =	wrdreg s13  }
0x15: {  	s11 =	sadd.s32 s11, s14;
	s2 =	sadd.s32 s2, s14;
	[dreg:$0x7] =	wrdreg s0  }
0x16: {  	s0 =	simm.s32 $0x3;
	s13 =	simm.s32 $0x100;
	s14 =	simm.s32 $0x4  }
0x17: {  	v0 =	vimm.f32 $0.0e+00;
	v1 =	vimm.f32 $1.000000000e+00;
	s15 =	simm.s32 $0x0;
	[dreg:$0x6] =	wrdreg s2;
	s2 =	simm.s32 $0x1  }
.LBB2_1:
0x18: {  	s16 =	simm.s32 $0x0;
	s24 =	simm.s32 $0x200  }
.LBB2_2:
0x19: {  	p0 =	sne.s32 s24, $0xFE00;
	[tilespmem:s16+$0x2870] =	vst v0  }
0x1a: {  	[tilespmem:s16+$0x2800] =	vst v0  }
0x1b: {  	[tilespmem:s16+$0x2810] =	vst v0  }
.Ltmp0:
0x1c: {  	[tilespmem:s16+$0x2820] =	vst v0;
	(pc) =	sbr.rel @p0 .LBB2_2-.Ltmp0, $4  }
0x1d: {  	[tilespmem:s16+$0x2830] =	vst v0  }
0x1e: {  	[tilespmem:s16+$0x2840] =	vst v0  }
0x1f: {  	[tilespmem:s16+$0x2850] =	vst v0  }
0x20: {  	[tilespmem:s16+$0x2860] =	vst v0;
	s16 =	sshra.s32 s24, $0x2;
	s24 =	sadd.s32 $0x200, s24  }
0x21: {  	[tilespmem:s16+$0x2870] =	vst v0  }
0x22: {  	[tilespmem:s16+$0x2800] =	vst v0  }
0x23: {  	[tilespmem:s16+$0x2810] =	vst v0  }
0x24: {  	[tilespmem:s16+$0x2820] =	vst v0  }
0x25: {  	[tilespmem:s16+$0x2830] =	vst v0  }
0x26: {  	[tilespmem:s16+$0x2840] =	vst v0  }
0x27: {  	[tilespmem:s16+$0x2850] =	vst v0  }
0x28: {  	[tilespmem:s16+$0x2860] =	vst v0;
	s16 =	simm.s32 $0x0;
	s24 =	simm.s32 $0x200  }
.LBB2_4:
0x29: {  	p0 =	sne.s32 s24, $0xFE00;
	[tilespmem:s16+$0x6870] =	vst v1  }
0x2a: {  	[tilespmem:s16+$0x6800] =	vst v1  }
0x2b: {  	[tilespmem:s16+$0x6810] =	vst v1  }
.Ltmp1:
0x2c: {  	[tilespmem:s16+$0x6820] =	vst v1;
	(pc) =	sbr.rel @p0 .LBB2_4-.Ltmp1, $4  }
0x2d: {  	[tilespmem:s16+$0x6830] =	vst v1  }
0x2e: {  	[tilespmem:s16+$0x6840] =	vst v1  }
0x2f: {  	[tilespmem:s16+$0x6850] =	vst v1  }
0x30: {  	[tilespmem:s16+$0x6860] =	vst v1;
	s16 =	sshra.s32 s24, $0x2;
	s24 =	sadd.s32 $0x200, s24  }
0x31: {  	[tilespmem:s16+$0x6870] =	vst v1  }
0x32: {  	[tilespmem:s16+$0x6800] =	vst v1  }
0x33: {  	[tilespmem:s16+$0x6810] =	vst v1  }
0x34: {  	[tilespmem:s16+$0x6820] =	vst v1  }
0x35: {  	[tilespmem:s16+$0x6830] =	vst v1  }
0x36: {  	[tilespmem:s16+$0x6840] =	vst v1  }
0x37: {  	[tilespmem:s16+$0x6850] =	vst v1  }
0x38: {  	[tilespmem:s16+$0x6860] =	vst v1  }
0x39: {  	[spmem:s5] =	stream.linear.scatter [tilespmem:s17], [sflag:$0x5], $0x4000, $0x38;
	[tilespmem:$0x1E400] =	vst v63  }
0x3a: {  	_ =	swait.ge [sflag:s18], $0x4000  }
0x3b: {  	[sflag:s18] =	ssyncset.done $0x0  }
0x3c: {  	[sflag:s18] =	ssyncadd.s32 $0xFFFFC000  }
0x3d: {  	[spmem:s6] =	stream.linear.scatter [tilespmem:s17], [sflag:$0x5], $0x4000, $0x38;
	[tilespmem:$0x1E400] =	vst v63  }
0x3e: {  	_ =	swait.ge [sflag:s18], $0x4000  }
0x3f: {  	[sflag:s18] =	ssyncset.done $0x0  }
0x40: {  	[sflag:s18] =	ssyncadd.s32 $0xFFFFC000  }
0x41: {  	[spmem:s7] =	stream.linear.scatter [tilespmem:s17], [sflag:$0x5], $0x4000, $0x38;
	[tilespmem:$0x1E400] =	vst v63  }
0x42: {  	_ =	swait.ge [sflag:s18], $0x4000  }
0x43: {  	[sflag:s18] =	ssyncset.done $0x0  }
0x44: {  	[sflag:s18] =	ssyncadd.s32 $0xFFFFC000  }
0x45: {  	[spmem:s8] =	stream.linear.scatter [tilespmem:s17], [sflag:$0x5], $0x4000, $0x38;
	[tilespmem:$0x1E400] =	vst v63  }
0x46: {  	_ =	swait.ge [sflag:s18], $0x4000  }
0x47: {  	[sflag:s18] =	ssyncset.done $0x0  }
0x48: {  	[sflag:s18] =	ssyncadd.s32 $0xFFFFC000  }
0x49: {  	[spmem:s9] =	stream.linear.scatter [tilespmem:s17], [sflag:$0x5], $0x3C00, $0x38;
	[tilespmem:$0x1E400] =	vst v63  }
0x4a: {  	_ =	swait.ge [sflag:s18], $0x3C00  }
0x4b: {  	[sflag:s18] =	ssyncset.done $0x0  }
0x4c: {  	[sflag:s18] =	ssyncadd.s32 $0xFFFFC400  }
0x4d: {  	[bflag:$0x0] =	sbarrier.arrive $0xFFFF  }
0x4e: {  	[tilespmem:s19], [sflag:$0x5] =	stream.linear.gather [hbm4b:s10+s3], $0x1400, $0x38;
	[tilespmem:$0x1E400] =	vst v63  }
0x4f: {  	_ =	swait.ge [sflag:s18], $0x1400  }
0x50: {  	[sflag:s18] =	ssyncset.done $0x0  }
0x51: {  	[sflag:s18] =	ssyncadd.s32 $0xFFFFEC00  }
0x52: {  	[spmem:s1] =	stream.indirect.scatter.add.f32 [tilespmem:s21], [sflag:$0x3], $0x80, s19, s20, $0xb8;
	[tilespmem:$0x1E400] =	vst v63  }
0x53: {  	_ = 	snop  }
0x54: {  	[spmem:s1] =	stream.indirect.scatter.add.f32 [tilespmem:s21], [sflag:$0x3], $0x80, s22, s20, $0xb8;
	[tilespmem:$0x1E400] =	vst v63  }
0x55: {  	_ = 	snop  }
0x56: {  	[spmem:s1] =	stream.indirect.scatter.add.f32 [tilespmem:s21], [sflag:$0x3], $0x80, s25, s20, $0xb8;
	[tilespmem:$0x1E400] =	vst v63  }
0x57: {  	_ = 	snop  }
0x58: {  	[spmem:s1] =	stream.indirect.scatter.add.f32 [tilespmem:s21], [sflag:$0x3], $0x80, s26, s20, $0xb8;
	[tilespmem:$0x1E400] =	vst v63  }
0x59: {  	_ = 	snop  }
0x5a: {  	[spmem:s1] =	stream.indirect.scatter.add.f32 [tilespmem:s21], [sflag:$0x3], $0x80, s28, s20, $0xb8;
	[tilespmem:$0x1E400] =	vst v63  }
0x5b: {  	s24 =	simm.s32 $0x1680  }
0x5c: {  	[spmem:s1] =	stream.indirect.scatter.add.f32 [tilespmem:s21], [sflag:$0x3], $0x80, s24, s20, $0xb8;
	[tilespmem:$0x1E400] =	vst v63  }
0x5d: {  	s24 =	simm.s32 $0x1700  }
0x5e: {  	[spmem:s1] =	stream.indirect.scatter.add.f32 [tilespmem:s21], [sflag:$0x3], $0x80, s24, s20, $0xb8;
	[tilespmem:$0x1E400] =	vst v63  }
0x5f: {  	s24 =	simm.s32 $0x1780  }
0x60: {  	[spmem:s1] =	stream.indirect.scatter.add.f32 [tilespmem:s21], [sflag:$0x3], $0x80, s24, s20, $0xb8;
	[tilespmem:$0x1E400] =	vst v63  }
0x61: {  	s24 =	simm.s32 $0x1800  }
0x62: {  	[spmem:s1] =	stream.indirect.scatter.add.f32 [tilespmem:s21], [sflag:$0x3], $0x80, s24, s20, $0xb8;
	[tilespmem:$0x1E400] =	vst v63  }
0x63: {  	s24 =	simm.s32 $0x1880  }
0x64: {  	[spmem:s1] =	stream.indirect.scatter.add.f32 [tilespmem:s21], [sflag:$0x3], $0x80, s24, s20, $0xb8;
	[tilespmem:$0x1E400] =	vst v63  }
0x65: {  	s24 =	simm.s32 $0x1900  }
0x66: {  	[spmem:s1] =	stream.indirect.scatter.add.f32 [tilespmem:s21], [sflag:$0x3], $0x80, s24, s20, $0xb8;
	[tilespmem:$0x1E400] =	vst v63  }
0x67: {  	s24 =	simm.s32 $0x1980  }
0x68: {  	[spmem:s1] =	stream.indirect.scatter.add.f32 [tilespmem:s21], [sflag:$0x3], $0x80, s24, s20, $0xb8;
	[tilespmem:$0x1E400] =	vst v63  }
0x69: {  	s24 =	simm.s32 $0x1A00  }
0x6a: {  	[spmem:s1] =	stream.indirect.scatter.add.f32 [tilespmem:s21], [sflag:$0x3], $0x80, s24, s20, $0xb8;
	[tilespmem:$0x1E400] =	vst v63  }
0x6b: {  	s24 =	simm.s32 $0x1A80  }
0x6c: {  	[spmem:s1] =	stream.indirect.scatter.add.f32 [tilespmem:s21], [sflag:$0x3], $0x80, s24, s20, $0xb8;
	[tilespmem:$0x1E400] =	vst v63  }
0x6d: {  	s24 =	simm.s32 $0x1B00  }
0x6e: {  	[spmem:s1] =	stream.indirect.scatter.add.f32 [tilespmem:s21], [sflag:$0x3], $0x80, s24, s20, $0xb8;
	[tilespmem:$0x1E400] =	vst v63  }
0x6f: {  	s24 =	simm.s32 $0x1B80  }
0x70: {  	[spmem:s1] =	stream.indirect.scatter.add.f32 [tilespmem:s21], [sflag:$0x3], $0x80, s24, s20, $0xb8;
	[tilespmem:$0x1E400] =	vst v63  }
0x71: {  	s24 =	simm.s32 $0x1C00  }
0x72: {  	[spmem:s1] =	stream.indirect.scatter.add.f32 [tilespmem:s21], [sflag:$0x3], $0x80, s24, s20, $0xb8;
	[tilespmem:$0x1E400] =	vst v63  }
0x73: {  	s24 =	simm.s32 $0x1C80  }
0x74: {  	[spmem:s1] =	stream.indirect.scatter.add.f32 [tilespmem:s21], [sflag:$0x3], $0x80, s24, s20, $0xb8;
	[tilespmem:$0x1E400] =	vst v63  }
0x75: {  	s24 =	simm.s32 $0x1D00  }
0x76: {  	[spmem:s1] =	stream.indirect.scatter.add.f32 [tilespmem:s21], [sflag:$0x3], $0x80, s24, s20, $0xb8;
	[tilespmem:$0x1E400] =	vst v63  }
0x77: {  	s24 =	simm.s32 $0x1D80  }
0x78: {  	[spmem:s1] =	stream.indirect.scatter.add.f32 [tilespmem:s21], [sflag:$0x3], $0x80, s24, s20, $0xb8;
	[tilespmem:$0x1E400] =	vst v63  }
0x79: {  	s24 =	simm.s32 $0x1E00  }
0x7a: {  	[spmem:s1] =	stream.indirect.scatter.add.f32 [tilespmem:s21], [sflag:$0x3], $0x80, s24, s20, $0xb8;
	[tilespmem:$0x1E400] =	vst v63  }
0x7b: {  	s24 =	simm.s32 $0x1E80  }
0x7c: {  	[spmem:s1] =	stream.indirect.scatter.add.f32 [tilespmem:s21], [sflag:$0x3], $0x80, s24, s20, $0xb8;
	[tilespmem:$0x1E400] =	vst v63  }
0x7d: {  	s24 =	simm.s32 $0x1F00  }
0x7e: {  	[spmem:s1] =	stream.indirect.scatter.add.f32 [tilespmem:s21], [sflag:$0x3], $0x80, s24, s20, $0xb8;
	[tilespmem:$0x1E400] =	vst v63  }
0x7f: {  	s24 =	simm.s32 $0x1F80  }
0x80: {  	[spmem:s1] =	stream.indirect.scatter.add.f32 [tilespmem:s21], [sflag:$0x3], $0x80, s24, s20, $0xb8;
	[tilespmem:$0x1E400] =	vst v63  }
0x81: {  	s24 =	simm.s32 $0x2000  }
0x82: {  	[spmem:s1] =	stream.indirect.scatter.add.f32 [tilespmem:s21], [sflag:$0x3], $0x80, s24, s20, $0xb8;
	[tilespmem:$0x1E400] =	vst v63  }
0x83: {  	s24 =	simm.s32 $0x2080  }
0x84: {  	[spmem:s1] =	stream.indirect.scatter.add.f32 [tilespmem:s21], [sflag:$0x3], $0x80, s24, s20, $0xb8;
	[tilespmem:$0x1E400] =	vst v63  }
0x85: {  	s24 =	simm.s32 $0x2100  }
0x86: {  	[spmem:s1] =	stream.indirect.scatter.add.f32 [tilespmem:s21], [sflag:$0x3], $0x80, s24, s20, $0xb8;
	[tilespmem:$0x1E400] =	vst v63  }
0x87: {  	s24 =	simm.s32 $0x2180  }
0x88: {  	[spmem:s1] =	stream.indirect.scatter.add.f32 [tilespmem:s21], [sflag:$0x3], $0x80, s24, s20, $0xb8;
	[tilespmem:$0x1E400] =	vst v63  }
0x89: {  	s24 =	simm.s32 $0x2200  }
0x8a: {  	[spmem:s1] =	stream.indirect.scatter.add.f32 [tilespmem:s21], [sflag:$0x3], $0x80, s24, s20, $0xb8;
	[tilespmem:$0x1E400] =	vst v63  }
0x8b: {  	s24 =	simm.s32 $0x2280  }
0x8c: {  	[spmem:s1] =	stream.indirect.scatter.add.f32 [tilespmem:s21], [sflag:$0x3], $0x80, s24, s20, $0xb8;
	[tilespmem:$0x1E400] =	vst v63  }
0x8d: {  	s24 =	simm.s32 $0x2300  }
0x8e: {  	[spmem:s1] =	stream.indirect.scatter.add.f32 [tilespmem:s21], [sflag:$0x3], $0x80, s24, s20, $0xb8;
	[tilespmem:$0x1E400] =	vst v63  }
0x8f: {  	s24 =	simm.s32 $0x2380  }
0x90: {  	[spmem:s1] =	stream.indirect.scatter.add.f32 [tilespmem:s21], [sflag:$0x3], $0x80, s24, s20, $0xb8;
	[tilespmem:$0x1E400] =	vst v63  }
0x91: {  	s24 =	simm.s32 $0x2400  }
0x92: {  	[spmem:s1] =	stream.indirect.scatter.add.f32 [tilespmem:s21], [sflag:$0x3], $0x80, s24, s20, $0xb8;
	[tilespmem:$0x1E400] =	vst v63  }
0x93: {  	s24 =	simm.s32 $0x2480  }
0x94: {  	[spmem:s1] =	stream.indirect.scatter.add.f32 [tilespmem:s21], [sflag:$0x3], $0x80, s24, s20, $0xb8;
	[tilespmem:$0x1E400] =	vst v63  }
0x95: {  	s24 =	simm.s32 $0x2500  }
0x96: {  	[spmem:s1] =	stream.indirect.scatter.add.f32 [tilespmem:s21], [sflag:$0x3], $0x80, s24, s20, $0xb8;
	[tilespmem:$0x1E400] =	vst v63  }
0x97: {  	s24 =	simm.s32 $0x2580  }
0x98: {  	[spmem:s1] =	stream.indirect.scatter.add.f32 [tilespmem:s21], [sflag:$0x3], $0x80, s24, s20, $0xb8;
	[tilespmem:$0x1E400] =	vst v63  }
0x99: {  	s24 =	simm.s32 $0x2600  }
0x9a: {  	[spmem:s1] =	stream.indirect.scatter.add.f32 [tilespmem:s21], [sflag:$0x3], $0x80, s24, s20, $0xb8;
	[tilespmem:$0x1E400] =	vst v63  }
0x9b: {  	_ = 	snop  }
0x9c: {  	[spmem:s1] =	stream.indirect.scatter.add.f32 [tilespmem:s21], [sflag:$0x3], $0x80, s29, s20, $0xb8;
	[tilespmem:$0x1E400] =	vst v63  }
0x9d: {  	_ = 	snop  }
0x9e: {  	[spmem:s1] =	stream.indirect.scatter.add.f32 [tilespmem:s21], [sflag:$0x3], $0x80, s30, s20, $0xb8;
	[tilespmem:$0x1E400] =	vst v63  }
0x9f: {  	_ = 	snop  }
0xa0: {  	[spmem:s1] =	stream.indirect.scatter.add.f32 [tilespmem:s21], [sflag:$0x3], $0x80, s31, s20, $0xb8;
	[tilespmem:$0x1E400] =	vst v63  }
0xa1: {  	_ =	swait.ge [sflag:s0], $0x4000  }
0xa2: {  	s16 =	simm.s32 $0x27;
	[sflag:s0] =	ssyncset.done $0x0  }
.LBB2_6:
0xa3: {  	p0 =	sne.s32 s16, $0x1;
	s16 =	sadd.s32 $0xFFFFFFFF, s16;
	[sflag:s0] =	ssyncadd.s32 $0xFFFFC000  }
.Ltmp2:
0xa4: {  	(pc) =	sbr.rel @p0 .LBB2_6-.Ltmp2, $3  }
0xa5: {  	_ =	sdelay $0x1  }
0xa6: {  	_ =	swait.ge [sflag:s0], $0x4000  }
0xa7: {  	[sflag:s0] =	ssyncset.done $0x0  }
0xa8: {  	[sflag:s0] =	ssyncadd.s32 $0xFFFFC000  }
0xa9: {  	[tilespmem:s19], [sflag:$0x5] =	stream.linear.gather [hbm4b:s11+s3], $0x1400, $0x38;
	[tilespmem:$0x1E400] =	vst v63  }
0xaa: {  	_ =	swait.ge [sflag:s18], $0x1400  }
0xab: {  	[sflag:s18] =	ssyncset.done $0x0  }
0xac: {  	[sflag:s18] =	ssyncadd.s32 $0xFFFFEC00  }
0xad: {  	[spmem:s1] =	stream.indirect.scatter.add.f32 [tilespmem:s21], [sflag:$0x3], $0x80, s19, s20, $0xb8;
	[tilespmem:$0x1E400] =	vst v63  }
0xae: {  	_ = 	snop  }
0xaf: {  	[spmem:s1] =	stream.indirect.scatter.add.f32 [tilespmem:s21], [sflag:$0x3], $0x80, s22, s20, $0xb8;
	[tilespmem:$0x1E400] =	vst v63  }
0xb0: {  	_ = 	snop  }
0xb1: {  	[spmem:s1] =	stream.indirect.scatter.add.f32 [tilespmem:s21], [sflag:$0x3], $0x80, s25, s20, $0xb8;
	[tilespmem:$0x1E400] =	vst v63  }
0xb2: {  	_ = 	snop  }
0xb3: {  	[spmem:s1] =	stream.indirect.scatter.add.f32 [tilespmem:s21], [sflag:$0x3], $0x80, s26, s20, $0xb8;
	[tilespmem:$0x1E400] =	vst v63  }
0xb4: {  	_ = 	snop  }
0xb5: {  	[spmem:s1] =	stream.indirect.scatter.add.f32 [tilespmem:s21], [sflag:$0x3], $0x80, s28, s20, $0xb8;
	[tilespmem:$0x1E400] =	vst v63  }
0xb6: {  	s16 =	simm.s32 $0x1680  }
0xb7: {  	[spmem:s1] =	stream.indirect.scatter.add.f32 [tilespmem:s21], [sflag:$0x3], $0x80, s16, s20, $0xb8;
	[tilespmem:$0x1E400] =	vst v63  }
0xb8: {  	s25 =	simm.s32 $0x1700  }
0xb9: {  	[spmem:s1] =	stream.indirect.scatter.add.f32 [tilespmem:s21], [sflag:$0x3], $0x80, s25, s20, $0xb8;
	[tilespmem:$0x1E400] =	vst v63  }
0xba: {  	s26 =	simm.s32 $0x1780  }
0xbb: {  	[spmem:s1] =	stream.indirect.scatter.add.f32 [tilespmem:s21], [sflag:$0x3], $0x80, s26, s20, $0xb8;
	[tilespmem:$0x1E400] =	vst v63  }
0xbc: {  	s28 =	simm.s32 $0x1800  }
0xbd: {  	[spmem:s1] =	stream.indirect.scatter.add.f32 [tilespmem:s21], [sflag:$0x3], $0x80, s28, s20, $0xb8;
	[tilespmem:$0x1E400] =	vst v63  }
0xbe: {  	s24 =	simm.s32 $0x1880  }
0xbf: {  	[spmem:s1] =	stream.indirect.scatter.add.f32 [tilespmem:s21], [sflag:$0x3], $0x80, s24, s20, $0xb8;
	[tilespmem:$0x1E400] =	vst v63  }
0xc0: {  	s25 =	simm.s32 $0x1900  }
0xc1: {  	[spmem:s1] =	stream.indirect.scatter.add.f32 [tilespmem:s21], [sflag:$0x3], $0x80, s25, s20, $0xb8;
	[tilespmem:$0x1E400] =	vst v63  }
0xc2: {  	s26 =	simm.s32 $0x1980  }
0xc3: {  	[spmem:s1] =	stream.indirect.scatter.add.f32 [tilespmem:s21], [sflag:$0x3], $0x80, s26, s20, $0xb8;
	[tilespmem:$0x1E400] =	vst v63  }
0xc4: {  	s28 =	simm.s32 $0x1A00  }
0xc5: {  	[spmem:s1] =	stream.indirect.scatter.add.f32 [tilespmem:s21], [sflag:$0x3], $0x80, s28, s20, $0xb8;
	[tilespmem:$0x1E400] =	vst v63  }
0xc6: {  	s24 =	simm.s32 $0x1A80  }
0xc7: {  	[spmem:s1] =	stream.indirect.scatter.add.f32 [tilespmem:s21], [sflag:$0x3], $0x80, s24, s20, $0xb8;
	[tilespmem:$0x1E400] =	vst v63  }
0xc8: {  	s25 =	simm.s32 $0x1B00  }
0xc9: {  	[spmem:s1] =	stream.indirect.scatter.add.f32 [tilespmem:s21], [sflag:$0x3], $0x80, s25, s20, $0xb8;
	[tilespmem:$0x1E400] =	vst v63  }
0xca: {  	s26 =	simm.s32 $0x1B80  }
0xcb: {  	[spmem:s1] =	stream.indirect.scatter.add.f32 [tilespmem:s21], [sflag:$0x3], $0x80, s26, s20, $0xb8;
	[tilespmem:$0x1E400] =	vst v63  }
0xcc: {  	s28 =	simm.s32 $0x1C00  }
0xcd: {  	[spmem:s1] =	stream.indirect.scatter.add.f32 [tilespmem:s21], [sflag:$0x3], $0x80, s28, s20, $0xb8;
	[tilespmem:$0x1E400] =	vst v63  }
0xce: {  	s24 =	simm.s32 $0x1C80  }
0xcf: {  	[spmem:s1] =	stream.indirect.scatter.add.f32 [tilespmem:s21], [sflag:$0x3], $0x80, s24, s20, $0xb8;
	[tilespmem:$0x1E400] =	vst v63  }
0xd0: {  	s25 =	simm.s32 $0x1D00  }
0xd1: {  	[spmem:s1] =	stream.indirect.scatter.add.f32 [tilespmem:s21], [sflag:$0x3], $0x80, s25, s20, $0xb8;
	[tilespmem:$0x1E400] =	vst v63  }
0xd2: {  	s26 =	simm.s32 $0x1D80  }
0xd3: {  	[spmem:s1] =	stream.indirect.scatter.add.f32 [tilespmem:s21], [sflag:$0x3], $0x80, s26, s20, $0xb8;
	[tilespmem:$0x1E400] =	vst v63  }
0xd4: {  	s28 =	simm.s32 $0x1E00  }
0xd5: {  	[spmem:s1] =	stream.indirect.scatter.add.f32 [tilespmem:s21], [sflag:$0x3], $0x80, s28, s20, $0xb8;
	[tilespmem:$0x1E400] =	vst v63  }
0xd6: {  	s24 =	simm.s32 $0x1E80  }
0xd7: {  	[spmem:s1] =	stream.indirect.scatter.add.f32 [tilespmem:s21], [sflag:$0x3], $0x80, s24, s20, $0xb8;
	[tilespmem:$0x1E400] =	vst v63  }
0xd8: {  	s25 =	simm.s32 $0x1F00  }
0xd9: {  	[spmem:s1] =	stream.indirect.scatter.add.f32 [tilespmem:s21], [sflag:$0x3], $0x80, s25, s20, $0xb8;
	[tilespmem:$0x1E400] =	vst v63  }
0xda: {  	s26 =	simm.s32 $0x1F80  }
0xdb: {  	[spmem:s1] =	stream.indirect.scatter.add.f32 [tilespmem:s21], [sflag:$0x3], $0x80, s26, s20, $0xb8;
	[tilespmem:$0x1E400] =	vst v63  }
0xdc: {  	s28 =	simm.s32 $0x2000  }
0xdd: {  	[spmem:s1] =	stream.indirect.scatter.add.f32 [tilespmem:s21], [sflag:$0x3], $0x80, s28, s20, $0xb8;
	[tilespmem:$0x1E400] =	vst v63  }
0xde: {  	s24 =	simm.s32 $0x2080  }
0xdf: {  	[spmem:s1] =	stream.indirect.scatter.add.f32 [tilespmem:s21], [sflag:$0x3], $0x80, s24, s20, $0xb8;
	[tilespmem:$0x1E400] =	vst v63  }
0xe0: {  	s25 =	simm.s32 $0x2100  }
0xe1: {  	[spmem:s1] =	stream.indirect.scatter.add.f32 [tilespmem:s21], [sflag:$0x3], $0x80, s25, s20, $0xb8;
	[tilespmem:$0x1E400] =	vst v63  }
0xe2: {  	s26 =	simm.s32 $0x2180  }
0xe3: {  	[spmem:s1] =	stream.indirect.scatter.add.f32 [tilespmem:s21], [sflag:$0x3], $0x80, s26, s20, $0xb8;
	[tilespmem:$0x1E400] =	vst v63  }
0xe4: {  	s28 =	simm.s32 $0x2200  }
0xe5: {  	[spmem:s1] =	stream.indirect.scatter.add.f32 [tilespmem:s21], [sflag:$0x3], $0x80, s28, s20, $0xb8;
	[tilespmem:$0x1E400] =	vst v63  }
0xe6: {  	s24 =	simm.s32 $0x2280  }
0xe7: {  	[spmem:s1] =	stream.indirect.scatter.add.f32 [tilespmem:s21], [sflag:$0x3], $0x80, s24, s20, $0xb8;
	[tilespmem:$0x1E400] =	vst v63  }
0xe8: {  	s25 =	simm.s32 $0x2300  }
0xe9: {  	[spmem:s1] =	stream.indirect.scatter.add.f32 [tilespmem:s21], [sflag:$0x3], $0x80, s25, s20, $0xb8;
	[tilespmem:$0x1E400] =	vst v63  }
0xea: {  	s26 =	simm.s32 $0x2380  }
0xeb: {  	[spmem:s1] =	stream.indirect.scatter.add.f32 [tilespmem:s21], [sflag:$0x3], $0x80, s26, s20, $0xb8;
	[tilespmem:$0x1E400] =	vst v63  }
0xec: {  	s28 =	simm.s32 $0x2400  }
0xed: {  	[spmem:s1] =	stream.indirect.scatter.add.f32 [tilespmem:s21], [sflag:$0x3], $0x80, s28, s20, $0xb8;
	[tilespmem:$0x1E400] =	vst v63  }
0xee: {  	s24 =	simm.s32 $0x2480  }
0xef: {  	[spmem:s1] =	stream.indirect.scatter.add.f32 [tilespmem:s21], [sflag:$0x3], $0x80, s24, s20, $0xb8;
	[tilespmem:$0x1E400] =	vst v63  }
0xf0: {  	s25 =	simm.s32 $0x2500  }
0xf1: {  	[spmem:s1] =	stream.indirect.scatter.add.f32 [tilespmem:s21], [sflag:$0x3], $0x80, s25, s20, $0xb8;
	[tilespmem:$0x1E400] =	vst v63  }
0xf2: {  	s26 =	simm.s32 $0x2580  }
0xf3: {  	[spmem:s1] =	stream.indirect.scatter.add.f32 [tilespmem:s21], [sflag:$0x3], $0x80, s26, s20, $0xb8;
	[tilespmem:$0x1E400] =	vst v63  }
0xf4: {  	s28 =	simm.s32 $0x2600  }
0xf5: {  	[spmem:s1] =	stream.indirect.scatter.add.f32 [tilespmem:s21], [sflag:$0x3], $0x80, s28, s20, $0xb8;
	[tilespmem:$0x1E400] =	vst v63  }
0xf6: {  	_ = 	snop  }
0xf7: {  	[spmem:s1] =	stream.indirect.scatter.add.f32 [tilespmem:s21], [sflag:$0x3], $0x80, s29, s20, $0xb8;
	[tilespmem:$0x1E400] =	vst v63  }
0xf8: {  	_ = 	snop  }
0xf9: {  	[spmem:s1] =	stream.indirect.scatter.add.f32 [tilespmem:s21], [sflag:$0x3], $0x80, s30, s20, $0xb8;
	[tilespmem:$0x1E400] =	vst v63  }
0xfa: {  	_ = 	snop  }
0xfb: {  	[spmem:s1] =	stream.indirect.scatter.add.f32 [tilespmem:s21], [sflag:$0x3], $0x80, s31, s20, $0xb8;
	[tilespmem:$0x1E400] =	vst v63  }
0xfc: {  	_ =	swait.ge [sflag:s0], $0x4000  }
0xfd: {  	s16 =	simm.s32 $0x27;
	[sflag:s0] =	ssyncset.done $0x0  }
.LBB2_8:
0xfe: {  	p0 =	sne.s32 s16, $0x1;
	s16 =	sadd.s32 $0xFFFFFFFF, s16;
	[sflag:s0] =	ssyncadd.s32 $0xFFFFC000  }
.Ltmp3:
0xff: {  	(pc) =	sbr.rel @p0 .LBB2_8-.Ltmp3, $3  }
0x100: {  	_ =	sdelay $0x1  }
0x101: {  	_ =	swait.ge [sflag:s0], $0x4000  }
0x102: {  	[sflag:s0] =	ssyncset.done $0x0  }
0x103: {  	[sflag:s0] =	ssyncadd.s32 $0xFFFFC000;
	s16 =	stileid.u32  }
0x104: {  	s16 =	sshll.u32 s16, $0x6;
	[bflag:$0x0] =	sbarrier.arrive $0xFFFF  }
0x105: {  	s24 =	sor.u32 $0x1C05, s16;
	s16 =	sshrl.u32 s5, $0x3;
	s25 =	rddreg [dreg:$0x4]  }
0x106: {  	[hbm:s25], [sflag:s24] =	dma.local [spmem:s16], $0x2780  }
0x107: {  	_ =	swait.ge [sflag:s18], $0x2780  }
0x108: {  	[sflag:s18] =	ssyncset.done $0x0  }
0x109: {  	[sflag:s18] =	ssyncadd.s32 $0xFFFFD880  }
0x10a: {  	[spmem:s5] =	stream.linear.scatter [tilespmem:s17], [sflag:$0x5], $0x4000, $0x38;
	[tilespmem:$0x1E400] =	vst v63  }
0x10b: {  	_ =	swait.ge [sflag:s18], $0x4000  }
0x10c: {  	[sflag:s18] =	ssyncset.done $0x0  }
0x10d: {  	[sflag:s18] =	ssyncadd.s32 $0xFFFFC000  }
0x10e: {  	[spmem:s6] =	stream.linear.scatter [tilespmem:s17], [sflag:$0x5], $0x4000, $0x38;
	[tilespmem:$0x1E400] =	vst v63  }
0x10f: {  	_ =	swait.ge [sflag:s18], $0x4000  }
0x110: {  	[sflag:s18] =	ssyncset.done $0x0  }
0x111: {  	[sflag:s18] =	ssyncadd.s32 $0xFFFFC000  }
0x112: {  	[spmem:s7] =	stream.linear.scatter [tilespmem:s17], [sflag:$0x5], $0x4000, $0x38;
	[tilespmem:$0x1E400] =	vst v63  }
0x113: {  	_ =	swait.ge [sflag:s18], $0x4000  }
0x114: {  	[sflag:s18] =	ssyncset.done $0x0  }
0x115: {  	[sflag:s18] =	ssyncadd.s32 $0xFFFFC000  }
0x116: {  	[spmem:s8] =	stream.linear.scatter [tilespmem:s17], [sflag:$0x5], $0x4000, $0x38;
	[tilespmem:$0x1E400] =	vst v63  }
0x117: {  	_ =	swait.ge [sflag:s18], $0x4000  }
0x118: {  	[sflag:s18] =	ssyncset.done $0x0  }
0x119: {  	[sflag:s18] =	ssyncadd.s32 $0xFFFFC000  }
0x11a: {  	[spmem:s9] =	stream.linear.scatter [tilespmem:s17], [sflag:$0x5], $0x3C00, $0x38;
	[tilespmem:$0x1E400] =	vst v63  }
0x11b: {  	_ =	swait.ge [sflag:s18], $0x3C00  }
0x11c: {  	[sflag:s18] =	ssyncset.done $0x0  }
0x11d: {  	[sflag:s18] =	ssyncadd.s32 $0xFFFFC400  }
0x11e: {  	[bflag:$0x0] =	sbarrier.arrive $0xFFFF  }
0x11f: {  	s26 =	rddreg [dreg:$0x5]  }
0x120: {  	[tilespmem:s3], [sflag:$0x5] =	stream.linear.gather [hbm4b:s26+s3], $0x1400, $0x38;
	[tilespmem:$0x1E400] =	vst v63  }
0x121: {  	_ =	swait.ge [sflag:s18], $0x1400  }
0x122: {  	[sflag:s18] =	ssyncset.done $0x0  }
0x123: {  	[sflag:s18] =	ssyncadd.s32 $0xFFFFEC00  }
0x124: {  	[tilespmem:s19], [sflag:$0x5] =	stream.linear.gather [hbm4b:s10+s3], $0x1400, $0x38;
	[tilespmem:$0x1E400] =	vst v63  }
0x125: {  	_ =	swait.ge [sflag:s18], $0x1400  }
0x126: {  	[sflag:s18] =	ssyncset.done $0x0  }
0x127: {  	[sflag:s18] =	ssyncadd.s32 $0xFFFFEC00  }
0x128: {  	[tilespmem:s17], [sflag:$0x1] =	stream.indirect.gather [hbm4b:s4+s20], $0x80, s3, s20, $0xb8;
	[tilespmem:$0x1E400] =	vst v63  }
0x129: {  	_ =	swait.ge [sflag:s2], $0x4000  }
0x12a: {  	[sflag:s2] =	ssyncset.done $0x0  }
0x12b: {  	[sflag:s2] =	ssyncadd.s32 $0xFFFFC000  }
0x12c: {  	[spmem:s1] =	stream.indirect.scatter.add.f32 [tilespmem:s17], [sflag:$0x3], $0x80, s19, s20, $0xb8;
	[tilespmem:$0x1E400] =	vst v63  }
0x12d: {  	_ = 	snop  }
0x12e: {  	[tilespmem:s21], [sflag:$0x2] =	stream.indirect.gather [hbm4b:s4+s20], $0x80, s20, s20, $0xb8;
	[tilespmem:$0x1E400] =	vst v63  }
0x12f: {  	_ =	swait.ge [sflag:s12], $0x4000  }
0x130: {  	[sflag:s12] =	ssyncset.done $0x0  }
0x131: {  	[sflag:s12] =	ssyncadd.s32 $0xFFFFC000  }
0x132: {  	[spmem:s1] =	stream.indirect.scatter.add.f32 [tilespmem:s21], [sflag:$0x4], $0x80, s22, s20, $0xb8;
	[tilespmem:$0x1E400] =	vst v63  }
0x133: {  	_ =	swait.ge [sflag:s0], $0x4000  }
0x134: {  	[sflag:s0] =	ssyncset.done $0x0  }
0x135: {  	[sflag:s0] =	ssyncadd.s32 $0xFFFFC000  }
0x136: {  	[tilespmem:s17], [sflag:$0x1] =	stream.indirect.gather [hbm4b:s4+s20], $0x80, s13, s20, $0xb8;
	[tilespmem:$0x1E400] =	vst v63  }
0x137: {  	_ =	swait.ge [sflag:s2], $0x4000  }
0x138: {  	[sflag:s2] =	ssyncset.done $0x0  }
0x139: {  	s28 =	simm.s32 $0x1500;
	[sflag:s2] =	ssyncadd.s32 $0xFFFFC000  }
0x13a: {  	[spmem:s1] =	stream.indirect.scatter.add.f32 [tilespmem:s17], [sflag:$0x3], $0x80, s28, s20, $0xb8;
	[tilespmem:$0x1E400] =	vst v63  }
0x13b: {  	_ =	swait.ge [sflag:s14], $0x4000  }
0x13c: {  	[sflag:s14] =	ssyncset.done $0x0  }
0x13d: {  	s26 =	simm.s32 $0x180;
	[sflag:s14] =	ssyncadd.s32 $0xFFFFC000  }
0x13e: {  	[tilespmem:s21], [sflag:$0x2] =	stream.indirect.gather [hbm4b:s4+s20], $0x80, s26, s20, $0xb8;
	[tilespmem:$0x1E400] =	vst v63  }
0x13f: {  	_ =	swait.ge [sflag:s12], $0x4000  }
0x140: {  	[sflag:s12] =	ssyncset.done $0x0  }
0x141: {  	s28 =	simm.s32 $0x1580;
	[sflag:s12] =	ssyncadd.s32 $0xFFFFC000  }
0x142: {  	[spmem:s1] =	stream.indirect.scatter.add.f32 [tilespmem:s21], [sflag:$0x4], $0x80, s28, s20, $0xb8;
	[tilespmem:$0x1E400] =	vst v63  }
0x143: {  	_ =	swait.ge [sflag:s0], $0x4000  }
0x144: {  	[sflag:s0] =	ssyncset.done $0x0  }
0x145: {  	s25 =	simm.s32 $0xFFFFBC00;
	s26 =	simm.s32 $0x200;
	[sflag:s0] =	ssyncadd.s32 $0xFFFFC000  }
.LBB2_10:
0x146: {  	[tilespmem:s17], [sflag:$0x1] =	stream.indirect.gather [hbm4b:s4+s20], $0x80, s26, s20, $0xb8;
	[tilespmem:$0x1E400] =	vst v63  }
0x147: {  	s26 =	smov.u32 s25  }
0x148: {  	p0 =	sne.s32 s25, $0xFFFFFC00;
	s25 =	sadd.s32 $0x400, s25;
	_ =	swait.ge [sflag:s2], $0x4000  }
0x149: {  	s26 =	sshra.s32 s26, $0x2;
	[sflag:s2] =	ssyncset.done $0x0  }
0x14a: {  	s28 =	sadd.s32 $0x2700, s26;
	[sflag:s2] =	ssyncadd.s32 $0xFFFFC000  }
0x14b: {  	[spmem:s1] =	stream.indirect.scatter.add.f32 [tilespmem:s17], [sflag:$0x3], $0x80, s28, s20, $0xb8;
	[tilespmem:$0x1E400] =	vst v63  }
0x14c: {  	_ =	swait.ge [sflag:s14], $0x4000  }
0x14d: {  	[sflag:s14] =	ssyncset.done $0x0  }
0x14e: {  	s28 =	sadd.s32 $0x1380, s26;
	[sflag:s14] =	ssyncadd.s32 $0xFFFFC000  }
0x14f: {  	[tilespmem:s21], [sflag:$0x2] =	stream.indirect.gather [hbm4b:s4+s20], $0x80, s28, s20, $0xb8;
	[tilespmem:$0x1E400] =	vst v63  }
0x150: {  	_ =	swait.ge [sflag:s12], $0x4000  }
0x151: {  	[sflag:s12] =	ssyncset.done $0x0  }
.Ltmp4:
0x152: {  	s28 =	sadd.s32 $0x2780, s26;
	[sflag:s12] =	ssyncadd.s32 $0xFFFFC000;
	(pc) =	sbr.rel @p0 .LBB2_10-.Ltmp4, $4  }
0x153: {  	[spmem:s1] =	stream.indirect.scatter.add.f32 [tilespmem:s21], [sflag:$0x4], $0x80, s28, s20, $0xb8;
	[tilespmem:$0x1E400] =	vst v63  }
0x154: {  	_ =	swait.ge [sflag:s0], $0x4000  }
0x155: {  	[sflag:s0] =	ssyncset.done $0x0  }
0x156: {  	s26 =	sadd.s32 $0x1400, s26;
	[sflag:s0] =	ssyncadd.s32 $0xFFFFC000  }
0x157: {  	[tilespmem:s17], [sflag:$0x1] =	stream.indirect.gather [hbm4b:s4+s20], $0x80, s26, s20, $0xb8;
	[tilespmem:$0x1E400] =	vst v63  }
0x158: {  	_ =	swait.ge [sflag:s2], $0x4000  }
0x159: {  	[sflag:s2] =	ssyncset.done $0x0  }
0x15a: {  	[sflag:s2] =	ssyncadd.s32 $0xFFFFC000  }
0x15b: {  	[spmem:s1] =	stream.indirect.scatter.add.f32 [tilespmem:s17], [sflag:$0x3], $0x80, s30, s20, $0xb8;
	[tilespmem:$0x1E400] =	vst v63  }
0x15c: {  	_ =	swait.ge [sflag:s14], $0x4000  }
0x15d: {  	[sflag:s14] =	ssyncset.done $0x0  }
0x15e: {  	[sflag:s14] =	ssyncadd.s32 $0xFFFFC000  }
0x15f: {  	[tilespmem:s21], [sflag:$0x2] =	stream.indirect.gather [hbm4b:s4+s20], $0x80, s23, s20, $0xb8;
	[tilespmem:$0x1E400] =	vst v63  }
0x160: {  	_ =	swait.ge [sflag:s12], $0x4000  }
0x161: {  	[sflag:s12] =	ssyncset.done $0x0  }
0x162: {  	[sflag:s12] =	ssyncadd.s32 $0xFFFFC000  }
0x163: {  	[spmem:s1] =	stream.indirect.scatter.add.f32 [tilespmem:s21], [sflag:$0x4], $0x80, s31, s20, $0xb8;
	[tilespmem:$0x1E400] =	vst v63  }
0x164: {  	_ =	swait.ge [sflag:s0], $0x4000  }
0x165: {  	[sflag:s0] =	ssyncset.done $0x0  }
0x166: {  	[sflag:s0] =	ssyncadd.s32 $0xFFFFC000  }
0x167: {  	_ =	swait.ge [sflag:s14], $0x4000  }
0x168: {  	[sflag:s14] =	ssyncset.done $0x0  }
0x169: {  	s25 =	rddreg [dreg:$0x6];
	[sflag:s14] =	ssyncadd.s32 $0xFFFFC000  }
0x16a: {  	[tilespmem:s3], [sflag:$0x5] =	stream.linear.gather [hbm4b:s25+s3], $0x1400, $0x38;
	[tilespmem:$0x1E400] =	vst v63  }
0x16b: {  	_ =	swait.ge [sflag:s18], $0x1400  }
0x16c: {  	[sflag:s18] =	ssyncset.done $0x0  }
0x16d: {  	[sflag:s18] =	ssyncadd.s32 $0xFFFFEC00  }
0x16e: {  	[tilespmem:s19], [sflag:$0x5] =	stream.linear.gather [hbm4b:s11+s3], $0x1400, $0x38;
	[tilespmem:$0x1E400] =	vst v63  }
0x16f: {  	_ =	swait.ge [sflag:s18], $0x1400  }
0x170: {  	[sflag:s18] =	ssyncset.done $0x0  }
0x171: {  	[sflag:s18] =	ssyncadd.s32 $0xFFFFEC00  }
0x172: {  	[tilespmem:s17], [sflag:$0x1] =	stream.indirect.gather [hbm4b:s4+s20], $0x80, s3, s20, $0xb8;
	[tilespmem:$0x1E400] =	vst v63  }
0x173: {  	_ =	swait.ge [sflag:s2], $0x4000  }
0x174: {  	[sflag:s2] =	ssyncset.done $0x0  }
0x175: {  	[sflag:s2] =	ssyncadd.s32 $0xFFFFC000  }
0x176: {  	[spmem:s1] =	stream.indirect.scatter.add.f32 [tilespmem:s17], [sflag:$0x3], $0x80, s19, s20, $0xb8;
	[tilespmem:$0x1E400] =	vst v63  }
0x177: {  	_ = 	snop  }
0x178: {  	[tilespmem:s21], [sflag:$0x2] =	stream.indirect.gather [hbm4b:s4+s20], $0x80, s20, s20, $0xb8;
	[tilespmem:$0x1E400] =	vst v63  }
0x179: {  	_ =	swait.ge [sflag:s12], $0x4000  }
0x17a: {  	[sflag:s12] =	ssyncset.done $0x0  }
0x17b: {  	[sflag:s12] =	ssyncadd.s32 $0xFFFFC000  }
0x17c: {  	[spmem:s1] =	stream.indirect.scatter.add.f32 [tilespmem:s21], [sflag:$0x4], $0x80, s22, s20, $0xb8;
	[tilespmem:$0x1E400] =	vst v63  }
0x17d: {  	_ =	swait.ge [sflag:s0], $0x4000  }
0x17e: {  	[sflag:s0] =	ssyncset.done $0x0  }
0x17f: {  	[sflag:s0] =	ssyncadd.s32 $0xFFFFC000  }
0x180: {  	[tilespmem:s17], [sflag:$0x1] =	stream.indirect.gather [hbm4b:s4+s20], $0x80, s13, s20, $0xb8;
	[tilespmem:$0x1E400] =	vst v63  }
0x181: {  	_ =	swait.ge [sflag:s2], $0x4000  }
0x182: {  	[sflag:s2] =	ssyncset.done $0x0  }
0x183: {  	s28 =	simm.s32 $0x1500;
	[sflag:s2] =	ssyncadd.s32 $0xFFFFC000  }
0x184: {  	[spmem:s1] =	stream.indirect.scatter.add.f32 [tilespmem:s17], [sflag:$0x3], $0x80, s28, s20, $0xb8;
	[tilespmem:$0x1E400] =	vst v63  }
0x185: {  	_ =	swait.ge [sflag:s14], $0x4000  }
0x186: {  	[sflag:s14] =	ssyncset.done $0x0  }
0x187: {  	s26 =	simm.s32 $0x180;
	[sflag:s14] =	ssyncadd.s32 $0xFFFFC000  }
0x188: {  	[tilespmem:s21], [sflag:$0x2] =	stream.indirect.gather [hbm4b:s4+s20], $0x80, s26, s20, $0xb8;
	[tilespmem:$0x1E400] =	vst v63  }
0x189: {  	_ =	swait.ge [sflag:s12], $0x4000  }
0x18a: {  	[sflag:s12] =	ssyncset.done $0x0  }
0x18b: {  	s28 =	simm.s32 $0x1580;
	[sflag:s12] =	ssyncadd.s32 $0xFFFFC000  }
0x18c: {  	[spmem:s1] =	stream.indirect.scatter.add.f32 [tilespmem:s21], [sflag:$0x4], $0x80, s28, s20, $0xb8;
	[tilespmem:$0x1E400] =	vst v63  }
0x18d: {  	_ =	swait.ge [sflag:s0], $0x4000  }
0x18e: {  	[sflag:s0] =	ssyncset.done $0x0  }
0x18f: {  	s25 =	simm.s32 $0xFFFFBC00;
	s26 =	simm.s32 $0x200;
	[sflag:s0] =	ssyncadd.s32 $0xFFFFC000  }
.LBB2_12:
0x190: {  	[tilespmem:s17], [sflag:$0x1] =	stream.indirect.gather [hbm4b:s4+s20], $0x80, s26, s20, $0xb8;
	[tilespmem:$0x1E400] =	vst v63  }
0x191: {  	s26 =	smov.u32 s25  }
0x192: {  	p0 =	sne.s32 s25, $0xFFFFFC00;
	s25 =	sadd.s32 $0x400, s25;
	_ =	swait.ge [sflag:s2], $0x4000  }
0x193: {  	s26 =	sshra.s32 s26, $0x2;
	[sflag:s2] =	ssyncset.done $0x0  }
0x194: {  	s28 =	sadd.s32 $0x2700, s26;
	[sflag:s2] =	ssyncadd.s32 $0xFFFFC000  }
0x195: {  	[spmem:s1] =	stream.indirect.scatter.add.f32 [tilespmem:s17], [sflag:$0x3], $0x80, s28, s20, $0xb8;
	[tilespmem:$0x1E400] =	vst v63  }
0x196: {  	_ =	swait.ge [sflag:s14], $0x4000  }
0x197: {  	[sflag:s14] =	ssyncset.done $0x0  }
0x198: {  	s28 =	sadd.s32 $0x1380, s26;
	[sflag:s14] =	ssyncadd.s32 $0xFFFFC000  }
0x199: {  	[tilespmem:s21], [sflag:$0x2] =	stream.indirect.gather [hbm4b:s4+s20], $0x80, s28, s20, $0xb8;
	[tilespmem:$0x1E400] =	vst v63  }
0x19a: {  	_ =	swait.ge [sflag:s12], $0x4000  }
0x19b: {  	[sflag:s12] =	ssyncset.done $0x0  }
.Ltmp5:
0x19c: {  	s28 =	sadd.s32 $0x2780, s26;
	[sflag:s12] =	ssyncadd.s32 $0xFFFFC000;
	(pc) =	sbr.rel @p0 .LBB2_12-.Ltmp5, $4  }
0x19d: {  	[spmem:s1] =	stream.indirect.scatter.add.f32 [tilespmem:s21], [sflag:$0x4], $0x80, s28, s20, $0xb8;
	[tilespmem:$0x1E400] =	vst v63  }
0x19e: {  	_ =	swait.ge [sflag:s0], $0x4000  }
0x19f: {  	[sflag:s0] =	ssyncset.done $0x0  }
0x1a0: {  	s26 =	sadd.s32 $0x1400, s26;
	[sflag:s0] =	ssyncadd.s32 $0xFFFFC000  }
0x1a1: {  	[tilespmem:s17], [sflag:$0x1] =	stream.indirect.gather [hbm4b:s4+s20], $0x80, s26, s20, $0xb8;
	[tilespmem:$0x1E400] =	vst v63  }
0x1a2: {  	_ =	swait.ge [sflag:s2], $0x4000  }
0x1a3: {  	[sflag:s2] =	ssyncset.done $0x0  }
0x1a4: {  	[sflag:s2] =	ssyncadd.s32 $0xFFFFC000  }
0x1a5: {  	[spmem:s1] =	stream.indirect.scatter.add.f32 [tilespmem:s17], [sflag:$0x3], $0x80, s30, s20, $0xb8;
	[tilespmem:$0x1E400] =	vst v63  }
0x1a6: {  	_ =	swait.ge [sflag:s14], $0x4000  }
0x1a7: {  	[sflag:s14] =	ssyncset.done $0x0  }
0x1a8: {  	[sflag:s14] =	ssyncadd.s32 $0xFFFFC000  }
0x1a9: {  	[tilespmem:s21], [sflag:$0x2] =	stream.indirect.gather [hbm4b:s4+s20], $0x80, s23, s20, $0xb8;
	[tilespmem:$0x1E400] =	vst v63  }
0x1aa: {  	_ =	swait.ge [sflag:s12], $0x4000  }
0x1ab: {  	[sflag:s12] =	ssyncset.done $0x0  }
0x1ac: {  	[sflag:s12] =	ssyncadd.s32 $0xFFFFC000  }
0x1ad: {  	[spmem:s1] =	stream.indirect.scatter.add.f32 [tilespmem:s21], [sflag:$0x4], $0x80, s31, s20, $0xb8;
	[tilespmem:$0x1E400] =	vst v63  }
0x1ae: {  	_ =	swait.ge [sflag:s0], $0x4000  }
0x1af: {  	[sflag:s0] =	ssyncset.done $0x0  }
0x1b0: {  	[sflag:s0] =	ssyncadd.s32 $0xFFFFC000  }
0x1b1: {  	_ =	swait.ge [sflag:s14], $0x4000  }
0x1b2: {  	[sflag:s14] =	ssyncset.done $0x0  }
0x1b3: {  	[sflag:s14] =	ssyncadd.s32 $0xFFFFC000  }
0x1b4: {  	[bflag:$0x0] =	sbarrier.arrive $0xFFFF  }
0x1b5: {  	s25 =	rddreg [dreg:$0x7]  }
0x1b6: {  	[hbm:s25], [sflag:s24] =	dma.local [spmem:s16], $0x2780  }
0x1b7: {  	_ =	swait.ge [sflag:s18], $0x2780  }
0x1b8: {  	s15 =	sadd.s32 $0x1, s15;
	s26 =	rddreg [dreg:$0x8]  }
0x1b9: {  	p0 =	sne.s32 s15, s26  }
.Ltmp6:
0x1ba: {  	_ = 	snop;
	(pc) =	sbr.rel @p0 .LBB2_1-.Ltmp6, $3  }
0x1bb: {  	_ =	sdelay $0x1  }
0x1bc: {  	s28 =	simm.s32 $0x1600;
	[sflag:s18] =	ssyncset.done $0x0  }
0x1bd: {  	s25 =	simm.s32 $0x1500;
	[sflag:s18] =	ssyncadd.s32 $0xFFFFD880;
	s26 =	simm.s32 $0x1580  }
0x1be: {  	_ =	sfence.sel $0x180000  }
0x1bf: {  	[bflag:$0x0] =	sbarrier.arrive $0xFFFF  }
0x1c0: {  	_ =	strace $0x90000047  }
0x1c1: {  	s0 =	stileid.u32;
	[bflag:$0x2] =	sbarrier.arrive $0xFFFF  }
0x1c2: {  	p0 =	sne.s32 s0, $0x0;
	s0 =	rddreg [dreg:$0x3]  }
0x1c3: {  	s0 =	sadd.s32 @!p0 $0x100000, s0  }
0x1c4: {  	[sflag:s0] =	ssyncadd.tile.s32 @!p0 $0x1;
	_ =	shalt  }
.Lfunc_end2:
_tile_overlayer_lowered:
.L_overlay_start_2:
0x1c5: {  	(tag) =	ssettag $0x2  }
0x1c6: {  	s0 =	rddreg [dreg:$0x0];
	s2 =	stileid.u32  }
0x1c7: {  	s1 =	rddreg [dreg:$0x1];
	p0 =	sne.s32 s2, $0x0  }
0x1c8: {  	s3 =	rddreg [dreg:$0x2];
	[bflag:$0x3] =	sbarrier.arrive $0xFFFF;
	s2 =	simm.s32 @!p0 $0x1C05  }
0x1c9: {  	[timem:s3], [sflag:s2] =	dma.local @!p0 [hbm:s0], s1  }
0x1ca: {  	s0 =	simm.s32 @!p0 $0x5  }
0x1cb: {  	_ =	swait.ge @!p0 [sflag:s0], s1  }
0x1cc: {  	s1 =	ssub.s32 @!p0 $0x0, s1;
	[sflag:s0] =	ssyncset.done @!p0 $0x0  }
0x1cd: {  	[sflag:s0] =	ssyncadd.s32 @!p0 s1  }
0x1ce: {  	[bflag:$0x3] =	sbarrier.arrive $0xFFFF  }
0x1cf: {  	_ =	shalt  }

</sc_bundles>
